<compile_context>
chip_gen: v7x
topology: tpu7x:2x2x1
jax: 0.10.2.dev20260603
libtpu: 0.0.44.dev20260713+nightly
codegen_flags: <defaults>
</compile_context>

<pallas_src>
import functools
import numpy as np
import jax
import jax.numpy as jnp
from jax import lax
from jax.experimental import pallas as pl
from jax.experimental.pallas import tpu as pltpu
from jax.experimental.pallas import tpu_sc as plsc

DIM = 64
NCH = 16
NSPEC = 16
NRAD = 8
ECFP_DIM = 16
CUTOFF = 5.0
NLAYERS = 3
_LOG2 = float(np.log(2.0))
_W_BO = (1.0, 1.5, 2.0, 0.5, 3.0, 0.25)


def _ssp(x):
    return jnp.maximum(x, 0.0) + jnp.log1p(jnp.exp(-jnp.abs(x))) - _LOG2


def _feat_body(species_ref, ecfp_ref, out_ref):
    sp = species_ref[...]
    bn = sp.shape[0]
    onehot = (sp == lax.broadcasted_iota(jnp.int32, (bn, NSPEC), 1)
              ).astype(jnp.float32)
    out_ref[...] = jnp.concatenate(
        [onehot, ecfp_ref[...], jnp.zeros((bn, 128 - NSPEC - ECFP_DIM),
                                          jnp.float32)], axis=1)


def _node_feat(species, ECFP):
    n0 = species.shape[0]
    n = ((n0 + 127) // 128) * 128
    if n != n0:
        species = jnp.pad(species, (0, n - n0), constant_values=-1)
        ECFP = jnp.pad(ECFP, ((0, n - n0), (0, 0)))
    bn = 3128 if n % 3128 == 0 else n
    grid = n // bn
    return pl.pallas_call(
        _feat_body,
        grid=(grid,),
        in_specs=[
            pl.BlockSpec((bn, 1), lambda i: (i, 0)),
            pl.BlockSpec((bn, ECFP_DIM), lambda i: (i, 0)),
        ],
        out_specs=pl.BlockSpec((bn, 128), lambda i: (i, 0)),
        out_shape=jax.ShapeDtypeStruct((n, 128), jnp.float32),
    )(species.reshape(n, 1), ECFP)


_GW = 320


def _sc_mesh():
    return plsc.VectorSubcoreMesh(core_axis_name="c", subcore_axis_name="s")


def _gather_feats(featp, edge_src, edge_dst):
    e = edge_src.shape[0]
    per_w = e // 32
    nwin = per_w // _GW
    assert per_w * 32 == e and nwin * _GW == per_w

    @functools.partial(
        pl.kernel, mesh=_sc_mesh(),
        out_type=[jax.ShapeDtypeStruct((e, 128), jnp.float32),
                  jax.ShapeDtypeStruct((e, 128), jnp.float32)],
        scratch_types=[pltpu.VMEM((_GW,), jnp.int32),
                       pltpu.VMEM((_GW,), jnp.int32),
                       pltpu.VMEM((_GW, 128), jnp.float32),
                       pltpu.VMEM((_GW, 128), jnp.float32),
                       pltpu.SemaphoreType.DMA,
                       pltpu.SemaphoreType.DMA],
    )
    def k(feat_h, src_h, dst_h, gfs_h, gfd_h, ixs_v, ixd_v, rs_v, rd_v,
          sem1, sem2):
        wid = lax.axis_index("s") * 2 + lax.axis_index("c")
        base = wid * per_w

        def body(i, _):
            off = base + i * _GW
            pltpu.sync_copy(src_h.at[pl.ds(off, _GW)], ixs_v)
            pltpu.sync_copy(dst_h.at[pl.ds(off, _GW)], ixd_v)
            cs = pltpu.async_copy(feat_h.at[ixs_v], rs_v, sem1)
            cd = pltpu.async_copy(feat_h.at[ixd_v], rd_v, sem2)
            cs.wait()
            pltpu.sync_copy(rs_v, gfs_h.at[pl.ds(off, _GW)])
            cd.wait()
            pltpu.sync_copy(rd_v, gfd_h.at[pl.ds(off, _GW)])
            return _

        lax.fori_loop(0, nwin, body, 0)

    return k(featp, edge_src, edge_dst)


def _p0_body(gfs_ref, gfd_ref, dist_ref, bo_ref, sw_ref, vec_ref,
             W1a, W1b, W1c, w1bo, b1, W2, b2, W3, b3, Wv, Ww0,
             a1_out, wijp_out, scal_out):
    be = dist_ref.shape[0]
    d1 = dist_ref[...]
    d = d1.reshape(be, 1)
    bo1 = bo_ref[...]
    bow1 = jnp.zeros((be,), jnp.float32)
    for kk, wk in enumerate(_W_BO):
        bow1 = jnp.where(bo1 == kk, wk, bow1)
    bow = bow1.reshape(be, 1)
    sw = sw_ref[...].reshape(be, 1)
    ns = lax.broadcasted_iota(jnp.int32, (be, NRAD), 1
                              ).astype(jnp.float32) + 1.0
    rb = np.sqrt(2.0 / CUTOFF) * jnp.sin(ns * (np.pi / CUTOFF) * d) / d
    h = (gfs_ref[...][:, 0:32] @ W1a[...] + gfd_ref[...][:, 0:32] @ W1b[...]
         + rb @ W1c[...] + bow * w1bo[...] + b1[...])
    h = _ssp(h)
    h = _ssp(h @ W2[...] + b2[...])
    x = (h @ W3[...] + b3[...]) * sw
    w0v = x @ Wv[...]
    u = vec_ref[...] / d
    v = jnp.concatenate([w0v, u[:, 0:1] * w0v, u[:, 1:2] * w0v,
                         u[:, 2:3] * w0v], axis=1)
    a1_out[...] = jnp.concatenate([x, v], axis=1)
    wl = x @ Ww0[...]
    wijp_out[...] = jnp.concatenate(
        [wl, u[:, 0:1] * wl, u[:, 1:2] * wl, u[:, 2:3] * wl], axis=1)
    scal_out[...] = jnp.concatenate(
        [d, sw, u, jnp.zeros((be, 123), jnp.float32)], axis=1)


def _mid_body(a1_ref, scal_ref, wi_ref,
              F1a, F1b, F1c, fb1, F2, fb2, F3, fb3,
              Wv1, Wv2, Wv3, Ws1, Ws2, bsc, Wwn,
              a1_out, wijp_out):
    a1 = a1_ref[...]
    scal = scal_ref[...]
    wi = wi_ref[...]
    x = a1[:, 0:64]
    v0, v1, v2, v3 = (a1[:, 64:80], a1[:, 80:96], a1[:, 96:112],
                      a1[:, 112:128])
    sw = scal[:, 1:2]
    u1, u2, u3 = scal[:, 2:3], scal[:, 3:4], scal[:, 4:5]
    wi0, wi1, wi2, wi3 = (wi[:, 0:16], wi[:, 16:32],
                          wi[:, 32:48], wi[:, 48:64])

    scalar1 = wi0 * v0
    scalar2 = wi1 * v1 + wi2 * v2 + wi3 * v3

    h = (x @ F1a[...] + scalar1 @ F1b[...] + scalar2 @ F1c[...] + fb1[...])
    h = _ssp(h)
    h = _ssp(h @ F2[...] + fb2[...])
    dx = (h @ F3[...] + fb3[...]) * sw
    xn = x + dx

    cr1 = wi2 * v3 - wi3 * v2
    cr2 = wi3 * v1 - wi1 * v3
    cr3 = wi1 * v2 - wi2 * v1
    sc = scalar1 @ Ws1[...] + scalar2 @ Ws2[...] + bsc[...]
    vn0 = v0 + sc
    vn1 = v1 + cr1 @ Wv1[...] + (wi0 * v1) @ Wv2[...] + (wi1 * v0) @ Wv3[...]
    vn2 = v2 + cr2 @ Wv1[...] + (wi0 * v2) @ Wv2[...] + (wi2 * v0) @ Wv3[...]
    vn3 = v3 + cr3 @ Wv1[...] + (wi0 * v3) @ Wv2[...] + (wi3 * v0) @ Wv3[...]
    a1_out[...] = jnp.concatenate([xn, vn0, vn1, vn2, vn3], axis=1)

    wl = xn @ Wwn[...]
    wijp_out[...] = jnp.concatenate([wl, u1 * wl, u2 * wl, u3 * wl], axis=1)


def _final_body(a1_ref, scal_ref, wi_ref,
                F1a, F1b, F1c, fb1, F2, fb2, F3, fb3, x_out):
    a1 = a1_ref[...]
    scal = scal_ref[...]
    wi = wi_ref[...]
    x = a1[:, 0:64]
    v0, v1, v2, v3 = (a1[:, 64:80], a1[:, 80:96], a1[:, 96:112],
                      a1[:, 112:128])
    sw = scal[:, 1:2]
    wi0, wi1, wi2, wi3 = (wi[:, 0:16], wi[:, 16:32],
                          wi[:, 32:48], wi[:, 48:64])
    scalar1 = wi0 * v0
    scalar2 = wi1 * v1 + wi2 * v2 + wi3 * v3
    h = (x @ F1a[...] + scalar1 @ F1b[...] + scalar2 @ F1c[...] + fb1[...])
    h = _ssp(h)
    h = _ssp(h @ F2[...] + fb2[...])
    dx = (h @ F3[...] + fb3[...]) * sw
    x_out[...] = x + dx


def _run_final(a1, scal, wi, ws, e0):
    bf = 1600
    grid = e0 // bf
    assert grid * bf == e0
    return pl.pallas_call(
        _final_body,
        grid=(grid,),
        in_specs=[pl.BlockSpec((bf, 128), lambda i: (i, 0)),
                  pl.BlockSpec((bf, 128), lambda i: (i, 0)),
                  pl.BlockSpec((bf, 64), lambda i: (i, 0))]
        + [_full(w.shape) for w in ws[:8]],
        out_specs=pl.BlockSpec((bf, DIM), lambda i: (i, 0)),
        out_shape=jax.ShapeDtypeStruct((e0, DIM), jnp.float32),
    )(a1, scal, wi, *ws[:8])


def _full(shape):
    nd = len(shape)
    return pl.BlockSpec(shape, lambda i: (0,) * nd)


def _run_p0(gfs, gfd, dist, bo, sw, vec, wp, be):
    e = dist.shape[0]
    grid = e // be
    return pl.pallas_call(
        _p0_body,
        grid=(grid,),
        in_specs=[pl.BlockSpec((be, 128), lambda i: (i, 0)),
                  pl.BlockSpec((be, 128), lambda i: (i, 0)),
                  pl.BlockSpec((be,), lambda i: (i,)),
                  pl.BlockSpec((be,), lambda i: (i,)),
                  pl.BlockSpec((be,), lambda i: (i,)),
                  pl.BlockSpec((be, 3), lambda i: (i, 0))]
        + [_full(w.shape) for w in wp],
        out_specs=[pl.BlockSpec((be, 128), lambda i: (i, 0)),
                   pl.BlockSpec((be, 64), lambda i: (i, 0)),
                   pl.BlockSpec((be, 128), lambda i: (i, 0))],
        out_shape=[jax.ShapeDtypeStruct((e, 128), jnp.float32),
                   jax.ShapeDtypeStruct((e, 64), jnp.float32),
                   jax.ShapeDtypeStruct((e, 128), jnp.float32)],
    )(gfs, gfd, dist, bo, sw, vec, *wp)


def _run_mid(a1, scal, wi, ws, be):
    e = a1.shape[0]
    grid = e // be
    return pl.pallas_call(
        _mid_body,
        grid=(grid,),
        in_specs=[pl.BlockSpec((be, 128), lambda i: (i, 0)),
                  pl.BlockSpec((be, 128), lambda i: (i, 0)),
                  pl.BlockSpec((be, 64), lambda i: (i, 0))]
        + [_full(w.shape) for w in ws],
        out_specs=[pl.BlockSpec((be, 128), lambda i: (i, 0)),
                   pl.BlockSpec((be, 64), lambda i: (i, 0))],
        out_shape=[jax.ShapeDtypeStruct((e, 128), jnp.float32),
                   jax.ShapeDtypeStruct((e, 64), jnp.float32)],
    )(a1, scal, wi, *ws)


def _prep_weights(params):
    (W1, b1), (W2, b2), (W3, b3) = params['fc0']
    W1a = jnp.concatenate([W1[0:NSPEC], W1[2 * NSPEC + NRAD + 1:
                                           2 * NSPEC + NRAD + 1 + ECFP_DIM]], 0)
    W1b = jnp.concatenate([W1[NSPEC:2 * NSPEC],
                           W1[2 * NSPEC + NRAD + 1 + ECFP_DIM:]], 0)
    W1c = W1[2 * NSPEC:2 * NSPEC + NRAD]
    w1bo = W1[2 * NSPEC + NRAD].reshape(1, DIM)
    wp0 = [W1a, W1b, W1c, w1bo, b1.reshape(1, DIM), W2, b2.reshape(1, DIM),
           W3, b3.reshape(1, DIM), params['Wv'], params['layers'][0]['Ww']]
    per_layer = []
    for l in range(NLAYERS):
        lay = params['layers'][l]
        (F1, fb1), (F2, fb2), (F3, fb3) = lay['fc']
        wl = [F1[0:DIM], F1[DIM:DIM + NCH], F1[DIM + NCH:DIM + 2 * NCH],
              fb1.reshape(1, DIM), F2, fb2.reshape(1, DIM), F3,
              fb3.reshape(1, DIM)]
        if l < NLAYERS - 1:
            Wvec = lay['Wvec']
            Wsc = lay['Wsc']
            wl += [Wvec[0:NCH], Wvec[NCH:2 * NCH], Wvec[2 * NCH:3 * NCH],
                   Wsc[0:NCH], Wsc[NCH:2 * NCH], lay['bsc'].reshape(1, NCH),
                   params['layers'][l + 1]['Ww']]
        else:
            z16 = jnp.zeros((NCH, NCH), jnp.float32)
            wl += [z16, z16, z16, z16, z16, jnp.zeros((1, NCH), jnp.float32),
                   jnp.zeros((DIM, NCH), jnp.float32)]
        per_layer.append(wl)
    return wp0, per_layer


@jax.jit
def kernel(species, edge_src, edge_dst, switch, distances, vec, bond_order,
           ECFP, params):
    e0 = edge_src.shape[0]
    n = species.shape[0]
    ep = ((e0 + 32767) // 32768) * 32768
    pe = ep - e0
    edge_src = jnp.pad(edge_src.astype(jnp.int32), (0, pe))
    edge_dst = jnp.pad(edge_dst.astype(jnp.int32), (0, pe))
    switch = jnp.pad(switch, (0, pe))
    distances = jnp.pad(distances, (0, pe), constant_values=1.0)
    vec = jnp.pad(vec, ((0, pe), (0, 0)))
    bond_order = jnp.pad(bond_order.astype(jnp.int32), (0, pe))
    be = 2048 if ep % 2048 == 0 else ep

    wp0, per_layer = _prep_weights(params)
    featp = _node_feat(species, ECFP)
    gfs, gfd = _gather_feats(featp, edge_src, edge_dst)

    a1, wijp, scal = _run_p0(gfs, gfd, distances, bond_order, switch, vec,
                             wp0, be)

    for l in range(NLAYERS - 1):
        wi = jax.ops.segment_sum(wijp, edge_src, n)[edge_src]
        a1, wijp = _run_mid(a1, scal, wi, per_layer[l], be)
    wi = jax.ops.segment_sum(wijp, edge_src, n)[edge_src]
    return _run_final(a1, scal, wi, per_layer[NLAYERS - 1], e0)

# --- scband reference (transcript-rebuilt; emitter-appended) ---
"""Pipeline reference for scband-allegro-bond-81578608820655 (READ-ONLY COPY).

The authoritative reference and input builder live on the scoring server;
editing this copy changes nothing except your own understanding.
"""

import jax, jax.numpy as jnp
import numpy as np

N = 50000
E = 800000
DIM = 64
NCH = 16
NSPEC = 16
NRAD = 8
ECFP_DIM = 16
CUTOFF = 5.0
NLAYERS = 3

def ssp(x):
    return jax.nn.softplus(x) - jnp.log(2.0)

def mlp_apply(x, layers):
    n = len(layers)
    for i, (W, b) in enumerate(layers):
        x = x @ W + b
        if i < n - 1:
            x = ssp(x)
    return x

def _mlp_init(key, dims):
    layers = []
    for i in range(len(dims) - 1):
        key, k1 = jax.random.split(key)
        W = jax.random.normal(k1, (dims[i], dims[i + 1]), jnp.float32) / np.sqrt(dims[i])
        layers.append((W, jnp.zeros((dims[i + 1],), jnp.float32)))
    return layers

def setup_inputs():
    ks = jax.random.split(jax.random.key(0), 16)
    species = jax.random.randint(ks[0], (N,), 0, NSPEC)
    edge_src = jax.random.randint(ks[1], (E,), 0, N)
    edge_dst = jax.random.randint(ks[2], (E,), 0, N)
    switch = jax.random.uniform(ks[3], (E,), jnp.float32)
    vec = jax.random.normal(ks[4], (E, 3), jnp.float32)
    distances = jnp.linalg.norm(vec, axis=1) + 0.1
    bond_order = jax.random.randint(ks[5], (E,), 0, 6)
    ECFP = jax.random.normal(ks[6], (N, ECFP_DIM), jnp.float32)
    in0 = 2 * NSPEC + NRAD + 1 + 2 * ECFP_DIM
    params = {
        'W_species': jax.random.normal(ks[7], (NSPEC, DIM), jnp.float32) / np.sqrt(NSPEC),
        'fc0': _mlp_init(ks[8], [in0, 64, 64, DIM]),
        'Wv': jax.random.normal(ks[9], (DIM, NCH), jnp.float32) / np.sqrt(DIM),
        'layers': [],
    }
    for l in range(NLAYERS):
        kk = jax.random.fold_in(ks[10], l)
        k1, k2, k3, k4 = jax.random.split(kk, 4)
        lay = {
            'Ww': jax.random.normal(k1, (DIM, NCH), jnp.float32) / np.sqrt(DIM),
            'fc': _mlp_init(k2, [DIM + 2 * NCH, 64, 64, DIM]),
        }
        if l < NLAYERS - 1:
            lay['Wvec'] = jax.random.normal(k3, (3 * NCH, NCH), jnp.float32) / np.sqrt(3 * NCH)
            lay['Wsc'] = jax.random.normal(k4, (2 * NCH, NCH), jnp.float32) / np.sqrt(2 * NCH)
            lay['bsc'] = jnp.zeros((NCH,), jnp.float32)
        params['layers'].append(lay)
    return {'species': species, 'edge_src': edge_src, 'edge_dst': edge_dst, 'switch': switch, 'distances': distances, 'vec': vec, 'bond_order': bond_order, 'ECFP': ECFP, 'params': params}

def _forward(species, edge_src, edge_dst, switch, distances, vec, bond_order, ECFP, params):
    sw = switch[:, None]
    w_bo = jnp.array([1.0, 1.5, 2.0, 0.5, 3.0, 0.25], jnp.float32)
    bo = w_bo[bond_order]
    onehot = jax.nn.one_hot(species, NSPEC, dtype=jnp.float32)
    xi = onehot @ params['W_species']  # computed but unused downstream, as in the original module
    ns = jnp.arange(1, NRAD + 1, dtype=jnp.float32)
    rb = jnp.sqrt(2.0 / CUTOFF) * jnp.sin(ns[None, :] * jnp.pi * distances[:, None] / CUTOFF) / distances[:, None]
    x_ij = jnp.concatenate((onehot[edge_src], onehot[edge_dst], rb, bo[:, None], ECFP[edge_src], ECFP[edge_dst]), axis=-1)
    x_ij = mlp_apply(x_ij, params['fc0']) * sw
    uij = vec / distances[:, None]
    uij = jnp.concatenate((jnp.ones((uij.shape[0], 1), uij.dtype), uij), axis=1)
    v_ij = (x_ij @ params['Wv'])[:, None, :] * uij[:, :, None]
    n_nodes = species.shape[0]
    for l in range(NLAYERS):
        lay = params['layers'][l]
        wij = (x_ij @ lay['Ww'])[:, None, :] * uij[:, :, None]
        wi = jax.ops.segment_sum(wij, edge_src, n_nodes)[edge_src]
        wi0 = wi[:, 0, :]
        wi1 = wi[:, 1:, :]
        vij0 = v_ij[:, 0, :]
        vij1 = v_ij[:, 1:, :]
        scalar1 = wi0 * vij0
        scalar2 = jnp.sum(wi1 * vij1, axis=1)
        vectorial1 = jnp.cross(wi1, vij1, axis=1)
        vectorial2 = wi0[:, None, :] * vij1
        vectorial3 = wi1 * vij0[:, None, :]
        dx = jnp.concatenate((x_ij, scalar1, scalar2), axis=-1)
        dx = mlp_apply(dx, lay['fc']) * sw
        x_ij = x_ij + dx
        if l < NLAYERS - 1:
            vect = jnp.concatenate((vectorial1, vectorial2, vectorial3), axis=-1) @ lay['Wvec']
            sc = jnp.concatenate((scalar1, scalar2), axis=-1) @ lay['Wsc'] + lay['bsc']
            v_ij = v_ij + jnp.concatenate((sc[:, None, :], vect), axis=1)
    return x_ij

def reference(species, edge_src, edge_dst, switch, distances, vec, bond_order, ECFP, params):
    return _forward(species, edge_src, edge_dst, switch, distances, vec, bond_order, ECFP, params)

if __name__ == "__main__":
    import jax
    _d = setup_inputs()
    print(jax.jit(kernel)(*tuple(_d.values())))

</pallas_src>

<mosaic_0001>
#map = affine_map<(d0, d1) -> (0, 0)>
#map1 = affine_map<(d0, d1) -> (0)>
module attributes {stable_mosaic.version = 14 : i64} {
  func.func @k(%arg0: i32, %arg1: i32, %arg2: memref<50048x128xf32, #tpu.memory_space<hbm>>, %arg3: memref<819200xi32, #tpu.memory_space<hbm>>, %arg4: memref<819200xi32, #tpu.memory_space<hbm>>, %arg5: memref<819200x128xf32, #tpu.memory_space<hbm>>, %arg6: memref<819200x128xf32, #tpu.memory_space<hbm>>, %arg7: memref<320xi32, #tpu.memory_space<vmem>>, %arg8: memref<320xi32, #tpu.memory_space<vmem>>, %arg9: memref<320x128xf32, #tpu.memory_space<vmem>>, %arg10: memref<320x128xf32, #tpu.memory_space<vmem>>, %arg11: memref<!tpu.dma_semaphore, #tpu.memory_space<semaphore_mem>>, %arg12: memref<!tpu.dma_semaphore, #tpu.memory_space<semaphore_mem>>) attributes {dimension_semantics = [#tpu.dimension_semantics<core_parallel>, #tpu.dimension_semantics<subcore_parallel>], iteration_bounds = array<i64: 2, 16>, scalar_prefetch = 0 : i64, scratch_operands = 6 : i64, tpu.core_type = #tpu.core_type<sc_vector_subcore>, window_params = [{transform_indices = #map}, {transform_indices = #map1}, {transform_indices = #map1}, {transform_indices = #map}, {transform_indices = #map}]} {
    %mul3A = arith.constant 2 : i32
    %mul3A_0 = arith.muli %arg1, %mul3A : i32
    %add3A = arith.addi %mul3A_0, %arg0 : i32
    %mul3A_1 = arith.constant 25600 : i32
    %mul3A_2 = arith.muli %add3A, %mul3A_1 : i32
    %scan3A = arith.constant 0 : i32
    %scan3A_3 = arith.constant 0 : i32
    %scan3A_4 = arith.constant 80 : i32
    %scan3A_5 = arith.addi %scan3A_3, %scan3A_4 : i32
    %scan3A_6 = arith.constant 1 : i32
    scf.for %scan3A_8 = %scan3A_3 to %scan3A_5 step %scan3A_6  : i32 {
      %mul3A_9 = arith.constant 320 : i32
      %mul3A_10 = arith.muli %scan3A_8, %mul3A_9 : i32
      %add3A_11 = arith.addi %mul3A_2, %mul3A_10 : i32
      "tpu.region"() ({
        %run_scoped3A = tpu.sem_alloc : memref<!tpu.dma_semaphore, #tpu.memory_space<semaphore_mem>>
        %dma_start3A_22 = tpu.memref_slice %arg3[%add3A_11] : memref<819200xi32, #tpu.memory_space<hbm>> -> memref<320xi32, #tpu.memory_space<hbm>>
        %dma_start3A_23 = tpu.memref_slice %arg3[%add3A_11] : memref<819200xi32, #tpu.memory_space<hbm>> -> memref<320xi32, #tpu.memory_space<hbm>>
        tpu.enqueue_dma source(%dma_start3A_23 : memref<320xi32, #tpu.memory_space<hbm>>) target(%arg7 : memref<320xi32, #tpu.memory_space<vmem>>) target_semaphore(%run_scoped3A : memref<!tpu.dma_semaphore, #tpu.memory_space<semaphore_mem>>)
        %dma_wait3A_24 = tpu.memref_slice %arg3[%add3A_11] : memref<819200xi32, #tpu.memory_space<hbm>> -> memref<320xi32, #tpu.memory_space<hbm>>
        %dma_wait3A_25 = tpu.memref_slice %arg3[%add3A_11] : memref<819200xi32, #tpu.memory_space<hbm>> -> memref<320xi32, #tpu.memory_space<hbm>>
        tpu.wait_dma2 semaphore(%run_scoped3A : memref<!tpu.dma_semaphore, #tpu.memory_space<semaphore_mem>>) src(%dma_wait3A_25 : memref<320xi32, #tpu.memory_space<hbm>>) dst(%arg7 : memref<320xi32, #tpu.memory_space<vmem>>)
        tpu.yield
      }) : () -> ()
      "tpu.region"() ({
        %run_scoped3A = tpu.sem_alloc : memref<!tpu.dma_semaphore, #tpu.memory_space<semaphore_mem>>
        %dma_start3A_22 = tpu.memref_slice %arg4[%add3A_11] : memref<819200xi32, #tpu.memory_space<hbm>> -> memref<320xi32, #tpu.memory_space<hbm>>
        %dma_start3A_23 = tpu.memref_slice %arg4[%add3A_11] : memref<819200xi32, #tpu.memory_space<hbm>> -> memref<320xi32, #tpu.memory_space<hbm>>
        tpu.enqueue_dma source(%dma_start3A_23 : memref<320xi32, #tpu.memory_space<hbm>>) target(%arg8 : memref<320xi32, #tpu.memory_space<vmem>>) target_semaphore(%run_scoped3A : memref<!tpu.dma_semaphore, #tpu.memory_space<semaphore_mem>>)
        %dma_wait3A_24 = tpu.memref_slice %arg4[%add3A_11] : memref<819200xi32, #tpu.memory_space<hbm>> -> memref<320xi32, #tpu.memory_space<hbm>>
        %dma_wait3A_25 = tpu.memref_slice %arg4[%add3A_11] : memref<819200xi32, #tpu.memory_space<hbm>> -> memref<320xi32, #tpu.memory_space<hbm>>
        tpu.wait_dma2 semaphore(%run_scoped3A : memref<!tpu.dma_semaphore, #tpu.memory_space<semaphore_mem>>) src(%dma_wait3A_25 : memref<320xi32, #tpu.memory_space<hbm>>) dst(%arg8 : memref<320xi32, #tpu.memory_space<vmem>>)
        tpu.yield
      }) : () -> ()
      %dma_start3A = arith.constant 0 : i32
      %dma_start3A_12 = arith.constant 0 : i32
      %dma_start3A_13 = tpu.memref_slice %arg2[%dma_start3A, %dma_start3A_12] : memref<50048x128xf32, #tpu.memory_space<hbm>> -> memref<50048x128xf32, #tpu.memory_space<hbm>>
      tpu.enqueue_indirect_dma source(%dma_start3A_13 : memref<50048x128xf32, #tpu.memory_space<hbm>>) target(%arg9 : memref<320x128xf32, #tpu.memory_space<vmem>>) offsets(%arg7 : memref<320xi32, #tpu.memory_space<vmem>>) semaphore(%arg11 : memref<!tpu.dma_semaphore, #tpu.memory_space<semaphore_mem>>)
      %dma_start3A_14 = arith.constant 0 : i32
      %dma_start3A_15 = arith.constant 0 : i32
      %dma_start3A_16 = tpu.memref_slice %arg2[%dma_start3A_14, %dma_start3A_15] : memref<50048x128xf32, #tpu.memory_space<hbm>> -> memref<50048x128xf32, #tpu.memory_space<hbm>>
      tpu.enqueue_indirect_dma source(%dma_start3A_16 : memref<50048x128xf32, #tpu.memory_space<hbm>>) target(%arg10 : memref<320x128xf32, #tpu.memory_space<vmem>>) offsets(%arg8 : memref<320xi32, #tpu.memory_space<vmem>>) semaphore(%arg12 : memref<!tpu.dma_semaphore, #tpu.memory_space<semaphore_mem>>)
      %dma_wait3A = arith.constant 0 : i32
      %dma_wait3A_17 = arith.constant 0 : i32
      %dma_wait3A_18 = tpu.memref_slice %arg2[%dma_wait3A, %dma_wait3A_17] : memref<50048x128xf32, #tpu.memory_space<hbm>> -> memref<50048x128xf32, #tpu.memory_space<hbm>>
      tpu.wait_indirect_dma semaphore(%arg11 : memref<!tpu.dma_semaphore, #tpu.memory_space<semaphore_mem>>) src(%dma_wait3A_18 : memref<50048x128xf32, #tpu.memory_space<hbm>>) dst(%arg9 : memref<320x128xf32, #tpu.memory_space<vmem>>)
      "tpu.region"() ({
        %run_scoped3A = tpu.sem_alloc : memref<!tpu.dma_semaphore, #tpu.memory_space<semaphore_mem>>
        %dma_start3A_22 = arith.constant 0 : i32
        %dma_start3A_23 = tpu.memref_slice %arg5[%add3A_11, %dma_start3A_22] : memref<819200x128xf32, #tpu.memory_space<hbm>> -> memref<320x128xf32, #tpu.memory_space<hbm>>
        %dma_start3A_24 = arith.constant 0 : i32
        %dma_start3A_25 = tpu.memref_slice %arg5[%add3A_11, %dma_start3A_24] : memref<819200x128xf32, #tpu.memory_space<hbm>> -> memref<320x128xf32, #tpu.memory_space<hbm>>
        tpu.enqueue_dma source(%arg9 : memref<320x128xf32, #tpu.memory_space<vmem>>) target(%dma_start3A_25 : memref<320x128xf32, #tpu.memory_space<hbm>>) target_semaphore(%run_scoped3A : memref<!tpu.dma_semaphore, #tpu.memory_space<semaphore_mem>>)
        %dma_wait3A_26 = arith.constant 0 : i32
        %dma_wait3A_27 = tpu.memref_slice %arg5[%add3A_11, %dma_wait3A_26] : memref<819200x128xf32, #tpu.memory_space<hbm>> -> memref<320x128xf32, #tpu.memory_space<hbm>>
        %dma_wait3A_28 = arith.constant 0 : i32
        %dma_wait3A_29 = tpu.memref_slice %arg5[%add3A_11, %dma_wait3A_28] : memref<819200x128xf32, #tpu.memory_space<hbm>> -> memref<320x128xf32, #tpu.memory_space<hbm>>
        tpu.wait_dma2 semaphore(%run_scoped3A : memref<!tpu.dma_semaphore, #tpu.memory_space<semaphore_mem>>) src(%arg9 : memref<320x128xf32, #tpu.memory_space<vmem>>) dst(%dma_wait3A_29 : memref<320x128xf32, #tpu.memory_space<hbm>>)
        tpu.yield
      }) : () -> ()
      %dma_wait3A_19 = arith.constant 0 : i32
      %dma_wait3A_20 = arith.constant 0 : i32
      %dma_wait3A_21 = tpu.memref_slice %arg2[%dma_wait3A_19, %dma_wait3A_20] : memref<50048x128xf32, #tpu.memory_space<hbm>> -> memref<50048x128xf32, #tpu.memory_space<hbm>>
      tpu.wait_indirect_dma semaphore(%arg12 : memref<!tpu.dma_semaphore, #tpu.memory_space<semaphore_mem>>) src(%dma_wait3A_21 : memref<50048x128xf32, #tpu.memory_space<hbm>>) dst(%arg10 : memref<320x128xf32, #tpu.memory_space<vmem>>)
      "tpu.region"() ({
        %run_scoped3A = tpu.sem_alloc : memref<!tpu.dma_semaphore, #tpu.memory_space<semaphore_mem>>
        %dma_start3A_22 = arith.constant 0 : i32
        %dma_start3A_23 = tpu.memref_slice %arg6[%add3A_11, %dma_start3A_22] : memref<819200x128xf32, #tpu.memory_space<hbm>> -> memref<320x128xf32, #tpu.memory_space<hbm>>
        %dma_start3A_24 = arith.constant 0 : i32
        %dma_start3A_25 = tpu.memref_slice %arg6[%add3A_11, %dma_start3A_24] : memref<819200x128xf32, #tpu.memory_space<hbm>> -> memref<320x128xf32, #tpu.memory_space<hbm>>
        tpu.enqueue_dma source(%arg10 : memref<320x128xf32, #tpu.memory_space<vmem>>) target(%dma_start3A_25 : memref<320x128xf32, #tpu.memory_space<hbm>>) target_semaphore(%run_scoped3A : memref<!tpu.dma_semaphore, #tpu.memory_space<semaphore_mem>>)
        %dma_wait3A_26 = arith.constant 0 : i32
        %dma_wait3A_27 = tpu.memref_slice %arg6[%add3A_11, %dma_wait3A_26] : memref<819200x128xf32, #tpu.memory_space<hbm>> -> memref<320x128xf32, #tpu.memory_space<hbm>>
        %dma_wait3A_28 = arith.constant 0 : i32
        %dma_wait3A_29 = tpu.memref_slice %arg6[%add3A_11, %dma_wait3A_28] : memref<819200x128xf32, #tpu.memory_space<hbm>> -> memref<320x128xf32, #tpu.memory_space<hbm>>
        tpu.wait_dma2 semaphore(%run_scoped3A : memref<!tpu.dma_semaphore, #tpu.memory_space<semaphore_mem>>) src(%arg10 : memref<320x128xf32, #tpu.memory_space<vmem>>) dst(%dma_wait3A_29 : memref<320x128xf32, #tpu.memory_space<hbm>>)
        tpu.yield
      }) : () -> ()
    }
    %scan3A_7 = arith.constant 80 : i32
    return
  }
}

module attributes {stable_mosaic.version = 14 : i64} {
  func.func @_feat_body(%arg0: i32, %arg1: memref<3128x1xi32, #tpu.memory_space<vmem>>, %arg2: memref<3128x16xf32, #tpu.memory_space<vmem>>, %arg3: memref<3128x128xf32, #tpu.memory_space<vmem>>) attributes {dimension_semantics = [#tpu.dimension_semantics<arbitrary>], iteration_bounds = array<i64: 16>, scalar_prefetch = 0 : i64, scratch_operands = 0 : i64, tpu.core_type = #tpu.core_type<tc>, window_params = [{transform_indices = @transform_0, window_bounds = array<i64: 3128, 1>}, {transform_indices = @transform_1, window_bounds = array<i64: 3128, 16>}, {transform_indices = @transform_2, window_bounds = array<i64: 3128, 128>}]} {
    %get3A = arith.constant 0 : index
    %get3A_0 = arith.constant 0 : index
    %get3A_1 = vector.load %arg1[%get3A, %get3A_0] : memref<3128x1xi32, #tpu.memory_space<vmem>>, vector<3128x1xi32>
    %iota3A = tpu.iota {dimensions = array<i32: 1>} : vector<3128x16xi32>
    %eq3A = vector.broadcast %get3A_1 : vector<3128x1xi32> to vector<3128x16xi32>
    %eq3A_2 = arith.cmpi eq, %eq3A, %iota3A : vector<3128x16xi32>
    %convert_element_type3A = arith.extui %eq3A_2 : vector<3128x16xi1> to vector<3128x16xi32>
    %convert_element_type3A_3 = arith.sitofp %convert_element_type3A : vector<3128x16xi32> to vector<3128x16xf32>
    %get3A_4 = arith.constant 0 : index
    %get3A_5 = arith.constant 0 : index
    %get3A_6 = vector.load %arg2[%get3A_4, %get3A_5] : memref<3128x16xf32, #tpu.memory_space<vmem>>, vector<3128x16xf32>
    %broadcast_in_dim3A = arith.constant 0.000000e+00 : f32
    %broadcast_in_dim3A_7 = vector.broadcast %broadcast_in_dim3A : f32 to vector<3128x96xf32>
    %concatenate3A = tpu.concatenate %convert_element_type3A_3, %get3A_6, %broadcast_in_dim3A_7 in 1 : vector<3128x16xf32>, vector<3128x16xf32>, vector<3128x96xf32> -> vector<3128x128xf32>
    %swap3A = arith.constant 0 : index
    %swap3A_8 = arith.constant 0 : index
    %swap3A_9 = vector.load %arg3[%swap3A, %swap3A_8] : memref<3128x128xf32, #tpu.memory_space<vmem>>, vector<3128x128xf32>
    tpu.vector_store %arg3[%swap3A, %swap3A_8], %concatenate3A {strides = array<i32>} : memref<3128x128xf32, #tpu.memory_space<vmem>>, vector<3128x128xf32>,
    return
  }
  func.func @transform_0(%arg0: i32) -> (i32, i32) {
    %c0_i32 = arith.constant 0 : i32
    %c0_i32_0 = arith.constant 0 : i32
    return %arg0, %c0_i32 : i32, i32
  }
  func.func @transform_1(%arg0: i32) -> (i32, i32) {
    %c0_i32 = arith.constant 0 : i32
    %c0_i32_0 = arith.constant 0 : i32
    return %arg0, %c0_i32 : i32, i32
  }
  func.func @transform_2(%arg0: i32) -> (i32, i32) {
    %c0_i32 = arith.constant 0 : i32
    %c0_i32_0 = arith.constant 0 : i32
    return %arg0, %c0_i32 : i32, i32
  }
}

module attributes {stable_mosaic.version = 14 : i64} {
  func.func @_p0_body(%arg0: i32, %arg1: memref<2048x128xf32, #tpu.memory_space<vmem>>, %arg2: memref<2048x128xf32, #tpu.memory_space<vmem>>, %arg3: memref<2048xf32, #tpu.memory_space<vmem>>, %arg4: memref<2048xi32, #tpu.memory_space<vmem>>, %arg5: memref<2048xf32, #tpu.memory_space<vmem>>, %arg6: memref<2048x3xf32, #tpu.memory_space<vmem>>, %arg7: memref<32x64xf32, #tpu.memory_space<vmem>>, %arg8: memref<32x64xf32, #tpu.memory_space<vmem>>, %arg9: memref<8x64xf32, #tpu.memory_space<vmem>>, %arg10: memref<1x64xf32, #tpu.memory_space<vmem>>, %arg11: memref<1x64xf32, #tpu.memory_space<vmem>>, %arg12: memref<64x64xf32, #tpu.memory_space<vmem>>, %arg13: memref<1x64xf32, #tpu.memory_space<vmem>>, %arg14: memref<64x64xf32, #tpu.memory_space<vmem>>, %arg15: memref<1x64xf32, #tpu.memory_space<vmem>>, %arg16: memref<64x16xf32, #tpu.memory_space<vmem>>, %arg17: memref<64x16xf32, #tpu.memory_space<vmem>>, %arg18: memref<2048x128xf32, #tpu.memory_space<vmem>>, %arg19: memref<2048x64xf32, #tpu.memory_space<vmem>>, %arg20: memref<2048x128xf32, #tpu.memory_space<vmem>>) attributes {dimension_semantics = [#tpu.dimension_semantics<arbitrary>], iteration_bounds = array<i64: 400>, scalar_prefetch = 0 : i64, scratch_operands = 0 : i64, tpu.core_type = #tpu.core_type<tc>, window_params = [{transform_indices = @transform_0, window_bounds = array<i64: 2048, 128>}, {transform_indices = @transform_1, window_bounds = array<i64: 2048, 128>}, {transform_indices = @transform_2, window_bounds = array<i64: 2048>}, {transform_indices = @transform_3, window_bounds = array<i64: 2048>}, {transform_indices = @transform_4, window_bounds = array<i64: 2048>}, {transform_indices = @transform_5, window_bounds = array<i64: 2048, 3>}, {pipeline_mode = #tpu.pipeline_mode<synchronous>, transform_indices = @transform_6, window_bounds = array<i64: 32, 64>}, {pipeline_mode = #tpu.pipeline_mode<synchronous>, transform_indices = @transform_7, window_bounds = array<i64: 32, 64>}, {pipeline_mode = #tpu.pipeline_mode<synchronous>, transform_indices = @transform_8, window_bounds = array<i64: 8, 64>}, {pipeline_mode = #tpu.pipeline_mode<synchronous>, transform_indices = @transform_9, window_bounds = array<i64: 1, 64>}, {pipeline_mode = #tpu.pipeline_mode<synchronous>, transform_indices = @transform_10, window_bounds = array<i64: 1, 64>}, {pipeline_mode = #tpu.pipeline_mode<synchronous>, transform_indices = @transform_11, window_bounds = array<i64: 64, 64>}, {pipeline_mode = #tpu.pipeline_mode<synchronous>, transform_indices = @transform_12, window_bounds = array<i64: 1, 64>}, {pipeline_mode = #tpu.pipeline_mode<synchronous>, transform_indices = @transform_13, window_bounds = array<i64: 64, 64>}, {pipeline_mode = #tpu.pipeline_mode<synchronous>, transform_indices = @transform_14, window_bounds = array<i64: 1, 64>}, {pipeline_mode = #tpu.pipeline_mode<synchronous>, transform_indices = @transform_15, window_bounds = array<i64: 64, 16>}, {pipeline_mode = #tpu.pipeline_mode<synchronous>, transform_indices = @transform_16, window_bounds = array<i64: 64, 16>}, {transform_indices = @transform_17, window_bounds = array<i64: 2048, 128>}, {transform_indices = @transform_18, window_bounds = array<i64: 2048, 64>}, {transform_indices = @transform_19, window_bounds = array<i64: 2048, 128>}]} {
    %get3A = arith.constant 0 : index
    %get3A_0 = vector.load %arg3[%get3A] : memref<2048xf32, #tpu.memory_space<vmem>>, vector<2048xf32>
    %reshape3A = vector.shape_cast %get3A_0 : vector<2048xf32> to vector<2048x1xf32>
    %get3A_1 = arith.constant 0 : index
    %get3A_2 = vector.load %arg4[%get3A_1] : memref<2048xi32, #tpu.memory_space<vmem>>, vector<2048xi32>
    %broadcast_in_dim3A = arith.constant 0.000000e+00 : f32
    %broadcast_in_dim3A_3 = vector.broadcast %broadcast_in_dim3A : f32 to vector<2048xf32>
    %eq3A = arith.constant 0 : i32
    %eq3A_4 = vector.broadcast %eq3A : i32 to vector<2048xi32>
    %eq3A_5 = arith.cmpi eq, %get3A_2, %eq3A_4 : vector<2048xi32>
    %jit3A = arith.constant 1.000000e+00 : f32
    %broadcast_in_dim3A_6 = vector.broadcast %jit3A : f32 to vector<2048xf32>
    %select_n3A = arith.select %eq3A_5, %broadcast_in_dim3A_6, %broadcast_in_dim3A_3 : vector<2048xi1>, vector<2048xf32>
    %eq3A_7 = arith.constant 1 : i32
    %eq3A_8 = vector.broadcast %eq3A_7 : i32 to vector<2048xi32>
    %eq3A_9 = arith.cmpi eq, %get3A_2, %eq3A_8 : vector<2048xi32>
    %jit3A_10 = arith.constant 1.500000e+00 : f32
    %broadcast_in_dim3A_11 = vector.broadcast %jit3A_10 : f32 to vector<2048xf32>
    %select_n3A_12 = arith.select %eq3A_9, %broadcast_in_dim3A_11, %select_n3A : vector<2048xi1>, vector<2048xf32>
    %eq3A_13 = arith.constant 2 : i32
    %eq3A_14 = vector.broadcast %eq3A_13 : i32 to vector<2048xi32>
    %eq3A_15 = arith.cmpi eq, %get3A_2, %eq3A_14 : vector<2048xi32>
    %jit3A_16 = arith.constant 2.000000e+00 : f32
    %broadcast_in_dim3A_17 = vector.broadcast %jit3A_16 : f32 to vector<2048xf32>
    %select_n3A_18 = arith.select %eq3A_15, %broadcast_in_dim3A_17, %select_n3A_12 : vector<2048xi1>, vector<2048xf32>
    %eq3A_19 = arith.constant 3 : i32
    %eq3A_20 = vector.broadcast %eq3A_19 : i32 to vector<2048xi32>
    %eq3A_21 = arith.cmpi eq, %get3A_2, %eq3A_20 : vector<2048xi32>
    %jit3A_22 = arith.constant 5.000000e-01 : f32
    %broadcast_in_dim3A_23 = vector.broadcast %jit3A_22 : f32 to vector<2048xf32>
    %select_n3A_24 = arith.select %eq3A_21, %broadcast_in_dim3A_23, %select_n3A_18 : vector<2048xi1>, vector<2048xf32>
    %eq3A_25 = arith.constant 4 : i32
    %eq3A_26 = vector.broadcast %eq3A_25 : i32 to vector<2048xi32>
    %eq3A_27 = arith.cmpi eq, %get3A_2, %eq3A_26 : vector<2048xi32>
    %jit3A_28 = arith.constant 3.000000e+00 : f32
    %broadcast_in_dim3A_29 = vector.broadcast %jit3A_28 : f32 to vector<2048xf32>
    %select_n3A_30 = arith.select %eq3A_27, %broadcast_in_dim3A_29, %select_n3A_24 : vector<2048xi1>, vector<2048xf32>
    %eq3A_31 = arith.constant 5 : i32
    %eq3A_32 = vector.broadcast %eq3A_31 : i32 to vector<2048xi32>
    %eq3A_33 = arith.cmpi eq, %get3A_2, %eq3A_32 : vector<2048xi32>
    %jit3A_34 = arith.constant 2.500000e-01 : f32
    %broadcast_in_dim3A_35 = vector.broadcast %jit3A_34 : f32 to vector<2048xf32>
    %select_n3A_36 = arith.select %eq3A_33, %broadcast_in_dim3A_35, %select_n3A_30 : vector<2048xi1>, vector<2048xf32>
    %reshape3A_37 = vector.shape_cast %select_n3A_36 : vector<2048xf32> to vector<2048x1xf32>
    %get3A_38 = arith.constant 0 : index
    %get3A_39 = vector.load %arg5[%get3A_38] : memref<2048xf32, #tpu.memory_space<vmem>>, vector<2048xf32>
    %reshape3A_40 = vector.shape_cast %get3A_39 : vector<2048xf32> to vector<2048x1xf32>
    %iota3A = tpu.iota {dimensions = array<i32: 1>} : vector<2048x8xi32>
    %convert_element_type3A = arith.sitofp %iota3A : vector<2048x8xi32> to vector<2048x8xf32>
    %add3A = arith.constant 1.000000e+00 : f32
    %add3A_41 = vector.broadcast %add3A : f32 to vector<2048x8xf32>
    %add3A_42 = arith.addf %convert_element_type3A, %add3A_41 : vector<2048x8xf32>
    %mul3A = arith.constant 0.628318548 : f32
    %mul3A_43 = vector.broadcast %mul3A : f32 to vector<2048x8xf32>
    %mul3A_44 = arith.mulf %add3A_42, %mul3A_43 : vector<2048x8xf32>
    %mul3A_45 = vector.broadcast %reshape3A : vector<2048x1xf32> to vector<2048x8xf32>
    %mul3A_46 = arith.mulf %mul3A_44, %mul3A_45 : vector<2048x8xf32>
    %sin3A = math.sin %mul3A_46 : vector<2048x8xf32>
    %mul3A_47 = arith.constant 0.632455527 : f32
    %mul3A_48 = vector.broadcast %mul3A_47 : f32 to vector<2048x8xf32>
    %mul3A_49 = arith.mulf %mul3A_48, %sin3A : vector<2048x8xf32>
    %div3A = vector.broadcast %reshape3A : vector<2048x1xf32> to vector<2048x8xf32>
    %div3A_50 = arith.divf %mul3A_49, %div3A : vector<2048x8xf32>
    %get3A_51 = arith.constant 0 : index
    %get3A_52 = arith.constant 0 : index
    %get3A_53 = vector.load %arg1[%get3A_51, %get3A_52] : memref<2048x128xf32, #tpu.memory_space<vmem>>, vector<2048x128xf32>
    %slice3A = vector.extract_strided_slice %get3A_53 {offsets = [0, 0], sizes = [2048, 32], strides = [1, 1]} : vector<2048x128xf32> to vector<2048x32xf32>
    %get3A_54 = arith.constant 0 : index
    %get3A_55 = arith.constant 0 : index
    %get3A_56 = vector.load %arg7[%get3A_54, %get3A_55] : memref<32x64xf32, #tpu.memory_space<vmem>>, vector<32x64xf32>
    %dot_general3A = arith.constant dense<0.000000e+00> : vector<2048x64xf32>
    %dot_general3A_57 = tpu.matmul %slice3A, %get3A_56, %dot_general3A {dimension_numbers = #tpu.dot_dimension_numbers<[1], [0], [0], [1], [0, 0, 1, 1], [], []>, transpose_lhs_hint = false} : vector<2048x32xf32>, vector<32x64xf32>, vector<2048x64xf32> -> vector<2048x64xf32>
    %get3A_58 = arith.constant 0 : index
    %get3A_59 = arith.constant 0 : index
    %get3A_60 = vector.load %arg2[%get3A_58, %get3A_59] : memref<2048x128xf32, #tpu.memory_space<vmem>>, vector<2048x128xf32>
    %slice3A_61 = vector.extract_strided_slice %get3A_60 {offsets = [0, 0], sizes = [2048, 32], strides = [1, 1]} : vector<2048x128xf32> to vector<2048x32xf32>
    %get3A_62 = arith.constant 0 : index
    %get3A_63 = arith.constant 0 : index
    %get3A_64 = vector.load %arg8[%get3A_62, %get3A_63] : memref<32x64xf32, #tpu.memory_space<vmem>>, vector<32x64xf32>
    %dot_general3A_65 = arith.constant dense<0.000000e+00> : vector<2048x64xf32>
    %dot_general3A_66 = tpu.matmul %slice3A_61, %get3A_64, %dot_general3A_65 {dimension_numbers = #tpu.dot_dimension_numbers<[1], [0], [0], [1], [0, 0, 1, 1], [], []>, transpose_lhs_hint = false} : vector<2048x32xf32>, vector<32x64xf32>, vector<2048x64xf32> -> vector<2048x64xf32>
    %add3A_67 = arith.addf %dot_general3A_57, %dot_general3A_66 : vector<2048x64xf32>
    %get3A_68 = arith.constant 0 : index
    %get3A_69 = arith.constant 0 : index
    %get3A_70 = vector.load %arg9[%get3A_68, %get3A_69] : memref<8x64xf32, #tpu.memory_space<vmem>>, vector<8x64xf32>
    %dot_general3A_71 = arith.constant dense<0.000000e+00> : vector<2048x64xf32>
    %dot_general3A_72 = tpu.matmul %div3A_50, %get3A_70, %dot_general3A_71 {dimension_numbers = #tpu.dot_dimension_numbers<[1], [0], [0], [1], [0, 0, 1, 1], [], []>, transpose_lhs_hint = false} : vector<2048x8xf32>, vector<8x64xf32>, vector<2048x64xf32> -> vector<2048x64xf32>
    %add3A_73 = arith.addf %add3A_67, %dot_general3A_72 : vector<2048x64xf32>
    %get3A_74 = arith.constant 0 : index
    %get3A_75 = arith.constant 0 : index
    %get3A_76 = vector.load %arg10[%get3A_74, %get3A_75] : memref<1x64xf32, #tpu.memory_space<vmem>>, vector<1x64xf32>
    %mul3A_77 = vector.broadcast %reshape3A_37 : vector<2048x1xf32> to vector<2048x64xf32>
    %mul3A_78 = vector.broadcast %get3A_76 : vector<1x64xf32> to vector<2048x64xf32>
    %mul3A_79 = arith.mulf %mul3A_77, %mul3A_78 : vector<2048x64xf32>
    %add3A_80 = arith.addf %add3A_73, %mul3A_79 : vector<2048x64xf32>
    %get3A_81 = arith.constant 0 : index
    %get3A_82 = arith.constant 0 : index
    %get3A_83 = vector.load %arg11[%get3A_81, %get3A_82] : memref<1x64xf32, #tpu.memory_space<vmem>>, vector<1x64xf32>
    %add3A_84 = vector.broadcast %get3A_83 : vector<1x64xf32> to vector<2048x64xf32>
    %add3A_85 = arith.addf %add3A_80, %add3A_84 : vector<2048x64xf32>
    %max3A = arith.constant 0.000000e+00 : f32
    %max3A_86 = vector.broadcast %max3A : f32 to vector<2048x64xf32>
    %max3A_87 = arith.maximumf %add3A_85, %max3A_86 : vector<2048x64xf32>
    %abs3A = math.absf %add3A_85 : vector<2048x64xf32>
    %neg3A = arith.constant 0.000000e+00 : f32
    %neg3A_88 = vector.broadcast %neg3A : f32 to vector<2048x64xf32>
    %neg3A_89 = arith.subf %neg3A_88, %abs3A : vector<2048x64xf32>
    %exp3A = math.exp %neg3A_89 : vector<2048x64xf32>
    %log1p3A = math.log1p %exp3A : vector<2048x64xf32>
    %add3A_90 = arith.addf %max3A_87, %log1p3A : vector<2048x64xf32>
    %sub3A = arith.constant 0.693147182 : f32
    %sub3A_91 = vector.broadcast %sub3A : f32 to vector<2048x64xf32>
    %sub3A_92 = arith.subf %add3A_90, %sub3A_91 : vector<2048x64xf32>
    %get3A_93 = arith.constant 0 : index
    %get3A_94 = arith.constant 0 : index
    %get3A_95 = vector.load %arg12[%get3A_93, %get3A_94] : memref<64x64xf32, #tpu.memory_space<vmem>>, vector<64x64xf32>
    %dot_general3A_96 = arith.constant dense<0.000000e+00> : vector<2048x64xf32>
    %dot_general3A_97 = tpu.matmul %sub3A_92, %get3A_95, %dot_general3A_96 {dimension_numbers = #tpu.dot_dimension_numbers<[1], [0], [0], [1], [0, 0, 1, 1], [], []>, transpose_lhs_hint = false} : vector<2048x64xf32>, vector<64x64xf32>, vector<2048x64xf32> -> vector<2048x64xf32>
    %get3A_98 = arith.constant 0 : index
    %get3A_99 = arith.constant 0 : index
    %get3A_100 = vector.load %arg13[%get3A_98, %get3A_99] : memref<1x64xf32, #tpu.memory_space<vmem>>, vector<1x64xf32>
    %add3A_101 = vector.broadcast %get3A_100 : vector<1x64xf32> to vector<2048x64xf32>
    %add3A_102 = arith.addf %dot_general3A_97, %add3A_101 : vector<2048x64xf32>
    %max3A_103 = arith.constant 0.000000e+00 : f32
    %max3A_104 = vector.broadcast %max3A_103 : f32 to vector<2048x64xf32>
    %max3A_105 = arith.maximumf %add3A_102, %max3A_104 : vector<2048x64xf32>
    %abs3A_106 = math.absf %add3A_102 : vector<2048x64xf32>
    %neg3A_107 = arith.constant 0.000000e+00 : f32
    %neg3A_108 = vector.broadcast %neg3A_107 : f32 to vector<2048x64xf32>
    %neg3A_109 = arith.subf %neg3A_108, %abs3A_106 : vector<2048x64xf32>
    %exp3A_110 = math.exp %neg3A_109 : vector<2048x64xf32>
    %log1p3A_111 = math.log1p %exp3A_110 : vector<2048x64xf32>
    %add3A_112 = arith.addf %max3A_105, %log1p3A_111 : vector<2048x64xf32>
    %sub3A_113 = arith.constant 0.693147182 : f32
    %sub3A_114 = vector.broadcast %sub3A_113 : f32 to vector<2048x64xf32>
    %sub3A_115 = arith.subf %add3A_112, %sub3A_114 : vector<2048x64xf32>
    %get3A_116 = arith.constant 0 : index
    %get3A_117 = arith.constant 0 : index
    %get3A_118 = vector.load %arg14[%get3A_116, %get3A_117] : memref<64x64xf32, #tpu.memory_space<vmem>>, vector<64x64xf32>
    %dot_general3A_119 = arith.constant dense<0.000000e+00> : vector<2048x64xf32>
    %dot_general3A_120 = tpu.matmul %sub3A_115, %get3A_118, %dot_general3A_119 {dimension_numbers = #tpu.dot_dimension_numbers<[1], [0], [0], [1], [0, 0, 1, 1], [], []>, transpose_lhs_hint = false} : vector<2048x64xf32>, vector<64x64xf32>, vector<2048x64xf32> -> vector<2048x64xf32>
    %get3A_121 = arith.constant 0 : index
    %get3A_122 = arith.constant 0 : index
    %get3A_123 = vector.load %arg15[%get3A_121, %get3A_122] : memref<1x64xf32, #tpu.memory_space<vmem>>, vector<1x64xf32>
    %add3A_124 = vector.broadcast %get3A_123 : vector<1x64xf32> to vector<2048x64xf32>
    %add3A_125 = arith.addf %dot_general3A_120, %add3A_124 : vector<2048x64xf32>
    %mul3A_126 = vector.broadcast %reshape3A_40 : vector<2048x1xf32> to vector<2048x64xf32>
    %mul3A_127 = arith.mulf %add3A_125, %mul3A_126 : vector<2048x64xf32>
    %get3A_128 = arith.constant 0 : index
    %get3A_129 = arith.constant 0 : index
    %get3A_130 = vector.load %arg16[%get3A_128, %get3A_129] : memref<64x16xf32, #tpu.memory_space<vmem>>, vector<64x16xf32>
    %dot_general3A_131 = arith.constant dense<0.000000e+00> : vector<2048x16xf32>
    %dot_general3A_132 = tpu.matmul %mul3A_127, %get3A_130, %dot_general3A_131 {dimension_numbers = #tpu.dot_dimension_numbers<[1], [0], [0], [1], [0, 0, 1, 1], [], []>, transpose_lhs_hint = false} : vector<2048x64xf32>, vector<64x16xf32>, vector<2048x16xf32> -> vector<2048x16xf32>
    %get3A_133 = arith.constant 0 : index
    %get3A_134 = arith.constant 0 : index
    %get3A_135 = vector.load %arg6[%get3A_133, %get3A_134] : memref<2048x3xf32, #tpu.memory_space<vmem>>, vector<2048x3xf32>
    %div3A_136 = vector.broadcast %reshape3A : vector<2048x1xf32> to vector<2048x3xf32>
    %div3A_137 = arith.divf %get3A_135, %div3A_136 : vector<2048x3xf32>
    %slice3A_138 = vector.extract_strided_slice %div3A_137 {offsets = [0, 0], sizes = [2048, 1], strides = [1, 1]} : vector<2048x3xf32> to vector<2048x1xf32>
    %mul3A_139 = vector.broadcast %slice3A_138 : vector<2048x1xf32> to vector<2048x16xf32>
    %mul3A_140 = arith.mulf %mul3A_139, %dot_general3A_132 : vector<2048x16xf32>
    %slice3A_141 = vector.extract_strided_slice %div3A_137 {offsets = [0, 1], sizes = [2048, 1], strides = [1, 1]} : vector<2048x3xf32> to vector<2048x1xf32>
    %mul3A_142 = vector.broadcast %slice3A_141 : vector<2048x1xf32> to vector<2048x16xf32>
    %mul3A_143 = arith.mulf %mul3A_142, %dot_general3A_132 : vector<2048x16xf32>
    %slice3A_144 = vector.extract_strided_slice %div3A_137 {offsets = [0, 2], sizes = [2048, 1], strides = [1, 1]} : vector<2048x3xf32> to vector<2048x1xf32>
    %mul3A_145 = vector.broadcast %slice3A_144 : vector<2048x1xf32> to vector<2048x16xf32>
    %mul3A_146 = arith.mulf %mul3A_145, %dot_general3A_132 : vector<2048x16xf32>
    %concatenate3A = tpu.concatenate %dot_general3A_132, %mul3A_140, %mul3A_143, %mul3A_146 in 1 : vector<2048x16xf32>, vector<2048x16xf32>, vector<2048x16xf32>, vector<2048x16xf32> -> vector<2048x64xf32>
    %concatenate3A_147 = tpu.concatenate %mul3A_127, %concatenate3A in 1 : vector<2048x64xf32>, vector<2048x64xf32> -> vector<2048x128xf32>
    %swap3A = arith.constant 0 : index
    %swap3A_148 = arith.constant 0 : index
    %swap3A_149 = vector.load %arg18[%swap3A, %swap3A_148] : memref<2048x128xf32, #tpu.memory_space<vmem>>, vector<2048x128xf32>
    tpu.vector_store %arg18[%swap3A, %swap3A_148], %concatenate3A_147 {strides = array<i32>} : memref<2048x128xf32, #tpu.memory_space<vmem>>, vector<2048x128xf32>,
    %get3A_150 = arith.constant 0 : index
    %get3A_151 = arith.constant 0 : index
    %get3A_152 = vector.load %arg17[%get3A_150, %get3A_151] : memref<64x16xf32, #tpu.memory_space<vmem>>, vector<64x16xf32>
    %dot_general3A_153 = arith.constant dense<0.000000e+00> : vector<2048x16xf32>
    %dot_general3A_154 = tpu.matmul %mul3A_127, %get3A_152, %dot_general3A_153 {dimension_numbers = #tpu.dot_dimension_numbers<[1], [0], [0], [1], [0, 0, 1, 1], [], []>, transpose_lhs_hint = false} : vector<2048x64xf32>, vector<64x16xf32>, vector<2048x16xf32> -> vector<2048x16xf32>
    %slice3A_155 = vector.extract_strided_slice %div3A_137 {offsets = [0, 0], sizes = [2048, 1], strides = [1, 1]} : vector<2048x3xf32> to vector<2048x1xf32>
    %mul3A_156 = vector.broadcast %slice3A_155 : vector<2048x1xf32> to vector<2048x16xf32>
    %mul3A_157 = arith.mulf %mul3A_156, %dot_general3A_154 : vector<2048x16xf32>
    %slice3A_158 = vector.extract_strided_slice %div3A_137 {offsets = [0, 1], sizes = [2048, 1], strides = [1, 1]} : vector<2048x3xf32> to vector<2048x1xf32>
    %mul3A_159 = vector.broadcast %slice3A_158 : vector<2048x1xf32> to vector<2048x16xf32>
    %mul3A_160 = arith.mulf %mul3A_159, %dot_general3A_154 : vector<2048x16xf32>
    %slice3A_161 = vector.extract_strided_slice %div3A_137 {offsets = [0, 2], sizes = [2048, 1], strides = [1, 1]} : vector<2048x3xf32> to vector<2048x1xf32>
    %mul3A_162 = vector.broadcast %slice3A_161 : vector<2048x1xf32> to vector<2048x16xf32>
    %mul3A_163 = arith.mulf %mul3A_162, %dot_general3A_154 : vector<2048x16xf32>
    %concatenate3A_164 = tpu.concatenate %dot_general3A_154, %mul3A_157, %mul3A_160, %mul3A_163 in 1 : vector<2048x16xf32>, vector<2048x16xf32>, vector<2048x16xf32>, vector<2048x16xf32> -> vector<2048x64xf32>
    %swap3A_165 = arith.constant 0 : index
    %swap3A_166 = arith.constant 0 : index
    %swap3A_167 = vector.load %arg19[%swap3A_165, %swap3A_166] : memref<2048x64xf32, #tpu.memory_space<vmem>>, vector<2048x64xf32>
    tpu.vector_store %arg19[%swap3A_165, %swap3A_166], %concatenate3A_164 {strides = array<i32>} : memref<2048x64xf32, #tpu.memory_space<vmem>>, vector<2048x64xf32>,
    %broadcast_in_dim3A_168 = arith.constant 0.000000e+00 : f32
    %broadcast_in_dim3A_169 = vector.broadcast %broadcast_in_dim3A_168 : f32 to vector<2048x123xf32>
    %concatenate3A_170 = tpu.concatenate %reshape3A, %reshape3A_40, %div3A_137, %broadcast_in_dim3A_169 in 1 : vector<2048x1xf32>, vector<2048x1xf32>, vector<2048x3xf32>, vector<2048x123xf32> -> vector<2048x128xf32>
    %swap3A_171 = arith.constant 0 : index
    %swap3A_172 = arith.constant 0 : index
    %swap3A_173 = vector.load %arg20[%swap3A_171, %swap3A_172] : memref<2048x128xf32, #tpu.memory_space<vmem>>, vector<2048x128xf32>
    tpu.vector_store %arg20[%swap3A_171, %swap3A_172], %concatenate3A_170 {strides = array<i32>} : memref<2048x128xf32, #tpu.memory_space<vmem>>, vector<2048x128xf32>,
    return
  }
  func.func @transform_0(%arg0: i32) -> (i32, i32) {
    %c0_i32 = arith.constant 0 : i32
    %c0_i32_0 = arith.constant 0 : i32
    return %arg0, %c0_i32 : i32, i32
  }
  func.func @transform_1(%arg0: i32) -> (i32, i32) {
    %c0_i32 = arith.constant 0 : i32
    %c0_i32_0 = arith.constant 0 : i32
    return %arg0, %c0_i32 : i32, i32
  }
  func.func @transform_2(%arg0: i32) -> i32 {
    %c0_i32 = arith.constant 0 : i32
    return %arg0 : i32
  }
  func.func @transform_3(%arg0: i32) -> i32 {
    %c0_i32 = arith.constant 0 : i32
    return %arg0 : i32
  }
  func.func @transform_4(%arg0: i32) -> i32 {
    %c0_i32 = arith.constant 0 : i32
    return %arg0 : i32
  }
  func.func @transform_5(%arg0: i32) -> (i32, i32) {
    %c0_i32 = arith.constant 0 : i32
    %c0_i32_0 = arith.constant 0 : i32
    return %arg0, %c0_i32 : i32, i32
  }
  func.func @transform_6(%arg0: i32) -> (i32, i32) {
    %c0_i32 = arith.constant 0 : i32
    %c0_i32_0 = arith.constant 0 : i32
    %c0_i32_1 = arith.constant 0 : i32
    return %c0_i32, %c0_i32_0 : i32, i32
  }
  func.func @transform_7(%arg0: i32) -> (i32, i32) {
    %c0_i32 = arith.constant 0 : i32
    %c0_i32_0 = arith.constant 0 : i32
    %c0_i32_1 = arith.constant 0 : i32
    return %c0_i32, %c0_i32_0 : i32, i32
  }
  func.func @transform_8(%arg0: i32) -> (i32, i32) {
    %c0_i32 = arith.constant 0 : i32
    %c0_i32_0 = arith.constant 0 : i32
    %c0_i32_1 = arith.constant 0 : i32
    return %c0_i32, %c0_i32_0 : i32, i32
  }
  func.func @transform_9(%arg0: i32) -> (i32, i32) {
    %c0_i32 = arith.constant 0 : i32
    %c0_i32_0 = arith.constant 0 : i32
    %c0_i32_1 = arith.constant 0 : i32
    return %c0_i32, %c0_i32_0 : i32, i32
  }
  func.func @transform_10(%arg0: i32) -> (i32, i32) {
    %c0_i32 = arith.constant 0 : i32
    %c0_i32_0 = arith.constant 0 : i32
    %c0_i32_1 = arith.constant 0 : i32
    return %c0_i32, %c0_i32_0 : i32, i32
  }
  func.func @transform_11(%arg0: i32) -> (i32, i32) {
    %c0_i32 = arith.constant 0 : i32
    %c0_i32_0 = arith.constant 0 : i32
    %c0_i32_1 = arith.constant 0 : i32
    return %c0_i32, %c0_i32_0 : i32, i32
  }
  func.func @transform_12(%arg0: i32) -> (i32, i32) {
    %c0_i32 = arith.constant 0 : i32
    %c0_i32_0 = arith.constant 0 : i32
    %c0_i32_1 = arith.constant 0 : i32
    return %c0_i32, %c0_i32_0 : i32, i32
  }
  func.func @transform_13(%arg0: i32) -> (i32, i32) {
    %c0_i32 = arith.constant 0 : i32
    %c0_i32_0 = arith.constant 0 : i32
    %c0_i32_1 = arith.constant 0 : i32
    return %c0_i32, %c0_i32_0 : i32, i32
  }
  func.func @transform_14(%arg0: i32) -> (i32, i32) {
    %c0_i32 = arith.constant 0 : i32
    %c0_i32_0 = arith.constant 0 : i32
    %c0_i32_1 = arith.constant 0 : i32
    return %c0_i32, %c0_i32_0 : i32, i32
  }
  func.func @transform_15(%arg0: i32) -> (i32, i32) {
    %c0_i32 = arith.constant 0 : i32
    %c0_i32_0 = arith.constant 0 : i32
    %c0_i32_1 = arith.constant 0 : i32
    return %c0_i32, %c0_i32_0 : i32, i32
  }
  func.func @transform_16(%arg0: i32) -> (i32, i32) {
    %c0_i32 = arith.constant 0 : i32
    %c0_i32_0 = arith.constant 0 : i32
    %c0_i32_1 = arith.constant 0 : i32
    return %c0_i32, %c0_i32_0 : i32, i32
  }
  func.func @transform_17(%arg0: i32) -> (i32, i32) {
    %c0_i32 = arith.constant 0 : i32
    %c0_i32_0 = arith.constant 0 : i32
    return %arg0, %c0_i32 : i32, i32
  }
  func.func @transform_18(%arg0: i32) -> (i32, i32) {
    %c0_i32 = arith.constant 0 : i32
    %c0_i32_0 = arith.constant 0 : i32
    return %arg0, %c0_i32 : i32, i32
  }
  func.func @transform_19(%arg0: i32) -> (i32, i32) {
    %c0_i32 = arith.constant 0 : i32
    %c0_i32_0 = arith.constant 0 : i32
    return %arg0, %c0_i32 : i32, i32
  }
}

module attributes {stable_mosaic.version = 14 : i64} {
  func.func @_mid_body(%arg0: i32, %arg1: memref<2048x128xf32, #tpu.memory_space<vmem>>, %arg2: memref<2048x128xf32, #tpu.memory_space<vmem>>, %arg3: memref<2048x64xf32, #tpu.memory_space<vmem>>, %arg4: memref<64x64xf32, #tpu.memory_space<vmem>>, %arg5: memref<16x64xf32, #tpu.memory_space<vmem>>, %arg6: memref<16x64xf32, #tpu.memory_space<vmem>>, %arg7: memref<1x64xf32, #tpu.memory_space<vmem>>, %arg8: memref<64x64xf32, #tpu.memory_space<vmem>>, %arg9: memref<1x64xf32, #tpu.memory_space<vmem>>, %arg10: memref<64x64xf32, #tpu.memory_space<vmem>>, %arg11: memref<1x64xf32, #tpu.memory_space<vmem>>, %arg12: memref<16x16xf32, #tpu.memory_space<vmem>>, %arg13: memref<16x16xf32, #tpu.memory_space<vmem>>, %arg14: memref<16x16xf32, #tpu.memory_space<vmem>>, %arg15: memref<16x16xf32, #tpu.memory_space<vmem>>, %arg16: memref<16x16xf32, #tpu.memory_space<vmem>>, %arg17: memref<1x16xf32, #tpu.memory_space<vmem>>, %arg18: memref<64x16xf32, #tpu.memory_space<vmem>>, %arg19: memref<2048x128xf32, #tpu.memory_space<vmem>>, %arg20: memref<2048x64xf32, #tpu.memory_space<vmem>>) attributes {dimension_semantics = [#tpu.dimension_semantics<arbitrary>], iteration_bounds = array<i64: 400>, scalar_prefetch = 0 : i64, scratch_operands = 0 : i64, tpu.core_type = #tpu.core_type<tc>, window_params = [{transform_indices = @transform_0, window_bounds = array<i64: 2048, 128>}, {transform_indices = @transform_1, window_bounds = array<i64: 2048, 128>}, {transform_indices = @transform_2, window_bounds = array<i64: 2048, 64>}, {pipeline_mode = #tpu.pipeline_mode<synchronous>, transform_indices = @transform_3, window_bounds = array<i64: 64, 64>}, {pipeline_mode = #tpu.pipeline_mode<synchronous>, transform_indices = @transform_4, window_bounds = array<i64: 16, 64>}, {pipeline_mode = #tpu.pipeline_mode<synchronous>, transform_indices = @transform_5, window_bounds = array<i64: 16, 64>}, {pipeline_mode = #tpu.pipeline_mode<synchronous>, transform_indices = @transform_6, window_bounds = array<i64: 1, 64>}, {pipeline_mode = #tpu.pipeline_mode<synchronous>, transform_indices = @transform_7, window_bounds = array<i64: 64, 64>}, {pipeline_mode = #tpu.pipeline_mode<synchronous>, transform_indices = @transform_8, window_bounds = array<i64: 1, 64>}, {pipeline_mode = #tpu.pipeline_mode<synchronous>, transform_indices = @transform_9, window_bounds = array<i64: 64, 64>}, {pipeline_mode = #tpu.pipeline_mode<synchronous>, transform_indices = @transform_10, window_bounds = array<i64: 1, 64>}, {pipeline_mode = #tpu.pipeline_mode<synchronous>, transform_indices = @transform_11, window_bounds = array<i64: 16, 16>}, {pipeline_mode = #tpu.pipeline_mode<synchronous>, transform_indices = @transform_12, window_bounds = array<i64: 16, 16>}, {pipeline_mode = #tpu.pipeline_mode<synchronous>, transform_indices = @transform_13, window_bounds = array<i64: 16, 16>}, {pipeline_mode = #tpu.pipeline_mode<synchronous>, transform_indices = @transform_14, window_bounds = array<i64: 16, 16>}, {pipeline_mode = #tpu.pipeline_mode<synchronous>, transform_indices = @transform_15, window_bounds = array<i64: 16, 16>}, {pipeline_mode = #tpu.pipeline_mode<synchronous>, transform_indices = @transform_16, window_bounds = array<i64: 1, 16>}, {pipeline_mode = #tpu.pipeline_mode<synchronous>, transform_indices = @transform_17, window_bounds = array<i64: 64, 16>}, {transform_indices = @transform_18, window_bounds = array<i64: 2048, 128>}, {transform_indices = @transform_19, window_bounds = array<i64: 2048, 64>}]} {
    %get3A = arith.constant 0 : index
    %get3A_0 = arith.constant 0 : index
    %get3A_1 = vector.load %arg1[%get3A, %get3A_0] : memref<2048x128xf32, #tpu.memory_space<vmem>>, vector<2048x128xf32>
    %get3A_2 = arith.constant 0 : index
    %get3A_3 = arith.constant 0 : index
    %get3A_4 = vector.load %arg2[%get3A_2, %get3A_3] : memref<2048x128xf32, #tpu.memory_space<vmem>>, vector<2048x128xf32>
    %get3A_5 = arith.constant 0 : index
    %get3A_6 = arith.constant 0 : index
    %get3A_7 = vector.load %arg3[%get3A_5, %get3A_6] : memref<2048x64xf32, #tpu.memory_space<vmem>>, vector<2048x64xf32>
    %slice3A = vector.extract_strided_slice %get3A_1 {offsets = [0, 0], sizes = [2048, 64], strides = [1, 1]} : vector<2048x128xf32> to vector<2048x64xf32>
    %slice3A_8 = vector.extract_strided_slice %get3A_1 {offsets = [0, 64], sizes = [2048, 16], strides = [1, 1]} : vector<2048x128xf32> to vector<2048x16xf32>
    %slice3A_9 = vector.extract_strided_slice %get3A_1 {offsets = [0, 80], sizes = [2048, 16], strides = [1, 1]} : vector<2048x128xf32> to vector<2048x16xf32>
    %slice3A_10 = vector.extract_strided_slice %get3A_1 {offsets = [0, 96], sizes = [2048, 16], strides = [1, 1]} : vector<2048x128xf32> to vector<2048x16xf32>
    %slice3A_11 = vector.extract_strided_slice %get3A_1 {offsets = [0, 112], sizes = [2048, 16], strides = [1, 1]} : vector<2048x128xf32> to vector<2048x16xf32>
    %slice3A_12 = vector.extract_strided_slice %get3A_4 {offsets = [0, 1], sizes = [2048, 1], strides = [1, 1]} : vector<2048x128xf32> to vector<2048x1xf32>
    %slice3A_13 = vector.extract_strided_slice %get3A_4 {offsets = [0, 2], sizes = [2048, 1], strides = [1, 1]} : vector<2048x128xf32> to vector<2048x1xf32>
    %slice3A_14 = vector.extract_strided_slice %get3A_4 {offsets = [0, 3], sizes = [2048, 1], strides = [1, 1]} : vector<2048x128xf32> to vector<2048x1xf32>
    %slice3A_15 = vector.extract_strided_slice %get3A_4 {offsets = [0, 4], sizes = [2048, 1], strides = [1, 1]} : vector<2048x128xf32> to vector<2048x1xf32>
    %slice3A_16 = vector.extract_strided_slice %get3A_7 {offsets = [0, 0], sizes = [2048, 16], strides = [1, 1]} : vector<2048x64xf32> to vector<2048x16xf32>
    %slice3A_17 = vector.extract_strided_slice %get3A_7 {offsets = [0, 16], sizes = [2048, 16], strides = [1, 1]} : vector<2048x64xf32> to vector<2048x16xf32>
    %slice3A_18 = vector.extract_strided_slice %get3A_7 {offsets = [0, 32], sizes = [2048, 16], strides = [1, 1]} : vector<2048x64xf32> to vector<2048x16xf32>
    %slice3A_19 = vector.extract_strided_slice %get3A_7 {offsets = [0, 48], sizes = [2048, 16], strides = [1, 1]} : vector<2048x64xf32> to vector<2048x16xf32>
    %mul3A = arith.mulf %slice3A_16, %slice3A_8 : vector<2048x16xf32>
    %mul3A_20 = arith.mulf %slice3A_17, %slice3A_9 : vector<2048x16xf32>
    %mul3A_21 = arith.mulf %slice3A_18, %slice3A_10 : vector<2048x16xf32>
    %add3A = arith.addf %mul3A_20, %mul3A_21 : vector<2048x16xf32>
    %mul3A_22 = arith.mulf %slice3A_19, %slice3A_11 : vector<2048x16xf32>
    %add3A_23 = arith.addf %add3A, %mul3A_22 : vector<2048x16xf32>
    %get3A_24 = arith.constant 0 : index
    %get3A_25 = arith.constant 0 : index
    %get3A_26 = vector.load %arg4[%get3A_24, %get3A_25] : memref<64x64xf32, #tpu.memory_space<vmem>>, vector<64x64xf32>
    %dot_general3A = arith.constant dense<0.000000e+00> : vector<2048x64xf32>
    %dot_general3A_27 = tpu.matmul %slice3A, %get3A_26, %dot_general3A {dimension_numbers = #tpu.dot_dimension_numbers<[1], [0], [0], [1], [0, 0, 1, 1], [], []>, transpose_lhs_hint = false} : vector<2048x64xf32>, vector<64x64xf32>, vector<2048x64xf32> -> vector<2048x64xf32>
    %get3A_28 = arith.constant 0 : index
    %get3A_29 = arith.constant 0 : index
    %get3A_30 = vector.load %arg5[%get3A_28, %get3A_29] : memref<16x64xf32, #tpu.memory_space<vmem>>, vector<16x64xf32>
    %dot_general3A_31 = arith.constant dense<0.000000e+00> : vector<2048x64xf32>
    %dot_general3A_32 = tpu.matmul %mul3A, %get3A_30, %dot_general3A_31 {dimension_numbers = #tpu.dot_dimension_numbers<[1], [0], [0], [1], [0, 0, 1, 1], [], []>, transpose_lhs_hint = false} : vector<2048x16xf32>, vector<16x64xf32>, vector<2048x64xf32> -> vector<2048x64xf32>
    %add3A_33 = arith.addf %dot_general3A_27, %dot_general3A_32 : vector<2048x64xf32>
    %get3A_34 = arith.constant 0 : index
    %get3A_35 = arith.constant 0 : index
    %get3A_36 = vector.load %arg6[%get3A_34, %get3A_35] : memref<16x64xf32, #tpu.memory_space<vmem>>, vector<16x64xf32>
    %dot_general3A_37 = arith.constant dense<0.000000e+00> : vector<2048x64xf32>
    %dot_general3A_38 = tpu.matmul %add3A_23, %get3A_36, %dot_general3A_37 {dimension_numbers = #tpu.dot_dimension_numbers<[1], [0], [0], [1], [0, 0, 1, 1], [], []>, transpose_lhs_hint = false} : vector<2048x16xf32>, vector<16x64xf32>, vector<2048x64xf32> -> vector<2048x64xf32>
    %add3A_39 = arith.addf %add3A_33, %dot_general3A_38 : vector<2048x64xf32>
    %get3A_40 = arith.constant 0 : index
    %get3A_41 = arith.constant 0 : index
    %get3A_42 = vector.load %arg7[%get3A_40, %get3A_41] : memref<1x64xf32, #tpu.memory_space<vmem>>, vector<1x64xf32>
    %add3A_43 = vector.broadcast %get3A_42 : vector<1x64xf32> to vector<2048x64xf32>
    %add3A_44 = arith.addf %add3A_39, %add3A_43 : vector<2048x64xf32>
    %max3A = arith.constant 0.000000e+00 : f32
    %max3A_45 = vector.broadcast %max3A : f32 to vector<2048x64xf32>
    %max3A_46 = arith.maximumf %add3A_44, %max3A_45 : vector<2048x64xf32>
    %abs3A = math.absf %add3A_44 : vector<2048x64xf32>
    %neg3A = arith.constant 0.000000e+00 : f32
    %neg3A_47 = vector.broadcast %neg3A : f32 to vector<2048x64xf32>
    %neg3A_48 = arith.subf %neg3A_47, %abs3A : vector<2048x64xf32>
    %exp3A = math.exp %neg3A_48 : vector<2048x64xf32>
    %log1p3A = math.log1p %exp3A : vector<2048x64xf32>
    %add3A_49 = arith.addf %max3A_46, %log1p3A : vector<2048x64xf32>
    %sub3A = arith.constant 0.693147182 : f32
    %sub3A_50 = vector.broadcast %sub3A : f32 to vector<2048x64xf32>
    %sub3A_51 = arith.subf %add3A_49, %sub3A_50 : vector<2048x64xf32>
    %get3A_52 = arith.constant 0 : index
    %get3A_53 = arith.constant 0 : index
    %get3A_54 = vector.load %arg8[%get3A_52, %get3A_53] : memref<64x64xf32, #tpu.memory_space<vmem>>, vector<64x64xf32>
    %dot_general3A_55 = arith.constant dense<0.000000e+00> : vector<2048x64xf32>
    %dot_general3A_56 = tpu.matmul %sub3A_51, %get3A_54, %dot_general3A_55 {dimension_numbers = #tpu.dot_dimension_numbers<[1], [0], [0], [1], [0, 0, 1, 1], [], []>, transpose_lhs_hint = false} : vector<2048x64xf32>, vector<64x64xf32>, vector<2048x64xf32> -> vector<2048x64xf32>
    %get3A_57 = arith.constant 0 : index
    %get3A_58 = arith.constant 0 : index
    %get3A_59 = vector.load %arg9[%get3A_57, %get3A_58] : memref<1x64xf32, #tpu.memory_space<vmem>>, vector<1x64xf32>
    %add3A_60 = vector.broadcast %get3A_59 : vector<1x64xf32> to vector<2048x64xf32>
    %add3A_61 = arith.addf %dot_general3A_56, %add3A_60 : vector<2048x64xf32>
    %max3A_62 = arith.constant 0.000000e+00 : f32
    %max3A_63 = vector.broadcast %max3A_62 : f32 to vector<2048x64xf32>
    %max3A_64 = arith.maximumf %add3A_61, %max3A_63 : vector<2048x64xf32>
    %abs3A_65 = math.absf %add3A_61 : vector<2048x64xf32>
    %neg3A_66 = arith.constant 0.000000e+00 : f32
    %neg3A_67 = vector.broadcast %neg3A_66 : f32 to vector<2048x64xf32>
    %neg3A_68 = arith.subf %neg3A_67, %abs3A_65 : vector<2048x64xf32>
    %exp3A_69 = math.exp %neg3A_68 : vector<2048x64xf32>
    %log1p3A_70 = math.log1p %exp3A_69 : vector<2048x64xf32>
    %add3A_71 = arith.addf %max3A_64, %log1p3A_70 : vector<2048x64xf32>
    %sub3A_72 = arith.constant 0.693147182 : f32
    %sub3A_73 = vector.broadcast %sub3A_72 : f32 to vector<2048x64xf32>
    %sub3A_74 = arith.subf %add3A_71, %sub3A_73 : vector<2048x64xf32>
    %get3A_75 = arith.constant 0 : index
    %get3A_76 = arith.constant 0 : index
    %get3A_77 = vector.load %arg10[%get3A_75, %get3A_76] : memref<64x64xf32, #tpu.memory_space<vmem>>, vector<64x64xf32>
    %dot_general3A_78 = arith.constant dense<0.000000e+00> : vector<2048x64xf32>
    %dot_general3A_79 = tpu.matmul %sub3A_74, %get3A_77, %dot_general3A_78 {dimension_numbers = #tpu.dot_dimension_numbers<[1], [0], [0], [1], [0, 0, 1, 1], [], []>, transpose_lhs_hint = false} : vector<2048x64xf32>, vector<64x64xf32>, vector<2048x64xf32> -> vector<2048x64xf32>
    %get3A_80 = arith.constant 0 : index
    %get3A_81 = arith.constant 0 : index
    %get3A_82 = vector.load %arg11[%get3A_80, %get3A_81] : memref<1x64xf32, #tpu.memory_space<vmem>>, vector<1x64xf32>
    %add3A_83 = vector.broadcast %get3A_82 : vector<1x64xf32> to vector<2048x64xf32>
    %add3A_84 = arith.addf %dot_general3A_79, %add3A_83 : vector<2048x64xf32>
    %mul3A_85 = vector.broadcast %slice3A_12 : vector<2048x1xf32> to vector<2048x64xf32>
    %mul3A_86 = arith.mulf %add3A_84, %mul3A_85 : vector<2048x64xf32>
    %add3A_87 = arith.addf %slice3A, %mul3A_86 : vector<2048x64xf32>
    %mul3A_88 = arith.mulf %slice3A_18, %slice3A_11 : vector<2048x16xf32>
    %mul3A_89 = arith.mulf %slice3A_19, %slice3A_10 : vector<2048x16xf32>
    %sub3A_90 = arith.subf %mul3A_88, %mul3A_89 : vector<2048x16xf32>
    %mul3A_91 = arith.mulf %slice3A_19, %slice3A_9 : vector<2048x16xf32>
    %mul3A_92 = arith.mulf %slice3A_17, %slice3A_11 : vector<2048x16xf32>
    %sub3A_93 = arith.subf %mul3A_91, %mul3A_92 : vector<2048x16xf32>
    %mul3A_94 = arith.mulf %slice3A_17, %slice3A_10 : vector<2048x16xf32>
    %mul3A_95 = arith.mulf %slice3A_18, %slice3A_9 : vector<2048x16xf32>
    %sub3A_96 = arith.subf %mul3A_94, %mul3A_95 : vector<2048x16xf32>
    %get3A_97 = arith.constant 0 : index
    %get3A_98 = arith.constant 0 : index
    %get3A_99 = vector.load %arg15[%get3A_97, %get3A_98] : memref<16x16xf32, #tpu.memory_space<vmem>>, vector<16x16xf32>
    %dot_general3A_100 = arith.constant dense<0.000000e+00> : vector<2048x16xf32>
    %dot_general3A_101 = tpu.matmul %mul3A, %get3A_99, %dot_general3A_100 {dimension_numbers = #tpu.dot_dimension_numbers<[1], [0], [0], [1], [0, 0, 1, 1], [], []>, transpose_lhs_hint = false} : vector<2048x16xf32>, vector<16x16xf32>, vector<2048x16xf32> -> vector<2048x16xf32>
    %get3A_102 = arith.constant 0 : index
    %get3A_103 = arith.constant 0 : index
    %get3A_104 = vector.load %arg16[%get3A_102, %get3A_103] : memref<16x16xf32, #tpu.memory_space<vmem>>, vector<16x16xf32>
    %dot_general3A_105 = arith.constant dense<0.000000e+00> : vector<2048x16xf32>
    %dot_general3A_106 = tpu.matmul %add3A_23, %get3A_104, %dot_general3A_105 {dimension_numbers = #tpu.dot_dimension_numbers<[1], [0], [0], [1], [0, 0, 1, 1], [], []>, transpose_lhs_hint = false} : vector<2048x16xf32>, vector<16x16xf32>, vector<2048x16xf32> -> vector<2048x16xf32>
    %add3A_107 = arith.addf %dot_general3A_101, %dot_general3A_106 : vector<2048x16xf32>
    %get3A_108 = arith.constant 0 : index
    %get3A_109 = arith.constant 0 : index
    %get3A_110 = vector.load %arg17[%get3A_108, %get3A_109] : memref<1x16xf32, #tpu.memory_space<vmem>>, vector<1x16xf32>
    %add3A_111 = vector.broadcast %get3A_110 : vector<1x16xf32> to vector<2048x16xf32>
    %add3A_112 = arith.addf %add3A_107, %add3A_111 : vector<2048x16xf32>
    %add3A_113 = arith.addf %slice3A_8, %add3A_112 : vector<2048x16xf32>
    %get3A_114 = arith.constant 0 : index
    %get3A_115 = arith.constant 0 : index
    %get3A_116 = vector.load %arg12[%get3A_114, %get3A_115] : memref<16x16xf32, #tpu.memory_space<vmem>>, vector<16x16xf32>
    %dot_general3A_117 = arith.constant dense<0.000000e+00> : vector<2048x16xf32>
    %dot_general3A_118 = tpu.matmul %sub3A_90, %get3A_116, %dot_general3A_117 {dimension_numbers = #tpu.dot_dimension_numbers<[1], [0], [0], [1], [0, 0, 1, 1], [], []>, transpose_lhs_hint = false} : vector<2048x16xf32>, vector<16x16xf32>, vector<2048x16xf32> -> vector<2048x16xf32>
    %add3A_119 = arith.addf %slice3A_9, %dot_general3A_118 : vector<2048x16xf32>
    %mul3A_120 = arith.mulf %slice3A_16, %slice3A_9 : vector<2048x16xf32>
    %get3A_121 = arith.constant 0 : index
    %get3A_122 = arith.constant 0 : index
    %get3A_123 = vector.load %arg13[%get3A_121, %get3A_122] : memref<16x16xf32, #tpu.memory_space<vmem>>, vector<16x16xf32>
    %dot_general3A_124 = arith.constant dense<0.000000e+00> : vector<2048x16xf32>
    %dot_general3A_125 = tpu.matmul %mul3A_120, %get3A_123, %dot_general3A_124 {dimension_numbers = #tpu.dot_dimension_numbers<[1], [0], [0], [1], [0, 0, 1, 1], [], []>, transpose_lhs_hint = false} : vector<2048x16xf32>, vector<16x16xf32>, vector<2048x16xf32> -> vector<2048x16xf32>
    %add3A_126 = arith.addf %add3A_119, %dot_general3A_125 : vector<2048x16xf32>
    %mul3A_127 = arith.mulf %slice3A_17, %slice3A_8 : vector<2048x16xf32>
    %get3A_128 = arith.constant 0 : index
    %get3A_129 = arith.constant 0 : index
    %get3A_130 = vector.load %arg14[%get3A_128, %get3A_129] : memref<16x16xf32, #tpu.memory_space<vmem>>, vector<16x16xf32>
    %dot_general3A_131 = arith.constant dense<0.000000e+00> : vector<2048x16xf32>
    %dot_general3A_132 = tpu.matmul %mul3A_127, %get3A_130, %dot_general3A_131 {dimension_numbers = #tpu.dot_dimension_numbers<[1], [0], [0], [1], [0, 0, 1, 1], [], []>, transpose_lhs_hint = false} : vector<2048x16xf32>, vector<16x16xf32>, vector<2048x16xf32> -> vector<2048x16xf32>
    %add3A_133 = arith.addf %add3A_126, %dot_general3A_132 : vector<2048x16xf32>
    %get3A_134 = arith.constant 0 : index
    %get3A_135 = arith.constant 0 : index
    %get3A_136 = vector.load %arg12[%get3A_134, %get3A_135] : memref<16x16xf32, #tpu.memory_space<vmem>>, vector<16x16xf32>
    %dot_general3A_137 = arith.constant dense<0.000000e+00> : vector<2048x16xf32>
    %dot_general3A_138 = tpu.matmul %sub3A_93, %get3A_136, %dot_general3A_137 {dimension_numbers = #tpu.dot_dimension_numbers<[1], [0], [0], [1], [0, 0, 1, 1], [], []>, transpose_lhs_hint = false} : vector<2048x16xf32>, vector<16x16xf32>, vector<2048x16xf32> -> vector<2048x16xf32>
    %add3A_139 = arith.addf %slice3A_10, %dot_general3A_138 : vector<2048x16xf32>
    %mul3A_140 = arith.mulf %slice3A_16, %slice3A_10 : vector<2048x16xf32>
    %get3A_141 = arith.constant 0 : index
    %get3A_142 = arith.constant 0 : index
    %get3A_143 = vector.load %arg13[%get3A_141, %get3A_142] : memref<16x16xf32, #tpu.memory_space<vmem>>, vector<16x16xf32>
    %dot_general3A_144 = arith.constant dense<0.000000e+00> : vector<2048x16xf32>
    %dot_general3A_145 = tpu.matmul %mul3A_140, %get3A_143, %dot_general3A_144 {dimension_numbers = #tpu.dot_dimension_numbers<[1], [0], [0], [1], [0, 0, 1, 1], [], []>, transpose_lhs_hint = false} : vector<2048x16xf32>, vector<16x16xf32>, vector<2048x16xf32> -> vector<2048x16xf32>
    %add3A_146 = arith.addf %add3A_139, %dot_general3A_145 : vector<2048x16xf32>
    %mul3A_147 = arith.mulf %slice3A_18, %slice3A_8 : vector<2048x16xf32>
    %get3A_148 = arith.constant 0 : index
    %get3A_149 = arith.constant 0 : index
    %get3A_150 = vector.load %arg14[%get3A_148, %get3A_149] : memref<16x16xf32, #tpu.memory_space<vmem>>, vector<16x16xf32>
    %dot_general3A_151 = arith.constant dense<0.000000e+00> : vector<2048x16xf32>
    %dot_general3A_152 = tpu.matmul %mul3A_147, %get3A_150, %dot_general3A_151 {dimension_numbers = #tpu.dot_dimension_numbers<[1], [0], [0], [1], [0, 0, 1, 1], [], []>, transpose_lhs_hint = false} : vector<2048x16xf32>, vector<16x16xf32>, vector<2048x16xf32> -> vector<2048x16xf32>
    %add3A_153 = arith.addf %add3A_146, %dot_general3A_152 : vector<2048x16xf32>
    %get3A_154 = arith.constant 0 : index
    %get3A_155 = arith.constant 0 : index
    %get3A_156 = vector.load %arg12[%get3A_154, %get3A_155] : memref<16x16xf32, #tpu.memory_space<vmem>>, vector<16x16xf32>
    %dot_general3A_157 = arith.constant dense<0.000000e+00> : vector<2048x16xf32>
    %dot_general3A_158 = tpu.matmul %sub3A_96, %get3A_156, %dot_general3A_157 {dimension_numbers = #tpu.dot_dimension_numbers<[1], [0], [0], [1], [0, 0, 1, 1], [], []>, transpose_lhs_hint = false} : vector<2048x16xf32>, vector<16x16xf32>, vector<2048x16xf32> -> vector<2048x16xf32>
    %add3A_159 = arith.addf %slice3A_11, %dot_general3A_158 : vector<2048x16xf32>
    %mul3A_160 = arith.mulf %slice3A_16, %slice3A_11 : vector<2048x16xf32>
    %get3A_161 = arith.constant 0 : index
    %get3A_162 = arith.constant 0 : index
    %get3A_163 = vector.load %arg13[%get3A_161, %get3A_162] : memref<16x16xf32, #tpu.memory_space<vmem>>, vector<16x16xf32>
    %dot_general3A_164 = arith.constant dense<0.000000e+00> : vector<2048x16xf32>
    %dot_general3A_165 = tpu.matmul %mul3A_160, %get3A_163, %dot_general3A_164 {dimension_numbers = #tpu.dot_dimension_numbers<[1], [0], [0], [1], [0, 0, 1, 1], [], []>, transpose_lhs_hint = false} : vector<2048x16xf32>, vector<16x16xf32>, vector<2048x16xf32> -> vector<2048x16xf32>
    %add3A_166 = arith.addf %add3A_159, %dot_general3A_165 : vector<2048x16xf32>
    %mul3A_167 = arith.mulf %slice3A_19, %slice3A_8 : vector<2048x16xf32>
    %get3A_168 = arith.constant 0 : index
    %get3A_169 = arith.constant 0 : index
    %get3A_170 = vector.load %arg14[%get3A_168, %get3A_169] : memref<16x16xf32, #tpu.memory_space<vmem>>, vector<16x16xf32>
    %dot_general3A_171 = arith.constant dense<0.000000e+00> : vector<2048x16xf32>
    %dot_general3A_172 = tpu.matmul %mul3A_167, %get3A_170, %dot_general3A_171 {dimension_numbers = #tpu.dot_dimension_numbers<[1], [0], [0], [1], [0, 0, 1, 1], [], []>, transpose_lhs_hint = false} : vector<2048x16xf32>, vector<16x16xf32>, vector<2048x16xf32> -> vector<2048x16xf32>
    %add3A_173 = arith.addf %add3A_166, %dot_general3A_172 : vector<2048x16xf32>
    %concatenate3A = tpu.concatenate %add3A_87, %add3A_113, %add3A_133, %add3A_153, %add3A_173 in 1 : vector<2048x64xf32>, vector<2048x16xf32>, vector<2048x16xf32>, vector<2048x16xf32>, vector<2048x16xf32> -> vector<2048x128xf32>
    %swap3A = arith.constant 0 : index
    %swap3A_174 = arith.constant 0 : index
    %swap3A_175 = vector.load %arg19[%swap3A, %swap3A_174] : memref<2048x128xf32, #tpu.memory_space<vmem>>, vector<2048x128xf32>
    tpu.vector_store %arg19[%swap3A, %swap3A_174], %concatenate3A {strides = array<i32>} : memref<2048x128xf32, #tpu.memory_space<vmem>>, vector<2048x128xf32>,
    %get3A_176 = arith.constant 0 : index
    %get3A_177 = arith.constant 0 : index
    %get3A_178 = vector.load %arg18[%get3A_176, %get3A_177] : memref<64x16xf32, #tpu.memory_space<vmem>>, vector<64x16xf32>
    %dot_general3A_179 = arith.constant dense<0.000000e+00> : vector<2048x16xf32>
    %dot_general3A_180 = tpu.matmul %add3A_87, %get3A_178, %dot_general3A_179 {dimension_numbers = #tpu.dot_dimension_numbers<[1], [0], [0], [1], [0, 0, 1, 1], [], []>, transpose_lhs_hint = false} : vector<2048x64xf32>, vector<64x16xf32>, vector<2048x16xf32> -> vector<2048x16xf32>
    %mul3A_181 = vector.broadcast %slice3A_13 : vector<2048x1xf32> to vector<2048x16xf32>
    %mul3A_182 = arith.mulf %mul3A_181, %dot_general3A_180 : vector<2048x16xf32>
    %mul3A_183 = vector.broadcast %slice3A_14 : vector<2048x1xf32> to vector<2048x16xf32>
    %mul3A_184 = arith.mulf %mul3A_183, %dot_general3A_180 : vector<2048x16xf32>
    %mul3A_185 = vector.broadcast %slice3A_15 : vector<2048x1xf32> to vector<2048x16xf32>
    %mul3A_186 = arith.mulf %mul3A_185, %dot_general3A_180 : vector<2048x16xf32>
    %concatenate3A_187 = tpu.concatenate %dot_general3A_180, %mul3A_182, %mul3A_184, %mul3A_186 in 1 : vector<2048x16xf32>, vector<2048x16xf32>, vector<2048x16xf32>, vector<2048x16xf32> -> vector<2048x64xf32>
    %swap3A_188 = arith.constant 0 : index
    %swap3A_189 = arith.constant 0 : index
    %swap3A_190 = vector.load %arg20[%swap3A_188, %swap3A_189] : memref<2048x64xf32, #tpu.memory_space<vmem>>, vector<2048x64xf32>
    tpu.vector_store %arg20[%swap3A_188, %swap3A_189], %concatenate3A_187 {strides = array<i32>} : memref<2048x64xf32, #tpu.memory_space<vmem>>, vector<2048x64xf32>,
    return
  }
  func.func @transform_0(%arg0: i32) -> (i32, i32) {
    %c0_i32 = arith.constant 0 : i32
    %c0_i32_0 = arith.constant 0 : i32
    return %arg0, %c0_i32 : i32, i32
  }
  func.func @transform_1(%arg0: i32) -> (i32, i32) {
    %c0_i32 = arith.constant 0 : i32
    %c0_i32_0 = arith.constant 0 : i32
    return %arg0, %c0_i32 : i32, i32
  }
  func.func @transform_2(%arg0: i32) -> (i32, i32) {
    %c0_i32 = arith.constant 0 : i32
    %c0_i32_0 = arith.constant 0 : i32
    return %arg0, %c0_i32 : i32, i32
  }
  func.func @transform_3(%arg0: i32) -> (i32, i32) {
    %c0_i32 = arith.constant 0 : i32
    %c0_i32_0 = arith.constant 0 : i32
    %c0_i32_1 = arith.constant 0 : i32
    return %c0_i32, %c0_i32_0 : i32, i32
  }
  func.func @transform_4(%arg0: i32) -> (i32, i32) {
    %c0_i32 = arith.constant 0 : i32
    %c0_i32_0 = arith.constant 0 : i32
    %c0_i32_1 = arith.constant 0 : i32
    return %c0_i32, %c0_i32_0 : i32, i32
  }
  func.func @transform_5(%arg0: i32) -> (i32, i32) {
    %c0_i32 = arith.constant 0 : i32
    %c0_i32_0 = arith.constant 0 : i32
    %c0_i32_1 = arith.constant 0 : i32
    return %c0_i32, %c0_i32_0 : i32, i32
  }
  func.func @transform_6(%arg0: i32) -> (i32, i32) {
    %c0_i32 = arith.constant 0 : i32
    %c0_i32_0 = arith.constant 0 : i32
    %c0_i32_1 = arith.constant 0 : i32
    return %c0_i32, %c0_i32_0 : i32, i32
  }
  func.func @transform_7(%arg0: i32) -> (i32, i32) {
    %c0_i32 = arith.constant 0 : i32
    %c0_i32_0 = arith.constant 0 : i32
    %c0_i32_1 = arith.constant 0 : i32
    return %c0_i32, %c0_i32_0 : i32, i32
  }
  func.func @transform_8(%arg0: i32) -> (i32, i32) {
    %c0_i32 = arith.constant 0 : i32
    %c0_i32_0 = arith.constant 0 : i32
    %c0_i32_1 = arith.constant 0 : i32
    return %c0_i32, %c0_i32_0 : i32, i32
  }
  func.func @transform_9(%arg0: i32) -> (i32, i32) {
    %c0_i32 = arith.constant 0 : i32
    %c0_i32_0 = arith.constant 0 : i32
    %c0_i32_1 = arith.constant 0 : i32
    return %c0_i32, %c0_i32_0 : i32, i32
  }
  func.func @transform_10(%arg0: i32) -> (i32, i32) {
    %c0_i32 = arith.constant 0 : i32
    %c0_i32_0 = arith.constant 0 : i32
    %c0_i32_1 = arith.constant 0 : i32
    return %c0_i32, %c0_i32_0 : i32, i32
  }
  func.func @transform_11(%arg0: i32) -> (i32, i32) {
    %c0_i32 = arith.constant 0 : i32
    %c0_i32_0 = arith.constant 0 : i32
    %c0_i32_1 = arith.constant 0 : i32
    return %c0_i32, %c0_i32_0 : i32, i32
  }
  func.func @transform_12(%arg0: i32) -> (i32, i32) {
    %c0_i32 = arith.constant 0 : i32
    %c0_i32_0 = arith.constant 0 : i32
    %c0_i32_1 = arith.constant 0 : i32
    return %c0_i32, %c0_i32_0 : i32, i32
  }
  func.func @transform_13(%arg0: i32) -> (i32, i32) {
    %c0_i32 = arith.constant 0 : i32
    %c0_i32_0 = arith.constant 0 : i32
    %c0_i32_1 = arith.constant 0 : i32
    return %c0_i32, %c0_i32_0 : i32, i32
  }
  func.func @transform_14(%arg0: i32) -> (i32, i32) {
    %c0_i32 = arith.constant 0 : i32
    %c0_i32_0 = arith.constant 0 : i32
    %c0_i32_1 = arith.constant 0 : i32
    return %c0_i32, %c0_i32_0 : i32, i32
  }
  func.func @transform_15(%arg0: i32) -> (i32, i32) {
    %c0_i32 = arith.constant 0 : i32
    %c0_i32_0 = arith.constant 0 : i32
    %c0_i32_1 = arith.constant 0 : i32
    return %c0_i32, %c0_i32_0 : i32, i32
  }
  func.func @transform_16(%arg0: i32) -> (i32, i32) {
    %c0_i32 = arith.constant 0 : i32
    %c0_i32_0 = arith.constant 0 : i32
    %c0_i32_1 = arith.constant 0 : i32
    return %c0_i32, %c0_i32_0 : i32, i32
  }
  func.func @transform_17(%arg0: i32) -> (i32, i32) {
    %c0_i32 = arith.constant 0 : i32
    %c0_i32_0 = arith.constant 0 : i32
    %c0_i32_1 = arith.constant 0 : i32
    return %c0_i32, %c0_i32_0 : i32, i32
  }
  func.func @transform_18(%arg0: i32) -> (i32, i32) {
    %c0_i32 = arith.constant 0 : i32
    %c0_i32_0 = arith.constant 0 : i32
    return %arg0, %c0_i32 : i32, i32
  }
  func.func @transform_19(%arg0: i32) -> (i32, i32) {
    %c0_i32 = arith.constant 0 : i32
    %c0_i32_0 = arith.constant 0 : i32
    return %arg0, %c0_i32 : i32, i32
  }
}

module attributes {stable_mosaic.version = 14 : i64} {
  func.func @_final_body(%arg0: i32, %arg1: memref<1600x128xf32, #tpu.memory_space<vmem>>, %arg2: memref<1600x128xf32, #tpu.memory_space<vmem>>, %arg3: memref<1600x64xf32, #tpu.memory_space<vmem>>, %arg4: memref<64x64xf32, #tpu.memory_space<vmem>>, %arg5: memref<16x64xf32, #tpu.memory_space<vmem>>, %arg6: memref<16x64xf32, #tpu.memory_space<vmem>>, %arg7: memref<1x64xf32, #tpu.memory_space<vmem>>, %arg8: memref<64x64xf32, #tpu.memory_space<vmem>>, %arg9: memref<1x64xf32, #tpu.memory_space<vmem>>, %arg10: memref<64x64xf32, #tpu.memory_space<vmem>>, %arg11: memref<1x64xf32, #tpu.memory_space<vmem>>, %arg12: memref<1600x64xf32, #tpu.memory_space<vmem>>) attributes {dimension_semantics = [#tpu.dimension_semantics<arbitrary>], iteration_bounds = array<i64: 500>, scalar_prefetch = 0 : i64, scratch_operands = 0 : i64, tpu.core_type = #tpu.core_type<tc>, window_params = [{transform_indices = @transform_0, window_bounds = array<i64: 1600, 128>}, {transform_indices = @transform_1, window_bounds = array<i64: 1600, 128>}, {transform_indices = @transform_2, window_bounds = array<i64: 1600, 64>}, {pipeline_mode = #tpu.pipeline_mode<synchronous>, transform_indices = @transform_3, window_bounds = array<i64: 64, 64>}, {pipeline_mode = #tpu.pipeline_mode<synchronous>, transform_indices = @transform_4, window_bounds = array<i64: 16, 64>}, {pipeline_mode = #tpu.pipeline_mode<synchronous>, transform_indices = @transform_5, window_bounds = array<i64: 16, 64>}, {pipeline_mode = #tpu.pipeline_mode<synchronous>, transform_indices = @transform_6, window_bounds = array<i64: 1, 64>}, {pipeline_mode = #tpu.pipeline_mode<synchronous>, transform_indices = @transform_7, window_bounds = array<i64: 64, 64>}, {pipeline_mode = #tpu.pipeline_mode<synchronous>, transform_indices = @transform_8, window_bounds = array<i64: 1, 64>}, {pipeline_mode = #tpu.pipeline_mode<synchronous>, transform_indices = @transform_9, window_bounds = array<i64: 64, 64>}, {pipeline_mode = #tpu.pipeline_mode<synchronous>, transform_indices = @transform_10, window_bounds = array<i64: 1, 64>}, {transform_indices = @transform_11, window_bounds = array<i64: 1600, 64>}]} {
    %get3A = arith.constant 0 : index
    %get3A_0 = arith.constant 0 : index
    %get3A_1 = vector.load %arg1[%get3A, %get3A_0] : memref<1600x128xf32, #tpu.memory_space<vmem>>, vector<1600x128xf32>
    %get3A_2 = arith.constant 0 : index
    %get3A_3 = arith.constant 0 : index
    %get3A_4 = vector.load %arg2[%get3A_2, %get3A_3] : memref<1600x128xf32, #tpu.memory_space<vmem>>, vector<1600x128xf32>
    %get3A_5 = arith.constant 0 : index
    %get3A_6 = arith.constant 0 : index
    %get3A_7 = vector.load %arg3[%get3A_5, %get3A_6] : memref<1600x64xf32, #tpu.memory_space<vmem>>, vector<1600x64xf32>
    %slice3A = vector.extract_strided_slice %get3A_1 {offsets = [0, 0], sizes = [1600, 64], strides = [1, 1]} : vector<1600x128xf32> to vector<1600x64xf32>
    %slice3A_8 = vector.extract_strided_slice %get3A_1 {offsets = [0, 64], sizes = [1600, 16], strides = [1, 1]} : vector<1600x128xf32> to vector<1600x16xf32>
    %slice3A_9 = vector.extract_strided_slice %get3A_1 {offsets = [0, 80], sizes = [1600, 16], strides = [1, 1]} : vector<1600x128xf32> to vector<1600x16xf32>
    %slice3A_10 = vector.extract_strided_slice %get3A_1 {offsets = [0, 96], sizes = [1600, 16], strides = [1, 1]} : vector<1600x128xf32> to vector<1600x16xf32>
    %slice3A_11 = vector.extract_strided_slice %get3A_1 {offsets = [0, 112], sizes = [1600, 16], strides = [1, 1]} : vector<1600x128xf32> to vector<1600x16xf32>
    %slice3A_12 = vector.extract_strided_slice %get3A_4 {offsets = [0, 1], sizes = [1600, 1], strides = [1, 1]} : vector<1600x128xf32> to vector<1600x1xf32>
    %slice3A_13 = vector.extract_strided_slice %get3A_7 {offsets = [0, 0], sizes = [1600, 16], strides = [1, 1]} : vector<1600x64xf32> to vector<1600x16xf32>
    %slice3A_14 = vector.extract_strided_slice %get3A_7 {offsets = [0, 16], sizes = [1600, 16], strides = [1, 1]} : vector<1600x64xf32> to vector<1600x16xf32>
    %slice3A_15 = vector.extract_strided_slice %get3A_7 {offsets = [0, 32], sizes = [1600, 16], strides = [1, 1]} : vector<1600x64xf32> to vector<1600x16xf32>
    %slice3A_16 = vector.extract_strided_slice %get3A_7 {offsets = [0, 48], sizes = [1600, 16], strides = [1, 1]} : vector<1600x64xf32> to vector<1600x16xf32>
    %mul3A = arith.mulf %slice3A_13, %slice3A_8 : vector<1600x16xf32>
    %mul3A_17 = arith.mulf %slice3A_14, %slice3A_9 : vector<1600x16xf32>
    %mul3A_18 = arith.mulf %slice3A_15, %slice3A_10 : vector<1600x16xf32>
    %add3A = arith.addf %mul3A_17, %mul3A_18 : vector<1600x16xf32>
    %mul3A_19 = arith.mulf %slice3A_16, %slice3A_11 : vector<1600x16xf32>
    %add3A_20 = arith.addf %add3A, %mul3A_19 : vector<1600x16xf32>
    %get3A_21 = arith.constant 0 : index
    %get3A_22 = arith.constant 0 : index
    %get3A_23 = vector.load %arg4[%get3A_21, %get3A_22] : memref<64x64xf32, #tpu.memory_space<vmem>>, vector<64x64xf32>
    %dot_general3A = arith.constant dense<0.000000e+00> : vector<1600x64xf32>
    %dot_general3A_24 = tpu.matmul %slice3A, %get3A_23, %dot_general3A {dimension_numbers = #tpu.dot_dimension_numbers<[1], [0], [0], [1], [0, 0, 1, 1], [], []>, transpose_lhs_hint = false} : vector<1600x64xf32>, vector<64x64xf32>, vector<1600x64xf32> -> vector<1600x64xf32>
    %get3A_25 = arith.constant 0 : index
    %get3A_26 = arith.constant 0 : index
    %get3A_27 = vector.load %arg5[%get3A_25, %get3A_26] : memref<16x64xf32, #tpu.memory_space<vmem>>, vector<16x64xf32>
    %dot_general3A_28 = arith.constant dense<0.000000e+00> : vector<1600x64xf32>
    %dot_general3A_29 = tpu.matmul %mul3A, %get3A_27, %dot_general3A_28 {dimension_numbers = #tpu.dot_dimension_numbers<[1], [0], [0], [1], [0, 0, 1, 1], [], []>, transpose_lhs_hint = false} : vector<1600x16xf32>, vector<16x64xf32>, vector<1600x64xf32> -> vector<1600x64xf32>
    %add3A_30 = arith.addf %dot_general3A_24, %dot_general3A_29 : vector<1600x64xf32>
    %get3A_31 = arith.constant 0 : index
    %get3A_32 = arith.constant 0 : index
    %get3A_33 = vector.load %arg6[%get3A_31, %get3A_32] : memref<16x64xf32, #tpu.memory_space<vmem>>, vector<16x64xf32>
    %dot_general3A_34 = arith.constant dense<0.000000e+00> : vector<1600x64xf32>
    %dot_general3A_35 = tpu.matmul %add3A_20, %get3A_33, %dot_general3A_34 {dimension_numbers = #tpu.dot_dimension_numbers<[1], [0], [0], [1], [0, 0, 1, 1], [], []>, transpose_lhs_hint = false} : vector<1600x16xf32>, vector<16x64xf32>, vector<1600x64xf32> -> vector<1600x64xf32>
    %add3A_36 = arith.addf %add3A_30, %dot_general3A_35 : vector<1600x64xf32>
    %get3A_37 = arith.constant 0 : index
    %get3A_38 = arith.constant 0 : index
    %get3A_39 = vector.load %arg7[%get3A_37, %get3A_38] : memref<1x64xf32, #tpu.memory_space<vmem>>, vector<1x64xf32>
    %add3A_40 = vector.broadcast %get3A_39 : vector<1x64xf32> to vector<1600x64xf32>
    %add3A_41 = arith.addf %add3A_36, %add3A_40 : vector<1600x64xf32>
    %max3A = arith.constant 0.000000e+00 : f32
    %max3A_42 = vector.broadcast %max3A : f32 to vector<1600x64xf32>
    %max3A_43 = arith.maximumf %add3A_41, %max3A_42 : vector<1600x64xf32>
    %abs3A = math.absf %add3A_41 : vector<1600x64xf32>
    %neg3A = arith.constant 0.000000e+00 : f32
    %neg3A_44 = vector.broadcast %neg3A : f32 to vector<1600x64xf32>
    %neg3A_45 = arith.subf %neg3A_44, %abs3A : vector<1600x64xf32>
    %exp3A = math.exp %neg3A_45 : vector<1600x64xf32>
    %log1p3A = math.log1p %exp3A : vector<1600x64xf32>
    %add3A_46 = arith.addf %max3A_43, %log1p3A : vector<1600x64xf32>
    %sub3A = arith.constant 0.693147182 : f32
    %sub3A_47 = vector.broadcast %sub3A : f32 to vector<1600x64xf32>
    %sub3A_48 = arith.subf %add3A_46, %sub3A_47 : vector<1600x64xf32>
    %get3A_49 = arith.constant 0 : index
    %get3A_50 = arith.constant 0 : index
    %get3A_51 = vector.load %arg8[%get3A_49, %get3A_50] : memref<64x64xf32, #tpu.memory_space<vmem>>, vector<64x64xf32>
    %dot_general3A_52 = arith.constant dense<0.000000e+00> : vector<1600x64xf32>
    %dot_general3A_53 = tpu.matmul %sub3A_48, %get3A_51, %dot_general3A_52 {dimension_numbers = #tpu.dot_dimension_numbers<[1], [0], [0], [1], [0, 0, 1, 1], [], []>, transpose_lhs_hint = false} : vector<1600x64xf32>, vector<64x64xf32>, vector<1600x64xf32> -> vector<1600x64xf32>
    %get3A_54 = arith.constant 0 : index
    %get3A_55 = arith.constant 0 : index
    %get3A_56 = vector.load %arg9[%get3A_54, %get3A_55] : memref<1x64xf32, #tpu.memory_space<vmem>>, vector<1x64xf32>
    %add3A_57 = vector.broadcast %get3A_56 : vector<1x64xf32> to vector<1600x64xf32>
    %add3A_58 = arith.addf %dot_general3A_53, %add3A_57 : vector<1600x64xf32>
    %max3A_59 = arith.constant 0.000000e+00 : f32
    %max3A_60 = vector.broadcast %max3A_59 : f32 to vector<1600x64xf32>
    %max3A_61 = arith.maximumf %add3A_58, %max3A_60 : vector<1600x64xf32>
    %abs3A_62 = math.absf %add3A_58 : vector<1600x64xf32>
    %neg3A_63 = arith.constant 0.000000e+00 : f32
    %neg3A_64 = vector.broadcast %neg3A_63 : f32 to vector<1600x64xf32>
    %neg3A_65 = arith.subf %neg3A_64, %abs3A_62 : vector<1600x64xf32>
    %exp3A_66 = math.exp %neg3A_65 : vector<1600x64xf32>
    %log1p3A_67 = math.log1p %exp3A_66 : vector<1600x64xf32>
    %add3A_68 = arith.addf %max3A_61, %log1p3A_67 : vector<1600x64xf32>
    %sub3A_69 = arith.constant 0.693147182 : f32
    %sub3A_70 = vector.broadcast %sub3A_69 : f32 to vector<1600x64xf32>
    %sub3A_71 = arith.subf %add3A_68, %sub3A_70 : vector<1600x64xf32>
    %get3A_72 = arith.constant 0 : index
    %get3A_73 = arith.constant 0 : index
    %get3A_74 = vector.load %arg10[%get3A_72, %get3A_73] : memref<64x64xf32, #tpu.memory_space<vmem>>, vector<64x64xf32>
    %dot_general3A_75 = arith.constant dense<0.000000e+00> : vector<1600x64xf32>
    %dot_general3A_76 = tpu.matmul %sub3A_71, %get3A_74, %dot_general3A_75 {dimension_numbers = #tpu.dot_dimension_numbers<[1], [0], [0], [1], [0, 0, 1, 1], [], []>, transpose_lhs_hint = false} : vector<1600x64xf32>, vector<64x64xf32>, vector<1600x64xf32> -> vector<1600x64xf32>
    %get3A_77 = arith.constant 0 : index
    %get3A_78 = arith.constant 0 : index
    %get3A_79 = vector.load %arg11[%get3A_77, %get3A_78] : memref<1x64xf32, #tpu.memory_space<vmem>>, vector<1x64xf32>
    %add3A_80 = vector.broadcast %get3A_79 : vector<1x64xf32> to vector<1600x64xf32>
    %add3A_81 = arith.addf %dot_general3A_76, %add3A_80 : vector<1600x64xf32>
    %mul3A_82 = vector.broadcast %slice3A_12 : vector<1600x1xf32> to vector<1600x64xf32>
    %mul3A_83 = arith.mulf %add3A_81, %mul3A_82 : vector<1600x64xf32>
    %add3A_84 = arith.addf %slice3A, %mul3A_83 : vector<1600x64xf32>
    %swap3A = arith.constant 0 : index
    %swap3A_85 = arith.constant 0 : index
    %swap3A_86 = vector.load %arg12[%swap3A, %swap3A_85] : memref<1600x64xf32, #tpu.memory_space<vmem>>, vector<1600x64xf32>
    tpu.vector_store %arg12[%swap3A, %swap3A_85], %add3A_84 {strides = array<i32>} : memref<1600x64xf32, #tpu.memory_space<vmem>>, vector<1600x64xf32>,
    return
  }
  func.func @transform_0(%arg0: i32) -> (i32, i32) {
    %c0_i32 = arith.constant 0 : i32
    %c0_i32_0 = arith.constant 0 : i32
    return %arg0, %c0_i32 : i32, i32
  }
  func.func @transform_1(%arg0: i32) -> (i32, i32) {
    %c0_i32 = arith.constant 0 : i32
    %c0_i32_0 = arith.constant 0 : i32
    return %arg0, %c0_i32 : i32, i32
  }
  func.func @transform_2(%arg0: i32) -> (i32, i32) {
    %c0_i32 = arith.constant 0 : i32
    %c0_i32_0 = arith.constant 0 : i32
    return %arg0, %c0_i32 : i32, i32
  }
  func.func @transform_3(%arg0: i32) -> (i32, i32) {
    %c0_i32 = arith.constant 0 : i32
    %c0_i32_0 = arith.constant 0 : i32
    %c0_i32_1 = arith.constant 0 : i32
    return %c0_i32, %c0_i32_0 : i32, i32
  }
  func.func @transform_4(%arg0: i32) -> (i32, i32) {
    %c0_i32 = arith.constant 0 : i32
    %c0_i32_0 = arith.constant 0 : i32
    %c0_i32_1 = arith.constant 0 : i32
    return %c0_i32, %c0_i32_0 : i32, i32
  }
  func.func @transform_5(%arg0: i32) -> (i32, i32) {
    %c0_i32 = arith.constant 0 : i32
    %c0_i32_0 = arith.constant 0 : i32
    %c0_i32_1 = arith.constant 0 : i32
    return %c0_i32, %c0_i32_0 : i32, i32
  }
  func.func @transform_6(%arg0: i32) -> (i32, i32) {
    %c0_i32 = arith.constant 0 : i32
    %c0_i32_0 = arith.constant 0 : i32
    %c0_i32_1 = arith.constant 0 : i32
    return %c0_i32, %c0_i32_0 : i32, i32
  }
  func.func @transform_7(%arg0: i32) -> (i32, i32) {
    %c0_i32 = arith.constant 0 : i32
    %c0_i32_0 = arith.constant 0 : i32
    %c0_i32_1 = arith.constant 0 : i32
    return %c0_i32, %c0_i32_0 : i32, i32
  }
  func.func @transform_8(%arg0: i32) -> (i32, i32) {
    %c0_i32 = arith.constant 0 : i32
    %c0_i32_0 = arith.constant 0 : i32
    %c0_i32_1 = arith.constant 0 : i32
    return %c0_i32, %c0_i32_0 : i32, i32
  }
  func.func @transform_9(%arg0: i32) -> (i32, i32) {
    %c0_i32 = arith.constant 0 : i32
    %c0_i32_0 = arith.constant 0 : i32
    %c0_i32_1 = arith.constant 0 : i32
    return %c0_i32, %c0_i32_0 : i32, i32
  }
  func.func @transform_10(%arg0: i32) -> (i32, i32) {
    %c0_i32 = arith.constant 0 : i32
    %c0_i32_0 = arith.constant 0 : i32
    %c0_i32_1 = arith.constant 0 : i32
    return %c0_i32, %c0_i32_0 : i32, i32
  }
  func.func @transform_11(%arg0: i32) -> (i32, i32) {
    %c0_i32 = arith.constant 0 : i32
    %c0_i32_0 = arith.constant 0 : i32
    return %arg0, %c0_i32 : i32, i32
  }
}

</mosaic_0001>

<sc_bundles>
// kernel: kernel.8.cloned.1.call-start
scs
__scs_entry_jumppad:
0x0: {  	(pc) =	sbr.rel $0x88, $3  }
0x1: {  	(tag) =	ssettag $0x0;
	lr =	simm.s32 $0x1  }
0x2: {  	[smem:$0x3F77] =	sst lr;
	_ =	strace $0xD0000000  }
0x3: {  	_ = 	snop  }
0x4: {  	_ = 	snop  }
0x5: {  	_ = 	snop  }
0x6: {  	_ = 	snop  }
0x7: {  	_ = 	snop  }
__scs_overlays_trampoline_lowered:
0x8: {  	[smem:$0x3F86] =	sst s0  }
0x9: {  	[smem:$0x3F87] =	sst s1  }
0xa: {  	[smem:$0x3F88] =	sst s2  }
0xb: {  	[smem:$0x3F89] =	sst s3  }
0xc: {  	[smem:$0x3F8A] =	sst s4  }
0xd: {  	[smem:$0x3F8B] =	sst s5  }
0xe: {  	[smem:$0x3F8C] =	sst s6  }
0xf: {  	[smem:$0x3F8D] =	sst s7  }
0x10: {  	[smem:$0x3F8E] =	sst s8  }
0x11: {  	[smem:$0x3F8F] =	sst s9;
	s0 =	simm.s32 @!p0 $0x0  }
0x12: {  	s1 =	sld [smem:$0x3F75];
	s0 =	simm.s32 @p0 $0x1  }
0x13: {  	[smem:$0x3F90] =	sst s0;
	s0 =	simm.s32 @!p1 $0x0  }
0x14: {  	s2 =	sld [smem:$0x3F74];
	s0 =	simm.s32 @p1 $0x1  }
0x15: {  	[smem:$0x3F91] =	sst s0;
	s0 =	simm.s32 @!p2 $0x0  }
0x16: {  	s3 =	sld [smem:$0x3FDB];
	s0 =	simm.s32 @p2 $0x1  }
0x17: {  	s4 =	simm.s32 $0x1BF5;
	[smem:$0x3F93] =	sst s0  }
0x18: {  	s0 =	sld [smem:$0x3F76];
	_ =	swait.ge [sflag:s4], $0x0  }
0x19: {  	s7 =	sld [smem:$0x3F77]  }
0x1a: {  	s8 =	sadd.s32 $0xFFFFE003, lr  }
0x1b: {  	s9 =	sadd.s32 $0xFFFFFEF7, lr;
	s5 =	simm.s32 $0xFFFFFFFF;
	p2 =	slt.u32 s8, $0xFFFFF086  }
0x1c: {  	p1 =	slt.u32 s9, $0xF7A;
	s5 =	simm.s32 @!p2 $0x0  }
0x1d: {  	s5 =	simm.s32 @p1 $0x1;
	p0 =	seq.s32 s7, s2  }
0x1e: {  	s7 =	smul.u32 @!p0 $0xF7A, s2;
	p2 =	seq.s32 @!p0 s5, $0x0  }
0x1f: {  	s9 =	smul.u32 $0xF7A, s1;
	s8 =	simm.s32 @!p0 $0x1BF5;
	p2 =	por !p2, p0  }
0x20: {  	[sflag:s8] =	ssyncset.s32 @!p0 $0xFFFFF086;
	s6 =	sadd.s32 @!p0 s3, s7;
	s7 =	simm.s32 @!p0 $0x108  }
0x21: {  	s3 =	sadd.s32 s3, s9;
	s6 =	sadd.s32 @!p0 $0x88, s6;
	s7 =	simm.s32 @p2 $0x1082  }
0x22: {  	[simem:s7], [sflag:s8] =	dma.local @!p0 [hbm:s6], $0xF7A  }
0x23: {  	s9 =	sor.u32 $0xD0000000, s2;
	s6 =	simm.s32 $0x108;
	_ =	swait.ge @!p0 [sflag:s8], $0x0  }
0x24: {  	s3 =	sadd.s32 $0x88, s3;
	s6 =	simm.s32 @!p1 $0x1082;
	[sflag:s4] =	ssyncset.s32 $0xFFFFF086  }
0x25: {  	[simem:s6], [sflag:s4] =	dma.local [hbm:s3], $0xF7A  }
0x26: {  	[smem:$0x3F77] =	sst s1;
	(tag) =	ssettag s2;
	_ =	strace s9  }
0x27: {  	s1 =	sld [smem:$0x3F87]  }
0x28: {  	s2 =	sld [smem:$0x3F88]  }
0x29: {  	s4 =	sld [smem:$0x3F8A]  }
0x2a: {  	p0 =	seq.s32 s5, $0x0;
	s5 =	sld [smem:$0x3F8B]  }
0x2b: {  	s6 =	sld [smem:$0x3F8C]  }
0x2c: {  	s7 =	sld [smem:$0x3F8D]  }
0x2d: {  	s3 =	simm.s32 $0x108;
	s8 =	sld [smem:$0x3F8E]  }
0x2e: {  	s3 =	simm.s32 @!p0 $0x1082;
	s9 =	sld [smem:$0x3F8F]  }
0x2f: {  	lr =	sadd.s32 s0, s3;
	s0 =	sld [smem:$0x3F86]  }
0x30: {  	s3 =	sld [smem:$0x3F89]  }
0x31: {  	[smem:$0x3F92] =	sst s10  }
0x32: {  	s10 =	sld [smem:$0x3F90];
	_ =	sdelay $0x3  }
0x33: {  	p0 =	seq.s32 s10, $0x1;
	s10 =	sld [smem:$0x3F92];
	_ =	sdelay $0x3  }
0x34: {  	[smem:$0x3F92] =	sst s10  }
0x35: {  	s10 =	sld [smem:$0x3F91];
	_ =	sdelay $0x3  }
0x36: {  	p1 =	seq.s32 s10, $0x1;
	s10 =	sld [smem:$0x3F92];
	_ =	sdelay $0x3  }
0x37: {  	[smem:$0x3F92] =	sst s10  }
0x38: {  	s10 =	sld [smem:$0x3F93]  }
0x39: {  	_ = 	snop;
	(pc) =	sbr.ind lr, $3  }
0x3a: {  	_ = 	snop  }
0x3b: {  	_ = 	snop  }
0x3c: {  	p2 =	seq.s32 s10, $0x1;
	s10 =	sld [smem:$0x3F92]  }
0x3d: {  	_ =	shalt  }
0x3e: {  	_ =	shalt  }
0x3f: {  	_ =	shalt  }
0x40: {  	_ =	shalt  }
0x41: {  	_ =	shalt  }
0x42: {  	_ =	shalt  }
0x43: {  	_ =	shalt  }
0x44: {  	_ =	shalt  }
0x45: {  	_ =	shalt  }
0x46: {  	_ =	shalt  }
0x47: {  	_ =	shalt  }
0x48: {  	_ =	shalt  }
0x49: {  	_ =	shalt  }
0x4a: {  	_ =	shalt  }
0x4b: {  	_ =	shalt  }
0x4c: {  	_ =	shalt  }
0x4d: {  	_ =	shalt  }
0x4e: {  	_ =	shalt  }
0x4f: {  	_ =	shalt  }
0x50: {  	_ =	shalt  }
0x51: {  	_ =	shalt  }
0x52: {  	_ =	shalt  }
0x53: {  	_ =	shalt  }
0x54: {  	_ =	shalt  }
0x55: {  	_ =	shalt  }
0x56: {  	_ =	shalt  }
0x57: {  	_ =	shalt  }
0x58: {  	_ =	shalt  }
0x59: {  	_ =	shalt  }
0x5a: {  	_ =	shalt  }
0x5b: {  	_ =	shalt  }
0x5c: {  	_ =	shalt  }
0x5d: {  	_ =	shalt  }
0x5e: {  	_ =	shalt  }
0x5f: {  	_ =	shalt  }
0x60: {  	_ =	shalt  }
0x61: {  	_ =	shalt  }
0x62: {  	_ =	shalt  }
0x63: {  	_ =	shalt  }
0x64: {  	_ =	shalt  }
0x65: {  	_ =	shalt  }
0x66: {  	_ =	shalt  }
0x67: {  	_ =	shalt  }
0x68: {  	_ =	shalt  }
0x69: {  	_ =	shalt  }
0x6a: {  	_ =	shalt  }
0x6b: {  	_ =	shalt  }
0x6c: {  	_ =	shalt  }
0x6d: {  	_ =	shalt  }
0x6e: {  	_ =	shalt  }
0x6f: {  	_ =	shalt  }
0x70: {  	_ =	shalt  }
0x71: {  	_ =	shalt  }
0x72: {  	_ =	shalt  }
0x73: {  	_ =	shalt  }
0x74: {  	_ =	shalt  }
0x75: {  	_ =	shalt  }
0x76: {  	_ =	shalt  }
0x77: {  	_ =	shalt  }
0x78: {  	_ =	shalt  }
0x79: {  	_ =	shalt  }
0x7a: {  	_ =	shalt  }
0x7b: {  	_ =	shalt  }
0x7c: {  	_ =	shalt  }
0x7d: {  	_ =	shalt  }
0x7e: {  	_ =	shalt  }
0x7f: {  	_ =	shalt  }
0x80: {  	_ =	shalt  }
0x81: {  	_ =	shalt  }
0x82: {  	_ =	shalt  }
0x83: {  	_ =	shalt  }
0x84: {  	_ =	shalt  }
0x85: {  	_ =	shalt  }
0x86: {  	_ =	shalt  }
0x87: {  	_ =	shalt  }
.Lfunc_end0:
.L_simem_size_0:
called_computation.3_lowered:
.L_overlay_start_0:
0x88: {  	s2 =	sld [smem:$0x3FD9]  }
0x89: {  	s3 =	sld [smem:$0x3FFE];
	_ =	sdelay $0x1  }
0x8a: {  	s1 =	srdreg.scid  }
0x8b: {  	s0 =	sand.u32 $0x1, s1  }
0x8c: {  	s17 =	sshll.u32 s0, $0xA;
	s2 =	sadd.s32 s3, s2  }
0x8d: {  	s2 =	sadd.s32 s2, s17  }
0x8e: {  	[smem:$0x3F9E] =	sst s2  }
0x8f: {  	_ = 	snop  }
0x90: {  	s2 =	sld [smem:$0x3FD0];
	(tm) =	ssettm $0x1  }
0x91: {  	s18 =	sld [smem:$0x3FFB];
	_ =	sdelay $0x3  }
0x92: {  	_ =	strace s18  }
0x93: {  	s3 =	sld [smem:$0x3FFC];
	_ =	sdelay $0x3  }
0x94: {  	_ =	strace s3  }
0x95: {  	s3 =	sld [smem:$0x3FFD];
	_ =	sdelay $0x3  }
0x96: {  	_ =	strace s3  }
0x97: {  	_ =	strace $0x8FFFFFFF  }
0x98: {  	s19 =	sld [smem:$0x3FDB];
	_ =	sdelay $0x1  }
0x99: {  	s4 =	simm.s32 $_scs_section_size  }
0x9a: {  	s5 =	simm.s32 $_size__tile_overlayer_lowered;
	s6 =	simm.s32 $_tile_overlayer_lowered  }
0x9b: {  	s22 =	simm.s32 $0x1BFF;
	s21 =	sshll.u32 s6, $0x1;
	s3 =	sadd.s32 s4, s19  }
0x9c: {  	s7 =	simm.s32 $0x0;
	s20 =	sshll.u32 s5, $0x1;
	s5 =	sadd.s32 s21, s3  }
0x9d: {  	[timem:s7], [sflag:s22] =	dma.local [hbm:s5], s20  }
0x9e: {  	_ =	swait.ge [sflag:s22], s20  }
0x9f: {  	s4 =	ssub.s32 $0x0, s20;
	[sflag:s22] =	ssyncset.done $0x0  }
0xa0: {  	[sflag:s22] =	ssyncadd.s32 s4;
	_ =	sdelay $0x1  }
0xa1: {  	s23 =	simm.s32 $0x1B8B  }
0xa2: {  	_ =	swait.ge [sflag:s23], $0x1  }
0xa3: {  	[sflag:s23] =	ssyncset.done $0x0  }
0xa4: {  	s25 =	simm.s32 $0x1B8E;
	s24 =	sld [smem:$0x3FFE];
	[sflag:s23] =	ssyncadd.s32 $0xFFFFFFFF  }
0xa5: {  	s26 =	simm.s32 $execute0_lowered;
	[smem:$0x3FD2] =	sst s25  }
0xa6: {  	s5 =	sshll.u32 s26, $0x1;
	_ =	strace $0x80000046;
	[dreg:$0x1] =	wrdreg $0xFFFFFFFF  }
0xa7: {  	s28 =	simm.s32 $_size_execute0_lowered;
	s3 =	sadd.s32 s3, s5;
	[dreg:$0x0] =	wrdreg $0x0  }
0xa8: {  	s5 =	sshll.u32 s28, $0x1;
	[dreg:$0x2] =	wrdreg s3  }
0xa9: {  	[dreg:$0x3] =	wrdreg s5  }
0xaa: {  	[dreg:$0x4] =	wrdreg $0xC0  }
0xab: {  	_ =	task [dreg:s7], $0x5FFFF  }
0xac: {  	[dreg:$0x1] =	wrdreg $0xFFFFFFFF  }
0xad: {  	[dreg:$0x0] =	wrdreg $0x60  }
0xae: {  	[dreg:$0x2] =	wrdreg s24  }
0xaf: {  	[dreg:$0x3] =	wrdreg s2  }
0xb0: {  	[dreg:$0x4] =	wrdreg $0x9  }
0xb1: {  	_ =	task.clear_ibuf [dreg:s7], $0x5FFFF;
	_ =	strace $0x90000046  }
0xb2: {  	s29 =	simm.s32 $0x9;
	_ =	strace $0x80000048  }
0xb3: {  	_ =	swait.ge [sflag:s29], $0x1  }
0xb4: {  	[sflag:s29] =	ssyncadd.s32 $0xFFFFFFFF  }
0xb5: {  	_ =	strace $0x90000048  }
0xb6: {  	_ =	sfence  }
0xb7: {  	s30 =	sld [smem:$0x0];
	_ =	sdelay $0x2  }
0xb8: {  	s31 =	sshll.u32 s1, $0xD;
	s1 =	sshrl.u32 s1, $0x2  }
0xb9: {  	s3 =	sand.u32 $0x4000, s31;
	s1 =	sadd.s32 s1, s30  }
0xba: {  	s0 =	sor.u32 s3, s0;
	s1 =	sshll.u32 s1, $0x11  }
0xbb: {  	s0 =	sor.u32 s1, s0  }
0xbc: {  	s0 =	sadd.s32 $0x8F2B, s0  }
0xbd: {  	[sflag:s0] =	ssyncadd.remote.s32 $0x1  }
0xbe: {  	_ =	sfence.sel $0xFFFF  }
0xbf: {  	[dreg:$0x0] =	wrdreg $0xFFFFFFFF;
	(pc) =	sbr.abs _section_cstart, $3  }
0xc0: {  	[dreg:$0x1] =	wrdreg $0xFFFFFFFF  }
0xc1: {  	_ =	task.clear_ibuf [dreg:s7], $0x2FFFF;
	_ =	strace $0x9FFFFFFF  }
0xc2: {  	(tm) =	ssettm $0x7FFFFFFF  }
0xc3: {  	_ =	shalt  }
tec
execute0_lowered:
.L_overlay_start_1:
0x0: {  	(tag) =	ssettag $0x1  }
0x1: {  	s4 =	rddreg [dreg:$0x0]  }
0x2: {  	s7 =	rddreg [dreg:$0x1]  }
0x3: {  	s0 =	rddreg [dreg:$0x2];
	s2 =	simm.s32 $0x0;
	s3 =	srdreg.scid  }
0x4: {  	s1 =	stileid.u32;
	s12 =	simm.s32 $0x300;
	s13 =	simm.s32 $0xA300  }
0x5: {  	s14 =	simm.s32 $0x1;
	s15 =	simm.s32 $0x2;
	s6 =	smul.u32 $0xC800, s1  }
0x6: {  	s16 =	simm.s32 $0x0;
	s5 =	sand.u32 $0x1, s3;
	s9 =	smul.u32 $0xC8000, s1  }
0x7: {  	[smem:$0x7FF] =	sst s2;
	s3 =	sadd.s32 $0x100400, s4;
	s8 =	smul.u32 $0x6400, s5  }
0x8: {  	_ =	strace $0x80000047;
	s10 =	ssub.s32 $0x2, s5;
	s5 =	smul.u32 $0x64000, s5  }
0x9: {  	s29 =	sshrl.u32 s10, $0x1;
	s30 =	sadd.s32 s9, s4;
	s6 =	sadd.s32 s8, s6  }
0xa: {  	s9 =	simm.s32 $0x3;
	s8 =	ssub.s32 s10, s29;
	s11 =	sshrl.u32 s6, $0x3  }
0xb: {  	s10 =	simm.s32 $0x180;
	s6 =	sadd.s32 s5, s30;
	s31 =	sadd.s32 s11, s4  }
0xc: {  	s4 =	smax.u32 s8, $0x1;
	s5 =	sadd.s32 $0x1C3C00, s6;
	s6 =	sadd.s32 $0xE43C00, s6  }
0xd: {  	s7 =	sadd.s32 s11, s7;
	s11 =	simm.s32 $0x140;
	s8 =	sadd.s32 $0xAC00, s31  }
.LBB2_1:
0xe: {  	s17 =	sadd.s32 $0x0, s8  }
0xf: {  	[tilespmem:s2], [sflag:$0x3] =	stream.linear.gather [hbm4b:s17+s2], $0x140, $0x38;
	[tilespmem:$0x14300] =	vst v63  }
0x10: {  	_ =	swait.ge [sflag:s9], $0x140  }
0x11: {  	[sflag:s9] =	ssyncset.done $0x0  }
0x12: {  	s31 =	sadd.s32 $0x0, s7;
	[sflag:s9] =	ssyncadd.s32 $0xFFFFFEC0  }
0x13: {  	[tilespmem:s10], [sflag:$0x3] =	stream.linear.gather [hbm4b:s31+s2], $0x140, $0x38;
	[tilespmem:$0x14300] =	vst v63  }
0x14: {  	_ =	swait.ge [sflag:s9], $0x140  }
0x15: {  	[sflag:s9] =	ssyncset.done $0x0  }
0x16: {  	[sflag:s9] =	ssyncadd.s32 $0xFFFFFEC0  }
0x17: {  	[tilespmem:s12], [sflag:$0x1] =	stream.indirect.gather [hbm4b:s3+s11], $0x80, s2, s11, $0xb8;
	[tilespmem:$0x14300] =	vst v63  }
0x18: {  	_ = 	snop  }
0x19: {  	[tilespmem:s13], [sflag:$0x2] =	stream.indirect.gather [hbm4b:s3+s11], $0x80, s10, s11, $0xb8;
	[tilespmem:$0x14300] =	vst v63  }
0x1a: {  	_ =	swait.ge [sflag:s14], $0xA000  }
0x1b: {  	[sflag:s14] =	ssyncset.done $0x0  }
0x1c: {  	[sflag:s14] =	ssyncadd.s32 $0xFFFF6000  }
0x1d: {  	[hbm4b:s5+s2] =	stream.linear.scatter [tilespmem:s12], [sflag:$0x3], $0xA000, $0x38;
	[tilespmem:$0x14300] =	vst v63  }
0x1e: {  	_ =	swait.ge [sflag:s9], $0xA000  }
0x1f: {  	[sflag:s9] =	ssyncset.done $0x0  }
0x20: {  	[sflag:s9] =	ssyncadd.s32 $0xFFFF6000  }
0x21: {  	_ =	swait.ge [sflag:s15], $0xA000  }
0x22: {  	[sflag:s15] =	ssyncset.done $0x0  }
0x23: {  	[sflag:s15] =	ssyncadd.s32 $0xFFFF6000  }
0x24: {  	[hbm4b:s6+s2] =	stream.linear.scatter [tilespmem:s13], [sflag:$0x3], $0xA000, $0x38;
	[tilespmem:$0x14300] =	vst v63  }
0x25: {  	s19 =	simm.s32 $0x28;
	s20 =	simm.s32 $0x50;
	_ =	swait.ge [sflag:s9], $0xA000  }
0x26: {  	s18 =	sadd.s32 $0x1400, s5;
	s17 =	sadd.s32 $0x1400, s6;
	[sflag:s9] =	ssyncset.done $0x0  }
.LBB2_2:
0x27: {  	s21 =	sadd.s32 s19, s8  }
0x28: {  	[sflag:s9] =	ssyncadd.s32 $0xFFFF6000;
	s22 =	smov.u32 s20;
	s23 =	sadd.s32 $0x28, s20  }
0x29: {  	[tilespmem:s2], [sflag:$0x3] =	stream.linear.gather [hbm4b:s21+s2], $0x140, $0x38;
	[tilespmem:$0x14300] =	vst v63  }
0x2a: {  	p0 =	sne.s32 s20, $0xC58;
	_ =	swait.ge [sflag:s9], $0x140  }
0x2b: {  	[sflag:s9] =	ssyncset.done $0x0  }
0x2c: {  	s20 =	sadd.s32 s19, s7;
	s19 =	smov.u32 s22;
	[sflag:s9] =	ssyncadd.s32 $0xFFFFFEC0  }
0x2d: {  	[tilespmem:s10], [sflag:$0x3] =	stream.linear.gather [hbm4b:s20+s2], $0x140, $0x38;
	[tilespmem:$0x14300] =	vst v63  }
0x2e: {  	_ =	swait.ge [sflag:s9], $0x140  }
0x2f: {  	[sflag:s9] =	ssyncset.done $0x0  }
0x30: {  	[sflag:s9] =	ssyncadd.s32 $0xFFFFFEC0  }
0x31: {  	[tilespmem:s12], [sflag:$0x1] =	stream.indirect.gather [hbm4b:s3+s11], $0x80, s2, s11, $0xb8;
	[tilespmem:$0x14300] =	vst v63  }
0x32: {  	_ = 	snop  }
0x33: {  	[tilespmem:s13], [sflag:$0x2] =	stream.indirect.gather [hbm4b:s3+s11], $0x80, s10, s11, $0xb8;
	[tilespmem:$0x14300] =	vst v63  }
0x34: {  	_ =	swait.ge [sflag:s14], $0xA000  }
0x35: {  	[sflag:s14] =	ssyncset.done $0x0  }
0x36: {  	[sflag:s14] =	ssyncadd.s32 $0xFFFF6000  }
0x37: {  	[hbm4b:s18+s2] =	stream.linear.scatter [tilespmem:s12], [sflag:$0x3], $0xA000, $0x38;
	[tilespmem:$0x14300] =	vst v63  }
0x38: {  	_ =	swait.ge [sflag:s9], $0xA000  }
0x39: {  	[sflag:s9] =	ssyncset.done $0x0  }
0x3a: {  	[sflag:s9] =	ssyncadd.s32 $0xFFFF6000  }
0x3b: {  	_ =	swait.ge [sflag:s15], $0xA000  }
.Ltmp0:
0x3c: {  	[sflag:s15] =	ssyncset.done $0x0;
	(pc) =	sbr.rel @p0 .LBB2_2-.Ltmp0, $4  }
0x3d: {  	[sflag:s15] =	ssyncadd.s32 $0xFFFF6000  }
0x3e: {  	[hbm4b:s17+s2] =	stream.linear.scatter [tilespmem:s13], [sflag:$0x3], $0xA000, $0x38;
	[tilespmem:$0x14300] =	vst v63  }
0x3f: {  	s20 =	smov.u32 s23;
	_ =	swait.ge [sflag:s9], $0xA000  }
0x40: {  	s18 =	sadd.s32 $0x1400, s18;
	s17 =	sadd.s32 $0x1400, s17;
	[sflag:s9] =	ssyncset.done $0x0  }
0x41: {  	s20 =	sadd.s32 s19, s8;
	[sflag:s9] =	ssyncadd.s32 $0xFFFF6000  }
0x42: {  	[tilespmem:s2], [sflag:$0x3] =	stream.linear.gather [hbm4b:s20+s2], $0x140, $0x38;
	[tilespmem:$0x14300] =	vst v63  }
0x43: {  	_ =	swait.ge [sflag:s9], $0x140  }
0x44: {  	[sflag:s9] =	ssyncset.done $0x0  }
0x45: {  	s31 =	sadd.s32 s19, s7;
	[sflag:s9] =	ssyncadd.s32 $0xFFFFFEC0  }
0x46: {  	[tilespmem:s10], [sflag:$0x3] =	stream.linear.gather [hbm4b:s31+s2], $0x140, $0x38;
	[tilespmem:$0x14300] =	vst v63  }
0x47: {  	_ =	swait.ge [sflag:s9], $0x140  }
0x48: {  	[sflag:s9] =	ssyncset.done $0x0  }
0x49: {  	[sflag:s9] =	ssyncadd.s32 $0xFFFFFEC0  }
0x4a: {  	[tilespmem:s12], [sflag:$0x1] =	stream.indirect.gather [hbm4b:s3+s11], $0x80, s2, s11, $0xb8;
	[tilespmem:$0x14300] =	vst v63  }
0x4b: {  	_ = 	snop  }
0x4c: {  	[tilespmem:s13], [sflag:$0x2] =	stream.indirect.gather [hbm4b:s3+s11], $0x80, s10, s11, $0xb8;
	[tilespmem:$0x14300] =	vst v63  }
0x4d: {  	_ =	swait.ge [sflag:s14], $0xA000  }
0x4e: {  	[sflag:s14] =	ssyncset.done $0x0  }
0x4f: {  	[sflag:s14] =	ssyncadd.s32 $0xFFFF6000  }
0x50: {  	[hbm4b:s18+s2] =	stream.linear.scatter [tilespmem:s12], [sflag:$0x3], $0xA000, $0x38;
	[tilespmem:$0x14300] =	vst v63  }
0x51: {  	_ =	swait.ge [sflag:s9], $0xA000  }
0x52: {  	[sflag:s9] =	ssyncset.done $0x0  }
0x53: {  	[sflag:s9] =	ssyncadd.s32 $0xFFFF6000  }
0x54: {  	s16 =	sadd.s32 $0x1, s16;
	_ =	swait.ge [sflag:s15], $0xA000  }
0x55: {  	p0 =	sne.s32 s16, s4;
	[sflag:s15] =	ssyncset.done $0x0  }
.Ltmp1:
0x56: {  	[sflag:s15] =	ssyncadd.s32 $0xFFFF6000;
	(pc) =	sbr.rel @p0 .LBB2_1-.Ltmp1, $4  }
0x57: {  	[hbm4b:s17+s2] =	stream.linear.scatter [tilespmem:s13], [sflag:$0x3], $0xA000, $0x38;
	[tilespmem:$0x14300] =	vst v63  }
0x58: {  	_ =	swait.ge [sflag:s9], $0xA000  }
0x59: {  	[sflag:s9] =	ssyncset.done $0x0  }
0x5a: {  	[sflag:s9] =	ssyncadd.s32 $0xFFFF6000  }
0x5b: {  	_ =	sfence.sel $0x180000  }
0x5c: {  	[bflag:$0x0] =	sbarrier.arrive $0xFFFF  }
0x5d: {  	p0 =	sne.s32 s1, $0x0;
	_ =	strace $0x90000047  }
0x5e: {  	s0 =	sadd.s32 @!p0 $0x100000, s0;
	[bflag:$0x2] =	sbarrier.arrive $0xFFFF  }
0x5f: {  	[sflag:s0] =	ssyncadd.tile.s32 @!p0 $0x1;
	_ =	shalt  }
.Lfunc_end2:
_tile_overlayer_lowered:
.L_overlay_start_2:
0x60: {  	(tag) =	ssettag $0x2  }
0x61: {  	s0 =	rddreg [dreg:$0x0];
	s2 =	stileid.u32  }
0x62: {  	s1 =	rddreg [dreg:$0x1];
	p0 =	sne.s32 s2, $0x0  }
0x63: {  	s3 =	rddreg [dreg:$0x2];
	[bflag:$0x3] =	sbarrier.arrive $0xFFFF;
	s2 =	simm.s32 @!p0 $0x1C03  }
0x64: {  	[timem:s3], [sflag:s2] =	dma.local @!p0 [hbm:s0], s1  }
0x65: {  	s0 =	simm.s32 @!p0 $0x3  }
0x66: {  	_ =	swait.ge @!p0 [sflag:s0], s1  }
0x67: {  	s1 =	ssub.s32 @!p0 $0x0, s1;
	[sflag:s0] =	ssyncset.done @!p0 $0x0  }
0x68: {  	[sflag:s0] =	ssyncadd.s32 @!p0 s1  }
0x69: {  	[bflag:$0x3] =	sbarrier.arrive $0xFFFF  }
0x6a: {  	_ =	shalt  }

// kernel: scatter_offload_async_start.1
scs
__scs_entry_jumppad:
0x0: {  	(pc) =	sbr.rel $0x88, $3  }
0x1: {  	(tag) =	ssettag $0x0;
	lr =	simm.s32 $0x1  }
0x2: {  	[smem:$0x3F77] =	sst lr;
	_ =	strace $0xD0000000  }
0x3: {  	_ = 	snop  }
0x4: {  	_ = 	snop  }
0x5: {  	_ = 	snop  }
0x6: {  	_ = 	snop  }
0x7: {  	_ = 	snop  }
__scs_overlays_trampoline_lowered:
0x8: {  	[smem:$0x3F86] =	sst s0  }
0x9: {  	[smem:$0x3F87] =	sst s1  }
0xa: {  	[smem:$0x3F88] =	sst s2  }
0xb: {  	[smem:$0x3F89] =	sst s3  }
0xc: {  	[smem:$0x3F8A] =	sst s4  }
0xd: {  	[smem:$0x3F8B] =	sst s5  }
0xe: {  	[smem:$0x3F8C] =	sst s6  }
0xf: {  	[smem:$0x3F8D] =	sst s7  }
0x10: {  	[smem:$0x3F8E] =	sst s8  }
0x11: {  	[smem:$0x3F8F] =	sst s9;
	s0 =	simm.s32 @!p0 $0x0  }
0x12: {  	s1 =	sld [smem:$0x3F75];
	s0 =	simm.s32 @p0 $0x1  }
0x13: {  	[smem:$0x3F90] =	sst s0;
	s0 =	simm.s32 @!p1 $0x0  }
0x14: {  	s2 =	sld [smem:$0x3F74];
	s0 =	simm.s32 @p1 $0x1  }
0x15: {  	[smem:$0x3F91] =	sst s0;
	s0 =	simm.s32 @!p2 $0x0  }
0x16: {  	s3 =	sld [smem:$0x3FDB];
	s0 =	simm.s32 @p2 $0x1  }
0x17: {  	s4 =	simm.s32 $0x1BF5;
	[smem:$0x3F93] =	sst s0  }
0x18: {  	s0 =	sld [smem:$0x3F76];
	_ =	swait.ge [sflag:s4], $0x0  }
0x19: {  	s7 =	sld [smem:$0x3F77]  }
0x1a: {  	s8 =	sadd.s32 $0xFFFFE003, lr  }
0x1b: {  	s9 =	sadd.s32 $0xFFFFFEF7, lr;
	s5 =	simm.s32 $0xFFFFFFFF;
	p2 =	slt.u32 s8, $0xFFFFF086  }
0x1c: {  	p1 =	slt.u32 s9, $0xF7A;
	s5 =	simm.s32 @!p2 $0x0  }
0x1d: {  	s5 =	simm.s32 @p1 $0x1;
	p0 =	seq.s32 s7, s2  }
0x1e: {  	s7 =	smul.u32 @!p0 $0xF7A, s2;
	p2 =	seq.s32 @!p0 s5, $0x0  }
0x1f: {  	s9 =	smul.u32 $0xF7A, s1;
	s8 =	simm.s32 @!p0 $0x1BF5;
	p2 =	por !p2, p0  }
0x20: {  	[sflag:s8] =	ssyncset.s32 @!p0 $0xFFFFF086;
	s6 =	sadd.s32 @!p0 s3, s7;
	s7 =	simm.s32 @!p0 $0x108  }
0x21: {  	s3 =	sadd.s32 s3, s9;
	s6 =	sadd.s32 @!p0 $0x88, s6;
	s7 =	simm.s32 @p2 $0x1082  }
0x22: {  	[simem:s7], [sflag:s8] =	dma.local @!p0 [hbm:s6], $0xF7A  }
0x23: {  	s9 =	sor.u32 $0xD0000000, s2;
	s6 =	simm.s32 $0x108;
	_ =	swait.ge @!p0 [sflag:s8], $0x0  }
0x24: {  	s3 =	sadd.s32 $0x88, s3;
	s6 =	simm.s32 @!p1 $0x1082;
	[sflag:s4] =	ssyncset.s32 $0xFFFFF086  }
0x25: {  	[simem:s6], [sflag:s4] =	dma.local [hbm:s3], $0xF7A  }
0x26: {  	[smem:$0x3F77] =	sst s1;
	(tag) =	ssettag s2;
	_ =	strace s9  }
0x27: {  	s1 =	sld [smem:$0x3F87]  }
0x28: {  	s2 =	sld [smem:$0x3F88]  }
0x29: {  	s4 =	sld [smem:$0x3F8A]  }
0x2a: {  	p0 =	seq.s32 s5, $0x0;
	s5 =	sld [smem:$0x3F8B]  }
0x2b: {  	s6 =	sld [smem:$0x3F8C]  }
0x2c: {  	s7 =	sld [smem:$0x3F8D]  }
0x2d: {  	s3 =	simm.s32 $0x108;
	s8 =	sld [smem:$0x3F8E]  }
0x2e: {  	s3 =	simm.s32 @!p0 $0x1082;
	s9 =	sld [smem:$0x3F8F]  }
0x2f: {  	lr =	sadd.s32 s0, s3;
	s0 =	sld [smem:$0x3F86]  }
0x30: {  	s3 =	sld [smem:$0x3F89]  }
0x31: {  	[smem:$0x3F92] =	sst s10  }
0x32: {  	s10 =	sld [smem:$0x3F90];
	_ =	sdelay $0x3  }
0x33: {  	p0 =	seq.s32 s10, $0x1;
	s10 =	sld [smem:$0x3F92];
	_ =	sdelay $0x3  }
0x34: {  	[smem:$0x3F92] =	sst s10  }
0x35: {  	s10 =	sld [smem:$0x3F91];
	_ =	sdelay $0x3  }
0x36: {  	p1 =	seq.s32 s10, $0x1;
	s10 =	sld [smem:$0x3F92];
	_ =	sdelay $0x3  }
0x37: {  	[smem:$0x3F92] =	sst s10  }
0x38: {  	s10 =	sld [smem:$0x3F93]  }
0x39: {  	_ = 	snop;
	(pc) =	sbr.ind lr, $3  }
0x3a: {  	_ = 	snop  }
0x3b: {  	_ = 	snop  }
0x3c: {  	p2 =	seq.s32 s10, $0x1;
	s10 =	sld [smem:$0x3F92]  }
0x3d: {  	_ =	shalt  }
0x3e: {  	_ =	shalt  }
0x3f: {  	_ =	shalt  }
0x40: {  	_ =	shalt  }
0x41: {  	_ =	shalt  }
0x42: {  	_ =	shalt  }
0x43: {  	_ =	shalt  }
0x44: {  	_ =	shalt  }
0x45: {  	_ =	shalt  }
0x46: {  	_ =	shalt  }
0x47: {  	_ =	shalt  }
0x48: {  	_ =	shalt  }
0x49: {  	_ =	shalt  }
0x4a: {  	_ =	shalt  }
0x4b: {  	_ =	shalt  }
0x4c: {  	_ =	shalt  }
0x4d: {  	_ =	shalt  }
0x4e: {  	_ =	shalt  }
0x4f: {  	_ =	shalt  }
0x50: {  	_ =	shalt  }
0x51: {  	_ =	shalt  }
0x52: {  	_ =	shalt  }
0x53: {  	_ =	shalt  }
0x54: {  	_ =	shalt  }
0x55: {  	_ =	shalt  }
0x56: {  	_ =	shalt  }
0x57: {  	_ =	shalt  }
0x58: {  	_ =	shalt  }
0x59: {  	_ =	shalt  }
0x5a: {  	_ =	shalt  }
0x5b: {  	_ =	shalt  }
0x5c: {  	_ =	shalt  }
0x5d: {  	_ =	shalt  }
0x5e: {  	_ =	shalt  }
0x5f: {  	_ =	shalt  }
0x60: {  	_ =	shalt  }
0x61: {  	_ =	shalt  }
0x62: {  	_ =	shalt  }
0x63: {  	_ =	shalt  }
0x64: {  	_ =	shalt  }
0x65: {  	_ =	shalt  }
0x66: {  	_ =	shalt  }
0x67: {  	_ =	shalt  }
0x68: {  	_ =	shalt  }
0x69: {  	_ =	shalt  }
0x6a: {  	_ =	shalt  }
0x6b: {  	_ =	shalt  }
0x6c: {  	_ =	shalt  }
0x6d: {  	_ =	shalt  }
0x6e: {  	_ =	shalt  }
0x6f: {  	_ =	shalt  }
0x70: {  	_ =	shalt  }
0x71: {  	_ =	shalt  }
0x72: {  	_ =	shalt  }
0x73: {  	_ =	shalt  }
0x74: {  	_ =	shalt  }
0x75: {  	_ =	shalt  }
0x76: {  	_ =	shalt  }
0x77: {  	_ =	shalt  }
0x78: {  	_ =	shalt  }
0x79: {  	_ =	shalt  }
0x7a: {  	_ =	shalt  }
0x7b: {  	_ =	shalt  }
0x7c: {  	_ =	shalt  }
0x7d: {  	_ =	shalt  }
0x7e: {  	_ =	shalt  }
0x7f: {  	_ =	shalt  }
0x80: {  	_ =	shalt  }
0x81: {  	_ =	shalt  }
0x82: {  	_ =	shalt  }
0x83: {  	_ =	shalt  }
0x84: {  	_ =	shalt  }
0x85: {  	_ =	shalt  }
0x86: {  	_ =	shalt  }
0x87: {  	_ =	shalt  }
.Lfunc_end0:
.L_simem_size_0:
called_computation.1_lowered:
.L_overlay_start_0:
0x88: {  	s2 =	sld [smem:$0x3FD9]  }
0x89: {  	s3 =	sld [smem:$0x3FFE];
	_ =	sdelay $0x1  }
0x8a: {  	s1 =	srdreg.scid  }
0x8b: {  	s0 =	sand.u32 $0x1, s1  }
0x8c: {  	s15 =	sshll.u32 s0, $0xA;
	s2 =	sadd.s32 s3, s2  }
0x8d: {  	s2 =	sadd.s32 s2, s15  }
0x8e: {  	[smem:$0x3F9E] =	sst s2  }
0x8f: {  	_ = 	snop  }
0x90: {  	s16 =	sld [smem:$0x3FD0];
	(tm) =	ssettm $0x1  }
0x91: {  	s17 =	sld [smem:$0x3FFB];
	_ =	sdelay $0x3  }
0x92: {  	_ =	strace s17  }
0x93: {  	s2 =	sld [smem:$0x3FFC];
	_ =	sdelay $0x3  }
0x94: {  	_ =	strace s2  }
0x95: {  	s2 =	sld [smem:$0x3FFD];
	_ =	sdelay $0x3  }
0x96: {  	_ =	strace s2  }
0x97: {  	_ =	strace $0x8FFFFFFF  }
0x98: {  	s18 =	sld [smem:$0x3FDB];
	_ =	sdelay $0x1  }
0x99: {  	s4 =	simm.s32 $_scs_section_size  }
0x9a: {  	s5 =	simm.s32 $_size__tile_overlayer_lowered;
	s6 =	simm.s32 $_tile_overlayer_lowered  }
0x9b: {  	s7 =	simm.s32 $0x1BFF;
	s19 =	sshll.u32 s6, $0x1;
	s4 =	sadd.s32 s4, s18  }
0x9c: {  	s20 =	simm.s32 $0x0;
	s5 =	sshll.u32 s5, $0x1;
	s6 =	sadd.s32 s19, s4  }
0x9d: {  	[timem:s20], [sflag:s7] =	dma.local [hbm:s6], s5  }
0x9e: {  	_ =	swait.ge [sflag:s7], s5  }
0x9f: {  	s5 =	ssub.s32 $0x0, s5;
	[sflag:s7] =	ssyncset.done $0x0  }
0xa0: {  	[sflag:s7] =	ssyncadd.s32 s5;
	_ =	sdelay $0x1  }
0xa1: {  	s21 =	simm.s32 $0x1B8B  }
0xa2: {  	_ =	swait.ge [sflag:s21], $0x1  }
0xa3: {  	[sflag:s21] =	ssyncset.done $0x0  }
0xa4: {  	s22 =	sld [smem:$0x3FFE];
	[sflag:s21] =	ssyncadd.s32 $0xFFFFFFFF  }
0xa5: {  	s24 =	simm.s32 $0x1B8E;
	s23 =	sld [smem:$0x0]  }
0xa6: {  	s25 =	simm.s32 $execute0_lowered;
	[smem:$0x3FD2] =	sst s24  }
0xa7: {  	s7 =	sshll.u32 s25, $0x1;
	_ =	strace $0x8000004F;
	[dreg:$0x1] =	wrdreg $0xFFFFFFFF  }
0xa8: {  	s8 =	simm.s32 $_size_execute0_lowered;
	s7 =	sadd.s32 s4, s7;
	[dreg:$0x0] =	wrdreg $0x0  }
0xa9: {  	s8 =	sshll.u32 s8, $0x1;
	[dreg:$0x2] =	wrdreg s7  }
0xaa: {  	[dreg:$0x3] =	wrdreg s8  }
0xab: {  	[dreg:$0x4] =	wrdreg $0xC0  }
0xac: {  	s26 =	simm.s32 $execute1_lowered;
	_ =	task [dreg:s20], $0x5FFFF  }
0xad: {  	s7 =	sshll.u32 s26, $0x1;
	[dreg:$0x1] =	wrdreg $0xFFFFFFFF  }
0xae: {  	s4 =	sadd.s32 s4, s7;
	[dreg:$0x0] =	wrdreg $0x60  }
0xaf: {  	[dreg:$0x2] =	wrdreg s4  }
0xb0: {  	[dreg:$0x3] =	wrdreg s16  }
0xb1: {  	[dreg:$0x4] =	wrdreg s22  }
0xb2: {  	[dreg:$0x5] =	wrdreg $0x9  }
0xb3: {  	_ =	task.clear_ibuf [dreg:s20], $0x6FFFF;
	_ =	strace $0x9000004F  }
0xb4: {  	s28 =	simm.s32 $0x9;
	_ =	strace $0x80000051  }
0xb5: {  	_ =	swait.ge [sflag:s28], $0x1  }
0xb6: {  	[sflag:s28] =	ssyncadd.s32 $0xFFFFFFFF  }
0xb7: {  	_ =	strace $0x90000051  }
0xb8: {  	s3 =	sld [smem:$0x0]  }
0xb9: {  	s4 =	sand.u32 $0xFFFFFFFE, s1  }
0xba: {  	p0 =	sne.s32 s1, s4  }
0xbb: {  	s4 =	sshll.u32 @p0 s4, $0xE  }
0xbc: {  	s4 =	sadd.s32 @p0 $0x11BF3, s4;
	s7 =	sshll.u32 @p0 s3, $0x11  }
0xbd: {  	s4 =	sor.u32 @p0 s7, s4  }
0xbe: {  	[sflag:s4] =	ssyncadd.remote.s32 @p0 $0x1;
	_ =	sdelay $0x1  }
0xbf: {  	s4 =	simm.s32 @p0 $0x1BF3  }
0xc0: {  	_ =	swait.eq @p0 [sflag:s4], $0x1  }
0xc1: {  	[sflag:s4] =	ssyncadd.s32 @p0 $0xFFFFFFFF  }
0xc2: {  	s7 =	sshll.u32 @!p0 s1, $0xE  }
0xc3: {  	s7 =	sor.u32 @!p0 $0x4000, s7;
	s4 =	simm.s32 @!p0 $0x1BF3  }
0xc4: {  	s3 =	sshll.u32 @!p0 s3, $0x11;
	s7 =	sadd.s32 @!p0 $0x11BF3, s7;
	_ =	swait.eq @!p0 [sflag:s4], $0x1  }
0xc5: {  	s3 =	sor.u32 @!p0 s3, s7;
	[sflag:s4] =	ssyncadd.s32 @!p0 $0xFFFFFFFF  }
0xc6: {  	[sflag:s3] =	ssyncadd.remote.s32 @!p0 $0x1  }
0xc7: {  	_ =	strace $0x80000052;
	[dreg:$0x1] =	wrdreg $0xFFFFFFFF  }
0xc8: {  	[dreg:$0x0] =	wrdreg $0x2030  }
0xc9: {  	[dreg:$0x2] =	wrdreg s22  }
0xca: {  	[dreg:$0x3] =	wrdreg s1  }
0xcb: {  	[dreg:$0x4] =	wrdreg s23  }
0xcc: {  	[dreg:$0x5] =	wrdreg $0xA  }
0xcd: {  	_ =	task.clear_ibuf [dreg:s20], $0x6FFFF;
	_ =	strace $0x90000052  }
0xce: {  	s29 =	simm.s32 $0xA;
	_ =	strace $0x80000054  }
0xcf: {  	_ =	swait.ge [sflag:s29], $0x1  }
0xd0: {  	[sflag:s29] =	ssyncadd.s32 $0xFFFFFFFF  }
0xd1: {  	_ =	strace $0x90000054  }
0xd2: {  	_ =	sfence  }
0xd3: {  	s30 =	sld [smem:$0x0];
	_ =	sdelay $0x2  }
0xd4: {  	s31 =	sshll.u32 s1, $0xD;
	s1 =	sshrl.u32 s1, $0x2  }
0xd5: {  	s4 =	sand.u32 $0x4000, s31;
	s1 =	sadd.s32 s1, s30  }
0xd6: {  	s0 =	sor.u32 s4, s0;
	s1 =	sshll.u32 s1, $0x11  }
0xd7: {  	s0 =	sor.u32 s1, s0  }
0xd8: {  	s0 =	sadd.s32 $0x8F2B, s0  }
0xd9: {  	[sflag:s0] =	ssyncadd.remote.s32 $0x1  }
0xda: {  	_ =	sfence.sel $0xFFFF  }
0xdb: {  	[dreg:$0x0] =	wrdreg $0xFFFFFFFF;
	(pc) =	sbr.abs _section_cstart, $3  }
0xdc: {  	[dreg:$0x1] =	wrdreg $0xFFFFFFFF  }
0xdd: {  	_ =	task.clear_ibuf [dreg:s20], $0x2FFFF;
	_ =	strace $0x9FFFFFFF  }
0xde: {  	(tm) =	ssettm $0x7FFFFFFF  }
0xdf: {  	_ =	shalt  }
tec
execute0_lowered:
.L_overlay_start_1:
0x0: {  	(tag) =	ssettag $0x1  }
0x1: {  	s3 =	rddreg [dreg:$0x0]  }
0x2: {  	s2 =	rddreg [dreg:$0x1]  }
0x3: {  	s5 =	rddreg [dreg:$0x2]  }
0x4: {  	s0 =	rddreg [dreg:$0x3];
	s4 =	stileid.u32  }
0x5: {  	[bflag:$0x3] =	sbarrier.arrive $0xFFFF;
	s1 =	simm.s32 $_size_execute1_lowered;
	s29 =	srdreg.scid  }
0x6: {  	s30 =	simm.s32 $0x2;
	s13 =	simm.s32 $0x0;
	p0 =	sne.s32 s4, $0x0  }
0x7: {  	s1 =	sshll.u32 s1, $0x1;
	s6 =	simm.s32 @!p0 $0x1C3F;
	s7 =	simm.s32 @!p0 $0x4060  }
0x8: {  	[timem:s7], [sflag:s6] =	dma.local @!p0 [hbm:s3], s1  }
0x9: {  	s8 =	simm.s32 $0x40;
	s9 =	simm.s32 $0x80;
	s3 =	sshll.u32 s29, $0x8  }
.Ltmp0:
0xa: {  	s4 =	sshll.u32 s4, $0x9;
	s3 =	sand.u32 $0x100, s3;
	(pc) =	sbr.rel .LBB2_1-.Ltmp0, $4  }
0xb: {  	s11 =	simm.s32 $0x0;
	s12 =	simm.s32 $0x0;
	s3 =	sor.u32 s4, s3  }
0xc: {  	_ =	strace $0x80000050;
	s4 =	simm.s32 $0x1;
	s31 =	ssub.s32 $0xC300, s3  }
0xd: {  	s5 =	sadd.s32 $0x6FC00, s5;
	[sflag:s4] =	ssyncpa.u1 $0x0;
	s6 =	sshrl.u32 s31, $0xD  }
0xe: {  	s10 =	smov.u32 s3;
	[sflag:s30] =	ssyncpa.u1 $0x0;
	s7 =	sadd.s32 $0x2, s6  }
.LBB2_5:
0xf: {  	_ =	sdelay $0x3  }
0x10: {  	[tilespmem:v3+s18+$0x0 ss:$0x1] =	vst.idx.msk $0xffff, v1  }
0x11: {  	[tilespmem:v3+s17+$0x0 ss:$0x1] =	vst.idx.msk $0xffff, v2  }
0x12: {  	[tilespmem:v3+s16+$0x0 ss:$0x1] =	vst.idx.msk $0xffff, v4  }
0x13: {  	[tilespmem:v3+s19+$0x0 ss:$0x1] =	vst.idx.msk $0xffff, v5  }
.LBB2_6:
0x14: {  	s16 =	sand.u32 $0x1FFFFFF, s11  }
0x15: {  	s17 =	smulhi.u32 $0x14F8B59, s16;
	_ =	sdelay $0x1  }
0x16: {  	s17 =	sshrl.u32 s17, $0x8  }
0x17: {  	s17 =	smul.u32 $0xC350, s17;
	_ =	sdelay $0x1  }
0x18: {  	s16 =	ssub.s32 s16, s17  }
0x19: {  	s16 =	sshll.u32 s16, $0x4  }
0x1a: {  	s16 =	sadd.s32 s5, s16  }
0x1b: {  	[hbm4b:s16+s8] =	stream.strided.scatter [tilespmem:s15], [sflag:$0x2], s14, s9, s8, $0x38;
	[tilespmem:$0x10000] =	vst v63  }
.LBB2_7:
0x1c: {  	p1 =	slt.u32 s12, $0x2  }
0x1d: {  	p2 =	sgt.s32 @!p1 s13, $0xC250  }
0x1e: {  	s14 =	smov.u32 s13;
	s15 =	sshra.s32 @!p1 s13, $0x1F;
	p2 =	por !p2, p1  }
0x1f: {  	s13 =	sand.u32 @!p1 s15, s13;
	s14 =	simm.s32 @p2 $0xC250  }
0x20: {  	s13 =	ssub.s32 @!p1 s14, s13  }
0x21: {  	s13 =	sadd.s32 @!p1 $0xFFFF3DB0, s13  }
0x22: {  	s14 =	sshll.u32 @!p1 s13, $0x8  }
0x23: {  	p2 =	sgt.s32 @!p1 s13, $0xFF;
	s13 =	ssub.s32 @!p1 $0x10000, s14  }
0x24: {  	s15 =	sadd.s32 $0x2000, s10;
	p2 =	por !p2, p1;
	s13 =	sshrl.u32 @!p1 s13, $0x2  }
0x25: {  	s13 =	simm.s32 @!p2 $0x0;
	p2 =	sgt.s32 s15, $0xC34F  }
0x26: {  	s15 =	smov.u32 @p2 s3;
	p2 =	sne.s32 s12, s7  }
.Ltmp1:
0x27: {  	_ = 	snop;
	(pc) =	sbr.rel @!p2 .LBB2_8-.Ltmp1, $4  }
0x28: {  	s14 =	simm.s32 @!p1 $0x2  }
0x29: {  	_ =	swait.ge @!p1 [sflag:s14], s13;
	s16 =	ssub.s32 @!p1 $0x0, s13  }
0x2a: {  	s13 =	smov.u32 s11;
	s12 =	sadd.s32 $0x1, s12;
	[sflag:s14] =	ssyncset.done @!p1 $0x0  }
0x2b: {  	s11 =	smov.u32 s10;
	s10 =	smov.u32 s15;
	[sflag:s14] =	ssyncadd.s32 @!p1 s16  }
.LBB2_1:
0x2c: {  	p1 =	sgt.u32 s12, s6  }
0x2d: {  	s15 =	smov.u32 s10;
	p2 =	sgt.s32 @!p1 s10, $0xC250  }
0x2e: {  	s14 =	sand.u32 @!p1 $0x1FFFFFF, s10;
	s16 =	sshra.s32 @!p1 s10, $0x1F;
	p2 =	por !p2, p1  }
0x2f: {  	s17 =	smulhi.u32 @!p1 $0x14F8B59, s14;
	s16 =	sand.u32 @!p1 s16, s10;
	s15 =	simm.s32 @p2 $0xC250  }
0x30: {  	s15 =	ssub.s32 @!p1 s15, s16  }
0x31: {  	s16 =	sshrl.u32 @!p1 s17, $0x8;
	s15 =	sadd.s32 @!p1 $0xFFFF3DB0, s15  }
0x32: {  	s17 =	sxor.u32 @!p1 $0xFFFFFFFF, s12;
	s16 =	smul.u32 @!p1 $0xC350, s16;
	s18 =	sshll.u32 @!p1 s15, $0x8  }
0x33: {  	s17 =	sshll.u32 @!p1 s17, $0xE;
	p2 =	sgt.s32 @!p1 s15, $0xFF;
	s15 =	ssub.s32 @!p1 $0x10000, s18  }
0x34: {  	s14 =	ssub.s32 @!p1 s14, s16;
	p2 =	por !p2, p1;
	s16 =	sand.u32 @!p1 $0x4000, s17  }
0x35: {  	s17 =	simm.s32 @!p1 $0x40;
	s15 =	sshrl.u32 @!p1 s15, $0x2;
	s14 =	sshll.u32 @!p1 s14, $0x4  }
0x36: {  	s18 =	simm.s32 @!p1 $0x80;
	s15 =	simm.s32 @!p2 $0x0;
	s14 =	sadd.s32 @!p1 s2, s14  }
0x37: {  	[tilespmem:s16], [sflag:$0x1] =	stream.strided.gather @!p1 [hbm4b:s14+s17], s15, s18, s17, $0x38;
	[tilespmem:$0x10000] =	vst v63  }
0x38: {  	p1 =	seq.s32 s12, $0x0  }
0x39: {  	p2 =	sge.u32 @!p1 s12, s7  }
0x3a: {  	p1 =	por p1, p2  }
.Ltmp2:
0x3b: {  	_ = 	snop;
	(pc) =	sbr.rel @p1 .LBB2_7-.Ltmp2, $1  }
0x3c: {  	_ =	sdelay $0x3  }
0x3d: {  	p1 =	sgt.s32 s11, $0xC250;
	s14 =	smov.u32 s11;
	s15 =	sshra.s32 s11, $0x1F  }
0x3e: {  	s14 =	simm.s32 @!p1 $0xC250;
	s15 =	sand.u32 s15, s11  }
0x3f: {  	s14 =	ssub.s32 s14, s15  }
0x40: {  	s14 =	sadd.s32 $0xFFFF3DB0, s14  }
0x41: {  	s31 =	sshll.u32 s14, $0x8  }
0x42: {  	s15 =	ssub.s32 $0x10000, s31  }
0x43: {  	p1 =	sgt.s32 s14, $0xFF;
	s14 =	sshrl.u32 s15, $0x2;
	s15 =	sadd.s32 $0x100, s11  }
0x44: {  	s14 =	simm.s32 @p1 $0x0;
	p1 =	slt.s32 s15, $0xC350  }
0x45: {  	s15 =	simm.s32 @!p1 $0xC350  }
0x46: {  	s20 =	ssub.s32 s15, s11  }
0x47: {  	p1 =	slt.s32 s20, $0x1  }
.Ltmp3:
0x48: {  	_ = 	snop;
	(pc) =	sbr.rel @p1 .LBB2_6-.Ltmp3, $4  }
0x49: {  	_ = 	snop  }
0x4a: {  	s16 =	sshll.u32 s12, $0xE;
	_ =	swait.ge [sflag:s4], s14  }
0x4b: {  	s16 =	sand.u32 $0x4000, s16;
	s17 =	ssub.s32 $0x0, s14;
	[sflag:s4] =	ssyncset.done $0x0  }
0x4c: {  	s15 =	sor.u32 $0x8000, s16;
	[sflag:s4] =	ssyncadd.s32 s17  }
0x4d: {  	v0 =	vmov s16;
	_ =	sdelay $0x2  }
0x4e: {  	s31 =	simm.s32 $0x0;
	p1 =	sne.s32 s20, $0x1  }
.Ltmp4:
0x4f: {  	s18 =	sand.u32 $0x3FC0, s31;
	(pc) =	sbr.rel @!p1 .LBB2_5-.Ltmp4, $4  }
0x50: {  	s17 =	sor.u32 $0x30, s18;
	v1 =	vld.idx.msk [tilespmem:v0+s18+$0x0 ss:$0x1], $0xffff  }
0x51: {  	v3 =	vmov s15;
	s16 =	sor.u32 $0x10, s18;
	v2 =	vld.idx.msk [tilespmem:v0+s17+$0x0 ss:$0x1], $0xffff  }
0x52: {  	s19 =	sor.u32 $0x20, s18;
	v4 =	vld.idx.msk [tilespmem:v0+s16+$0x0 ss:$0x1], $0xffff  }
0x53: {  	s20 =	sadd.s32 $0xFFFFFFFF, s20;
	s21 =	simm.s32 $0x40;
	v5 =	vld.idx.msk [tilespmem:v0+s19+$0x0 ss:$0x1], $0xffff  }
.LBB2_4:
0x54: {  	s22 =	sand.u32 $0x3FC0, s21  }
0x55: {  	p1 =	sne.s32 s20, $0x1;
	s20 =	sadd.s32 $0xFFFFFFFF, s20;
	s23 =	sor.u32 $0x10, s22  }
.Ltmp5:
0x56: {  	s24 =	sor.u32 $0x20, s22;
	s25 =	sor.u32 $0x30, s22;
	[tilespmem:v3+s18+$0x0 ss:$0x1] =	vst.idx.msk $0xffff, v1;
	v1 =	vld.idx.msk [tilespmem:v0+s22+$0x0 ss:$0x1], $0xffff;
	(pc) =	sbr.rel @p1 .LBB2_4-.Ltmp5, $4  }
0x57: {  	s18 =	smov.u32 s22;
	[tilespmem:v3+s17+$0x0 ss:$0x1] =	vst.idx.msk $0xffff, v2;
	v2 =	vld.idx.msk [tilespmem:v0+s25+$0x0 ss:$0x1], $0xffff;
	s17 =	smov.u32 s25  }
0x58: {  	[tilespmem:v3+s16+$0x0 ss:$0x1] =	vst.idx.msk $0xffff, v4;
	v4 =	vld.idx.msk [tilespmem:v0+s23+$0x0 ss:$0x1], $0xffff;
	s16 =	smov.u32 s23  }
0x59: {  	[tilespmem:v3+s19+$0x0 ss:$0x1] =	vst.idx.msk $0xffff, v5;
	v5 =	vld.idx.msk [tilespmem:v0+s24+$0x0 ss:$0x1], $0xffff;
	s19 =	smov.u32 s24  }
0x5a: {  	s21 =	sadd.s32 $0x40, s21  }
.Ltmp6:
0x5b: {  	_ = 	snop;
	(pc) =	sbr.rel .LBB2_5-.Ltmp6, $1  }
0x5c: {  	_ =	sdelay $0x3  }
.LBB2_8:
0x5d: {  	_ =	sfence.sel $0x180000  }
0x5e: {  	s2 =	simm.s32 $0x1;
	[bflag:$0x0] =	sbarrier.arrive $0xFFFF  }
0x5f: {  	s31 =	simm.s32 $0x2;
	[sflag:s2] =	ssyncpa.u1 $0x1  }
0x60: {  	[sflag:s31] =	ssyncpa.u1 $0x1  }
0x61: {  	_ =	strace $0x90000050  }
0x62: {  	s0 =	sadd.s32 @!p0 $0x100000, s0;
	[bflag:$0x2] =	sbarrier.arrive $0xFFFF  }
0x63: {  	[sflag:s0] =	ssyncadd.tile.s32 @!p0 $0x1;
	s0 =	simm.s32 @!p0 $0x3F  }
0x64: {  	_ =	swait.ge @!p0 [sflag:s0], s1  }
0x65: {  	s1 =	ssub.s32 @!p0 $0x0, s1;
	[sflag:s0] =	ssyncset.done @!p0 $0x0  }
0x66: {  	[sflag:s0] =	ssyncadd.s32 @!p0 s1  }
0x67: {  	[bflag:$0x3] =	sbarrier.arrive $0xFFFF  }
0x68: {  	_ =	shalt  }
.Lfunc_end2:
execute1_lowered:
.L_overlay_start_2:
0x69: {  	(tag) =	ssettag $0x2  }
0x6a: {  	s2 =	rddreg [dreg:$0x0]  }
0x6b: {  	s4 =	rddreg [dreg:$0x1];
	_ =	strace $0x80000053;
	s0 =	simm.s32 $0x1  }
0x6c: {  	s3 =	simm.s32 $0x88;
	v0 =	vimm.s32 $0x0;
	[sflag:s0] =	ssyncpa.u1 $0x0  }
0x6d: {  	[tilespmem:s3+$0x30] =	vst v0  }
0x6e: {  	s1 =	sadd.s32 $0x6FC00, s2;
	s0 =	sadd.s32 $0x3DC00, s2;
	s6 =	sadd.s32 $0xDB3200, s2;
	[tilespmem:s3+$0x20] =	vst v0  }
0x6f: {  	s2 =	sadd.s32 $0x56C00, s2;
	s5 =	sand.u32 $0x1, s4;
	s4 =	simm.s32 $0x40;
	[tilespmem:s3+$0x10] =	vst v0  }
.LBB3_1:
0x70: {  	s4 =	sadd.s32 $0x40, s4  }
0x71: {  	[tilespmem:s3+$0x0] =	vst v0;
	s3 =	sadd.s32 $0x40, s3;
	p0 =	slt.u32 s4, $0x5040  }
.Ltmp7:
0x72: {  	(pc) =	sbr.rel @p0 .LBB3_1-.Ltmp7, $4  }
0x73: {  	_ = 	snop  }
0x74: {  	[tilespmem:s3+$0x30] =	vst v0  }
0x75: {  	[tilespmem:s3+$0x20] =	vst v0  }
0x76: {  	[tilespmem:s3+$0x10] =	vst v0  }
0x77: {  	s28 =	simm.s32 $0x2  }
0x78: {  	s4 =	stileid.u32;
	s29 =	simm.s32 $0x9;
	s30 =	simm.s32 $0xA  }
0x79: {  	s7 =	simm.s32 $0xB;
	[dreg:$0x4] =	wrdreg s5;
	s31 =	smul.u32 $0xC800, s5  }
0x7a: {  	s16 =	simm.s32 $0x0;
	p0 =	por $0x1, $0x1;
	s17 =	simm.s32 $0xFF  }
0x7b: {  	p1 =	por $0x0, $0x0;
	s18 =	simm.s32 $0x1;
	s12 =	simm.s32 $0xC  }
0x7c: {  	s23 =	simm.s32 $0x0;
	s21 =	simm.s32 $0x0;
	s9 =	smul.u32 $0x6400, s4  }
.Ltmp8:
0x7d: {  	s20 =	simm.s32 $0x0;
	s0 =	sadd.s32 s31, s0;
	(pc) =	sbr.rel .LBB3_3-.Ltmp8, $4  }
0x7e: {  	[tilespmem:s3+$0x0] =	vst v0;
	v0 =	vimm.s32 $0xFFFFFFFF;
	[sflag:s28] =	ssyncpa.u1 $0x0;
	s15 =	sshll.u32 s4, $0x7;
	[dreg:$0x8] =	wrdreg s0  }
0x7f: {  	[tilespmem:$0xA108] =	vst v0;
	[sflag:s29] =	ssyncpa.u1 $0x0;
	s11 =	sadd.s32 s31, s2;
	[dreg:$0x5] =	wrdreg s9  }
0x80: {  	[sflag:s30] =	ssyncpa.u1 $0x0;
	s10 =	sadd.s32 $0x6400, s9;
	[dreg:$0x7] =	wrdreg s11  }
0x81: {  	v0 =	vlaneseq.u32;
	s22 =	smov.u32 s9;
	[sflag:s7] =	ssyncpa.u1 $0x0;
	[dreg:$0x6] =	wrdreg s10  }
.LBB3_22:
0x82: {  	s2 =	sshrl.u32 s4, $0x2  }
.LBB3_24:
0x83: {  	_ =	swait.ge [sflag:s12], s2  }
0x84: {  	s31 =	ssub.s32 $0x0, s2;
	v1 =	vmov s26;
	vm0 =	veq.s32 v0, $0x0;
	[sflag:s12] =	ssyncset.done $0x0  }
0x85: {  	vm15 =	veq.s32 v0, $0x2;
	v1 =	vsel vm0, s0, v1;
	[sflag:s12] =	ssyncadd.s32 s31  }
0x86: {  	v1 =	vsel vm15, s23, v1;
	[sflag:s12] =	ssyncpa.u1 $0x1  }
0x87: {  	[tilespmem:$0xA108] =	vst v1  }
.LBB3_25:
0x88: {  	s0 =	sadd.s32 $0x140, s22  }
0x89: {  	s2 =	smov.u32 s9;
	s20 =	sadd.s32 $0x1, s20;
	p2 =	slt.s32 s0, s10  }
0x8a: {  	s2 =	smov.u32 @p2 s0;
	p2 =	sne.s32 s20, $0x52  }
.Ltmp9:
0x8b: {  	_ = 	snop;
	(pc) =	sbr.rel @!p2 .LBB3_26-.Ltmp9, $3  }
0x8c: {  	_ =	sdelay $0x1  }
0x8d: {  	s23 =	smov.u32 s21;
	s21 =	smov.u32 s22;
	p0 =	por !p0, !p0  }
0x8e: {  	s17 =	sadd.s32 $0x1, s17;
	p1 =	por !p1, !p1;
	s22 =	smov.u32 s2  }
.LBB3_3:
0x8f: {  	p2 =	sgt.u32 s20, $0x4F  }
0x90: {  	s0 =	smul.u32 @!p2 $0xAB, s20;
	_ =	sdelay $0x1  }
0x91: {  	s0 =	sshrl.u32 @!p2 s0, $0x9  }
0x92: {  	s2 =	smov.u32 s22;
	p3 =	sgt.s32 @!p2 s22, $0x63EC0;
	s0 =	sand.u32 @!p2 $0x7F, s0  }
0x93: {  	s3 =	sshra.s32 @!p2 s22, $0x1F;
	p3 =	por !p3, p2;
	s0 =	smul.u32 @!p2 $0x3, s0  }
0x94: {  	s3 =	sand.u32 @!p2 s3, s22;
	s2 =	simm.s32 @p3 $0x63EC0  }
0x95: {  	s2 =	ssub.s32 @!p2 s2, s3;
	s0 =	ssub.s32 @!p2 s20, s0  }
0x96: {  	s2 =	sadd.s32 @!p2 $0xFFF9C140, s2;
	s0 =	sand.u32 @!p2 $0xFF, s0  }
0x97: {  	s3 =	sshll.u32 @!p2 s2, $0x2;
	p3 =	sgt.s32 @!p2 s2, $0x13F;
	s0 =	smul.u32 @!p2 $0x500, s0  }
0x98: {  	s4 =	sand.u32 @!p2 $0x7, s22;
	s2 =	ssub.s32 @!p2 $0x500, s3;
	p3 =	por !p3, p2  }
0x99: {  	s3 =	sshrl.u32 @!p2 s22, $0x3;
	s2 =	sshrl.u32 @!p2 s2, $0x2;
	s0 =	sshrl.u32 @!p2 s0, $0x2  }
0x9a: {  	s3 =	sadd.s32 @!p2 s3, s11;
	s2 =	simm.s32 @!p3 $0x0;
	s0 =	sadd.s32 @!p2 $0xA948, s0  }
0x9b: {  	[tilespmem:s0], [sflag:$0xA] =	stream.linear.gather @!p2 [hbm4b:s3+s4], s2, $0x38;
	[tilespmem:$0x1EF88] =	vst v63  }
0x9c: {  	s0 =	sadd.s32 $0xFFFFFFFF, s20  }
0x9d: {  	p2 =	sgt.u32 s0, $0x4F  }
.Ltmp10:
0x9e: {  	_ = 	snop;
	(pc) =	sbr.rel @p2 .LBB3_7-.Ltmp10, $1  }
0x9f: {  	_ =	sdelay $0x3  }
0xa0: {  	p2 =	sgt.s32 s21, $0x63EC0;
	s2 =	smov.u32 s21;
	s3 =	sshra.s32 s21, $0x1F  }
0xa1: {  	s4 =	sand.u32 $0xFF, s17;
	s2 =	simm.s32 @!p2 $0x63EC0;
	s3 =	sand.u32 s3, s21  }
0xa2: {  	s31 =	smulhi.u32 $0x55555556, s4;
	s2 =	ssub.s32 s2, s3  }
0xa3: {  	s0 =	sand.u32 $0x1, s0;
	s4 =	smul.u32 $0x500, s4;
	s2 =	sadd.s32 $0xFFF9C140, s2  }
0xa4: {  	s7 =	simm.s32 $0xA;
	s0 =	smul.u32 $0x500, s0;
	s5 =	sshll.u32 s2, $0x2  }
0xa5: {  	s9 =	sshrl.u32 s21, $0x3;
	s3 =	smul.u32 $0xF00, s31;
	s5 =	ssub.s32 $0x500, s5  }
0xa6: {  	s11 =	sand.u32 $0x7, s21;
	p2 =	sgt.s32 s2, $0x13F;
	s2 =	sshrl.u32 s5, $0x2  }
0xa7: {  	s0 =	sshrl.u32 s0, $0x2;
	s3 =	ssub.s32 s4, s3;
	s2 =	simm.s32 @p2 $0x0  }
0xa8: {  	s0 =	sadd.s32 $0xAD08, s0;
	s3 =	sshra.s32 s3, $0x2;
	_ =	swait.ge [sflag:s7], s2  }
0xa9: {  	s8 =	ssub.s32 $0x0, s2;
	[sflag:s7] =	ssyncset.done $0x0;
	s10 =	rddreg [dreg:$0x8]  }
0xaa: {  	s28 =	sadd.s32 $0xA948, s3;
	[sflag:s7] =	ssyncadd.s32 s8;
	s3 =	sadd.s32 s9, s10  }
0xab: {  	[tilespmem:s0], [sflag:$0xB] =	stream.linear.gather [hbm4b:s3+s11], s2, $0x38;
	[tilespmem:$0x1EF88] =	vst v63  }
0xac: {  	v1 =	vld.msk [tilespmem:s28+$0x0], $0xffff;
	_ =	sdelay $0x4  }
0xad: {  	v1 =	vshll.u32 v1, $0x4  }
0xae: {  	(v2sf) =	vpush v1, $0x0  }
0xaf: {  	(v2sf) =	vpush v1, $0x1  }
0xb0: {  	(v2sf) =	vpush v1, $0x2;
	_ =	sdelay $0x1  }
0xb1: {  	(v2sf) =	vpush v1, $0x3;
	_ =	sdelay $0x1  }
0xb2: {  	s0 =	simm.s32 $0x1;
	(v2sf) =	vpush v1, $0x4  }
0xb3: {  	s0 =	simm.s32 @!p0 $0x0  }
0xb4: {  	s0 =	smul.u32 $0x28000, s0;
	(v2sf) =	vpush v1, $0x5;
	_ =	sdelay $0x1  }
0xb5: {  	s0 =	sshrl.u32 s0, $0x2;
	(v2sf) =	vpush v1, $0x6  }
0xb6: {  	s24 =	sadd.s32 $0xB708, s0  }
0xb7: {  	s28 =	sadd.s32 $0x10, s28;
	s0 =	sadd.s32 $0xFFFFFE80, s24;
	s2 =	sadd.s32 $0xFFFFFD00, s24;
	(v2sf) =	vpush v1, $0x7  }
0xb8: {  	s4 =	sadd.s32 $0xFFFFFD80, s24;
	s3 =	sadd.s32 $0xFFFFFE00, s24;
	s5 =	sadd.s32 $0xFFFFFB80, s24  }
0xb9: {  	s26 =	sadd.s32 $0xFFFFFA00, s24;
	s29 =	sadd.s32 $0xFFFFFA80, s24;
	s30 =	sadd.s32 $0xFFFFFB00, s24;
	(v2sf) =	vpush v1, $0x8  }
0xba: {  	s31 =	sadd.s32 $0xFFFFF900, s24;
	s7 =	sadd.s32 $0xFFFFF980, s24;
	s8 =	spop (v2sf)  }
0xbb: {  	s10 =	sadd.s32 $0xFFFFF880, s24;
	(v2sf) =	vpush v1, $0x9;
	s8 =	sand.u32 $0x1FFFFFF0, s8;
	s11 =	spop (v2sf)  }
0xbc: {  	s8 =	sadd.s32 s6, s8;
	s11 =	sand.u32 $0x1FFFFFF0, s11;
	s13 =	spop (v2sf)  }
0xbd: {  	[tilespmem:s10], [sflag:$0x9] =	stream.linear.gather [hbm4b:s8+s16], $0x40, $0x38;
	[tilespmem:$0x1EF88] =	vst v63  }
0xbe: {  	(v2sf) =	vpush v1, $0xA;
	s12 =	sadd.s32 s6, s11;
	s19 =	sand.u32 $0x1FFFFFF0, s13;
	s9 =	spop (v2sf)  }
0xbf: {  	(v2sf) =	vpush v1, $0xB;
	[tilespmem:s31], [sflag:$0x9] =	stream.linear.gather [hbm4b:s12+s16], $0x40, $0x38;
	[tilespmem:$0x1EF88] =	vst v63  }
0xc0: {  	s10 =	sadd.s32 s6, s19;
	s13 =	spop (v2sf);
	s12 =	sand.u32 $0x1FFFFFF0, s9  }
0xc1: {  	(v2sf) =	vpush v1, $0xC;
	[tilespmem:s7], [sflag:$0x9] =	stream.linear.gather [hbm4b:s10+s16], $0x40, $0x38;
	[tilespmem:$0x1EF88] =	vst v63  }
0xc2: {  	s31 =	sand.u32 $0x1FFFFFF0, s13;
	s9 =	spop (v2sf);
	s19 =	sadd.s32 s6, s12  }
0xc3: {  	(v2sf) =	vpush v1, $0xD;
	[tilespmem:s26], [sflag:$0x9] =	stream.linear.gather [hbm4b:s19+s16], $0x40, $0x38;
	[tilespmem:$0x1EF88] =	vst v63  }
0xc4: {  	s11 =	sadd.s32 s6, s31;
	s12 =	sand.u32 $0x1FFFFFF0, s9;
	s13 =	spop (v2sf)  }
0xc5: {  	(v2sf) =	vpush v1, $0xE;
	[tilespmem:s29], [sflag:$0x9] =	stream.linear.gather [hbm4b:s11+s16], $0x40, $0x38;
	[tilespmem:$0x1EF88] =	vst v63  }
0xc6: {  	s19 =	sadd.s32 s6, s12;
	s26 =	sand.u32 $0x1FFFFFF0, s13;
	s29 =	spop (v2sf)  }
0xc7: {  	(v2sf) =	vpush v1, $0xF;
	[tilespmem:s30], [sflag:$0x9] =	stream.linear.gather [hbm4b:s19+s16], $0x40, $0x38;
	[tilespmem:$0x1EF88] =	vst v63  }
0xc8: {  	s14 =	sadd.s32 $0xFFFFFC00, s24;
	s9 =	spop (v2sf);
	s30 =	sadd.s32 s6, s26  }
0xc9: {  	[tilespmem:s5], [sflag:$0x9] =	stream.linear.gather [hbm4b:s30+s16], $0x40, $0x38;
	[tilespmem:$0x1EF88] =	vst v63  }
0xca: {  	s25 =	sadd.s32 $0xFFFFFC80, s24;
	s31 =	sand.u32 $0x1FFFFFF0, s29;
	s13 =	spop (v2sf)  }
0xcb: {  	s11 =	sadd.s32 s6, s31;
	s12 =	sand.u32 $0x1FFFFFF0, s9;
	s19 =	sand.u32 $0x1FFFFFF0, s13  }
0xcc: {  	[tilespmem:s14], [sflag:$0x9] =	stream.linear.gather [hbm4b:s11+s16], $0x40, $0x38;
	[tilespmem:$0x1EF88] =	vst v63  }
0xcd: {  	s26 =	spop (v2sf);
	s14 =	sadd.s32 s6, s12;
	s29 =	sadd.s32 s6, s19  }
0xce: {  	s30 =	sand.u32 $0x1FFFFFF0, s26;
	s31 =	spop (v2sf);
	s19 =	sadd.s32 $0xFFFFFF00, s24  }
0xcf: {  	[tilespmem:s25], [sflag:$0x9] =	stream.linear.gather [hbm4b:s14+s16], $0x40, $0x38;
	[tilespmem:$0x1EF88] =	vst v63  }
0xd0: {  	s5 =	sadd.s32 s6, s30;
	s7 =	sand.u32 $0x1FFFFFF0, s31;
	s8 =	spop (v2sf)  }
0xd1: {  	[tilespmem:s2], [sflag:$0x9] =	stream.linear.gather [hbm4b:s29+s16], $0x40, $0x38;
	[tilespmem:$0x1EF88] =	vst v63  }
0xd2: {  	s31 =	sadd.s32 $0xFFFFFF80, s24;
	s10 =	sand.u32 $0x1FFFFFF0, s8;
	s11 =	spop (v2sf)  }
0xd3: {  	[tilespmem:s4], [sflag:$0x9] =	stream.linear.gather [hbm4b:s5+s16], $0x40, $0x38;
	[tilespmem:$0x1EF88] =	vst v63  }
0xd4: {  	s9 =	sadd.s32 s6, s7;
	s12 =	sadd.s32 s6, s10;
	s14 =	spop (v2sf)  }
0xd5: {  	[tilespmem:s3], [sflag:$0x9] =	stream.linear.gather [hbm4b:s9+s16], $0x40, $0x38;
	[tilespmem:$0x1EF88] =	vst v63  }
0xd6: {  	s13 =	sand.u32 $0x1FFFFFF0, s11;
	s26 =	sand.u32 $0x1FFFFFF0, s14;
	s29 =	spop (v2sf)  }
0xd7: {  	[tilespmem:s0], [sflag:$0x9] =	stream.linear.gather [hbm4b:s12+s16], $0x40, $0x38;
	[tilespmem:$0x1EF88] =	vst v63  }
0xd8: {  	s25 =	sadd.s32 s6, s13;
	s30 =	sadd.s32 s6, s26;
	s0 =	sand.u32 $0x1FFFFFF0, s29  }
0xd9: {  	[tilespmem:s19], [sflag:$0x9] =	stream.linear.gather [hbm4b:s25+s16], $0x40, $0x38;
	[tilespmem:$0x1EF88] =	vst v63  }
0xda: {  	s26 =	sadd.s32 $0x800, s24;
	s0 =	sadd.s32 s6, s0;
	s25 =	simm.s32 $0x0  }
0xdb: {  	[tilespmem:s31], [sflag:$0x9] =	stream.linear.gather [hbm4b:s30+s16], $0x40, $0x38;
	[tilespmem:$0x1EF88] =	vst v63  }
.LBB3_5:
0xdc: {  	[tilespmem:s24], [sflag:$0x9] =	stream.linear.gather [hbm4b:s0+s16], $0x40, $0x38;
	[tilespmem:$0x1EF88] =	vst v63  }
0xdd: {  	s25 =	sadd.s32 $0x10, s25;
	s24 =	smov.u32 s26  }
0xde: {  	p2 =	slt.u32 s25, $0x130;
	v1 =	vld.msk [tilespmem:s28+$0x0], $0xffff;
	_ =	sdelay $0x4  }
0xdf: {  	v1 =	vshll.u32 v1, $0x4  }
0xe0: {  	(v2sf) =	vpush v1, $0x0  }
0xe1: {  	(v2sf) =	vpush v1, $0x1  }
0xe2: {  	(v2sf) =	vpush v1, $0x2;
	_ =	sdelay $0x1  }
0xe3: {  	(v2sf) =	vpush v1, $0x3;
	_ =	sdelay $0x1  }
0xe4: {  	(v2sf) =	vpush v1, $0x4;
	_ =	sdelay $0x1  }
0xe5: {  	(v2sf) =	vpush v1, $0x5;
	_ =	sdelay $0x1  }
0xe6: {  	(v2sf) =	vpush v1, $0x6  }
0xe7: {  	s30 =	sadd.s32 $0xFFFFFE80, s26;
	s29 =	sadd.s32 $0xFFFFFF00, s26  }
0xe8: {  	s4 =	sadd.s32 $0xFFFFFD00, s26;
	s0 =	sadd.s32 $0xFFFFFD80, s26;
	s31 =	sadd.s32 $0xFFFFFE00, s26;
	(v2sf) =	vpush v1, $0x7  }
0xe9: {  	s2 =	sadd.s32 $0xFFFFFB80, s26;
	s3 =	sadd.s32 $0xFFFFFC00, s26;
	s5 =	sadd.s32 $0xFFFFFC80, s26  }
0xea: {  	s7 =	sadd.s32 $0xFFFFFA00, s26;
	s8 =	sadd.s32 $0xFFFFFA80, s26;
	s10 =	sadd.s32 $0xFFFFFB00, s26;
	(v2sf) =	vpush v1, $0x8  }
0xeb: {  	s11 =	sadd.s32 $0xFFFFF900, s26;
	s13 =	sadd.s32 $0xFFFFF980, s26;
	s14 =	spop (v2sf)  }
0xec: {  	s9 =	sadd.s32 $0xFFFFF880, s26;
	s14 =	sand.u32 $0x1FFFFFF0, s14;
	s19 =	spop (v2sf);
	(v2sf) =	vpush v1, $0x9  }
0xed: {  	s14 =	sadd.s32 s6, s14;
	s19 =	sand.u32 $0x1FFFFFF0, s19;
	s12 =	spop (v2sf)  }
0xee: {  	[tilespmem:s9], [sflag:$0x9] =	stream.linear.gather [hbm4b:s14+s16], $0x40, $0x38;
	(v2sf) =	vpush v1, $0xA;
	[tilespmem:$0x1EF88] =	vst v63  }
0xef: {  	s9 =	sadd.s32 s6, s19;
	s12 =	sand.u32 $0x1FFFFFF0, s12;
	s14 =	spop (v2sf)  }
0xf0: {  	[tilespmem:s11], [sflag:$0x9] =	stream.linear.gather [hbm4b:s9+s16], $0x40, $0x38;
	(v2sf) =	vpush v1, $0xB;
	[tilespmem:$0x1EF88] =	vst v63  }
0xf1: {  	s9 =	sadd.s32 s6, s12;
	s11 =	sand.u32 $0x1FFFFFF0, s14;
	s12 =	spop (v2sf)  }
0xf2: {  	[tilespmem:s13], [sflag:$0x9] =	stream.linear.gather [hbm4b:s9+s16], $0x40, $0x38;
	(v2sf) =	vpush v1, $0xC;
	[tilespmem:$0x1EF88] =	vst v63  }
0xf3: {  	s9 =	sadd.s32 s6, s11;
	s11 =	sand.u32 $0x1FFFFFF0, s12;
	s12 =	spop (v2sf)  }
0xf4: {  	[tilespmem:s7], [sflag:$0x9] =	stream.linear.gather [hbm4b:s9+s16], $0x40, $0x38;
	(v2sf) =	vpush v1, $0xD;
	[tilespmem:$0x1EF88] =	vst v63  }
0xf5: {  	s7 =	sadd.s32 s6, s11;
	s9 =	sand.u32 $0x1FFFFFF0, s12;
	s11 =	spop (v2sf)  }
0xf6: {  	[tilespmem:s8], [sflag:$0x9] =	stream.linear.gather [hbm4b:s7+s16], $0x40, $0x38;
	(v2sf) =	vpush v1, $0xE;
	[tilespmem:$0x1EF88] =	vst v63  }
0xf7: {  	s7 =	sadd.s32 s6, s9;
	s8 =	sand.u32 $0x1FFFFFF0, s11;
	s9 =	spop (v2sf)  }
0xf8: {  	[tilespmem:s10], [sflag:$0x9] =	stream.linear.gather [hbm4b:s7+s16], $0x40, $0x38;
	(v2sf) =	vpush v1, $0xF;
	[tilespmem:$0x1EF88] =	vst v63  }
0xf9: {  	s7 =	sadd.s32 s6, s8;
	s8 =	sand.u32 $0x1FFFFFF0, s9;
	s9 =	spop (v2sf)  }
0xfa: {  	[tilespmem:s2], [sflag:$0x9] =	stream.linear.gather [hbm4b:s7+s16], $0x40, $0x38;
	[tilespmem:$0x1EF88] =	vst v63  }
0xfb: {  	s2 =	sadd.s32 s6, s8;
	s7 =	sand.u32 $0x1FFFFFF0, s9;
	s8 =	spop (v2sf)  }
0xfc: {  	[tilespmem:s3], [sflag:$0x9] =	stream.linear.gather [hbm4b:s2+s16], $0x40, $0x38;
	[tilespmem:$0x1EF88] =	vst v63  }
0xfd: {  	s2 =	sadd.s32 s6, s7;
	s3 =	sand.u32 $0x1FFFFFF0, s8;
	s7 =	spop (v2sf)  }
0xfe: {  	[tilespmem:s5], [sflag:$0x9] =	stream.linear.gather [hbm4b:s2+s16], $0x40, $0x38;
	[tilespmem:$0x1EF88] =	vst v63  }
0xff: {  	s2 =	sadd.s32 s6, s3;
	s3 =	sand.u32 $0x1FFFFFF0, s7;
	s5 =	spop (v2sf)  }
0x100: {  	[tilespmem:s4], [sflag:$0x9] =	stream.linear.gather [hbm4b:s2+s16], $0x40, $0x38;
	[tilespmem:$0x1EF88] =	vst v63  }
0x101: {  	s2 =	sadd.s32 s6, s3;
	s3 =	sand.u32 $0x1FFFFFF0, s5;
	s4 =	spop (v2sf)  }
0x102: {  	[tilespmem:s0], [sflag:$0x9] =	stream.linear.gather [hbm4b:s2+s16], $0x40, $0x38;
	[tilespmem:$0x1EF88] =	vst v63  }
0x103: {  	s0 =	sadd.s32 s6, s3;
	s2 =	sand.u32 $0x1FFFFFF0, s4;
	s3 =	spop (v2sf)  }
0x104: {  	[tilespmem:s31], [sflag:$0x9] =	stream.linear.gather [hbm4b:s0+s16], $0x40, $0x38;
	[tilespmem:$0x1EF88] =	vst v63  }
0x105: {  	s0 =	sadd.s32 s6, s2;
	s2 =	sand.u32 $0x1FFFFFF0, s3;
	s3 =	spop (v2sf)  }
0x106: {  	[tilespmem:s30], [sflag:$0x9] =	stream.linear.gather [hbm4b:s0+s16], $0x40, $0x38;
	[tilespmem:$0x1EF88] =	vst v63  }
0x107: {  	s0 =	sadd.s32 s6, s2  }
.Ltmp11:
0x108: {  	s2 =	sand.u32 $0x1FFFFFF0, s3;
	s3 =	spop (v2sf);
	(pc) =	sbr.rel @p2 .LBB3_5-.Ltmp11, $4  }
0x109: {  	[tilespmem:s29], [sflag:$0x9] =	stream.linear.gather [hbm4b:s0+s16], $0x40, $0x38;
	[tilespmem:$0x1EF88] =	vst v63  }
0x10a: {  	s0 =	sadd.s32 s6, s2;
	s2 =	sadd.s32 $0xFFFFFF80, s26;
	s3 =	sand.u32 $0x1FFFFFF0, s3  }
0x10b: {  	[tilespmem:s2], [sflag:$0x9] =	stream.linear.gather [hbm4b:s0+s16], $0x40, $0x38;
	[tilespmem:$0x1EF88] =	vst v63  }
0x10c: {  	s28 =	sadd.s32 $0x10, s28;
	s26 =	sadd.s32 $0x800, s26;
	s0 =	sadd.s32 s6, s3  }
0x10d: {  	[tilespmem:s24], [sflag:$0x9] =	stream.linear.gather [hbm4b:s0+s16], $0x40, $0x38;
	[tilespmem:$0x1EF88] =	vst v63  }
0x10e: {  	s9 =	rddreg [dreg:$0x5]  }
0x10f: {  	s10 =	rddreg [dreg:$0x6]  }
0x110: {  	s11 =	rddreg [dreg:$0x7];
	s12 =	simm.s32 $0xC  }
.LBB3_7:
0x111: {  	p2 =	slt.u32 s20, $0x2  }
.Ltmp12:
0x112: {  	_ = 	snop;
	(pc) =	sbr.rel @p2 .LBB3_25-.Ltmp12, $1  }
0x113: {  	_ =	sdelay $0x3  }
0x114: {  	p2 =	sgt.s32 s23, $0x63EC0;
	s0 =	smov.u32 s23;
	s2 =	sshra.s32 s23, $0x1F  }
0x115: {  	s0 =	simm.s32 @!p2 $0x63EC0;
	s2 =	sand.u32 s2, s23  }
0x116: {  	s0 =	ssub.s32 s0, s2  }
0x117: {  	s0 =	sadd.s32 $0xFFF9C140, s0  }
0x118: {  	s3 =	simm.s32 $0x9;
	s30 =	sshll.u32 s0, $0x2  }
0x119: {  	_ =	swait.ge [sflag:s3], $0x5000;
	s2 =	ssub.s32 $0x500, s30  }
0x11a: {  	[sflag:s3] =	ssyncset.done $0x0;
	p2 =	sgt.s32 s0, $0x13F;
	s0 =	sshrl.u32 s2, $0x2  }
0x11b: {  	s31 =	simm.s32 $0xB;
	[sflag:s3] =	ssyncadd.s32 $0xFFFFB000;
	s0 =	simm.s32 @p2 $0x0  }
0x11c: {  	_ =	swait.ge [sflag:s31], s0  }
0x11d: {  	s0 =	ssub.s32 $0x0, s0;
	[sflag:s31] =	ssyncset.done $0x0  }
0x11e: {  	[sflag:s31] =	ssyncadd.s32 s0  }
0x11f: {  	v1 =	vld [tilespmem:$0xA108];
	_ =	sdelay $0x4  }
0x120: {  	(v2sf) =	vpush v1, $0x0  }
0x121: {  	(v2sf) =	vpush v1, $0x1  }
0x122: {  	(v2sf) =	vpush v1, $0x2;
	_ =	sdelay $0x3  }
0x123: {  	s2 =	sadd.s32 $0x140, s23  }
0x124: {  	s3 =	ssub.s32 $0xC8000, s23;
	p2 =	slt.s32 s10, s2  }
0x125: {  	s2 =	smov.u32 @p2 s10;
	p2 =	sgt.s32 s3, $0x0  }
0x126: {  	s24 =	ssub.s32 s2, s23;
	s3 =	simm.s32 @!p2 $0x0  }
0x127: {  	p2 =	slt.s32 s3, s24  }
0x128: {  	s24 =	smov.u32 @p2 s3  }
0x129: {  	s0 =	simm.s32 $0x1;
	p2 =	slt.s32 s24, $0x1  }
.Ltmp13:
0x12a: {  	s0 =	simm.s32 @!p1 $0x0;
	(pc) =	sbr.rel @p2 .LBB3_12-.Ltmp13, $4  }
0x12b: {  	s4 =	smul.u32 $0x500, s0  }
0x12c: {  	s2 =	spop (v2sf)  }
0x12d: {  	s4 =	sshrl.u32 s4, $0x2;
	s3 =	spop (v2sf)  }
0x12e: {  	s25 =	sadd.s32 $0xAD08, s4;
	s23 =	spop (v2sf)  }
0x12f: {  	s4 =	smin.u32 s24, $0x10  }
0x130: {  	v1 =	vmov s4  }
0x131: {  	p3 =	sgt.s32 s24, $0x10;
	vm1 =	vgt.u32 v1, v0  }
.Ltmp14:
0x132: {  	_ = 	snop;
	(pc) =	sbr.rel @!p3 .LBB3_11-.Ltmp14, $2  }
0x133: {  	_ =	sdelay $0x2  }
0x134: {  	s5 =	simm.s32 $0x10;
	s26 =	sadd.s32 $0xFFFFFFF0, s24;
	s4 =	smov.u32 s25;
	vm0 =	vmmov vm1  }
.LBB3_10:
0x135: {  	s7 =	smin.u32 s26, $0x10;
	s5 =	sadd.s32 $0x10, s5;
	v1 =	vld.msk [tilespmem:s4+$0x0 ss:$0x1], vm1  }
0x136: {  	v2 =	vmov s7;
	p3 =	slt.s32 s5, s24  }
0x137: {  	vm1 =	vgt.u32 v2, v0  }
.Ltmp15:
0x138: {  	(pc) =	sbr.rel @p3 .LBB3_10-.Ltmp15, $3  }
0x139: {  	_ =	sdelay $0x1  }
0x13a: {  	v1 =	vshll.u32 v1, $0x4  }
0x13b: {  	s26 =	sadd.s32 $0xFFFFFFF0, s26;
	[tilespmem:s4+$0x0] =	vst.msk vm0, v1;
	s4 =	sadd.s32 $0x10, s4;
	vm0 =	vmmov vm1  }
.LBB3_11:
0x13c: {  	_ =	sdelay $0x4  }
0x13d: {  	v1 =	vld.msk [tilespmem:s4+$0x0 ss:$0x1], vm1;
	_ =	sdelay $0x4  }
0x13e: {  	v1 =	vshll.u32 v1, $0x4  }
0x13f: {  	[tilespmem:s4+$0x0] =	vst.msk vm0, v1  }
.LBB3_12:
0x140: {  	s4 =	sand.u32 $0x1, s20  }
0x141: {  	s4 =	smul.u32 $0x140, s4  }
0x142: {  	p3 =	sne.s32 s3, $0xFFFFFFFF  }
0x143: {  	v1 =	vld.msk @!p3 [tilespmem:s4+$0xAD08], $0x1;
	_ =	sdelay $0x4  }
0x144: {  	(v2sf) =	vpush @!p3 v1, $0x0;
	_ =	sdelay $0xc  }
.Ltmp16:
0x145: {  	_ = 	snop;
	(pc) =	sbr.rel @p2 .LBB3_23-.Ltmp16, $4  }
0x146: {  	_ = 	snop  }
0x147: {  	s30 =	spop @!p3 (v2sf)  }
0x148: {  	s23 =	simm.s32 @!p3 $0x0;
	s26 =	smov.u32 s30  }
0x149: {  	[sflag:s12] =	ssyncpa.u1 $0x0;
	s30 =	smov.u32 @p3 s2;
	s26 =	smov.u32 @p3 s3  }
0x14a: {  	v1 =	vld.msk [tilespmem:s25+$0x0], $0x1;
	_ =	sdelay $0x4  }
0x14b: {  	(v2sf) =	vpush v1, $0x0;
	_ =	sdelay $0xe  }
0x14c: {  	s0 =	smul.u32 $0x28000, s0;
	s3 =	spop (v2sf)  }
0x14d: {  	p2 =	seq.s32 s30, s3  }
0x14e: {  	s2 =	smov.u32 s30;
	s0 =	sshrl.u32 s0, $0x2;
	p3 =	sgt.s32 @!p2 s30, $0x0  }
0x14f: {  	s28 =	sadd.s32 $0xAFA8, s0;
	s0 =	sadd.s32 $0xFFFFFFFF, s24;
	p3 =	por !p3, p2  }
0x150: {  	s2 =	simm.s32 @p3 $0x0;
	p3 =	sne.s32 s0, $0x0  }
.Ltmp17:
0x151: {  	_ = 	snop;
	(pc) =	sbr.rel @!p3 .LBB3_15-.Ltmp17, $4  }
0x152: {  	_ = 	snop  }
0x153: {  	s29 =	simm.s32 $0x0;
	s4 =	simm.s32 @!p2 $0x1;
	s2 =	smin.u32 @!p2 s2, $0xC34F8  }
0x154: {  	s5 =	simm.s32 @!p2 $0x50C8;
	s4 =	smov.u32 @p2 s29;
	s7 =	sand.u32 @!p2 $0xFFFF8, s2  }
0x155: {  	s31 =	sand.u32 @!p2 $0x7, s2;
	s2 =	sadd.s32 $0x1, s25;
	s14 =	sadd.s32 @!p2 s1, s7  }
.LBB3_14:
0x156: {  	s7 =	smov.u32 s4  }
0x157: {  	[tilespmem:s5], [sflag:$0x2] =	stream.linear.gather @!p2 [hbm4b:s14+s31], $0x40, $0x38;
	[tilespmem:$0x1EF88] =	vst v63  }
0x158: {  	s0 =	sadd.s32 $0xFFFFFFFF, s0;
	s8 =	smov.u32 s3;
	v1 =	vld.msk [tilespmem:s2+$0x0], $0x1  }
0x159: {  	p3 =	sne.s32 s0, $0x0;
	_ =	sdelay $0x3  }
0x15a: {  	(v2sf) =	vpush v1, $0x0;
	_ =	sdelay $0xe  }
0x15b: {  	s3 =	spop (v2sf)  }
0x15c: {  	p2 =	seq.s32 s8, s3  }
0x15d: {  	p4 =	sgt.s32 @!p2 s8, $0x0;
	s5 =	sshll.u32 @!p2 s4, $0x8;
	s4 =	sadd.s32 @!p2 $0x1, s4  }
.Ltmp18:
0x15e: {  	p4 =	por !p4, p2;
	s5 =	sshra.s32 @!p2 s5, $0x2;
	(pc) =	sbr.rel @p3 .LBB3_14-.Ltmp18, $4  }
0x15f: {  	s4 =	smov.u32 @p2 s7;
	s8 =	simm.s32 @p4 $0x0;
	s5 =	sadd.s32 @!p2 $0x50C8, s5  }
0x160: {  	s7 =	smin.u32 @!p2 s8, $0xC34F8  }
0x161: {  	s8 =	sand.u32 @!p2 $0xFFFF8, s7;
	s31 =	sand.u32 @!p2 $0x7, s7  }
0x162: {  	s2 =	sadd.s32 $0x1, s2;
	s14 =	sadd.s32 @!p2 s1, s8  }
.LBB3_15:
0x163: {  	[tilespmem:s5], [sflag:$0x2] =	stream.linear.gather @!p2 [hbm4b:s14+s31], $0x40, $0x38;
	[tilespmem:$0x1EF88] =	vst v63  }
.Ltmp19:
0x164: {  	s0 =	sshll.u32 s4, $0x6;
	(pc) =	sbr.rel .LBB3_16-.Ltmp19, $4  }
0x165: {  	s2 =	simm.s32 $0x2;
	s0 =	sand.u32 $0x3FFFFFC0, s0  }
0x166: {  	_ =	swait.ge [sflag:s2], s0  }
0x167: {  	s0 =	ssub.s32 $0x0, s0;
	[sflag:s2] =	ssyncset.done $0x0  }
0x168: {  	s4 =	simm.s32 $0x0;
	[sflag:s2] =	ssyncadd.s32 s0  }
.LBB3_17:
0x169: {  	v1 =	vld [tilespmem:s28+$0xFFFFFFE0];
	_ =	sdelay $0x4  }
0x16a: {  	[tilespmem:s2+$0x88] =	vst.add.f32.msk $0xffff, v1  }
0x16b: {  	v1 =	vld [tilespmem:s28+$0xFFFFFFF0];
	_ =	sdelay $0x4  }
0x16c: {  	[tilespmem:s2+$0x98] =	vst.add.f32.msk $0xffff, v1  }
0x16d: {  	v1 =	vld [tilespmem:s28+$0x0];
	_ =	sdelay $0x4  }
0x16e: {  	[tilespmem:s2+$0xA8] =	vst.add.f32.msk $0xffff, v1  }
0x16f: {  	v1 =	vld [tilespmem:s28+$0x10];
	_ =	sdelay $0x4  }
0x170: {  	[tilespmem:s2+$0xB8] =	vst.add.f32.msk $0xffff, v1  }
.LBB3_21:
0x171: {  	s24 =	sadd.s32 $0xFFFFFFFF, s24  }
0x172: {  	p2 =	sne.s32 s24, $0x0  }
.Ltmp20:
0x173: {  	_ = 	snop;
	(pc) =	sbr.rel @!p2 .LBB3_22-.Ltmp20, $2  }
0x174: {  	_ =	sdelay $0x2  }
0x175: {  	s28 =	sadd.s32 $0x80, s28;
	s25 =	sadd.s32 $0x1, s25;
	s30 =	smov.u32 s0  }
.LBB3_16:
0x176: {  	v1 =	vld.msk [tilespmem:s25+$0x0], $0x1;
	_ =	sdelay $0x4  }
0x177: {  	(v2sf) =	vpush v1, $0x0;
	_ =	sdelay $0xe  }
0x178: {  	s0 =	spop (v2sf)  }
0x179: {  	p2 =	sne.s32 s30, s0  }
.Ltmp21:
0x17a: {  	_ = 	snop;
	(pc) =	sbr.rel @!p2 .LBB3_17-.Ltmp21, $3  }
0x17b: {  	_ =	sdelay $0x1  }
0x17c: {  	s2 =	sshll.u32 s23, $0x8  }
0x17d: {  	s2 =	sshra.s32 s2, $0x2  }
0x17e: {  	p2 =	seq.s32 s30, s26  }
.Ltmp22:
0x17f: {  	_ = 	snop;
	(pc) =	sbr.rel @!p2 .LBB3_19-.Ltmp22, $1  }
0x180: {  	_ =	sdelay $0x3  }
.Ltmp23:
0x181: {  	s2 =	sadd.s32 $0x88, s2;
	(pc) =	sbr.rel .LBB3_20-.Ltmp23, $4  }
0x182: {  	[spmem:s15] =	stream.linear.scatter [tilespmem:s2], [sflag:$0x1], $0x40, $0x38;
	[tilespmem:$0x1EF88] =	vst v63  }
0x183: {  	_ =	swait.ge [sflag:s18], $0x40  }
0x184: {  	[sflag:s18] =	ssyncset.done $0x0  }
0x185: {  	[sflag:s18] =	ssyncadd.s32 $0xFFFFFFC0  }
.LBB3_19:
0x186: {  	s3 =	sshll.u32 s29, $0x8  }
0x187: {  	s3 =	sshra.s32 s3, $0x2  }
0x188: {  	v1 =	vld [tilespmem:s3+$0x50C8];
	_ =	sdelay $0x4  }
0x189: {  	[tilespmem:s2+$0x88] =	vst.add.f32.msk $0xffff, v1  }
0x18a: {  	v1 =	vld [tilespmem:s3+$0x50D8];
	_ =	sdelay $0x4  }
0x18b: {  	[tilespmem:s2+$0x98] =	vst.add.f32.msk $0xffff, v1  }
0x18c: {  	v1 =	vld [tilespmem:s3+$0x50E8];
	_ =	sdelay $0x4  }
0x18d: {  	[tilespmem:s2+$0xA8] =	vst.add.f32.msk $0xffff, v1  }
0x18e: {  	v1 =	vld [tilespmem:s3+$0x50F8];
	_ =	sdelay $0x2  }
0x18f: {  	p2 =	sgt.u32 s30, $0xC34F8  }
0x190: {  	s3 =	sand.u32 @!p2 $0xFFFF8, s30  }
0x191: {  	s5 =	sadd.s32 $0x88, s2;
	[tilespmem:s2+$0xB8] =	vst.add.f32.msk $0xffff, v1;
	s2 =	sadd.s32 @!p2 s1, s3;
	s3 =	sand.u32 @!p2 $0x7, s30  }
0x192: {  	[hbm4b:s2+s3] =	stream.linear.scatter @!p2 [tilespmem:s5], [sflag:$0xC], $0x40, $0x38;
	[tilespmem:$0x1EF88] =	vst v63  }
0x193: {  	s2 =	simm.s32 $0x0  }
0x194: {  	s2 =	simm.s32 @!p2 $0x100  }
0x195: {  	s4 =	sadd.s32 s2, s4  }
.LBB3_20:
0x196: {  	s2 =	sadd.s32 $0x1, s23  }
0x197: {  	s3 =	smulhi.u32 $0xCCCCCCCD, s2;
	_ =	sdelay $0x1  }
0x198: {  	v1 =	vld [tilespmem:s28+$0xFFFFFFE0];
	s3 =	sshrl.u32 s3, $0x8  }
0x199: {  	s3 =	smul.u32 $0x140, s3;
	_ =	sdelay $0x1  }
0x19a: {  	s23 =	ssub.s32 s2, s3  }
0x19b: {  	s2 =	sshll.u32 s23, $0x6  }
0x19c: {  	[tilespmem:s2+$0x88] =	vst v1  }
0x19d: {  	v1 =	vld [tilespmem:s28+$0xFFFFFFF0];
	_ =	sdelay $0x4  }
0x19e: {  	[tilespmem:s2+$0x98] =	vst v1  }
0x19f: {  	v1 =	vld [tilespmem:s28+$0x0];
	_ =	sdelay $0x4  }
0x1a0: {  	[tilespmem:s2+$0xA8] =	vst v1  }
0x1a1: {  	v1 =	vld [tilespmem:s28+$0x10]  }
.Ltmp24:
0x1a2: {  	_ = 	snop;
	(pc) =	sbr.rel .LBB3_21-.Ltmp24, $2  }
0x1a3: {  	_ =	sdelay $0x2  }
0x1a4: {  	s29 =	sadd.s32 $0x1, s29;
	[tilespmem:s2+$0xB8] =	vst v1  }
.LBB3_23:
.Ltmp25:
0x1a5: {  	(pc) =	sbr.rel .LBB3_24-.Ltmp25, $4  }
0x1a6: {  	_ = 	snop  }
0x1a7: {  	s0 =	simm.s32 $0x2  }
0x1a8: {  	_ =	swait.ge [sflag:s0], $0x0  }
0x1a9: {  	s2 =	simm.s32 $0x0;
	[sflag:s0] =	ssyncset.done $0x0;
	s0 =	smov.u32 s30  }
.LBB3_26:
0x1aa: {  	_ =	sfence.sel $0x180000  }
0x1ab: {  	s0 =	simm.s32 $0x9;
	[bflag:$0x0] =	sbarrier.arrive $0xFFFF  }
0x1ac: {  	s24 =	simm.s32 $0xA;
	[sflag:s0] =	ssyncpa.u1 $0x1  }
0x1ad: {  	s25 =	simm.s32 $0xB;
	[sflag:s24] =	ssyncpa.u1 $0x1  }
0x1ae: {  	s26 =	simm.s32 $0x2;
	[sflag:s25] =	ssyncpa.u1 $0x1  }
0x1af: {  	[sflag:s26] =	ssyncpa.u1 $0x1  }
0x1b0: {  	v0 =	vld [tilespmem:$0xA108];
	_ =	sdelay $0x4  }
0x1b1: {  	(v2sf) =	vpush v0, $0x0  }
0x1b2: {  	(v2sf) =	vpush v0, $0x1;
	_ =	sdelay $0x1  }
0x1b3: {  	(v2sf) =	vpush v0, $0x2;
	_ =	sdelay $0xb  }
0x1b4: {  	s0 =	spop (v2sf)  }
0x1b5: {  	s2 =	spop (v2sf)  }
0x1b6: {  	s3 =	smov.u32 s0;
	p0 =	sne.s32 s0, s2  }
0x1b7: {  	s4 =	spop (v2sf);
	s3 =	simm.s32 @!p0 $0xFFFFFFFF  }
0x1b8: {  	v2 =	vimm.s32 $0x1;
	v3 =	vlaneseq.u32;
	p0 =	seq.s32 s4, $0xFFFFFFFF;
	v1 =	vmov s3  }
0x1b9: {  	s14 =	stileid.u32;
	v0 =	vperm.xlane v0, v2;
	p1 =	sne.s32 @!p0 s0, s2;
	v1 =	vperm.xlane v1, v3  }
0x1ba: {  	vm0 =	vcmask $0x3F04;
	s6 =	simm.s32 $0xA108;
	s0 =	simm.s32 @!p0 $0x1;
	p1 =	por !p1, p0  }
0x1bb: {  	s3 =	sshll.u32 s14, $0x1;
	s2 =	sshll.u32 @!p0 s4, $0x8;
	s0 =	simm.s32 @p1 $0x0;
	v0 =	vsel vm0, v1, v0  }
0x1bc: {  	s5 =	sor.u32 $0x800, s3;
	s2 =	sshra.s32 @!p0 s2, $0x2;
	s0 =	sor.u32 @!p0 s0, s3;
	[tilespmem:$0xA108] =	vst v0  }
0x1bd: {  	[spmem:s5] =	stream.linear.scatter [tilespmem:s6], [sflag:$0x1], $0x2, $0x38;
	[tilespmem:$0x1EF88] =	vst v63  }
0x1be: {  	s2 =	sadd.s32 @!p0 $0x88, s2;
	s0 =	sshll.u32 @!p0 s0, $0x6  }
0x1bf: {  	[spmem:s0] =	stream.linear.scatter @!p0 [tilespmem:s2], [sflag:$0x1], $0x40, $0x38;
	[tilespmem:$0x1EF88] =	vst v63  }
0x1c0: {  	s0 =	simm.s32 @!p0 $0x42  }
0x1c1: {  	s28 =	simm.s32 $0x1;
	s0 =	simm.s32 @p0 $0x2  }
0x1c2: {  	_ =	swait.ge [sflag:s28], s0  }
0x1c3: {  	s0 =	ssub.s32 $0x0, s0;
	[sflag:s28] =	ssyncset.done $0x0  }
0x1c4: {  	p0 =	sne.s32 s14, $0x0;
	[sflag:s28] =	ssyncadd.s32 s0  }
.Ltmp26:
0x1c5: {  	_ =	sfence.stream.spmem;
	(pc) =	sbr.rel @p0 .LBB3_43-.Ltmp26, $4  }
0x1c6: {  	s29 =	simm.s32 $0x3;
	[bflag:$0x0] =	sbarrier.arrive $0xFFFF  }
0x1c7: {  	s30 =	simm.s32 $0x4;
	[sflag:s29] =	ssyncpa.u1 $0x1  }
0x1c8: {  	s31 =	simm.s32 $0x3C;
	[sflag:s30] =	ssyncpa.u1 $0x1  }
0x1c9: {  	s13 =	rddreg [dreg:$0x4];
	[sflag:s31] =	ssyncpa.u1 $0x1  }
0x1ca: {  	_ =	sfence.stream.spmem;
	s0 =	simm.s32 $0x5  }
0x1cb: {  	s2 =	simm.s32 $0x800;
	s3 =	simm.s32 $0xA118;
	[sflag:s0] =	ssyncpa.u1 $0x0  }
0x1cc: {  	[tilespmem:s3], [sflag:$0x5] =	stream.linear.gather [spmem:s2], $0x20, $0x38;
	[tilespmem:$0x1EF88] =	vst v63  }
0x1cd: {  	s26 =	simm.s32 $0x0;
	s28 =	simm.s32 $0xA138  }
0x1ce: {  	[tilespmem:s28], [sflag:$0x5] =	stream.linear.gather [spmem:s26], $0x800, $0x38;
	[tilespmem:$0x1EF88] =	vst v63  }
0x1cf: {  	_ =	swait.ge [sflag:s0], $0x820  }
0x1d0: {  	[sflag:s0] =	ssyncset.done $0x0  }
0x1d1: {  	s29 =	simm.s32 $0x0;
	[sflag:s0] =	ssyncadd.s32 $0xFFFFF7E0  }
0x1d2: {  	v0 =	vld.msk [tilespmem:s29+$0xA118], $0x1;
	_ =	sdelay $0x1  }
0x1d3: {  	s30 =	simm.s32 $0x1  }
0x1d4: {  	v1 =	vld.msk [tilespmem:s30+$0xA118], $0x1;
	_ =	sdelay $0x1  }
0x1d5: {  	(v2sf) =	vpush v0, $0x0;
	_ =	sdelay $0x2  }
0x1d6: {  	(v2sf) =	vpush v1, $0x0;
	_ =	sdelay $0x2  }
0x1d7: {  	s31 =	simm.s32 $0x2  }
0x1d8: {  	v0 =	vld.msk [tilespmem:s31+$0xA118], $0x1;
	_ =	sdelay $0x2  }
0x1d9: {  	s2 =	simm.s32 $0xFFFFFFFF;
	s3 =	simm.s32 $0xFFFFFFFF;
	s0 =	simm.s32 $0xC  }
.LBB3_28:
0x1da: {  	s4 =	smov.u32 s3;
	s5 =	smov.u32 s2  }
0x1db: {  	s2 =	sshra.s32 s0, $0x2;
	p1 =	sne.s32 s0, $0x7C;
	s0 =	sadd.s32 $0x4, s0;
	(v2sf) =	vpush v0, $0x0  }
0x1dc: {  	v0 =	vld.msk [tilespmem:s2+$0xA118], $0x1  }
.Ltmp27:
0x1dd: {  	(pc) =	sbr.rel @p1 .LBB3_28-.Ltmp27, $4  }
0x1de: {  	s3 =	spop (v2sf)  }
0x1df: {  	p2 =	sne.s32 s5, $0xFFFFFFFF;
	s2 =	smov.u32 s3  }
0x1e0: {  	p3 =	seq.s32 s3, $0xFFFFFFFF;
	s2 =	smov.u32 @p2 s5  }
0x1e1: {  	s3 =	smov.u32 @p3 s4;
	s2 =	smov.u32 @p3 s5  }
0x1e2: {  	(v2sf) =	vpush v0, $0x0;
	_ =	sdelay $0x8  }
0x1e3: {  	s0 =	spop (v2sf)  }
0x1e4: {  	p1 =	sne.s32 s2, $0xFFFFFFFF;
	s4 =	smov.u32 s0  }
0x1e5: {  	s9 =	simm.s32 $0x6;
	p2 =	seq.s32 s0, $0xFFFFFFFF;
	s4 =	smov.u32 @p1 s2  }
0x1e6: {  	s6 =	simm.s32 $0x0;
	s4 =	smov.u32 @p2 s2;
	s2 =	spop (v2sf)  }
0x1e7: {  	s0 =	smov.u32 @p2 s3;
	p1 =	sne.s32 s4, $0xFFFFFFFF;
	s5 =	smov.u32 s2  }
.Ltmp28:
0x1e8: {  	p2 =	seq.s32 s2, $0xFFFFFFFF;
	s5 =	smov.u32 @p1 s4;
	(pc) =	sbr.rel .LBB3_30-.Ltmp28, $4  }
0x1e9: {  	s10 =	simm.s32 $0xA0C8;
	s5 =	smov.u32 @p2 s4;
	s7 =	spop (v2sf)  }
0x1ea: {  	s11 =	simm.s32 $0x0;
	p1 =	sne.s32 s5, $0xFFFFFFFF;
	s8 =	smov.u32 s7  }
0x1eb: {  	s2 =	smov.u32 @p2 s0;
	p2 =	seq.s32 s7, $0xFFFFFFFF;
	s8 =	smov.u32 @p1 s5  }
0x1ec: {  	[sflag:s9] =	ssyncpa.u1 $0x0;
	s7 =	smov.u32 @p2 s2;
	s8 =	smov.u32 @p2 s5  }
.LBB3_36:
0x1ed: {  	p1 =	sgt.u32 s0, $0xC34F8  }
0x1ee: {  	p2 =	seq.s32 @!p1 s0, s8  }
0x1ef: {  	p1 =	por p1, p2  }
0x1f0: {  	p2 =	sne.s32 @!p1 s0, s7  }
0x1f1: {  	p1 =	por p1, !p2  }
0x1f2: {  	s0 =	sshll.u32 @p1 s11, $0x8  }
0x1f3: {  	s2 =	sand.u32 @!p1 $0xFFFF8, s0  }
0x1f4: {  	s0 =	sand.u32 @!p1 $0x7, s0;
	s2 =	sadd.s32 @!p1 s1, s2  }
0x1f5: {  	[tilespmem:s10], [sflag:$0x6] =	stream.linear.gather @!p1 [hbm4b:s2+s0], $0x40, $0x38;
	[tilespmem:$0x1EF88] =	vst v63  }
0x1f6: {  	_ =	swait.ge @!p1 [sflag:s9], $0x40  }
0x1f7: {  	[sflag:s9] =	ssyncset.done @!p1 $0x0  }
0x1f8: {  	[sflag:s9] =	ssyncadd.s32 @!p1 $0xFFFFFFC0  }
0x1f9: {  	v1 =	vld @!p1 [tilespmem:$0xA0C8];
	_ =	sdelay $0x2  }
0x1fa: {  	s0 =	sshll.u32 @!p1 s11, $0x8  }
0x1fb: {  	s2 =	sshrl.u32 @!p1 s0, $0x2  }
0x1fc: {  	[tilespmem:s2+$0xA138] =	vst.add.f32.msk @!p1 $0xffff, v1  }
0x1fd: {  	v1 =	vld @!p1 [tilespmem:$0xA0D8];
	_ =	sdelay $0x4  }
0x1fe: {  	[tilespmem:s2+$0xA148] =	vst.add.f32.msk @!p1 $0xffff, v1  }
0x1ff: {  	v1 =	vld @!p1 [tilespmem:$0xA0E8];
	_ =	sdelay $0x4  }
0x200: {  	[tilespmem:s2+$0xA158] =	vst.add.f32.msk @!p1 $0xffff, v1  }
0x201: {  	v1 =	vld @!p1 [tilespmem:$0xA0F8];
	_ =	sdelay $0x4  }
0x202: {  	[tilespmem:s2+$0xA168] =	vst.add.f32.msk @!p1 $0xffff, v1  }
0x203: {  	s0 =	sshrl.u32 s0, $0x2;
	[tilespmem:s6+$0xA118] =	vst.msk $0x1, v0  }
0x204: {  	v0 =	vld [tilespmem:s0+$0xA138];
	_ =	sdelay $0x2  }
0x205: {  	s31 =	sshll.u32 s6, $0x8  }
0x206: {  	s2 =	sshra.s32 s31, $0x2  }
0x207: {  	[tilespmem:s2+$0xA138] =	vst v0  }
0x208: {  	v0 =	vld [tilespmem:s0+$0xA148];
	_ =	sdelay $0x4  }
0x209: {  	[tilespmem:s2+$0xA148] =	vst v0  }
0x20a: {  	v0 =	vld [tilespmem:s0+$0xA158];
	_ =	sdelay $0x4  }
0x20b: {  	[tilespmem:s2+$0xA158] =	vst v0  }
0x20c: {  	v0 =	vld [tilespmem:s0+$0xA168];
	_ =	sdelay $0x4  }
0x20d: {  	s6 =	sadd.s32 $0x1, s6;
	[tilespmem:s2+$0xA168] =	vst v0  }
.LBB3_37:
0x20e: {  	s11 =	sadd.s32 $0x1, s11  }
0x20f: {  	p1 =	sne.s32 s11, $0x20  }
.Ltmp29:
0x210: {  	_ = 	snop;
	(pc) =	sbr.rel @!p1 .LBB3_38-.Ltmp29, $1  }
0x211: {  	_ =	sdelay $0x3  }
.LBB3_30:
0x212: {  	v0 =	vld.msk [tilespmem:s11+$0xA118], $0x1;
	_ =	sdelay $0x4  }
0x213: {  	(v2sf) =	vpush v0, $0x0;
	_ =	sdelay $0xe  }
0x214: {  	s0 =	spop (v2sf)  }
0x215: {  	p1 =	seq.s32 s0, $0xFFFFFFFF  }
.Ltmp30:
0x216: {  	_ = 	snop;
	(pc) =	sbr.rel @p1 .LBB3_37-.Ltmp30, $1  }
0x217: {  	_ =	sdelay $0x3  }
0x218: {  	p1 =	slt.s32 s6, $0x1  }
.Ltmp31:
0x219: {  	_ = 	snop;
	(pc) =	sbr.rel @p1 .LBB3_36-.Ltmp31, $1  }
0x21a: {  	_ =	sdelay $0x3  }
0x21b: {  	s2 =	simm.s32 $0xA118;
	p1 =	por $0x0, $0x0  }
0x21c: {  	v1 =	vld.msk @!p1 [tilespmem:s2+$0x0], $0x1;
	_ =	sdelay $0x4  }
0x21d: {  	(v2sf) =	vpush @!p1 v1, $0x0;
	_ =	sdelay $0xd  }
0x21e: {  	p3 =	sne.s32 s6, $0x1  }
.Ltmp32:
0x21f: {  	s3 =	spop @!p1 (v2sf);
	(pc) =	sbr.rel @!p3 .LBB3_34-.Ltmp32, $4  }
0x220: {  	p2 =	seq.s32 @!p1 s0, s3  }
0x221: {  	s3 =	simm.s32 $0x0;
	p2 =	por !p2, p1  }
0x222: {  	s5 =	simm.s32 $0xFFFFFFFF;
	s3 =	simm.s32 @p2 $0xFFFFFFFF  }
0x223: {  	s4 =	simm.s32 $0x1;
	s3 =	smov.u32 @p1 s5  }
.LBB3_33:
0x224: {  	s5 =	smov.u32 s3;
	p1 =	sne.s32 s3, $0xFFFFFFFF  }
0x225: {  	s2 =	sadd.s32 $0x1, s2;
	s3 =	smov.u32 s4;
	s4 =	sadd.s32 $0x1, s4  }
0x226: {  	p2 =	sne.s32 s6, s4;
	v1 =	vld.msk @!p1 [tilespmem:s2+$0x0], $0x1;
	_ =	sdelay $0x4  }
0x227: {  	(v2sf) =	vpush @!p1 v1, $0x0;
	_ =	sdelay $0xe  }
.Ltmp33:
0x228: {  	s12 =	spop @!p1 (v2sf);
	(pc) =	sbr.rel @p2 .LBB3_33-.Ltmp33, $4  }
0x229: {  	p3 =	seq.s32 @!p1 s0, s12  }
0x22a: {  	p3 =	por !p3, p1  }
0x22b: {  	s3 =	simm.s32 @p3 $0xFFFFFFFF  }
0x22c: {  	s3 =	smov.u32 @p1 s5  }
.LBB3_34:
0x22d: {  	p1 =	seq.s32 s3, $0xFFFFFFFF  }
.Ltmp34:
0x22e: {  	_ = 	snop;
	(pc) =	sbr.rel @p1 .LBB3_36-.Ltmp34, $1  }
0x22f: {  	_ =	sdelay $0x3  }
0x230: {  	s0 =	sshll.u32 s11, $0x6  }
0x231: {  	s0 =	sand.u32 $0x3FFFFFC0, s0  }
0x232: {  	v0 =	vld [tilespmem:s0+$0xA138];
	_ =	sdelay $0x2  }
0x233: {  	s2 =	sshll.u32 s3, $0x8  }
0x234: {  	s2 =	sshra.s32 s2, $0x2  }
0x235: {  	[tilespmem:s2+$0xA138] =	vst.add.f32.msk $0xffff, v0  }
0x236: {  	v0 =	vld [tilespmem:s0+$0xA148];
	_ =	sdelay $0x4  }
0x237: {  	[tilespmem:s2+$0xA148] =	vst.add.f32.msk $0xffff, v0  }
0x238: {  	v0 =	vld [tilespmem:s0+$0xA158];
	_ =	sdelay $0x4  }
0x239: {  	[tilespmem:s2+$0xA158] =	vst.add.f32.msk $0xffff, v0  }
0x23a: {  	v0 =	vld [tilespmem:s0+$0xA168]  }
.Ltmp35:
0x23b: {  	_ = 	snop;
	(pc) =	sbr.rel .LBB3_37-.Ltmp35, $2  }
0x23c: {  	_ =	sdelay $0x2  }
0x23d: {  	[tilespmem:s2+$0xA168] =	vst.add.f32.msk $0xffff, v0  }
.LBB3_38:
0x23e: {  	s0 =	simm.s32 $0x6;
	p1 =	seq.s32 s6, $0x0  }
0x23f: {  	[sflag:s0] =	ssyncpa.u1 $0x1;
	v0 =	vimm.s32 @p1 $0xFFFFFFFF  }
0x240: {  	s0 =	sadd.s32 $0xFFFFFFFF, s6;
	[tilespmem:$0xA938] =	vst @p1 v0  }
0x241: {  	v0 =	vld.msk @!p1 [tilespmem:s0+$0xA118], $0x1;
	_ =	sdelay $0x1  }
0x242: {  	v1 =	vld.msk @!p1 [tilespmem:$0xA118], $0x1;
	_ =	sdelay $0x2  }
0x243: {  	p2 =	seq.s32 @!p1 s0, $0x0;
	v0 =	vbroadcast @!p1 v0, $0x0  }
0x244: {  	vm0 =	vmmov @!p1 $0x1;
	p2 =	por !p2, p1  }
0x245: {  	v1 =	vnsel @!p1 vm0, $0xFFFFFFFF, v1;
	vm0 =	vcmask @!p1 $0x308;
	v0 =	vpsel !p2, $0xFFFFFFFF, v0  }
0x246: {  	p2 =	sne.s32 @!p1 s8, s7;
	v0 =	vsel @!p1 vm0, v1, v0  }
0x247: {  	s2 =	simm.s32 @!p1 $0xA138;
	s3 =	simm.s32 @!p1 $0x0;
	p3 =	por !p2, p1;
	[tilespmem:$0xA938] =	vst @!p1 v0  }
0x248: {  	[spmem:s3] =	stream.linear.scatter @!p1 [tilespmem:s2], [sflag:$0x1], $0x40, $0x38;
	[tilespmem:$0x1EF88] =	vst v63  }
0x249: {  	s2 =	sshll.u32 @!p3 s0, $0x8  }
0x24a: {  	s2 =	sshra.s32 @!p3 s2, $0x2  }
0x24b: {  	s3 =	simm.s32 @!p3 $0x40;
	s2 =	sadd.s32 @!p3 $0xA138, s2  }
0x24c: {  	[spmem:s3] =	stream.linear.scatter @!p3 [tilespmem:s2], [sflag:$0x1], $0x40, $0x38;
	[tilespmem:$0x1EF88] =	vst v63  }
0x24d: {  	s2 =	simm.s32 @!p3 $0x1  }
0x24e: {  	_ =	swait.ge @!p3 [sflag:s2], $0x80  }
0x24f: {  	p1 =	por p2, p1;
	[sflag:s2] =	ssyncset.done @!p3 $0x0  }
0x250: {  	[sflag:s2] =	ssyncadd.s32 @!p3 $0xFFFFFF80;
	s2 =	simm.s32 @!p1 $0x1  }
0x251: {  	_ =	swait.ge @!p1 [sflag:s2], $0x40  }
0x252: {  	s29 =	simm.s32 $0xA938;
	[sflag:s2] =	ssyncset.done @!p1 $0x0  }
0x253: {  	s30 =	simm.s32 $0x800;
	s31 =	simm.s32 $0x1;
	[sflag:s2] =	ssyncadd.s32 @!p1 $0xFFFFFFC0  }
0x254: {  	[spmem:s30] =	stream.linear.scatter [tilespmem:s29], [sflag:$0x1], $0x10, $0x38;
	[tilespmem:$0x1EF88] =	vst v63  }
0x255: {  	_ =	swait.ge [sflag:s31], $0x10  }
0x256: {  	[sflag:s31] =	ssyncset.done $0x0  }
0x257: {  	p1 =	seq.s32 s13, $0x0;
	s9 =	rddreg [dreg:$0x1];
	[sflag:s31] =	ssyncadd.s32 $0xFFFFFFF0  }
0x258: {  	s3 =	sshll.u32 @p1 s9, $0xE;
	s8 =	rddreg [dreg:$0x2]  }
0x259: {  	s2 =	sadd.s32 @p1 $0x15C3C, s3;
	s3 =	sshll.u32 @p1 s8, $0x11  }
0x25a: {  	_ =	sfence.stream.spmem;
	s2 =	sor.u32 @p1 s3, s2  }
0x25b: {  	[sflag:s2] =	ssyncadd.remote.s32 @p1 $0x1;
	s2 =	simm.s32 @p1 $0x4  }
0x25c: {  	s4 =	simm.s32 @!p1 $0x3C;
	s3 =	sand.u32 $0xFFFFFFFE, s9;
	_ =	swait.ge @p1 [sflag:s2], $0x12  }
0x25d: {  	s5 =	simm.s32 @!p1 $0x0;
	s3 =	sadd.s32 @!p1 $0x4, s3;
	[sflag:s2] =	ssyncset.done @p1 $0x0  }
0x25e: {  	s7 =	simm.s32 @!p1 $0x80;
	[sflag:s2] =	ssyncadd.s32 @p1 $0xFFFFFFEE;
	s2 =	sshll.u32 @!p1 s3, $0x1A  }
0x25f: {  	s3 =	sshll.u32 @!p1 s3, $0xD;
	s2 =	sor.u32 @!p1 s2, s8;
	_ =	swait.eq @!p1 [sflag:s4], $0x1  }
0x260: {  	s3 =	sor.u32 @!p1 $0x1C04, s3;
	s4 =	simm.s32 @!p1 $0x1C03;
	s2 =	sor.u32 @!p1 $0x80004000, s2  }
0x261: {  	[spmem:s7], [sflag:s3] =	dma.general @!p1 [spmem:s5], [sflag:s4], length:$0x10, [dreg:$0x0], stride_count:$0x0, ici_dest:s2, dma_misc:DstOpCode:WRITE  }
0x262: {  	p2 =	slt.s32 s0, $0x2;
	s5 =	simm.s32 @!p1 $0x100;
	s7 =	simm.s32 @!p1 $0x102  }
0x263: {  	[spmem:s7], [sflag:s3] =	dma.general @!p1 [spmem:s5], [sflag:s4], length:$0x2, [dreg:$0x0], stride_count:$0x0, ici_dest:s2, dma_misc:DstOpCode:WRITE  }
.Ltmp36:
0x264: {  	s2 =	simm.s32 @!p1 $0x3;
	(pc) =	sbr.rel @p2 .LBB3_42-.Ltmp36, $4  }
0x265: {  	s3 =	sshll.u32 @!p1 s9, $0xE;
	_ =	swait.ge @!p1 [sflag:s2], $0x12  }
0x266: {  	s4 =	sshll.u32 @!p1 s8, $0x11;
	s3 =	sadd.s32 @!p1 $0x11C3C, s3;
	[sflag:s2] =	ssyncset.done @!p1 $0x0  }
0x267: {  	[sflag:s2] =	ssyncadd.s32 @!p1 $0xFFFFFFEE;
	s2 =	sor.u32 @!p1 s4, s3  }
0x268: {  	s0 =	simm.s32 $0x0;
	[sflag:s2] =	ssyncadd.remote.s32 @!p1 $0xFFFFFFFF  }
0x269: {  	s0 =	simm.s32 $0xA119  }
0x26a: {  	v0 =	vld.msk [tilespmem:s0+$0x0], $0x1;
	_ =	sdelay $0x4  }
0x26b: {  	(v2sf) =	vpush v0, $0x0;
	_ =	sdelay $0xc  }
0x26c: {  	s2 =	sadd.s32 $0xFFFFFFFE, s6  }
0x26d: {  	s2 =	sadd.s32 $0xFFFFFFFF, s2  }
0x26e: {  	p2 =	sne.s32 s2, $0x0;
	s3 =	spop (v2sf)  }
.Ltmp37:
0x26f: {  	p1 =	sgt.u32 s3, $0xC34F8;
	(pc) =	sbr.rel @!p2 .LBB3_41-.Ltmp37, $4  }
0x270: {  	s5 =	simm.s32 $0x0;
	s4 =	sand.u32 @!p1 $0xFFFF8, s3  }
0x271: {  	s0 =	simm.s32 $0xA178;
	s3 =	sand.u32 @!p1 $0x7, s3;
	s4 =	sadd.s32 @!p1 s1, s4  }
0x272: {  	[hbm4b:s4+s3] =	stream.linear.scatter @!p1 [tilespmem:s0], [sflag:$0x5], $0x40, $0x38;
	[tilespmem:$0x1EF88] =	vst v63  }
0x273: {  	s5 =	simm.s32 @!p1 $0x100;
	s3 =	simm.s32 $0x0;
	s4 =	simm.s32 $0xA11A  }
.LBB3_40:
0x274: {  	v0 =	vld.msk [tilespmem:s4+$0x0], $0x1;
	s2 =	sadd.s32 $0xFFFFFFFF, s2;
	s3 =	sadd.s32 s3, s5  }
0x275: {  	p1 =	sne.s32 s2, $0x0;
	_ =	sdelay $0x3  }
0x276: {  	(v2sf) =	vpush v0, $0x0;
	_ =	sdelay $0xe  }
.Ltmp38:
0x277: {  	s6 =	spop (v2sf);
	(pc) =	sbr.rel @p1 .LBB3_40-.Ltmp38, $4  }
0x278: {  	s5 =	simm.s32 $0x0;
	p2 =	sgt.u32 s6, $0xC34F8  }
0x279: {  	s0 =	sadd.s32 $0x40, s0;
	s5 =	simm.s32 @!p2 $0x100;
	s7 =	sand.u32 @!p2 $0xFFFF8, s6  }
0x27a: {  	s4 =	sadd.s32 $0x1, s4;
	s6 =	sand.u32 @!p2 $0x7, s6;
	s7 =	sadd.s32 @!p2 s1, s7  }
0x27b: {  	[hbm4b:s7+s6] =	stream.linear.scatter @!p2 [tilespmem:s0], [sflag:$0x5], $0x40, $0x38;
	[tilespmem:$0x1EF88] =	vst v63  }
.LBB3_41:
0x27c: {  	s0 =	sadd.s32 s3, s5  }
0x27d: {  	s0 =	sshrl.u32 s0, $0x2  }
.LBB3_42:
0x27e: {  	s2 =	simm.s32 $0x5  }
0x27f: {  	_ =	swait.ge [sflag:s2], s0  }
0x280: {  	s31 =	ssub.s32 $0x0, s0;
	[sflag:s2] =	ssyncset.done $0x0  }
0x281: {  	[sflag:s2] =	ssyncadd.s32 s31  }
0x282: {  	[sflag:s2] =	ssyncpa.u1 $0x1  }
.LBB3_43:
0x283: {  	s0 =	sor.u32 s13, s14  }
0x284: {  	p1 =	sne.s32 s0, $0x0  }
.Ltmp39:
0x285: {  	_ = 	snop;
	(pc) =	sbr.rel @p1 .LBB3_58-.Ltmp39, $3  }
0x286: {  	_ =	sdelay $0x1  }
0x287: {  	[bflag:$0x0] =	sbarrier.arrive $0xFFFF  }
0x288: {  	_ =	sfence  }
0x289: {  	s0 =	simm.s32 $0x7  }
0x28a: {  	s2 =	simm.s32 $0x800;
	s3 =	simm.s32 $0xA118;
	[sflag:s0] =	ssyncpa.u1 $0x0  }
0x28b: {  	[tilespmem:s3], [sflag:$0x7] =	stream.linear.gather [spmem:s2], $0x20, $0x38;
	[tilespmem:$0x1EF88] =	vst v63  }
0x28c: {  	s30 =	simm.s32 $0xA138;
	s2 =	simm.s32 $0x0  }
0x28d: {  	[tilespmem:s30], [sflag:$0x7] =	stream.linear.gather [spmem:s2], $0x800, $0x38;
	[tilespmem:$0x1EF88] =	vst v63  }
.Ltmp40:
0x28e: {  	_ = 	snop;
	(pc) =	sbr.rel .LBB3_45-.Ltmp40, $4  }
0x28f: {  	_ =	swait.ge [sflag:s0], $0x820  }
0x290: {  	[sflag:s0] =	ssyncset.done $0x0  }
0x291: {  	s31 =	simm.s32 $0x8;
	[sflag:s0] =	ssyncadd.s32 $0xFFFFF7E0  }
0x292: {  	s3 =	simm.s32 $0x0;
	[sflag:s31] =	ssyncpa.u1 $0x0  }
.LBB3_51:
0x293: {  	p1 =	slt.u32 s0, $0xC34F9  }
0x294: {  	s4 =	sand.u32 @p1 $0xFFFF8, s0  }
0x295: {  	s0 =	sand.u32 @p1 $0x7, s0;
	s5 =	simm.s32 @p1 $0xA0C8;
	s4 =	sadd.s32 @p1 s1, s4  }
0x296: {  	[tilespmem:s5], [sflag:$0x8] =	stream.linear.gather @p1 [hbm4b:s4+s0], $0x40, $0x38;
	[tilespmem:$0x1EF88] =	vst v63  }
0x297: {  	s0 =	simm.s32 @p1 $0x8  }
0x298: {  	_ =	swait.ge @p1 [sflag:s0], $0x40  }
0x299: {  	[sflag:s0] =	ssyncset.done @p1 $0x0  }
0x29a: {  	[sflag:s0] =	ssyncadd.s32 @p1 $0xFFFFFFC0  }
0x29b: {  	v1 =	vld @p1 [tilespmem:$0xA0C8];
	_ =	sdelay $0x2  }
0x29c: {  	s0 =	sshll.u32 @p1 s3, $0x8  }
0x29d: {  	s4 =	sshrl.u32 @p1 s0, $0x2  }
0x29e: {  	[tilespmem:s4+$0xA138] =	vst.add.f32.msk @p1 $0xffff, v1  }
0x29f: {  	v1 =	vld @p1 [tilespmem:$0xA0D8];
	_ =	sdelay $0x4  }
0x2a0: {  	[tilespmem:s4+$0xA148] =	vst.add.f32.msk @p1 $0xffff, v1  }
0x2a1: {  	v1 =	vld @p1 [tilespmem:$0xA0E8];
	_ =	sdelay $0x4  }
0x2a2: {  	[tilespmem:s4+$0xA158] =	vst.add.f32.msk @p1 $0xffff, v1  }
0x2a3: {  	v1 =	vld @p1 [tilespmem:$0xA0F8];
	_ =	sdelay $0x3  }
0x2a4: {  	s5 =	sshll.u32 @!p1 s3, $0x8  }
0x2a5: {  	s5 =	smov.u32 @p1 s0;
	[tilespmem:s4+$0xA168] =	vst.add.f32.msk @p1 $0xffff, v1  }
0x2a6: {  	s0 =	sshrl.u32 s5, $0x2;
	[tilespmem:s2+$0xA118] =	vst.msk $0x1, v0  }
0x2a7: {  	v0 =	vld [tilespmem:s0+$0xA138];
	_ =	sdelay $0x2  }
0x2a8: {  	s31 =	sshll.u32 s2, $0x8  }
0x2a9: {  	s4 =	sshra.s32 s31, $0x2  }
0x2aa: {  	[tilespmem:s4+$0xA138] =	vst v0  }
0x2ab: {  	v0 =	vld [tilespmem:s0+$0xA148];
	_ =	sdelay $0x4  }
0x2ac: {  	[tilespmem:s4+$0xA148] =	vst v0  }
0x2ad: {  	v0 =	vld [tilespmem:s0+$0xA158];
	_ =	sdelay $0x4  }
0x2ae: {  	[tilespmem:s4+$0xA158] =	vst v0  }
0x2af: {  	v0 =	vld [tilespmem:s0+$0xA168];
	_ =	sdelay $0x4  }
0x2b0: {  	s2 =	sadd.s32 $0x1, s2;
	[tilespmem:s4+$0xA168] =	vst v0  }
.LBB3_52:
0x2b1: {  	s3 =	sadd.s32 $0x1, s3  }
0x2b2: {  	p1 =	sne.s32 s3, $0x20  }
.Ltmp41:
0x2b3: {  	_ = 	snop;
	(pc) =	sbr.rel @!p1 .LBB3_53-.Ltmp41, $1  }
0x2b4: {  	_ =	sdelay $0x3  }
.LBB3_45:
0x2b5: {  	v0 =	vld.msk [tilespmem:s3+$0xA118], $0x1;
	_ =	sdelay $0x4  }
0x2b6: {  	(v2sf) =	vpush v0, $0x0;
	_ =	sdelay $0xe  }
0x2b7: {  	s0 =	spop (v2sf)  }
0x2b8: {  	p1 =	seq.s32 s0, $0xFFFFFFFF  }
.Ltmp42:
0x2b9: {  	_ = 	snop;
	(pc) =	sbr.rel @p1 .LBB3_52-.Ltmp42, $1  }
0x2ba: {  	_ =	sdelay $0x3  }
0x2bb: {  	p1 =	slt.s32 s2, $0x1  }
.Ltmp43:
0x2bc: {  	_ = 	snop;
	(pc) =	sbr.rel @p1 .LBB3_51-.Ltmp43, $1  }
0x2bd: {  	_ =	sdelay $0x3  }
0x2be: {  	s4 =	simm.s32 $0xA118;
	p1 =	por $0x0, $0x0  }
0x2bf: {  	v1 =	vld.msk @!p1 [tilespmem:s4+$0x0], $0x1;
	_ =	sdelay $0x4  }
0x2c0: {  	(v2sf) =	vpush @!p1 v1, $0x0;
	_ =	sdelay $0xd  }
0x2c1: {  	p3 =	sne.s32 s2, $0x1  }
.Ltmp44:
0x2c2: {  	s5 =	spop @!p1 (v2sf);
	(pc) =	sbr.rel @!p3 .LBB3_49-.Ltmp44, $4  }
0x2c3: {  	p2 =	seq.s32 @!p1 s0, s5  }
0x2c4: {  	s5 =	simm.s32 $0x0;
	p2 =	por !p2, p1  }
0x2c5: {  	s7 =	simm.s32 $0xFFFFFFFF;
	s5 =	simm.s32 @p2 $0xFFFFFFFF  }
0x2c6: {  	s6 =	simm.s32 $0x1;
	s5 =	smov.u32 @p1 s7  }
.LBB3_48:
0x2c7: {  	s7 =	smov.u32 s5;
	p1 =	sne.s32 s5, $0xFFFFFFFF  }
0x2c8: {  	s4 =	sadd.s32 $0x1, s4;
	s5 =	smov.u32 s6;
	s6 =	sadd.s32 $0x1, s6  }
0x2c9: {  	p2 =	sne.s32 s2, s6;
	v1 =	vld.msk @!p1 [tilespmem:s4+$0x0], $0x1;
	_ =	sdelay $0x4  }
0x2ca: {  	(v2sf) =	vpush @!p1 v1, $0x0;
	_ =	sdelay $0xe  }
.Ltmp45:
0x2cb: {  	s8 =	spop @!p1 (v2sf);
	(pc) =	sbr.rel @p2 .LBB3_48-.Ltmp45, $4  }
0x2cc: {  	p3 =	seq.s32 @!p1 s0, s8  }
0x2cd: {  	p3 =	por !p3, p1  }
0x2ce: {  	s5 =	simm.s32 @p3 $0xFFFFFFFF  }
0x2cf: {  	s5 =	smov.u32 @p1 s7  }
.LBB3_49:
0x2d0: {  	p1 =	seq.s32 s5, $0xFFFFFFFF  }
.Ltmp46:
0x2d1: {  	_ = 	snop;
	(pc) =	sbr.rel @p1 .LBB3_51-.Ltmp46, $1  }
0x2d2: {  	_ =	sdelay $0x3  }
0x2d3: {  	s0 =	sshll.u32 s3, $0x6  }
0x2d4: {  	s0 =	sand.u32 $0x3FFFFFC0, s0  }
0x2d5: {  	v0 =	vld [tilespmem:s0+$0xA138];
	_ =	sdelay $0x2  }
0x2d6: {  	s4 =	sshll.u32 s5, $0x8  }
0x2d7: {  	s4 =	sshra.s32 s4, $0x2  }
0x2d8: {  	[tilespmem:s4+$0xA138] =	vst.add.f32.msk $0xffff, v0  }
0x2d9: {  	v0 =	vld [tilespmem:s0+$0xA148];
	_ =	sdelay $0x4  }
0x2da: {  	[tilespmem:s4+$0xA148] =	vst.add.f32.msk $0xffff, v0  }
0x2db: {  	v0 =	vld [tilespmem:s0+$0xA158];
	_ =	sdelay $0x4  }
0x2dc: {  	[tilespmem:s4+$0xA158] =	vst.add.f32.msk $0xffff, v0  }
0x2dd: {  	v0 =	vld [tilespmem:s0+$0xA168]  }
.Ltmp47:
0x2de: {  	_ = 	snop;
	(pc) =	sbr.rel .LBB3_52-.Ltmp47, $2  }
0x2df: {  	_ =	sdelay $0x2  }
0x2e0: {  	[tilespmem:s4+$0xA168] =	vst.add.f32.msk $0xffff, v0  }
.LBB3_53:
0x2e1: {  	p1 =	slt.s32 s2, $0x1  }
.Ltmp48:
0x2e2: {  	_ = 	snop;
	(pc) =	sbr.rel @p1 .LBB3_57-.Ltmp48, $3  }
0x2e3: {  	_ =	sdelay $0x1  }
0x2e4: {  	s0 =	simm.s32 $0x8  }
0x2e5: {  	[sflag:s0] =	ssyncpa.u1 $0x1;
	s0 =	simm.s32 $0x0  }
0x2e6: {  	s3 =	simm.s32 $0xA118  }
0x2e7: {  	v0 =	vld.msk [tilespmem:s3+$0x0], $0x1;
	_ =	sdelay $0x4  }
0x2e8: {  	(v2sf) =	vpush v0, $0x0;
	_ =	sdelay $0xe  }
0x2e9: {  	s2 =	sadd.s32 $0xFFFFFFFF, s2;
	s4 =	spop (v2sf)  }
0x2ea: {  	p2 =	sne.s32 s2, $0x0;
	p1 =	sgt.u32 s4, $0xC34F8  }
.Ltmp49:
0x2eb: {  	s5 =	sand.u32 @!p1 $0xFFFF8, s4;
	(pc) =	sbr.rel @!p2 .LBB3_56-.Ltmp49, $4  }
0x2ec: {  	s3 =	simm.s32 $0xA138;
	s4 =	sand.u32 @!p1 $0x7, s4;
	s5 =	sadd.s32 @!p1 s1, s5  }
0x2ed: {  	[hbm4b:s5+s4] =	stream.linear.scatter @!p1 [tilespmem:s3], [sflag:$0x7], $0x40, $0x38;
	[tilespmem:$0x1EF88] =	vst v63  }
0x2ee: {  	s5 =	simm.s32 $0x0  }
0x2ef: {  	s4 =	simm.s32 $0xA119;
	s5 =	simm.s32 @!p1 $0x100  }
.LBB3_55:
0x2f0: {  	v0 =	vld.msk [tilespmem:s4+$0x0], $0x1;
	s2 =	sadd.s32 $0xFFFFFFFF, s2;
	s0 =	sadd.s32 s0, s5  }
0x2f1: {  	p1 =	sne.s32 s2, $0x0;
	_ =	sdelay $0x3  }
0x2f2: {  	(v2sf) =	vpush v0, $0x0;
	_ =	sdelay $0xe  }
.Ltmp50:
0x2f3: {  	s6 =	spop (v2sf);
	(pc) =	sbr.rel @p1 .LBB3_55-.Ltmp50, $4  }
0x2f4: {  	s5 =	simm.s32 $0x0;
	p2 =	sgt.u32 s6, $0xC34F8  }
0x2f5: {  	s3 =	sadd.s32 $0x40, s3;
	s5 =	simm.s32 @!p2 $0x100;
	s7 =	sand.u32 @!p2 $0xFFFF8, s6  }
0x2f6: {  	s4 =	sadd.s32 $0x1, s4;
	s6 =	sand.u32 @!p2 $0x7, s6;
	s7 =	sadd.s32 @!p2 s1, s7  }
0x2f7: {  	[hbm4b:s7+s6] =	stream.linear.scatter @!p2 [tilespmem:s3], [sflag:$0x7], $0x40, $0x38;
	[tilespmem:$0x1EF88] =	vst v63  }
.LBB3_56:
0x2f8: {  	s0 =	sadd.s32 s0, s5  }
0x2f9: {  	s0 =	sshrl.u32 s0, $0x2  }
.LBB3_57:
0x2fa: {  	s1 =	simm.s32 $0x7  }
0x2fb: {  	_ =	swait.ge [sflag:s1], s0  }
0x2fc: {  	s31 =	ssub.s32 $0x0, s0;
	[sflag:s1] =	ssyncset.done $0x0  }
0x2fd: {  	[sflag:s1] =	ssyncadd.s32 s31  }
0x2fe: {  	[sflag:s1] =	ssyncpa.u1 $0x1  }
.LBB3_58:
0x2ff: {  	_ =	sfence;
	s0 =	simm.s32 $0x1  }
0x300: {  	[sflag:s0] =	ssyncpa.u1 $0x1  }
0x301: {  	_ =	strace $0x90000053  }
0x302: {  	[bflag:$0x2] =	sbarrier.arrive $0xFFFF  }
0x303: {  	s0 =	rddreg [dreg:$0x3]  }
0x304: {  	s0 =	sadd.s32 @!p0 $0x100000, s0  }
0x305: {  	[sflag:s0] =	ssyncadd.tile.s32 @!p0 $0x1;
	_ =	shalt  }
.Lfunc_end3:
_tile_overlayer_lowered:
.L_overlay_start_3:
0x306: {  	(tag) =	ssettag $0x3  }
0x307: {  	s0 =	rddreg [dreg:$0x0];
	s2 =	stileid.u32  }
0x308: {  	s1 =	rddreg [dreg:$0x1];
	p0 =	sne.s32 s2, $0x0  }
0x309: {  	s3 =	rddreg [dreg:$0x2];
	[bflag:$0x3] =	sbarrier.arrive $0xFFFF;
	s2 =	simm.s32 @!p0 $0x1C01  }
0x30a: {  	[timem:s3], [sflag:s2] =	dma.local @!p0 [hbm:s0], s1  }
0x30b: {  	s0 =	simm.s32 @!p0 $0x1  }
0x30c: {  	_ =	swait.ge @!p0 [sflag:s0], s1  }
0x30d: {  	s1 =	ssub.s32 @!p0 $0x0, s1;
	[sflag:s0] =	ssyncset.done @!p0 $0x0  }
0x30e: {  	[sflag:s0] =	ssyncadd.s32 @!p0 s1  }
0x30f: {  	[bflag:$0x3] =	sbarrier.arrive $0xFFFF  }
0x310: {  	_ =	shalt  }

// kernel: scatter_offload_async_start.2
scs
__scs_entry_jumppad:
0x0: {  	(pc) =	sbr.rel $0x88, $3  }
0x1: {  	(tag) =	ssettag $0x0;
	lr =	simm.s32 $0x1  }
0x2: {  	[smem:$0x3F77] =	sst lr;
	_ =	strace $0xD0000000  }
0x3: {  	_ = 	snop  }
0x4: {  	_ = 	snop  }
0x5: {  	_ = 	snop  }
0x6: {  	_ = 	snop  }
0x7: {  	_ = 	snop  }
__scs_overlays_trampoline_lowered:
0x8: {  	[smem:$0x3F86] =	sst s0  }
0x9: {  	[smem:$0x3F87] =	sst s1  }
0xa: {  	[smem:$0x3F88] =	sst s2  }
0xb: {  	[smem:$0x3F89] =	sst s3  }
0xc: {  	[smem:$0x3F8A] =	sst s4  }
0xd: {  	[smem:$0x3F8B] =	sst s5  }
0xe: {  	[smem:$0x3F8C] =	sst s6  }
0xf: {  	[smem:$0x3F8D] =	sst s7  }
0x10: {  	[smem:$0x3F8E] =	sst s8  }
0x11: {  	[smem:$0x3F8F] =	sst s9;
	s0 =	simm.s32 @!p0 $0x0  }
0x12: {  	s1 =	sld [smem:$0x3F75];
	s0 =	simm.s32 @p0 $0x1  }
0x13: {  	[smem:$0x3F90] =	sst s0;
	s0 =	simm.s32 @!p1 $0x0  }
0x14: {  	s2 =	sld [smem:$0x3F74];
	s0 =	simm.s32 @p1 $0x1  }
0x15: {  	[smem:$0x3F91] =	sst s0;
	s0 =	simm.s32 @!p2 $0x0  }
0x16: {  	s3 =	sld [smem:$0x3FDB];
	s0 =	simm.s32 @p2 $0x1  }
0x17: {  	s4 =	simm.s32 $0x1BF5;
	[smem:$0x3F93] =	sst s0  }
0x18: {  	s0 =	sld [smem:$0x3F76];
	_ =	swait.ge [sflag:s4], $0x0  }
0x19: {  	s7 =	sld [smem:$0x3F77]  }
0x1a: {  	s8 =	sadd.s32 $0xFFFFE003, lr  }
0x1b: {  	s9 =	sadd.s32 $0xFFFFFEF7, lr;
	s5 =	simm.s32 $0xFFFFFFFF;
	p2 =	slt.u32 s8, $0xFFFFF086  }
0x1c: {  	p1 =	slt.u32 s9, $0xF7A;
	s5 =	simm.s32 @!p2 $0x0  }
0x1d: {  	s5 =	simm.s32 @p1 $0x1;
	p0 =	seq.s32 s7, s2  }
0x1e: {  	s7 =	smul.u32 @!p0 $0xF7A, s2;
	p2 =	seq.s32 @!p0 s5, $0x0  }
0x1f: {  	s9 =	smul.u32 $0xF7A, s1;
	s8 =	simm.s32 @!p0 $0x1BF5;
	p2 =	por !p2, p0  }
0x20: {  	[sflag:s8] =	ssyncset.s32 @!p0 $0xFFFFF086;
	s6 =	sadd.s32 @!p0 s3, s7;
	s7 =	simm.s32 @!p0 $0x108  }
0x21: {  	s3 =	sadd.s32 s3, s9;
	s6 =	sadd.s32 @!p0 $0x88, s6;
	s7 =	simm.s32 @p2 $0x1082  }
0x22: {  	[simem:s7], [sflag:s8] =	dma.local @!p0 [hbm:s6], $0xF7A  }
0x23: {  	s9 =	sor.u32 $0xD0000000, s2;
	s6 =	simm.s32 $0x108;
	_ =	swait.ge @!p0 [sflag:s8], $0x0  }
0x24: {  	s3 =	sadd.s32 $0x88, s3;
	s6 =	simm.s32 @!p1 $0x1082;
	[sflag:s4] =	ssyncset.s32 $0xFFFFF086  }
0x25: {  	[simem:s6], [sflag:s4] =	dma.local [hbm:s3], $0xF7A  }
0x26: {  	[smem:$0x3F77] =	sst s1;
	(tag) =	ssettag s2;
	_ =	strace s9  }
0x27: {  	s1 =	sld [smem:$0x3F87]  }
0x28: {  	s2 =	sld [smem:$0x3F88]  }
0x29: {  	s4 =	sld [smem:$0x3F8A]  }
0x2a: {  	p0 =	seq.s32 s5, $0x0;
	s5 =	sld [smem:$0x3F8B]  }
0x2b: {  	s6 =	sld [smem:$0x3F8C]  }
0x2c: {  	s7 =	sld [smem:$0x3F8D]  }
0x2d: {  	s3 =	simm.s32 $0x108;
	s8 =	sld [smem:$0x3F8E]  }
0x2e: {  	s3 =	simm.s32 @!p0 $0x1082;
	s9 =	sld [smem:$0x3F8F]  }
0x2f: {  	lr =	sadd.s32 s0, s3;
	s0 =	sld [smem:$0x3F86]  }
0x30: {  	s3 =	sld [smem:$0x3F89]  }
0x31: {  	[smem:$0x3F92] =	sst s10  }
0x32: {  	s10 =	sld [smem:$0x3F90];
	_ =	sdelay $0x3  }
0x33: {  	p0 =	seq.s32 s10, $0x1;
	s10 =	sld [smem:$0x3F92];
	_ =	sdelay $0x3  }
0x34: {  	[smem:$0x3F92] =	sst s10  }
0x35: {  	s10 =	sld [smem:$0x3F91];
	_ =	sdelay $0x3  }
0x36: {  	p1 =	seq.s32 s10, $0x1;
	s10 =	sld [smem:$0x3F92];
	_ =	sdelay $0x3  }
0x37: {  	[smem:$0x3F92] =	sst s10  }
0x38: {  	s10 =	sld [smem:$0x3F93]  }
0x39: {  	_ = 	snop;
	(pc) =	sbr.ind lr, $3  }
0x3a: {  	_ = 	snop  }
0x3b: {  	_ = 	snop  }
0x3c: {  	p2 =	seq.s32 s10, $0x1;
	s10 =	sld [smem:$0x3F92]  }
0x3d: {  	_ =	shalt  }
0x3e: {  	_ =	shalt  }
0x3f: {  	_ =	shalt  }
0x40: {  	_ =	shalt  }
0x41: {  	_ =	shalt  }
0x42: {  	_ =	shalt  }
0x43: {  	_ =	shalt  }
0x44: {  	_ =	shalt  }
0x45: {  	_ =	shalt  }
0x46: {  	_ =	shalt  }
0x47: {  	_ =	shalt  }
0x48: {  	_ =	shalt  }
0x49: {  	_ =	shalt  }
0x4a: {  	_ =	shalt  }
0x4b: {  	_ =	shalt  }
0x4c: {  	_ =	shalt  }
0x4d: {  	_ =	shalt  }
0x4e: {  	_ =	shalt  }
0x4f: {  	_ =	shalt  }
0x50: {  	_ =	shalt  }
0x51: {  	_ =	shalt  }
0x52: {  	_ =	shalt  }
0x53: {  	_ =	shalt  }
0x54: {  	_ =	shalt  }
0x55: {  	_ =	shalt  }
0x56: {  	_ =	shalt  }
0x57: {  	_ =	shalt  }
0x58: {  	_ =	shalt  }
0x59: {  	_ =	shalt  }
0x5a: {  	_ =	shalt  }
0x5b: {  	_ =	shalt  }
0x5c: {  	_ =	shalt  }
0x5d: {  	_ =	shalt  }
0x5e: {  	_ =	shalt  }
0x5f: {  	_ =	shalt  }
0x60: {  	_ =	shalt  }
0x61: {  	_ =	shalt  }
0x62: {  	_ =	shalt  }
0x63: {  	_ =	shalt  }
0x64: {  	_ =	shalt  }
0x65: {  	_ =	shalt  }
0x66: {  	_ =	shalt  }
0x67: {  	_ =	shalt  }
0x68: {  	_ =	shalt  }
0x69: {  	_ =	shalt  }
0x6a: {  	_ =	shalt  }
0x6b: {  	_ =	shalt  }
0x6c: {  	_ =	shalt  }
0x6d: {  	_ =	shalt  }
0x6e: {  	_ =	shalt  }
0x6f: {  	_ =	shalt  }
0x70: {  	_ =	shalt  }
0x71: {  	_ =	shalt  }
0x72: {  	_ =	shalt  }
0x73: {  	_ =	shalt  }
0x74: {  	_ =	shalt  }
0x75: {  	_ =	shalt  }
0x76: {  	_ =	shalt  }
0x77: {  	_ =	shalt  }
0x78: {  	_ =	shalt  }
0x79: {  	_ =	shalt  }
0x7a: {  	_ =	shalt  }
0x7b: {  	_ =	shalt  }
0x7c: {  	_ =	shalt  }
0x7d: {  	_ =	shalt  }
0x7e: {  	_ =	shalt  }
0x7f: {  	_ =	shalt  }
0x80: {  	_ =	shalt  }
0x81: {  	_ =	shalt  }
0x82: {  	_ =	shalt  }
0x83: {  	_ =	shalt  }
0x84: {  	_ =	shalt  }
0x85: {  	_ =	shalt  }
0x86: {  	_ =	shalt  }
0x87: {  	_ =	shalt  }
.Lfunc_end0:
.L_simem_size_0:
called_computation.2_lowered:
.L_overlay_start_0:
0x88: {  	s2 =	sld [smem:$0x3FD9]  }
0x89: {  	s3 =	sld [smem:$0x3FFE];
	_ =	sdelay $0x1  }
0x8a: {  	s1 =	srdreg.scid  }
0x8b: {  	s0 =	sand.u32 $0x1, s1  }
0x8c: {  	s16 =	sshll.u32 s0, $0xA;
	s2 =	sadd.s32 s3, s2  }
0x8d: {  	s2 =	sadd.s32 s2, s16  }
0x8e: {  	[smem:$0x3F9E] =	sst s2  }
0x8f: {  	_ = 	snop  }
0x90: {  	s2 =	sld [smem:$0x3FD0];
	(tm) =	ssettm $0x1  }
0x91: {  	s17 =	sld [smem:$0x3FFB];
	_ =	sdelay $0x3  }
0x92: {  	_ =	strace s17  }
0x93: {  	s3 =	sld [smem:$0x3FFC];
	_ =	sdelay $0x3  }
0x94: {  	_ =	strace s3  }
0x95: {  	s3 =	sld [smem:$0x3FFD];
	_ =	sdelay $0x3  }
0x96: {  	_ =	strace s3  }
0x97: {  	_ =	strace $0x8FFFFFFF  }
0x98: {  	s18 =	sld [smem:$0x3FDB];
	_ =	sdelay $0x1  }
0x99: {  	s4 =	simm.s32 $_scs_section_size  }
0x9a: {  	s5 =	simm.s32 $_size__tile_overlayer_lowered;
	s6 =	simm.s32 $_tile_overlayer_lowered  }
0x9b: {  	s21 =	simm.s32 $0x1BFF;
	s20 =	sshll.u32 s6, $0x1;
	s3 =	sadd.s32 s4, s18  }
0x9c: {  	s7 =	simm.s32 $0x0;
	s19 =	sshll.u32 s5, $0x1;
	s5 =	sadd.s32 s20, s3  }
0x9d: {  	[timem:s7], [sflag:s21] =	dma.local [hbm:s5], s19  }
0x9e: {  	_ =	swait.ge [sflag:s21], s19  }
0x9f: {  	s4 =	ssub.s32 $0x0, s19;
	[sflag:s21] =	ssyncset.done $0x0  }
0xa0: {  	[sflag:s21] =	ssyncadd.s32 s4;
	_ =	sdelay $0x1  }
0xa1: {  	s22 =	simm.s32 $0x1B8B  }
0xa2: {  	_ =	swait.ge [sflag:s22], $0x1  }
0xa3: {  	[sflag:s22] =	ssyncset.done $0x0  }
0xa4: {  	s23 =	sld [smem:$0x3FFE];
	[sflag:s22] =	ssyncadd.s32 $0xFFFFFFFF  }
0xa5: {  	s25 =	simm.s32 $0x1B8E;
	s24 =	sld [smem:$0x0]  }
0xa6: {  	s26 =	simm.s32 $execute0_lowered;
	[smem:$0x3FD2] =	sst s25  }
0xa7: {  	s6 =	sshll.u32 s26, $0x1;
	_ =	strace $0x80000055;
	[dreg:$0x1] =	wrdreg $0xFFFFFFFF  }
0xa8: {  	s28 =	simm.s32 $_size_execute0_lowered;
	s3 =	sadd.s32 s3, s6;
	[dreg:$0x0] =	wrdreg $0x0  }
0xa9: {  	s6 =	sshll.u32 s28, $0x1;
	[dreg:$0x2] =	wrdreg s3  }
0xaa: {  	[dreg:$0x3] =	wrdreg s6  }
0xab: {  	[dreg:$0x4] =	wrdreg $0xC0  }
0xac: {  	_ =	task [dreg:s7], $0x5FFFF  }
0xad: {  	[dreg:$0x1] =	wrdreg $0xFFFFFFFF  }
0xae: {  	[dreg:$0x0] =	wrdreg $0x60  }
0xaf: {  	[dreg:$0x2] =	wrdreg s2  }
0xb0: {  	[dreg:$0x3] =	wrdreg s23  }
0xb1: {  	[dreg:$0x4] =	wrdreg s1  }
0xb2: {  	[dreg:$0x5] =	wrdreg s24  }
0xb3: {  	[dreg:$0x6] =	wrdreg $0x9  }
0xb4: {  	_ =	task.clear_ibuf [dreg:s7], $0x7FFFF;
	_ =	strace $0x90000055  }
0xb5: {  	s29 =	simm.s32 $0x9;
	_ =	strace $0x80000057  }
0xb6: {  	_ =	swait.ge [sflag:s29], $0x1  }
0xb7: {  	[sflag:s29] =	ssyncadd.s32 $0xFFFFFFFF  }
0xb8: {  	_ =	strace $0x90000057  }
0xb9: {  	_ =	sfence  }
0xba: {  	s30 =	sld [smem:$0x0];
	_ =	sdelay $0x2  }
0xbb: {  	s31 =	sshll.u32 s1, $0xD;
	s1 =	sshrl.u32 s1, $0x2  }
0xbc: {  	s3 =	sand.u32 $0x4000, s31;
	s1 =	sadd.s32 s1, s30  }
0xbd: {  	s0 =	sor.u32 s3, s0;
	s1 =	sshll.u32 s1, $0x11  }
0xbe: {  	s0 =	sor.u32 s1, s0  }
0xbf: {  	s0 =	sadd.s32 $0x8F2B, s0  }
0xc0: {  	[sflag:s0] =	ssyncadd.remote.s32 $0x1  }
0xc1: {  	_ =	sfence.sel $0xFFFF  }
0xc2: {  	[dreg:$0x0] =	wrdreg $0xFFFFFFFF;
	(pc) =	sbr.abs _section_cstart, $3  }
0xc3: {  	[dreg:$0x1] =	wrdreg $0xFFFFFFFF  }
0xc4: {  	_ =	task.clear_ibuf [dreg:s7], $0x2FFFF;
	_ =	strace $0x9FFFFFFF  }
0xc5: {  	(tm) =	ssettm $0x7FFFFFFF  }
tec
execute0_lowered:
.L_overlay_start_1:
0x0: {  	(tag) =	ssettag $0x1  }
0x1: {  	s1 =	rddreg [dreg:$0x0]  }
0x2: {  	s2 =	rddreg [dreg:$0x1]  }
0x3: {  	s4 =	rddreg [dreg:$0x2];
	_ =	strace $0x80000056;
	s0 =	simm.s32 $0x1  }
0x4: {  	s3 =	simm.s32 $0x88;
	v0 =	vimm.s32 $0x0;
	[sflag:s0] =	ssyncpa.u1 $0x0  }
0x5: {  	[tilespmem:s3+$0x30] =	vst v0  }
0x6: {  	s0 =	sadd.s32 $0x3DC00, s2;
	s6 =	sadd.s32 $0xDB3200, s2;
	[tilespmem:s3+$0x20] =	vst v0  }
0x7: {  	s2 =	sadd.s32 $0x56C00, s2;
	s5 =	sand.u32 $0x1, s4;
	s4 =	simm.s32 $0x40;
	[tilespmem:s3+$0x10] =	vst v0  }
.LBB2_1:
0x8: {  	s4 =	sadd.s32 $0x40, s4  }
0x9: {  	[tilespmem:s3+$0x0] =	vst v0;
	s3 =	sadd.s32 $0x40, s3;
	p0 =	slt.u32 s4, $0x5040  }
.Ltmp0:
0xa: {  	(pc) =	sbr.rel @p0 .LBB2_1-.Ltmp0, $4  }
0xb: {  	_ = 	snop  }
0xc: {  	[tilespmem:s3+$0x30] =	vst v0  }
0xd: {  	[tilespmem:s3+$0x20] =	vst v0  }
0xe: {  	[tilespmem:s3+$0x10] =	vst v0  }
0xf: {  	s28 =	simm.s32 $0x2  }
0x10: {  	s4 =	stileid.u32;
	s29 =	simm.s32 $0x9;
	s30 =	simm.s32 $0xA  }
0x11: {  	s7 =	simm.s32 $0xB;
	[dreg:$0x5] =	wrdreg s5;
	s31 =	smul.u32 $0xC800, s5  }
0x12: {  	s16 =	simm.s32 $0x0;
	p0 =	por $0x1, $0x1;
	s17 =	simm.s32 $0xFF  }
0x13: {  	p1 =	por $0x0, $0x0;
	s18 =	simm.s32 $0x1;
	s12 =	simm.s32 $0xC  }
0x14: {  	s23 =	simm.s32 $0x0;
	s21 =	simm.s32 $0x0;
	s9 =	smul.u32 $0x6400, s4  }
.Ltmp1:
0x15: {  	s20 =	simm.s32 $0x0;
	s0 =	sadd.s32 s31, s0;
	(pc) =	sbr.rel .LBB2_3-.Ltmp1, $4  }
0x16: {  	[tilespmem:s3+$0x0] =	vst v0;
	v0 =	vimm.s32 $0xFFFFFFFF;
	[sflag:s28] =	ssyncpa.u1 $0x0;
	s15 =	sshll.u32 s4, $0x7;
	[dreg:$0x9] =	wrdreg s0  }
0x17: {  	[tilespmem:$0xA108] =	vst v0;
	[sflag:s29] =	ssyncpa.u1 $0x0;
	s11 =	sadd.s32 s31, s2;
	[dreg:$0x6] =	wrdreg s9  }
0x18: {  	[sflag:s30] =	ssyncpa.u1 $0x0;
	s10 =	sadd.s32 $0x6400, s9;
	[dreg:$0x8] =	wrdreg s11  }
0x19: {  	v0 =	vlaneseq.u32;
	s22 =	smov.u32 s9;
	[sflag:s7] =	ssyncpa.u1 $0x0;
	[dreg:$0x7] =	wrdreg s10  }
.LBB2_22:
0x1a: {  	s2 =	sshrl.u32 s4, $0x2  }
.LBB2_24:
0x1b: {  	_ =	swait.ge [sflag:s12], s2  }
0x1c: {  	s31 =	ssub.s32 $0x0, s2;
	v1 =	vmov s26;
	vm0 =	veq.s32 v0, $0x0;
	[sflag:s12] =	ssyncset.done $0x0  }
0x1d: {  	vm15 =	veq.s32 v0, $0x2;
	v1 =	vsel vm0, s0, v1;
	[sflag:s12] =	ssyncadd.s32 s31  }
0x1e: {  	v1 =	vsel vm15, s23, v1;
	[sflag:s12] =	ssyncpa.u1 $0x1  }
0x1f: {  	[tilespmem:$0xA108] =	vst v1  }
.LBB2_25:
0x20: {  	s0 =	sadd.s32 $0x140, s22  }
0x21: {  	s2 =	smov.u32 s9;
	s20 =	sadd.s32 $0x1, s20;
	p2 =	slt.s32 s0, s10  }
0x22: {  	s2 =	smov.u32 @p2 s0;
	p2 =	sne.s32 s20, $0x52  }
.Ltmp2:
0x23: {  	_ = 	snop;
	(pc) =	sbr.rel @!p2 .LBB2_26-.Ltmp2, $3  }
0x24: {  	_ =	sdelay $0x1  }
0x25: {  	s23 =	smov.u32 s21;
	s21 =	smov.u32 s22;
	p0 =	por !p0, !p0  }
0x26: {  	s17 =	sadd.s32 $0x1, s17;
	p1 =	por !p1, !p1;
	s22 =	smov.u32 s2  }
.LBB2_3:
0x27: {  	p2 =	sgt.u32 s20, $0x4F  }
0x28: {  	s0 =	smul.u32 @!p2 $0xAB, s20;
	_ =	sdelay $0x1  }
0x29: {  	s0 =	sshrl.u32 @!p2 s0, $0x9  }
0x2a: {  	s2 =	smov.u32 s22;
	p3 =	sgt.s32 @!p2 s22, $0x63EC0;
	s0 =	sand.u32 @!p2 $0x7F, s0  }
0x2b: {  	s3 =	sshra.s32 @!p2 s22, $0x1F;
	p3 =	por !p3, p2;
	s0 =	smul.u32 @!p2 $0x3, s0  }
0x2c: {  	s3 =	sand.u32 @!p2 s3, s22;
	s2 =	simm.s32 @p3 $0x63EC0  }
0x2d: {  	s2 =	ssub.s32 @!p2 s2, s3;
	s0 =	ssub.s32 @!p2 s20, s0  }
0x2e: {  	s2 =	sadd.s32 @!p2 $0xFFF9C140, s2;
	s0 =	sand.u32 @!p2 $0xFF, s0  }
0x2f: {  	s3 =	sshll.u32 @!p2 s2, $0x2;
	p3 =	sgt.s32 @!p2 s2, $0x13F;
	s0 =	smul.u32 @!p2 $0x500, s0  }
0x30: {  	s4 =	sand.u32 @!p2 $0x7, s22;
	s2 =	ssub.s32 @!p2 $0x500, s3;
	p3 =	por !p3, p2  }
0x31: {  	s3 =	sshrl.u32 @!p2 s22, $0x3;
	s2 =	sshrl.u32 @!p2 s2, $0x2;
	s0 =	sshrl.u32 @!p2 s0, $0x2  }
0x32: {  	s3 =	sadd.s32 @!p2 s3, s11;
	s2 =	simm.s32 @!p3 $0x0;
	s0 =	sadd.s32 @!p2 $0xA948, s0  }
0x33: {  	[tilespmem:s0], [sflag:$0xA] =	stream.linear.gather @!p2 [hbm4b:s3+s4], s2, $0x38;
	[tilespmem:$0x1EF88] =	vst v63  }
0x34: {  	s0 =	sadd.s32 $0xFFFFFFFF, s20  }
0x35: {  	p2 =	sgt.u32 s0, $0x4F  }
.Ltmp3:
0x36: {  	_ = 	snop;
	(pc) =	sbr.rel @p2 .LBB2_7-.Ltmp3, $1  }
0x37: {  	_ =	sdelay $0x3  }
0x38: {  	p2 =	sgt.s32 s21, $0x63EC0;
	s2 =	smov.u32 s21;
	s3 =	sshra.s32 s21, $0x1F  }
0x39: {  	s4 =	sand.u32 $0xFF, s17;
	s2 =	simm.s32 @!p2 $0x63EC0;
	s3 =	sand.u32 s3, s21  }
0x3a: {  	s31 =	smulhi.u32 $0x55555556, s4;
	s2 =	ssub.s32 s2, s3  }
0x3b: {  	s0 =	sand.u32 $0x1, s0;
	s4 =	smul.u32 $0x500, s4;
	s2 =	sadd.s32 $0xFFF9C140, s2  }
0x3c: {  	s7 =	simm.s32 $0xA;
	s0 =	smul.u32 $0x500, s0;
	s5 =	sshll.u32 s2, $0x2  }
0x3d: {  	s9 =	sshrl.u32 s21, $0x3;
	s3 =	smul.u32 $0xF00, s31;
	s5 =	ssub.s32 $0x500, s5  }
0x3e: {  	s11 =	sand.u32 $0x7, s21;
	p2 =	sgt.s32 s2, $0x13F;
	s2 =	sshrl.u32 s5, $0x2  }
0x3f: {  	s0 =	sshrl.u32 s0, $0x2;
	s3 =	ssub.s32 s4, s3;
	s2 =	simm.s32 @p2 $0x0  }
0x40: {  	s0 =	sadd.s32 $0xAD08, s0;
	s3 =	sshra.s32 s3, $0x2;
	_ =	swait.ge [sflag:s7], s2  }
0x41: {  	s8 =	ssub.s32 $0x0, s2;
	[sflag:s7] =	ssyncset.done $0x0;
	s10 =	rddreg [dreg:$0x9]  }
0x42: {  	s28 =	sadd.s32 $0xA948, s3;
	[sflag:s7] =	ssyncadd.s32 s8;
	s3 =	sadd.s32 s9, s10  }
0x43: {  	[tilespmem:s0], [sflag:$0xB] =	stream.linear.gather [hbm4b:s3+s11], s2, $0x38;
	[tilespmem:$0x1EF88] =	vst v63  }
0x44: {  	v1 =	vld.msk [tilespmem:s28+$0x0], $0xffff;
	_ =	sdelay $0x4  }
0x45: {  	v1 =	vshll.u32 v1, $0x4  }
0x46: {  	(v2sf) =	vpush v1, $0x0  }
0x47: {  	(v2sf) =	vpush v1, $0x1  }
0x48: {  	(v2sf) =	vpush v1, $0x2;
	_ =	sdelay $0x1  }
0x49: {  	(v2sf) =	vpush v1, $0x3;
	_ =	sdelay $0x1  }
0x4a: {  	s0 =	simm.s32 $0x1;
	(v2sf) =	vpush v1, $0x4  }
0x4b: {  	s0 =	simm.s32 @!p0 $0x0  }
0x4c: {  	s0 =	smul.u32 $0x28000, s0;
	(v2sf) =	vpush v1, $0x5;
	_ =	sdelay $0x1  }
0x4d: {  	s0 =	sshrl.u32 s0, $0x2;
	(v2sf) =	vpush v1, $0x6  }
0x4e: {  	s24 =	sadd.s32 $0xB708, s0  }
0x4f: {  	s28 =	sadd.s32 $0x10, s28;
	s0 =	sadd.s32 $0xFFFFFE80, s24;
	s2 =	sadd.s32 $0xFFFFFD00, s24;
	(v2sf) =	vpush v1, $0x7  }
0x50: {  	s4 =	sadd.s32 $0xFFFFFD80, s24;
	s3 =	sadd.s32 $0xFFFFFE00, s24;
	s5 =	sadd.s32 $0xFFFFFB80, s24  }
0x51: {  	s26 =	sadd.s32 $0xFFFFFA00, s24;
	s29 =	sadd.s32 $0xFFFFFA80, s24;
	s30 =	sadd.s32 $0xFFFFFB00, s24;
	(v2sf) =	vpush v1, $0x8  }
0x52: {  	s31 =	sadd.s32 $0xFFFFF900, s24;
	s7 =	sadd.s32 $0xFFFFF980, s24;
	s8 =	spop (v2sf)  }
0x53: {  	s10 =	sadd.s32 $0xFFFFF880, s24;
	(v2sf) =	vpush v1, $0x9;
	s8 =	sand.u32 $0x1FFFFFF0, s8;
	s11 =	spop (v2sf)  }
0x54: {  	s8 =	sadd.s32 s6, s8;
	s11 =	sand.u32 $0x1FFFFFF0, s11;
	s13 =	spop (v2sf)  }
0x55: {  	[tilespmem:s10], [sflag:$0x9] =	stream.linear.gather [hbm4b:s8+s16], $0x40, $0x38;
	[tilespmem:$0x1EF88] =	vst v63  }
0x56: {  	(v2sf) =	vpush v1, $0xA;
	s12 =	sadd.s32 s6, s11;
	s19 =	sand.u32 $0x1FFFFFF0, s13;
	s9 =	spop (v2sf)  }
0x57: {  	(v2sf) =	vpush v1, $0xB;
	[tilespmem:s31], [sflag:$0x9] =	stream.linear.gather [hbm4b:s12+s16], $0x40, $0x38;
	[tilespmem:$0x1EF88] =	vst v63  }
0x58: {  	s10 =	sadd.s32 s6, s19;
	s13 =	spop (v2sf);
	s12 =	sand.u32 $0x1FFFFFF0, s9  }
0x59: {  	(v2sf) =	vpush v1, $0xC;
	[tilespmem:s7], [sflag:$0x9] =	stream.linear.gather [hbm4b:s10+s16], $0x40, $0x38;
	[tilespmem:$0x1EF88] =	vst v63  }
0x5a: {  	s31 =	sand.u32 $0x1FFFFFF0, s13;
	s9 =	spop (v2sf);
	s19 =	sadd.s32 s6, s12  }
0x5b: {  	(v2sf) =	vpush v1, $0xD;
	[tilespmem:s26], [sflag:$0x9] =	stream.linear.gather [hbm4b:s19+s16], $0x40, $0x38;
	[tilespmem:$0x1EF88] =	vst v63  }
0x5c: {  	s11 =	sadd.s32 s6, s31;
	s12 =	sand.u32 $0x1FFFFFF0, s9;
	s13 =	spop (v2sf)  }
0x5d: {  	(v2sf) =	vpush v1, $0xE;
	[tilespmem:s29], [sflag:$0x9] =	stream.linear.gather [hbm4b:s11+s16], $0x40, $0x38;
	[tilespmem:$0x1EF88] =	vst v63  }
0x5e: {  	s19 =	sadd.s32 s6, s12;
	s26 =	sand.u32 $0x1FFFFFF0, s13;
	s29 =	spop (v2sf)  }
0x5f: {  	(v2sf) =	vpush v1, $0xF;
	[tilespmem:s30], [sflag:$0x9] =	stream.linear.gather [hbm4b:s19+s16], $0x40, $0x38;
	[tilespmem:$0x1EF88] =	vst v63  }
0x60: {  	s14 =	sadd.s32 $0xFFFFFC00, s24;
	s9 =	spop (v2sf);
	s30 =	sadd.s32 s6, s26  }
0x61: {  	[tilespmem:s5], [sflag:$0x9] =	stream.linear.gather [hbm4b:s30+s16], $0x40, $0x38;
	[tilespmem:$0x1EF88] =	vst v63  }
0x62: {  	s25 =	sadd.s32 $0xFFFFFC80, s24;
	s31 =	sand.u32 $0x1FFFFFF0, s29;
	s13 =	spop (v2sf)  }
0x63: {  	s11 =	sadd.s32 s6, s31;
	s12 =	sand.u32 $0x1FFFFFF0, s9;
	s19 =	sand.u32 $0x1FFFFFF0, s13  }
0x64: {  	[tilespmem:s14], [sflag:$0x9] =	stream.linear.gather [hbm4b:s11+s16], $0x40, $0x38;
	[tilespmem:$0x1EF88] =	vst v63  }
0x65: {  	s26 =	spop (v2sf);
	s14 =	sadd.s32 s6, s12;
	s29 =	sadd.s32 s6, s19  }
0x66: {  	s30 =	sand.u32 $0x1FFFFFF0, s26;
	s31 =	spop (v2sf);
	s19 =	sadd.s32 $0xFFFFFF00, s24  }
0x67: {  	[tilespmem:s25], [sflag:$0x9] =	stream.linear.gather [hbm4b:s14+s16], $0x40, $0x38;
	[tilespmem:$0x1EF88] =	vst v63  }
0x68: {  	s5 =	sadd.s32 s6, s30;
	s7 =	sand.u32 $0x1FFFFFF0, s31;
	s8 =	spop (v2sf)  }
0x69: {  	[tilespmem:s2], [sflag:$0x9] =	stream.linear.gather [hbm4b:s29+s16], $0x40, $0x38;
	[tilespmem:$0x1EF88] =	vst v63  }
0x6a: {  	s31 =	sadd.s32 $0xFFFFFF80, s24;
	s10 =	sand.u32 $0x1FFFFFF0, s8;
	s11 =	spop (v2sf)  }
0x6b: {  	[tilespmem:s4], [sflag:$0x9] =	stream.linear.gather [hbm4b:s5+s16], $0x40, $0x38;
	[tilespmem:$0x1EF88] =	vst v63  }
0x6c: {  	s9 =	sadd.s32 s6, s7;
	s12 =	sadd.s32 s6, s10;
	s14 =	spop (v2sf)  }
0x6d: {  	[tilespmem:s3], [sflag:$0x9] =	stream.linear.gather [hbm4b:s9+s16], $0x40, $0x38;
	[tilespmem:$0x1EF88] =	vst v63  }
0x6e: {  	s13 =	sand.u32 $0x1FFFFFF0, s11;
	s26 =	sand.u32 $0x1FFFFFF0, s14;
	s29 =	spop (v2sf)  }
0x6f: {  	[tilespmem:s0], [sflag:$0x9] =	stream.linear.gather [hbm4b:s12+s16], $0x40, $0x38;
	[tilespmem:$0x1EF88] =	vst v63  }
0x70: {  	s25 =	sadd.s32 s6, s13;
	s30 =	sadd.s32 s6, s26;
	s0 =	sand.u32 $0x1FFFFFF0, s29  }
0x71: {  	[tilespmem:s19], [sflag:$0x9] =	stream.linear.gather [hbm4b:s25+s16], $0x40, $0x38;
	[tilespmem:$0x1EF88] =	vst v63  }
0x72: {  	s26 =	sadd.s32 $0x800, s24;
	s0 =	sadd.s32 s6, s0;
	s25 =	simm.s32 $0x0  }
0x73: {  	[tilespmem:s31], [sflag:$0x9] =	stream.linear.gather [hbm4b:s30+s16], $0x40, $0x38;
	[tilespmem:$0x1EF88] =	vst v63  }
.LBB2_5:
0x74: {  	[tilespmem:s24], [sflag:$0x9] =	stream.linear.gather [hbm4b:s0+s16], $0x40, $0x38;
	[tilespmem:$0x1EF88] =	vst v63  }
0x75: {  	s25 =	sadd.s32 $0x10, s25;
	s24 =	smov.u32 s26  }
0x76: {  	p2 =	slt.u32 s25, $0x130;
	v1 =	vld.msk [tilespmem:s28+$0x0], $0xffff;
	_ =	sdelay $0x4  }
0x77: {  	v1 =	vshll.u32 v1, $0x4  }
0x78: {  	(v2sf) =	vpush v1, $0x0  }
0x79: {  	(v2sf) =	vpush v1, $0x1  }
0x7a: {  	(v2sf) =	vpush v1, $0x2;
	_ =	sdelay $0x1  }
0x7b: {  	(v2sf) =	vpush v1, $0x3;
	_ =	sdelay $0x1  }
0x7c: {  	(v2sf) =	vpush v1, $0x4;
	_ =	sdelay $0x1  }
0x7d: {  	(v2sf) =	vpush v1, $0x5;
	_ =	sdelay $0x1  }
0x7e: {  	(v2sf) =	vpush v1, $0x6  }
0x7f: {  	s30 =	sadd.s32 $0xFFFFFE80, s26;
	s29 =	sadd.s32 $0xFFFFFF00, s26  }
0x80: {  	s4 =	sadd.s32 $0xFFFFFD00, s26;
	s0 =	sadd.s32 $0xFFFFFD80, s26;
	s31 =	sadd.s32 $0xFFFFFE00, s26;
	(v2sf) =	vpush v1, $0x7  }
0x81: {  	s2 =	sadd.s32 $0xFFFFFB80, s26;
	s3 =	sadd.s32 $0xFFFFFC00, s26;
	s5 =	sadd.s32 $0xFFFFFC80, s26  }
0x82: {  	s7 =	sadd.s32 $0xFFFFFA00, s26;
	s8 =	sadd.s32 $0xFFFFFA80, s26;
	s10 =	sadd.s32 $0xFFFFFB00, s26;
	(v2sf) =	vpush v1, $0x8  }
0x83: {  	s11 =	sadd.s32 $0xFFFFF900, s26;
	s13 =	sadd.s32 $0xFFFFF980, s26;
	s14 =	spop (v2sf)  }
0x84: {  	s9 =	sadd.s32 $0xFFFFF880, s26;
	s14 =	sand.u32 $0x1FFFFFF0, s14;
	s19 =	spop (v2sf);
	(v2sf) =	vpush v1, $0x9  }
0x85: {  	s14 =	sadd.s32 s6, s14;
	s19 =	sand.u32 $0x1FFFFFF0, s19;
	s12 =	spop (v2sf)  }
0x86: {  	[tilespmem:s9], [sflag:$0x9] =	stream.linear.gather [hbm4b:s14+s16], $0x40, $0x38;
	(v2sf) =	vpush v1, $0xA;
	[tilespmem:$0x1EF88] =	vst v63  }
0x87: {  	s9 =	sadd.s32 s6, s19;
	s12 =	sand.u32 $0x1FFFFFF0, s12;
	s14 =	spop (v2sf)  }
0x88: {  	[tilespmem:s11], [sflag:$0x9] =	stream.linear.gather [hbm4b:s9+s16], $0x40, $0x38;
	(v2sf) =	vpush v1, $0xB;
	[tilespmem:$0x1EF88] =	vst v63  }
0x89: {  	s9 =	sadd.s32 s6, s12;
	s11 =	sand.u32 $0x1FFFFFF0, s14;
	s12 =	spop (v2sf)  }
0x8a: {  	[tilespmem:s13], [sflag:$0x9] =	stream.linear.gather [hbm4b:s9+s16], $0x40, $0x38;
	(v2sf) =	vpush v1, $0xC;
	[tilespmem:$0x1EF88] =	vst v63  }
0x8b: {  	s9 =	sadd.s32 s6, s11;
	s11 =	sand.u32 $0x1FFFFFF0, s12;
	s12 =	spop (v2sf)  }
0x8c: {  	[tilespmem:s7], [sflag:$0x9] =	stream.linear.gather [hbm4b:s9+s16], $0x40, $0x38;
	(v2sf) =	vpush v1, $0xD;
	[tilespmem:$0x1EF88] =	vst v63  }
0x8d: {  	s7 =	sadd.s32 s6, s11;
	s9 =	sand.u32 $0x1FFFFFF0, s12;
	s11 =	spop (v2sf)  }
0x8e: {  	[tilespmem:s8], [sflag:$0x9] =	stream.linear.gather [hbm4b:s7+s16], $0x40, $0x38;
	(v2sf) =	vpush v1, $0xE;
	[tilespmem:$0x1EF88] =	vst v63  }
0x8f: {  	s7 =	sadd.s32 s6, s9;
	s8 =	sand.u32 $0x1FFFFFF0, s11;
	s9 =	spop (v2sf)  }
0x90: {  	[tilespmem:s10], [sflag:$0x9] =	stream.linear.gather [hbm4b:s7+s16], $0x40, $0x38;
	(v2sf) =	vpush v1, $0xF;
	[tilespmem:$0x1EF88] =	vst v63  }
0x91: {  	s7 =	sadd.s32 s6, s8;
	s8 =	sand.u32 $0x1FFFFFF0, s9;
	s9 =	spop (v2sf)  }
0x92: {  	[tilespmem:s2], [sflag:$0x9] =	stream.linear.gather [hbm4b:s7+s16], $0x40, $0x38;
	[tilespmem:$0x1EF88] =	vst v63  }
0x93: {  	s2 =	sadd.s32 s6, s8;
	s7 =	sand.u32 $0x1FFFFFF0, s9;
	s8 =	spop (v2sf)  }
0x94: {  	[tilespmem:s3], [sflag:$0x9] =	stream.linear.gather [hbm4b:s2+s16], $0x40, $0x38;
	[tilespmem:$0x1EF88] =	vst v63  }
0x95: {  	s2 =	sadd.s32 s6, s7;
	s3 =	sand.u32 $0x1FFFFFF0, s8;
	s7 =	spop (v2sf)  }
0x96: {  	[tilespmem:s5], [sflag:$0x9] =	stream.linear.gather [hbm4b:s2+s16], $0x40, $0x38;
	[tilespmem:$0x1EF88] =	vst v63  }
0x97: {  	s2 =	sadd.s32 s6, s3;
	s3 =	sand.u32 $0x1FFFFFF0, s7;
	s5 =	spop (v2sf)  }
0x98: {  	[tilespmem:s4], [sflag:$0x9] =	stream.linear.gather [hbm4b:s2+s16], $0x40, $0x38;
	[tilespmem:$0x1EF88] =	vst v63  }
0x99: {  	s2 =	sadd.s32 s6, s3;
	s3 =	sand.u32 $0x1FFFFFF0, s5;
	s4 =	spop (v2sf)  }
0x9a: {  	[tilespmem:s0], [sflag:$0x9] =	stream.linear.gather [hbm4b:s2+s16], $0x40, $0x38;
	[tilespmem:$0x1EF88] =	vst v63  }
0x9b: {  	s0 =	sadd.s32 s6, s3;
	s2 =	sand.u32 $0x1FFFFFF0, s4;
	s3 =	spop (v2sf)  }
0x9c: {  	[tilespmem:s31], [sflag:$0x9] =	stream.linear.gather [hbm4b:s0+s16], $0x40, $0x38;
	[tilespmem:$0x1EF88] =	vst v63  }
0x9d: {  	s0 =	sadd.s32 s6, s2;
	s2 =	sand.u32 $0x1FFFFFF0, s3;
	s3 =	spop (v2sf)  }
0x9e: {  	[tilespmem:s30], [sflag:$0x9] =	stream.linear.gather [hbm4b:s0+s16], $0x40, $0x38;
	[tilespmem:$0x1EF88] =	vst v63  }
0x9f: {  	s0 =	sadd.s32 s6, s2  }
.Ltmp4:
0xa0: {  	s2 =	sand.u32 $0x1FFFFFF0, s3;
	s3 =	spop (v2sf);
	(pc) =	sbr.rel @p2 .LBB2_5-.Ltmp4, $4  }
0xa1: {  	[tilespmem:s29], [sflag:$0x9] =	stream.linear.gather [hbm4b:s0+s16], $0x40, $0x38;
	[tilespmem:$0x1EF88] =	vst v63  }
0xa2: {  	s0 =	sadd.s32 s6, s2;
	s2 =	sadd.s32 $0xFFFFFF80, s26;
	s3 =	sand.u32 $0x1FFFFFF0, s3  }
0xa3: {  	[tilespmem:s2], [sflag:$0x9] =	stream.linear.gather [hbm4b:s0+s16], $0x40, $0x38;
	[tilespmem:$0x1EF88] =	vst v63  }
0xa4: {  	s28 =	sadd.s32 $0x10, s28;
	s26 =	sadd.s32 $0x800, s26;
	s0 =	sadd.s32 s6, s3  }
0xa5: {  	[tilespmem:s24], [sflag:$0x9] =	stream.linear.gather [hbm4b:s0+s16], $0x40, $0x38;
	[tilespmem:$0x1EF88] =	vst v63  }
0xa6: {  	s9 =	rddreg [dreg:$0x6]  }
0xa7: {  	s10 =	rddreg [dreg:$0x7]  }
0xa8: {  	s11 =	rddreg [dreg:$0x8];
	s12 =	simm.s32 $0xC  }
.LBB2_7:
0xa9: {  	p2 =	slt.u32 s20, $0x2  }
.Ltmp5:
0xaa: {  	_ = 	snop;
	(pc) =	sbr.rel @p2 .LBB2_25-.Ltmp5, $1  }
0xab: {  	_ =	sdelay $0x3  }
0xac: {  	p2 =	sgt.s32 s23, $0x63EC0;
	s0 =	smov.u32 s23;
	s2 =	sshra.s32 s23, $0x1F  }
0xad: {  	s0 =	simm.s32 @!p2 $0x63EC0;
	s2 =	sand.u32 s2, s23  }
0xae: {  	s0 =	ssub.s32 s0, s2  }
0xaf: {  	s0 =	sadd.s32 $0xFFF9C140, s0  }
0xb0: {  	s3 =	simm.s32 $0x9;
	s30 =	sshll.u32 s0, $0x2  }
0xb1: {  	_ =	swait.ge [sflag:s3], $0x5000;
	s2 =	ssub.s32 $0x500, s30  }
0xb2: {  	[sflag:s3] =	ssyncset.done $0x0;
	p2 =	sgt.s32 s0, $0x13F;
	s0 =	sshrl.u32 s2, $0x2  }
0xb3: {  	s31 =	simm.s32 $0xB;
	[sflag:s3] =	ssyncadd.s32 $0xFFFFB000;
	s0 =	simm.s32 @p2 $0x0  }
0xb4: {  	_ =	swait.ge [sflag:s31], s0  }
0xb5: {  	s0 =	ssub.s32 $0x0, s0;
	[sflag:s31] =	ssyncset.done $0x0  }
0xb6: {  	[sflag:s31] =	ssyncadd.s32 s0  }
0xb7: {  	v1 =	vld [tilespmem:$0xA108];
	_ =	sdelay $0x4  }
0xb8: {  	(v2sf) =	vpush v1, $0x0  }
0xb9: {  	(v2sf) =	vpush v1, $0x1  }
0xba: {  	(v2sf) =	vpush v1, $0x2;
	_ =	sdelay $0x3  }
0xbb: {  	s2 =	sadd.s32 $0x140, s23  }
0xbc: {  	s3 =	ssub.s32 $0xC8000, s23;
	p2 =	slt.s32 s10, s2  }
0xbd: {  	s2 =	smov.u32 @p2 s10;
	p2 =	sgt.s32 s3, $0x0  }
0xbe: {  	s24 =	ssub.s32 s2, s23;
	s3 =	simm.s32 @!p2 $0x0  }
0xbf: {  	p2 =	slt.s32 s3, s24  }
0xc0: {  	s24 =	smov.u32 @p2 s3  }
0xc1: {  	s0 =	simm.s32 $0x1;
	p2 =	slt.s32 s24, $0x1  }
.Ltmp6:
0xc2: {  	s0 =	simm.s32 @!p1 $0x0;
	(pc) =	sbr.rel @p2 .LBB2_12-.Ltmp6, $4  }
0xc3: {  	s4 =	smul.u32 $0x500, s0  }
0xc4: {  	s2 =	spop (v2sf)  }
0xc5: {  	s4 =	sshrl.u32 s4, $0x2;
	s3 =	spop (v2sf)  }
0xc6: {  	s25 =	sadd.s32 $0xAD08, s4;
	s23 =	spop (v2sf)  }
0xc7: {  	s4 =	smin.u32 s24, $0x10  }
0xc8: {  	v1 =	vmov s4  }
0xc9: {  	p3 =	sgt.s32 s24, $0x10;
	vm1 =	vgt.u32 v1, v0  }
.Ltmp7:
0xca: {  	_ = 	snop;
	(pc) =	sbr.rel @!p3 .LBB2_11-.Ltmp7, $2  }
0xcb: {  	_ =	sdelay $0x2  }
0xcc: {  	s5 =	simm.s32 $0x10;
	s26 =	sadd.s32 $0xFFFFFFF0, s24;
	s4 =	smov.u32 s25;
	vm0 =	vmmov vm1  }
.LBB2_10:
0xcd: {  	s7 =	smin.u32 s26, $0x10;
	s5 =	sadd.s32 $0x10, s5;
	v1 =	vld.msk [tilespmem:s4+$0x0 ss:$0x1], vm1  }
0xce: {  	v2 =	vmov s7;
	p3 =	slt.s32 s5, s24  }
0xcf: {  	vm1 =	vgt.u32 v2, v0  }
.Ltmp8:
0xd0: {  	(pc) =	sbr.rel @p3 .LBB2_10-.Ltmp8, $3  }
0xd1: {  	_ =	sdelay $0x1  }
0xd2: {  	v1 =	vshll.u32 v1, $0x4  }
0xd3: {  	s26 =	sadd.s32 $0xFFFFFFF0, s26;
	[tilespmem:s4+$0x0] =	vst.msk vm0, v1;
	s4 =	sadd.s32 $0x10, s4;
	vm0 =	vmmov vm1  }
.LBB2_11:
0xd4: {  	_ =	sdelay $0x4  }
0xd5: {  	v1 =	vld.msk [tilespmem:s4+$0x0 ss:$0x1], vm1;
	_ =	sdelay $0x4  }
0xd6: {  	v1 =	vshll.u32 v1, $0x4  }
0xd7: {  	[tilespmem:s4+$0x0] =	vst.msk vm0, v1  }
.LBB2_12:
0xd8: {  	s4 =	sand.u32 $0x1, s20  }
0xd9: {  	s4 =	smul.u32 $0x140, s4  }
0xda: {  	p3 =	sne.s32 s3, $0xFFFFFFFF  }
0xdb: {  	v1 =	vld.msk @!p3 [tilespmem:s4+$0xAD08], $0x1;
	_ =	sdelay $0x4  }
0xdc: {  	(v2sf) =	vpush @!p3 v1, $0x0;
	_ =	sdelay $0xc  }
.Ltmp9:
0xdd: {  	_ = 	snop;
	(pc) =	sbr.rel @p2 .LBB2_23-.Ltmp9, $4  }
0xde: {  	_ = 	snop  }
0xdf: {  	s30 =	spop @!p3 (v2sf)  }
0xe0: {  	s23 =	simm.s32 @!p3 $0x0;
	s26 =	smov.u32 s30  }
0xe1: {  	[sflag:s12] =	ssyncpa.u1 $0x0;
	s30 =	smov.u32 @p3 s2;
	s26 =	smov.u32 @p3 s3  }
0xe2: {  	v1 =	vld.msk [tilespmem:s25+$0x0], $0x1;
	_ =	sdelay $0x4  }
0xe3: {  	(v2sf) =	vpush v1, $0x0;
	_ =	sdelay $0xe  }
0xe4: {  	s0 =	smul.u32 $0x28000, s0;
	s3 =	spop (v2sf)  }
0xe5: {  	p2 =	seq.s32 s30, s3  }
0xe6: {  	s2 =	smov.u32 s30;
	s0 =	sshrl.u32 s0, $0x2;
	p3 =	sgt.s32 @!p2 s30, $0x0  }
0xe7: {  	s28 =	sadd.s32 $0xAFA8, s0;
	s0 =	sadd.s32 $0xFFFFFFFF, s24;
	p3 =	por !p3, p2  }
0xe8: {  	s2 =	simm.s32 @p3 $0x0;
	p3 =	sne.s32 s0, $0x0  }
.Ltmp10:
0xe9: {  	_ = 	snop;
	(pc) =	sbr.rel @!p3 .LBB2_15-.Ltmp10, $4  }
0xea: {  	_ = 	snop  }
0xeb: {  	s29 =	simm.s32 $0x0;
	s4 =	simm.s32 @!p2 $0x1;
	s2 =	smin.u32 @!p2 s2, $0xC34F8  }
0xec: {  	s5 =	simm.s32 @!p2 $0x50C8;
	s4 =	smov.u32 @p2 s29;
	s7 =	sand.u32 @!p2 $0xFFFF8, s2  }
0xed: {  	s31 =	sand.u32 @!p2 $0x7, s2;
	s2 =	sadd.s32 $0x1, s25;
	s14 =	sadd.s32 @!p2 s1, s7  }
.LBB2_14:
0xee: {  	s7 =	smov.u32 s4  }
0xef: {  	[tilespmem:s5], [sflag:$0x2] =	stream.linear.gather @!p2 [hbm4b:s14+s31], $0x40, $0x38;
	[tilespmem:$0x1EF88] =	vst v63  }
0xf0: {  	s0 =	sadd.s32 $0xFFFFFFFF, s0;
	s8 =	smov.u32 s3;
	v1 =	vld.msk [tilespmem:s2+$0x0], $0x1  }
0xf1: {  	p3 =	sne.s32 s0, $0x0;
	_ =	sdelay $0x3  }
0xf2: {  	(v2sf) =	vpush v1, $0x0;
	_ =	sdelay $0xe  }
0xf3: {  	s3 =	spop (v2sf)  }
0xf4: {  	p2 =	seq.s32 s8, s3  }
0xf5: {  	p4 =	sgt.s32 @!p2 s8, $0x0;
	s5 =	sshll.u32 @!p2 s4, $0x8;
	s4 =	sadd.s32 @!p2 $0x1, s4  }
.Ltmp11:
0xf6: {  	p4 =	por !p4, p2;
	s5 =	sshra.s32 @!p2 s5, $0x2;
	(pc) =	sbr.rel @p3 .LBB2_14-.Ltmp11, $4  }
0xf7: {  	s4 =	smov.u32 @p2 s7;
	s8 =	simm.s32 @p4 $0x0;
	s5 =	sadd.s32 @!p2 $0x50C8, s5  }
0xf8: {  	s7 =	smin.u32 @!p2 s8, $0xC34F8  }
0xf9: {  	s8 =	sand.u32 @!p2 $0xFFFF8, s7;
	s31 =	sand.u32 @!p2 $0x7, s7  }
0xfa: {  	s2 =	sadd.s32 $0x1, s2;
	s14 =	sadd.s32 @!p2 s1, s8  }
.LBB2_15:
0xfb: {  	[tilespmem:s5], [sflag:$0x2] =	stream.linear.gather @!p2 [hbm4b:s14+s31], $0x40, $0x38;
	[tilespmem:$0x1EF88] =	vst v63  }
.Ltmp12:
0xfc: {  	s0 =	sshll.u32 s4, $0x6;
	(pc) =	sbr.rel .LBB2_16-.Ltmp12, $4  }
0xfd: {  	s2 =	simm.s32 $0x2;
	s0 =	sand.u32 $0x3FFFFFC0, s0  }
0xfe: {  	_ =	swait.ge [sflag:s2], s0  }
0xff: {  	s0 =	ssub.s32 $0x0, s0;
	[sflag:s2] =	ssyncset.done $0x0  }
0x100: {  	s4 =	simm.s32 $0x0;
	[sflag:s2] =	ssyncadd.s32 s0  }
.LBB2_17:
0x101: {  	v1 =	vld [tilespmem:s28+$0xFFFFFFE0];
	_ =	sdelay $0x4  }
0x102: {  	[tilespmem:s2+$0x88] =	vst.add.f32.msk $0xffff, v1  }
0x103: {  	v1 =	vld [tilespmem:s28+$0xFFFFFFF0];
	_ =	sdelay $0x4  }
0x104: {  	[tilespmem:s2+$0x98] =	vst.add.f32.msk $0xffff, v1  }
0x105: {  	v1 =	vld [tilespmem:s28+$0x0];
	_ =	sdelay $0x4  }
0x106: {  	[tilespmem:s2+$0xA8] =	vst.add.f32.msk $0xffff, v1  }
0x107: {  	v1 =	vld [tilespmem:s28+$0x10];
	_ =	sdelay $0x4  }
0x108: {  	[tilespmem:s2+$0xB8] =	vst.add.f32.msk $0xffff, v1  }
.LBB2_21:
0x109: {  	s24 =	sadd.s32 $0xFFFFFFFF, s24  }
0x10a: {  	p2 =	sne.s32 s24, $0x0  }
.Ltmp13:
0x10b: {  	_ = 	snop;
	(pc) =	sbr.rel @!p2 .LBB2_22-.Ltmp13, $2  }
0x10c: {  	_ =	sdelay $0x2  }
0x10d: {  	s28 =	sadd.s32 $0x80, s28;
	s25 =	sadd.s32 $0x1, s25;
	s30 =	smov.u32 s0  }
.LBB2_16:
0x10e: {  	v1 =	vld.msk [tilespmem:s25+$0x0], $0x1;
	_ =	sdelay $0x4  }
0x10f: {  	(v2sf) =	vpush v1, $0x0;
	_ =	sdelay $0xe  }
0x110: {  	s0 =	spop (v2sf)  }
0x111: {  	p2 =	sne.s32 s30, s0  }
.Ltmp14:
0x112: {  	_ = 	snop;
	(pc) =	sbr.rel @!p2 .LBB2_17-.Ltmp14, $3  }
0x113: {  	_ =	sdelay $0x1  }
0x114: {  	s2 =	sshll.u32 s23, $0x8  }
0x115: {  	s2 =	sshra.s32 s2, $0x2  }
0x116: {  	p2 =	seq.s32 s30, s26  }
.Ltmp15:
0x117: {  	_ = 	snop;
	(pc) =	sbr.rel @!p2 .LBB2_19-.Ltmp15, $1  }
0x118: {  	_ =	sdelay $0x3  }
.Ltmp16:
0x119: {  	s2 =	sadd.s32 $0x88, s2;
	(pc) =	sbr.rel .LBB2_20-.Ltmp16, $4  }
0x11a: {  	[spmem:s15] =	stream.linear.scatter [tilespmem:s2], [sflag:$0x1], $0x40, $0x38;
	[tilespmem:$0x1EF88] =	vst v63  }
0x11b: {  	_ =	swait.ge [sflag:s18], $0x40  }
0x11c: {  	[sflag:s18] =	ssyncset.done $0x0  }
0x11d: {  	[sflag:s18] =	ssyncadd.s32 $0xFFFFFFC0  }
.LBB2_19:
0x11e: {  	s3 =	sshll.u32 s29, $0x8  }
0x11f: {  	s3 =	sshra.s32 s3, $0x2  }
0x120: {  	v1 =	vld [tilespmem:s3+$0x50C8];
	_ =	sdelay $0x4  }
0x121: {  	[tilespmem:s2+$0x88] =	vst.add.f32.msk $0xffff, v1  }
0x122: {  	v1 =	vld [tilespmem:s3+$0x50D8];
	_ =	sdelay $0x4  }
0x123: {  	[tilespmem:s2+$0x98] =	vst.add.f32.msk $0xffff, v1  }
0x124: {  	v1 =	vld [tilespmem:s3+$0x50E8];
	_ =	sdelay $0x4  }
0x125: {  	[tilespmem:s2+$0xA8] =	vst.add.f32.msk $0xffff, v1  }
0x126: {  	v1 =	vld [tilespmem:s3+$0x50F8];
	_ =	sdelay $0x2  }
0x127: {  	p2 =	sgt.u32 s30, $0xC34F8  }
0x128: {  	s3 =	sand.u32 @!p2 $0xFFFF8, s30  }
0x129: {  	s5 =	sadd.s32 $0x88, s2;
	[tilespmem:s2+$0xB8] =	vst.add.f32.msk $0xffff, v1;
	s2 =	sadd.s32 @!p2 s1, s3;
	s3 =	sand.u32 @!p2 $0x7, s30  }
0x12a: {  	[hbm4b:s2+s3] =	stream.linear.scatter @!p2 [tilespmem:s5], [sflag:$0xC], $0x40, $0x38;
	[tilespmem:$0x1EF88] =	vst v63  }
0x12b: {  	s2 =	simm.s32 $0x0  }
0x12c: {  	s2 =	simm.s32 @!p2 $0x100  }
0x12d: {  	s4 =	sadd.s32 s2, s4  }
.LBB2_20:
0x12e: {  	s2 =	sadd.s32 $0x1, s23  }
0x12f: {  	s3 =	smulhi.u32 $0xCCCCCCCD, s2;
	_ =	sdelay $0x1  }
0x130: {  	v1 =	vld [tilespmem:s28+$0xFFFFFFE0];
	s3 =	sshrl.u32 s3, $0x8  }
0x131: {  	s3 =	smul.u32 $0x140, s3;
	_ =	sdelay $0x1  }
0x132: {  	s23 =	ssub.s32 s2, s3  }
0x133: {  	s2 =	sshll.u32 s23, $0x6  }
0x134: {  	[tilespmem:s2+$0x88] =	vst v1  }
0x135: {  	v1 =	vld [tilespmem:s28+$0xFFFFFFF0];
	_ =	sdelay $0x4  }
0x136: {  	[tilespmem:s2+$0x98] =	vst v1  }
0x137: {  	v1 =	vld [tilespmem:s28+$0x0];
	_ =	sdelay $0x4  }
0x138: {  	[tilespmem:s2+$0xA8] =	vst v1  }
0x139: {  	v1 =	vld [tilespmem:s28+$0x10]  }
.Ltmp17:
0x13a: {  	_ = 	snop;
	(pc) =	sbr.rel .LBB2_21-.Ltmp17, $2  }
0x13b: {  	_ =	sdelay $0x2  }
0x13c: {  	s29 =	sadd.s32 $0x1, s29;
	[tilespmem:s2+$0xB8] =	vst v1  }
.LBB2_23:
.Ltmp18:
0x13d: {  	(pc) =	sbr.rel .LBB2_24-.Ltmp18, $4  }
0x13e: {  	_ = 	snop  }
0x13f: {  	s0 =	simm.s32 $0x2  }
0x140: {  	_ =	swait.ge [sflag:s0], $0x0  }
0x141: {  	s2 =	simm.s32 $0x0;
	[sflag:s0] =	ssyncset.done $0x0;
	s0 =	smov.u32 s30  }
.LBB2_26:
0x142: {  	_ =	sfence.sel $0x180000  }
0x143: {  	s0 =	simm.s32 $0x9;
	[bflag:$0x0] =	sbarrier.arrive $0xFFFF  }
0x144: {  	s24 =	simm.s32 $0xA;
	[sflag:s0] =	ssyncpa.u1 $0x1  }
0x145: {  	s25 =	simm.s32 $0xB;
	[sflag:s24] =	ssyncpa.u1 $0x1  }
0x146: {  	s26 =	simm.s32 $0x2;
	[sflag:s25] =	ssyncpa.u1 $0x1  }
0x147: {  	[sflag:s26] =	ssyncpa.u1 $0x1  }
0x148: {  	v0 =	vld [tilespmem:$0xA108];
	_ =	sdelay $0x4  }
0x149: {  	(v2sf) =	vpush v0, $0x0  }
0x14a: {  	(v2sf) =	vpush v0, $0x1;
	_ =	sdelay $0x1  }
0x14b: {  	(v2sf) =	vpush v0, $0x2;
	_ =	sdelay $0xb  }
0x14c: {  	s0 =	spop (v2sf)  }
0x14d: {  	s2 =	spop (v2sf)  }
0x14e: {  	s3 =	smov.u32 s0;
	p0 =	sne.s32 s0, s2  }
0x14f: {  	s4 =	spop (v2sf);
	s3 =	simm.s32 @!p0 $0xFFFFFFFF  }
0x150: {  	v2 =	vimm.s32 $0x1;
	v3 =	vlaneseq.u32;
	p0 =	seq.s32 s4, $0xFFFFFFFF;
	v1 =	vmov s3  }
0x151: {  	s14 =	stileid.u32;
	v0 =	vperm.xlane v0, v2;
	p1 =	sne.s32 @!p0 s0, s2;
	v1 =	vperm.xlane v1, v3  }
0x152: {  	vm0 =	vcmask $0x3F04;
	s6 =	simm.s32 $0xA108;
	s0 =	simm.s32 @!p0 $0x1;
	p1 =	por !p1, p0  }
0x153: {  	s3 =	sshll.u32 s14, $0x1;
	s2 =	sshll.u32 @!p0 s4, $0x8;
	s0 =	simm.s32 @p1 $0x0;
	v0 =	vsel vm0, v1, v0  }
0x154: {  	s5 =	sor.u32 $0x800, s3;
	s2 =	sshra.s32 @!p0 s2, $0x2;
	s0 =	sor.u32 @!p0 s0, s3;
	[tilespmem:$0xA108] =	vst v0  }
0x155: {  	[spmem:s5] =	stream.linear.scatter [tilespmem:s6], [sflag:$0x1], $0x2, $0x38;
	[tilespmem:$0x1EF88] =	vst v63  }
0x156: {  	s2 =	sadd.s32 @!p0 $0x88, s2;
	s0 =	sshll.u32 @!p0 s0, $0x6  }
0x157: {  	[spmem:s0] =	stream.linear.scatter @!p0 [tilespmem:s2], [sflag:$0x1], $0x40, $0x38;
	[tilespmem:$0x1EF88] =	vst v63  }
0x158: {  	s0 =	simm.s32 @!p0 $0x42  }
0x159: {  	s28 =	simm.s32 $0x1;
	s0 =	simm.s32 @p0 $0x2  }
0x15a: {  	_ =	swait.ge [sflag:s28], s0  }
0x15b: {  	s0 =	ssub.s32 $0x0, s0;
	[sflag:s28] =	ssyncset.done $0x0  }
0x15c: {  	p0 =	sne.s32 s14, $0x0;
	[sflag:s28] =	ssyncadd.s32 s0  }
.Ltmp19:
0x15d: {  	_ =	sfence.stream.spmem;
	(pc) =	sbr.rel @p0 .LBB2_43-.Ltmp19, $4  }
0x15e: {  	s29 =	simm.s32 $0x3;
	[bflag:$0x0] =	sbarrier.arrive $0xFFFF  }
0x15f: {  	s30 =	simm.s32 $0x4;
	[sflag:s29] =	ssyncpa.u1 $0x1  }
0x160: {  	s31 =	simm.s32 $0x3C;
	[sflag:s30] =	ssyncpa.u1 $0x1  }
0x161: {  	s13 =	rddreg [dreg:$0x5];
	[sflag:s31] =	ssyncpa.u1 $0x1  }
0x162: {  	_ =	sfence.stream.spmem;
	s0 =	simm.s32 $0x5  }
0x163: {  	s2 =	simm.s32 $0x800;
	s3 =	simm.s32 $0xA118;
	[sflag:s0] =	ssyncpa.u1 $0x0  }
0x164: {  	[tilespmem:s3], [sflag:$0x5] =	stream.linear.gather [spmem:s2], $0x20, $0x38;
	[tilespmem:$0x1EF88] =	vst v63  }
0x165: {  	s26 =	simm.s32 $0x0;
	s28 =	simm.s32 $0xA138  }
0x166: {  	[tilespmem:s28], [sflag:$0x5] =	stream.linear.gather [spmem:s26], $0x800, $0x38;
	[tilespmem:$0x1EF88] =	vst v63  }
0x167: {  	_ =	swait.ge [sflag:s0], $0x820  }
0x168: {  	[sflag:s0] =	ssyncset.done $0x0  }
0x169: {  	s29 =	simm.s32 $0x0;
	[sflag:s0] =	ssyncadd.s32 $0xFFFFF7E0  }
0x16a: {  	v0 =	vld.msk [tilespmem:s29+$0xA118], $0x1;
	_ =	sdelay $0x1  }
0x16b: {  	s30 =	simm.s32 $0x1  }
0x16c: {  	v1 =	vld.msk [tilespmem:s30+$0xA118], $0x1;
	_ =	sdelay $0x1  }
0x16d: {  	(v2sf) =	vpush v0, $0x0;
	_ =	sdelay $0x2  }
0x16e: {  	(v2sf) =	vpush v1, $0x0;
	_ =	sdelay $0x2  }
0x16f: {  	s31 =	simm.s32 $0x2  }
0x170: {  	v0 =	vld.msk [tilespmem:s31+$0xA118], $0x1;
	_ =	sdelay $0x2  }
0x171: {  	s2 =	simm.s32 $0xFFFFFFFF;
	s3 =	simm.s32 $0xFFFFFFFF;
	s0 =	simm.s32 $0xC  }
.LBB2_28:
0x172: {  	s4 =	smov.u32 s3;
	s5 =	smov.u32 s2  }
0x173: {  	s2 =	sshra.s32 s0, $0x2;
	p1 =	sne.s32 s0, $0x7C;
	s0 =	sadd.s32 $0x4, s0;
	(v2sf) =	vpush v0, $0x0  }
0x174: {  	v0 =	vld.msk [tilespmem:s2+$0xA118], $0x1  }
.Ltmp20:
0x175: {  	(pc) =	sbr.rel @p1 .LBB2_28-.Ltmp20, $4  }
0x176: {  	s3 =	spop (v2sf)  }
0x177: {  	p2 =	sne.s32 s5, $0xFFFFFFFF;
	s2 =	smov.u32 s3  }
0x178: {  	p3 =	seq.s32 s3, $0xFFFFFFFF;
	s2 =	smov.u32 @p2 s5  }
0x179: {  	s3 =	smov.u32 @p3 s4;
	s2 =	smov.u32 @p3 s5  }
0x17a: {  	(v2sf) =	vpush v0, $0x0;
	_ =	sdelay $0x8  }
0x17b: {  	s0 =	spop (v2sf)  }
0x17c: {  	p1 =	sne.s32 s2, $0xFFFFFFFF;
	s4 =	smov.u32 s0  }
0x17d: {  	s9 =	simm.s32 $0x6;
	p2 =	seq.s32 s0, $0xFFFFFFFF;
	s4 =	smov.u32 @p1 s2  }
0x17e: {  	s6 =	simm.s32 $0x0;
	s4 =	smov.u32 @p2 s2;
	s2 =	spop (v2sf)  }
0x17f: {  	s0 =	smov.u32 @p2 s3;
	p1 =	sne.s32 s4, $0xFFFFFFFF;
	s5 =	smov.u32 s2  }
.Ltmp21:
0x180: {  	p2 =	seq.s32 s2, $0xFFFFFFFF;
	s5 =	smov.u32 @p1 s4;
	(pc) =	sbr.rel .LBB2_30-.Ltmp21, $4  }
0x181: {  	s10 =	simm.s32 $0xA0C8;
	s5 =	smov.u32 @p2 s4;
	s7 =	spop (v2sf)  }
0x182: {  	s11 =	simm.s32 $0x0;
	p1 =	sne.s32 s5, $0xFFFFFFFF;
	s8 =	smov.u32 s7  }
0x183: {  	s2 =	smov.u32 @p2 s0;
	p2 =	seq.s32 s7, $0xFFFFFFFF;
	s8 =	smov.u32 @p1 s5  }
0x184: {  	[sflag:s9] =	ssyncpa.u1 $0x0;
	s7 =	smov.u32 @p2 s2;
	s8 =	smov.u32 @p2 s5  }
.LBB2_36:
0x185: {  	p1 =	sgt.u32 s0, $0xC34F8  }
0x186: {  	p2 =	seq.s32 @!p1 s0, s8  }
0x187: {  	p1 =	por p1, p2  }
0x188: {  	p2 =	sne.s32 @!p1 s0, s7  }
0x189: {  	p1 =	por p1, !p2  }
0x18a: {  	s0 =	sshll.u32 @p1 s11, $0x8  }
0x18b: {  	s2 =	sand.u32 @!p1 $0xFFFF8, s0  }
0x18c: {  	s0 =	sand.u32 @!p1 $0x7, s0;
	s2 =	sadd.s32 @!p1 s1, s2  }
0x18d: {  	[tilespmem:s10], [sflag:$0x6] =	stream.linear.gather @!p1 [hbm4b:s2+s0], $0x40, $0x38;
	[tilespmem:$0x1EF88] =	vst v63  }
0x18e: {  	_ =	swait.ge @!p1 [sflag:s9], $0x40  }
0x18f: {  	[sflag:s9] =	ssyncset.done @!p1 $0x0  }
0x190: {  	[sflag:s9] =	ssyncadd.s32 @!p1 $0xFFFFFFC0  }
0x191: {  	v1 =	vld @!p1 [tilespmem:$0xA0C8];
	_ =	sdelay $0x2  }
0x192: {  	s0 =	sshll.u32 @!p1 s11, $0x8  }
0x193: {  	s2 =	sshrl.u32 @!p1 s0, $0x2  }
0x194: {  	[tilespmem:s2+$0xA138] =	vst.add.f32.msk @!p1 $0xffff, v1  }
0x195: {  	v1 =	vld @!p1 [tilespmem:$0xA0D8];
	_ =	sdelay $0x4  }
0x196: {  	[tilespmem:s2+$0xA148] =	vst.add.f32.msk @!p1 $0xffff, v1  }
0x197: {  	v1 =	vld @!p1 [tilespmem:$0xA0E8];
	_ =	sdelay $0x4  }
0x198: {  	[tilespmem:s2+$0xA158] =	vst.add.f32.msk @!p1 $0xffff, v1  }
0x199: {  	v1 =	vld @!p1 [tilespmem:$0xA0F8];
	_ =	sdelay $0x4  }
0x19a: {  	[tilespmem:s2+$0xA168] =	vst.add.f32.msk @!p1 $0xffff, v1  }
0x19b: {  	s0 =	sshrl.u32 s0, $0x2;
	[tilespmem:s6+$0xA118] =	vst.msk $0x1, v0  }
0x19c: {  	v0 =	vld [tilespmem:s0+$0xA138];
	_ =	sdelay $0x2  }
0x19d: {  	s31 =	sshll.u32 s6, $0x8  }
0x19e: {  	s2 =	sshra.s32 s31, $0x2  }
0x19f: {  	[tilespmem:s2+$0xA138] =	vst v0  }
0x1a0: {  	v0 =	vld [tilespmem:s0+$0xA148];
	_ =	sdelay $0x4  }
0x1a1: {  	[tilespmem:s2+$0xA148] =	vst v0  }
0x1a2: {  	v0 =	vld [tilespmem:s0+$0xA158];
	_ =	sdelay $0x4  }
0x1a3: {  	[tilespmem:s2+$0xA158] =	vst v0  }
0x1a4: {  	v0 =	vld [tilespmem:s0+$0xA168];
	_ =	sdelay $0x4  }
0x1a5: {  	s6 =	sadd.s32 $0x1, s6;
	[tilespmem:s2+$0xA168] =	vst v0  }
.LBB2_37:
0x1a6: {  	s11 =	sadd.s32 $0x1, s11  }
0x1a7: {  	p1 =	sne.s32 s11, $0x20  }
.Ltmp22:
0x1a8: {  	_ = 	snop;
	(pc) =	sbr.rel @!p1 .LBB2_38-.Ltmp22, $1  }
0x1a9: {  	_ =	sdelay $0x3  }
.LBB2_30:
0x1aa: {  	v0 =	vld.msk [tilespmem:s11+$0xA118], $0x1;
	_ =	sdelay $0x4  }
0x1ab: {  	(v2sf) =	vpush v0, $0x0;
	_ =	sdelay $0xe  }
0x1ac: {  	s0 =	spop (v2sf)  }
0x1ad: {  	p1 =	seq.s32 s0, $0xFFFFFFFF  }
.Ltmp23:
0x1ae: {  	_ = 	snop;
	(pc) =	sbr.rel @p1 .LBB2_37-.Ltmp23, $1  }
0x1af: {  	_ =	sdelay $0x3  }
0x1b0: {  	p1 =	slt.s32 s6, $0x1  }
.Ltmp24:
0x1b1: {  	_ = 	snop;
	(pc) =	sbr.rel @p1 .LBB2_36-.Ltmp24, $1  }
0x1b2: {  	_ =	sdelay $0x3  }
0x1b3: {  	s2 =	simm.s32 $0xA118;
	p1 =	por $0x0, $0x0  }
0x1b4: {  	v1 =	vld.msk @!p1 [tilespmem:s2+$0x0], $0x1;
	_ =	sdelay $0x4  }
0x1b5: {  	(v2sf) =	vpush @!p1 v1, $0x0;
	_ =	sdelay $0xd  }
0x1b6: {  	p3 =	sne.s32 s6, $0x1  }
.Ltmp25:
0x1b7: {  	s3 =	spop @!p1 (v2sf);
	(pc) =	sbr.rel @!p3 .LBB2_34-.Ltmp25, $4  }
0x1b8: {  	p2 =	seq.s32 @!p1 s0, s3  }
0x1b9: {  	s3 =	simm.s32 $0x0;
	p2 =	por !p2, p1  }
0x1ba: {  	s5 =	simm.s32 $0xFFFFFFFF;
	s3 =	simm.s32 @p2 $0xFFFFFFFF  }
0x1bb: {  	s4 =	simm.s32 $0x1;
	s3 =	smov.u32 @p1 s5  }
.LBB2_33:
0x1bc: {  	s5 =	smov.u32 s3;
	p1 =	sne.s32 s3, $0xFFFFFFFF  }
0x1bd: {  	s2 =	sadd.s32 $0x1, s2;
	s3 =	smov.u32 s4;
	s4 =	sadd.s32 $0x1, s4  }
0x1be: {  	p2 =	sne.s32 s6, s4;
	v1 =	vld.msk @!p1 [tilespmem:s2+$0x0], $0x1;
	_ =	sdelay $0x4  }
0x1bf: {  	(v2sf) =	vpush @!p1 v1, $0x0;
	_ =	sdelay $0xe  }
.Ltmp26:
0x1c0: {  	s12 =	spop @!p1 (v2sf);
	(pc) =	sbr.rel @p2 .LBB2_33-.Ltmp26, $4  }
0x1c1: {  	p3 =	seq.s32 @!p1 s0, s12  }
0x1c2: {  	p3 =	por !p3, p1  }
0x1c3: {  	s3 =	simm.s32 @p3 $0xFFFFFFFF  }
0x1c4: {  	s3 =	smov.u32 @p1 s5  }
.LBB2_34:
0x1c5: {  	p1 =	seq.s32 s3, $0xFFFFFFFF  }
.Ltmp27:
0x1c6: {  	_ = 	snop;
	(pc) =	sbr.rel @p1 .LBB2_36-.Ltmp27, $1  }
0x1c7: {  	_ =	sdelay $0x3  }
0x1c8: {  	s0 =	sshll.u32 s11, $0x6  }
0x1c9: {  	s0 =	sand.u32 $0x3FFFFFC0, s0  }
0x1ca: {  	v0 =	vld [tilespmem:s0+$0xA138];
	_ =	sdelay $0x2  }
0x1cb: {  	s2 =	sshll.u32 s3, $0x8  }
0x1cc: {  	s2 =	sshra.s32 s2, $0x2  }
0x1cd: {  	[tilespmem:s2+$0xA138] =	vst.add.f32.msk $0xffff, v0  }
0x1ce: {  	v0 =	vld [tilespmem:s0+$0xA148];
	_ =	sdelay $0x4  }
0x1cf: {  	[tilespmem:s2+$0xA148] =	vst.add.f32.msk $0xffff, v0  }
0x1d0: {  	v0 =	vld [tilespmem:s0+$0xA158];
	_ =	sdelay $0x4  }
0x1d1: {  	[tilespmem:s2+$0xA158] =	vst.add.f32.msk $0xffff, v0  }
0x1d2: {  	v0 =	vld [tilespmem:s0+$0xA168]  }
.Ltmp28:
0x1d3: {  	_ = 	snop;
	(pc) =	sbr.rel .LBB2_37-.Ltmp28, $2  }
0x1d4: {  	_ =	sdelay $0x2  }
0x1d5: {  	[tilespmem:s2+$0xA168] =	vst.add.f32.msk $0xffff, v0  }
.LBB2_38:
0x1d6: {  	s0 =	simm.s32 $0x6;
	p1 =	seq.s32 s6, $0x0  }
0x1d7: {  	[sflag:s0] =	ssyncpa.u1 $0x1;
	v0 =	vimm.s32 @p1 $0xFFFFFFFF  }
0x1d8: {  	s0 =	sadd.s32 $0xFFFFFFFF, s6;
	[tilespmem:$0xA938] =	vst @p1 v0  }
0x1d9: {  	v0 =	vld.msk @!p1 [tilespmem:s0+$0xA118], $0x1;
	_ =	sdelay $0x1  }
0x1da: {  	v1 =	vld.msk @!p1 [tilespmem:$0xA118], $0x1;
	_ =	sdelay $0x2  }
0x1db: {  	p2 =	seq.s32 @!p1 s0, $0x0;
	v0 =	vbroadcast @!p1 v0, $0x0  }
0x1dc: {  	vm0 =	vmmov @!p1 $0x1;
	p2 =	por !p2, p1  }
0x1dd: {  	v1 =	vnsel @!p1 vm0, $0xFFFFFFFF, v1;
	vm0 =	vcmask @!p1 $0x308;
	v0 =	vpsel !p2, $0xFFFFFFFF, v0  }
0x1de: {  	p2 =	sne.s32 @!p1 s8, s7;
	v0 =	vsel @!p1 vm0, v1, v0  }
0x1df: {  	s2 =	simm.s32 @!p1 $0xA138;
	s3 =	simm.s32 @!p1 $0x0;
	p3 =	por !p2, p1;
	[tilespmem:$0xA938] =	vst @!p1 v0  }
0x1e0: {  	[spmem:s3] =	stream.linear.scatter @!p1 [tilespmem:s2], [sflag:$0x1], $0x40, $0x38;
	[tilespmem:$0x1EF88] =	vst v63  }
0x1e1: {  	s2 =	sshll.u32 @!p3 s0, $0x8  }
0x1e2: {  	s2 =	sshra.s32 @!p3 s2, $0x2  }
0x1e3: {  	s3 =	simm.s32 @!p3 $0x40;
	s2 =	sadd.s32 @!p3 $0xA138, s2  }
0x1e4: {  	[spmem:s3] =	stream.linear.scatter @!p3 [tilespmem:s2], [sflag:$0x1], $0x40, $0x38;
	[tilespmem:$0x1EF88] =	vst v63  }
0x1e5: {  	s2 =	simm.s32 @!p3 $0x1  }
0x1e6: {  	_ =	swait.ge @!p3 [sflag:s2], $0x80  }
0x1e7: {  	p1 =	por p2, p1;
	[sflag:s2] =	ssyncset.done @!p3 $0x0  }
0x1e8: {  	[sflag:s2] =	ssyncadd.s32 @!p3 $0xFFFFFF80;
	s2 =	simm.s32 @!p1 $0x1  }
0x1e9: {  	_ =	swait.ge @!p1 [sflag:s2], $0x40  }
0x1ea: {  	s29 =	simm.s32 $0xA938;
	[sflag:s2] =	ssyncset.done @!p1 $0x0  }
0x1eb: {  	s30 =	simm.s32 $0x800;
	s31 =	simm.s32 $0x1;
	[sflag:s2] =	ssyncadd.s32 @!p1 $0xFFFFFFC0  }
0x1ec: {  	[spmem:s30] =	stream.linear.scatter [tilespmem:s29], [sflag:$0x1], $0x10, $0x38;
	[tilespmem:$0x1EF88] =	vst v63  }
0x1ed: {  	_ =	swait.ge [sflag:s31], $0x10  }
0x1ee: {  	[sflag:s31] =	ssyncset.done $0x0  }
0x1ef: {  	p1 =	seq.s32 s13, $0x0;
	s9 =	rddreg [dreg:$0x2];
	[sflag:s31] =	ssyncadd.s32 $0xFFFFFFF0  }
0x1f0: {  	s3 =	sshll.u32 @p1 s9, $0xE;
	s8 =	rddreg [dreg:$0x3]  }
0x1f1: {  	s2 =	sadd.s32 @p1 $0x15C3C, s3;
	s3 =	sshll.u32 @p1 s8, $0x11  }
0x1f2: {  	_ =	sfence.stream.spmem;
	s2 =	sor.u32 @p1 s3, s2  }
0x1f3: {  	[sflag:s2] =	ssyncadd.remote.s32 @p1 $0x1;
	s2 =	simm.s32 @p1 $0x4  }
0x1f4: {  	s4 =	simm.s32 @!p1 $0x3C;
	s3 =	sand.u32 $0xFFFFFFFE, s9;
	_ =	swait.ge @p1 [sflag:s2], $0x12  }
0x1f5: {  	s5 =	simm.s32 @!p1 $0x0;
	s3 =	sadd.s32 @!p1 $0x4, s3;
	[sflag:s2] =	ssyncset.done @p1 $0x0  }
0x1f6: {  	s7 =	simm.s32 @!p1 $0x80;
	[sflag:s2] =	ssyncadd.s32 @p1 $0xFFFFFFEE;
	s2 =	sshll.u32 @!p1 s3, $0x1A  }
0x1f7: {  	s3 =	sshll.u32 @!p1 s3, $0xD;
	s2 =	sor.u32 @!p1 s2, s8;
	_ =	swait.eq @!p1 [sflag:s4], $0x1  }
0x1f8: {  	s3 =	sor.u32 @!p1 $0x1C04, s3;
	s4 =	simm.s32 @!p1 $0x1C03;
	s2 =	sor.u32 @!p1 $0x80004000, s2  }
0x1f9: {  	[spmem:s7], [sflag:s3] =	dma.general @!p1 [spmem:s5], [sflag:s4], length:$0x10, [dreg:$0x0], stride_count:$0x0, ici_dest:s2, dma_misc:DstOpCode:WRITE  }
0x1fa: {  	p2 =	slt.s32 s0, $0x2;
	s5 =	simm.s32 @!p1 $0x100;
	s7 =	simm.s32 @!p1 $0x102  }
0x1fb: {  	[spmem:s7], [sflag:s3] =	dma.general @!p1 [spmem:s5], [sflag:s4], length:$0x2, [dreg:$0x0], stride_count:$0x0, ici_dest:s2, dma_misc:DstOpCode:WRITE  }
.Ltmp29:
0x1fc: {  	s2 =	simm.s32 @!p1 $0x3;
	(pc) =	sbr.rel @p2 .LBB2_42-.Ltmp29, $4  }
0x1fd: {  	s3 =	sshll.u32 @!p1 s9, $0xE;
	_ =	swait.ge @!p1 [sflag:s2], $0x12  }
0x1fe: {  	s4 =	sshll.u32 @!p1 s8, $0x11;
	s3 =	sadd.s32 @!p1 $0x11C3C, s3;
	[sflag:s2] =	ssyncset.done @!p1 $0x0  }
0x1ff: {  	[sflag:s2] =	ssyncadd.s32 @!p1 $0xFFFFFFEE;
	s2 =	sor.u32 @!p1 s4, s3  }
0x200: {  	s0 =	simm.s32 $0x0;
	[sflag:s2] =	ssyncadd.remote.s32 @!p1 $0xFFFFFFFF  }
0x201: {  	s0 =	simm.s32 $0xA119  }
0x202: {  	v0 =	vld.msk [tilespmem:s0+$0x0], $0x1;
	_ =	sdelay $0x4  }
0x203: {  	(v2sf) =	vpush v0, $0x0;
	_ =	sdelay $0xc  }
0x204: {  	s2 =	sadd.s32 $0xFFFFFFFE, s6  }
0x205: {  	s2 =	sadd.s32 $0xFFFFFFFF, s2  }
0x206: {  	p2 =	sne.s32 s2, $0x0;
	s3 =	spop (v2sf)  }
.Ltmp30:
0x207: {  	p1 =	sgt.u32 s3, $0xC34F8;
	(pc) =	sbr.rel @!p2 .LBB2_41-.Ltmp30, $4  }
0x208: {  	s5 =	simm.s32 $0x0;
	s4 =	sand.u32 @!p1 $0xFFFF8, s3  }
0x209: {  	s0 =	simm.s32 $0xA178;
	s3 =	sand.u32 @!p1 $0x7, s3;
	s4 =	sadd.s32 @!p1 s1, s4  }
0x20a: {  	[hbm4b:s4+s3] =	stream.linear.scatter @!p1 [tilespmem:s0], [sflag:$0x5], $0x40, $0x38;
	[tilespmem:$0x1EF88] =	vst v63  }
0x20b: {  	s5 =	simm.s32 @!p1 $0x100;
	s3 =	simm.s32 $0x0;
	s4 =	simm.s32 $0xA11A  }
.LBB2_40:
0x20c: {  	v0 =	vld.msk [tilespmem:s4+$0x0], $0x1;
	s2 =	sadd.s32 $0xFFFFFFFF, s2;
	s3 =	sadd.s32 s3, s5  }
0x20d: {  	p1 =	sne.s32 s2, $0x0;
	_ =	sdelay $0x3  }
0x20e: {  	(v2sf) =	vpush v0, $0x0;
	_ =	sdelay $0xe  }
.Ltmp31:
0x20f: {  	s6 =	spop (v2sf);
	(pc) =	sbr.rel @p1 .LBB2_40-.Ltmp31, $4  }
0x210: {  	s5 =	simm.s32 $0x0;
	p2 =	sgt.u32 s6, $0xC34F8  }
0x211: {  	s0 =	sadd.s32 $0x40, s0;
	s5 =	simm.s32 @!p2 $0x100;
	s7 =	sand.u32 @!p2 $0xFFFF8, s6  }
0x212: {  	s4 =	sadd.s32 $0x1, s4;
	s6 =	sand.u32 @!p2 $0x7, s6;
	s7 =	sadd.s32 @!p2 s1, s7  }
0x213: {  	[hbm4b:s7+s6] =	stream.linear.scatter @!p2 [tilespmem:s0], [sflag:$0x5], $0x40, $0x38;
	[tilespmem:$0x1EF88] =	vst v63  }
.LBB2_41:
0x214: {  	s0 =	sadd.s32 s3, s5  }
0x215: {  	s0 =	sshrl.u32 s0, $0x2  }
.LBB2_42:
0x216: {  	s2 =	simm.s32 $0x5  }
0x217: {  	_ =	swait.ge [sflag:s2], s0  }
0x218: {  	s31 =	ssub.s32 $0x0, s0;
	[sflag:s2] =	ssyncset.done $0x0  }
0x219: {  	[sflag:s2] =	ssyncadd.s32 s31  }
0x21a: {  	[sflag:s2] =	ssyncpa.u1 $0x1  }
.LBB2_43:
0x21b: {  	s0 =	sor.u32 s13, s14  }
0x21c: {  	p1 =	sne.s32 s0, $0x0  }
.Ltmp32:
0x21d: {  	_ = 	snop;
	(pc) =	sbr.rel @p1 .LBB2_58-.Ltmp32, $3  }
0x21e: {  	_ =	sdelay $0x1  }
0x21f: {  	[bflag:$0x0] =	sbarrier.arrive $0xFFFF  }
0x220: {  	_ =	sfence  }
0x221: {  	s0 =	simm.s32 $0x7  }
0x222: {  	s2 =	simm.s32 $0x800;
	s3 =	simm.s32 $0xA118;
	[sflag:s0] =	ssyncpa.u1 $0x0  }
0x223: {  	[tilespmem:s3], [sflag:$0x7] =	stream.linear.gather [spmem:s2], $0x20, $0x38;
	[tilespmem:$0x1EF88] =	vst v63  }
0x224: {  	s30 =	simm.s32 $0xA138;
	s2 =	simm.s32 $0x0  }
0x225: {  	[tilespmem:s30], [sflag:$0x7] =	stream.linear.gather [spmem:s2], $0x800, $0x38;
	[tilespmem:$0x1EF88] =	vst v63  }
.Ltmp33:
0x226: {  	_ = 	snop;
	(pc) =	sbr.rel .LBB2_45-.Ltmp33, $4  }
0x227: {  	_ =	swait.ge [sflag:s0], $0x820  }
0x228: {  	[sflag:s0] =	ssyncset.done $0x0  }
0x229: {  	s31 =	simm.s32 $0x8;
	[sflag:s0] =	ssyncadd.s32 $0xFFFFF7E0  }
0x22a: {  	s3 =	simm.s32 $0x0;
	[sflag:s31] =	ssyncpa.u1 $0x0  }
.LBB2_51:
0x22b: {  	p1 =	slt.u32 s0, $0xC34F9  }
0x22c: {  	s4 =	sand.u32 @p1 $0xFFFF8, s0  }
0x22d: {  	s0 =	sand.u32 @p1 $0x7, s0;
	s5 =	simm.s32 @p1 $0xA0C8;
	s4 =	sadd.s32 @p1 s1, s4  }
0x22e: {  	[tilespmem:s5], [sflag:$0x8] =	stream.linear.gather @p1 [hbm4b:s4+s0], $0x40, $0x38;
	[tilespmem:$0x1EF88] =	vst v63  }
0x22f: {  	s0 =	simm.s32 @p1 $0x8  }
0x230: {  	_ =	swait.ge @p1 [sflag:s0], $0x40  }
0x231: {  	[sflag:s0] =	ssyncset.done @p1 $0x0  }
0x232: {  	[sflag:s0] =	ssyncadd.s32 @p1 $0xFFFFFFC0  }
0x233: {  	v1 =	vld @p1 [tilespmem:$0xA0C8];
	_ =	sdelay $0x2  }
0x234: {  	s0 =	sshll.u32 @p1 s3, $0x8  }
0x235: {  	s4 =	sshrl.u32 @p1 s0, $0x2  }
0x236: {  	[tilespmem:s4+$0xA138] =	vst.add.f32.msk @p1 $0xffff, v1  }
0x237: {  	v1 =	vld @p1 [tilespmem:$0xA0D8];
	_ =	sdelay $0x4  }
0x238: {  	[tilespmem:s4+$0xA148] =	vst.add.f32.msk @p1 $0xffff, v1  }
0x239: {  	v1 =	vld @p1 [tilespmem:$0xA0E8];
	_ =	sdelay $0x4  }
0x23a: {  	[tilespmem:s4+$0xA158] =	vst.add.f32.msk @p1 $0xffff, v1  }
0x23b: {  	v1 =	vld @p1 [tilespmem:$0xA0F8];
	_ =	sdelay $0x3  }
0x23c: {  	s5 =	sshll.u32 @!p1 s3, $0x8  }
0x23d: {  	s5 =	smov.u32 @p1 s0;
	[tilespmem:s4+$0xA168] =	vst.add.f32.msk @p1 $0xffff, v1  }
0x23e: {  	s0 =	sshrl.u32 s5, $0x2;
	[tilespmem:s2+$0xA118] =	vst.msk $0x1, v0  }
0x23f: {  	v0 =	vld [tilespmem:s0+$0xA138];
	_ =	sdelay $0x2  }
0x240: {  	s31 =	sshll.u32 s2, $0x8  }
0x241: {  	s4 =	sshra.s32 s31, $0x2  }
0x242: {  	[tilespmem:s4+$0xA138] =	vst v0  }
0x243: {  	v0 =	vld [tilespmem:s0+$0xA148];
	_ =	sdelay $0x4  }
0x244: {  	[tilespmem:s4+$0xA148] =	vst v0  }
0x245: {  	v0 =	vld [tilespmem:s0+$0xA158];
	_ =	sdelay $0x4  }
0x246: {  	[tilespmem:s4+$0xA158] =	vst v0  }
0x247: {  	v0 =	vld [tilespmem:s0+$0xA168];
	_ =	sdelay $0x4  }
0x248: {  	s2 =	sadd.s32 $0x1, s2;
	[tilespmem:s4+$0xA168] =	vst v0  }
.LBB2_52:
0x249: {  	s3 =	sadd.s32 $0x1, s3  }
0x24a: {  	p1 =	sne.s32 s3, $0x20  }
.Ltmp34:
0x24b: {  	_ = 	snop;
	(pc) =	sbr.rel @!p1 .LBB2_53-.Ltmp34, $1  }
0x24c: {  	_ =	sdelay $0x3  }
.LBB2_45:
0x24d: {  	v0 =	vld.msk [tilespmem:s3+$0xA118], $0x1;
	_ =	sdelay $0x4  }
0x24e: {  	(v2sf) =	vpush v0, $0x0;
	_ =	sdelay $0xe  }
0x24f: {  	s0 =	spop (v2sf)  }
0x250: {  	p1 =	seq.s32 s0, $0xFFFFFFFF  }
.Ltmp35:
0x251: {  	_ = 	snop;
	(pc) =	sbr.rel @p1 .LBB2_52-.Ltmp35, $1  }
0x252: {  	_ =	sdelay $0x3  }
0x253: {  	p1 =	slt.s32 s2, $0x1  }
.Ltmp36:
0x254: {  	_ = 	snop;
	(pc) =	sbr.rel @p1 .LBB2_51-.Ltmp36, $1  }
0x255: {  	_ =	sdelay $0x3  }
0x256: {  	s4 =	simm.s32 $0xA118;
	p1 =	por $0x0, $0x0  }
0x257: {  	v1 =	vld.msk @!p1 [tilespmem:s4+$0x0], $0x1;
	_ =	sdelay $0x4  }
0x258: {  	(v2sf) =	vpush @!p1 v1, $0x0;
	_ =	sdelay $0xd  }
0x259: {  	p3 =	sne.s32 s2, $0x1  }
.Ltmp37:
0x25a: {  	s5 =	spop @!p1 (v2sf);
	(pc) =	sbr.rel @!p3 .LBB2_49-.Ltmp37, $4  }
0x25b: {  	p2 =	seq.s32 @!p1 s0, s5  }
0x25c: {  	s5 =	simm.s32 $0x0;
	p2 =	por !p2, p1  }
0x25d: {  	s7 =	simm.s32 $0xFFFFFFFF;
	s5 =	simm.s32 @p2 $0xFFFFFFFF  }
0x25e: {  	s6 =	simm.s32 $0x1;
	s5 =	smov.u32 @p1 s7  }
.LBB2_48:
0x25f: {  	s7 =	smov.u32 s5;
	p1 =	sne.s32 s5, $0xFFFFFFFF  }
0x260: {  	s4 =	sadd.s32 $0x1, s4;
	s5 =	smov.u32 s6;
	s6 =	sadd.s32 $0x1, s6  }
0x261: {  	p2 =	sne.s32 s2, s6;
	v1 =	vld.msk @!p1 [tilespmem:s4+$0x0], $0x1;
	_ =	sdelay $0x4  }
0x262: {  	(v2sf) =	vpush @!p1 v1, $0x0;
	_ =	sdelay $0xe  }
.Ltmp38:
0x263: {  	s8 =	spop @!p1 (v2sf);
	(pc) =	sbr.rel @p2 .LBB2_48-.Ltmp38, $4  }
0x264: {  	p3 =	seq.s32 @!p1 s0, s8  }
0x265: {  	p3 =	por !p3, p1  }
0x266: {  	s5 =	simm.s32 @p3 $0xFFFFFFFF  }
0x267: {  	s5 =	smov.u32 @p1 s7  }
.LBB2_49:
0x268: {  	p1 =	seq.s32 s5, $0xFFFFFFFF  }
.Ltmp39:
0x269: {  	_ = 	snop;
	(pc) =	sbr.rel @p1 .LBB2_51-.Ltmp39, $1  }
0x26a: {  	_ =	sdelay $0x3  }
0x26b: {  	s0 =	sshll.u32 s3, $0x6  }
0x26c: {  	s0 =	sand.u32 $0x3FFFFFC0, s0  }
0x26d: {  	v0 =	vld [tilespmem:s0+$0xA138];
	_ =	sdelay $0x2  }
0x26e: {  	s4 =	sshll.u32 s5, $0x8  }
0x26f: {  	s4 =	sshra.s32 s4, $0x2  }
0x270: {  	[tilespmem:s4+$0xA138] =	vst.add.f32.msk $0xffff, v0  }
0x271: {  	v0 =	vld [tilespmem:s0+$0xA148];
	_ =	sdelay $0x4  }
0x272: {  	[tilespmem:s4+$0xA148] =	vst.add.f32.msk $0xffff, v0  }
0x273: {  	v0 =	vld [tilespmem:s0+$0xA158];
	_ =	sdelay $0x4  }
0x274: {  	[tilespmem:s4+$0xA158] =	vst.add.f32.msk $0xffff, v0  }
0x275: {  	v0 =	vld [tilespmem:s0+$0xA168]  }
.Ltmp40:
0x276: {  	_ = 	snop;
	(pc) =	sbr.rel .LBB2_52-.Ltmp40, $2  }
0x277: {  	_ =	sdelay $0x2  }
0x278: {  	[tilespmem:s4+$0xA168] =	vst.add.f32.msk $0xffff, v0  }
.LBB2_53:
0x279: {  	p1 =	slt.s32 s2, $0x1  }
.Ltmp41:
0x27a: {  	_ = 	snop;
	(pc) =	sbr.rel @p1 .LBB2_57-.Ltmp41, $3  }
0x27b: {  	_ =	sdelay $0x1  }
0x27c: {  	s0 =	simm.s32 $0x8  }
0x27d: {  	[sflag:s0] =	ssyncpa.u1 $0x1;
	s0 =	simm.s32 $0x0  }
0x27e: {  	s3 =	simm.s32 $0xA118  }
0x27f: {  	v0 =	vld.msk [tilespmem:s3+$0x0], $0x1;
	_ =	sdelay $0x4  }
0x280: {  	(v2sf) =	vpush v0, $0x0;
	_ =	sdelay $0xe  }
0x281: {  	s2 =	sadd.s32 $0xFFFFFFFF, s2;
	s4 =	spop (v2sf)  }
0x282: {  	p2 =	sne.s32 s2, $0x0;
	p1 =	sgt.u32 s4, $0xC34F8  }
.Ltmp42:
0x283: {  	s5 =	sand.u32 @!p1 $0xFFFF8, s4;
	(pc) =	sbr.rel @!p2 .LBB2_56-.Ltmp42, $4  }
0x284: {  	s3 =	simm.s32 $0xA138;
	s4 =	sand.u32 @!p1 $0x7, s4;
	s5 =	sadd.s32 @!p1 s1, s5  }
0x285: {  	[hbm4b:s5+s4] =	stream.linear.scatter @!p1 [tilespmem:s3], [sflag:$0x7], $0x40, $0x38;
	[tilespmem:$0x1EF88] =	vst v63  }
0x286: {  	s5 =	simm.s32 $0x0  }
0x287: {  	s4 =	simm.s32 $0xA119;
	s5 =	simm.s32 @!p1 $0x100  }
.LBB2_55:
0x288: {  	v0 =	vld.msk [tilespmem:s4+$0x0], $0x1;
	s2 =	sadd.s32 $0xFFFFFFFF, s2;
	s0 =	sadd.s32 s0, s5  }
0x289: {  	p1 =	sne.s32 s2, $0x0;
	_ =	sdelay $0x3  }
0x28a: {  	(v2sf) =	vpush v0, $0x0;
	_ =	sdelay $0xe  }
.Ltmp43:
0x28b: {  	s6 =	spop (v2sf);
	(pc) =	sbr.rel @p1 .LBB2_55-.Ltmp43, $4  }
0x28c: {  	s5 =	simm.s32 $0x0;
	p2 =	sgt.u32 s6, $0xC34F8  }
0x28d: {  	s3 =	sadd.s32 $0x40, s3;
	s5 =	simm.s32 @!p2 $0x100;
	s7 =	sand.u32 @!p2 $0xFFFF8, s6  }
0x28e: {  	s4 =	sadd.s32 $0x1, s4;
	s6 =	sand.u32 @!p2 $0x7, s6;
	s7 =	sadd.s32 @!p2 s1, s7  }
0x28f: {  	[hbm4b:s7+s6] =	stream.linear.scatter @!p2 [tilespmem:s3], [sflag:$0x7], $0x40, $0x38;
	[tilespmem:$0x1EF88] =	vst v63  }
.LBB2_56:
0x290: {  	s0 =	sadd.s32 s0, s5  }
0x291: {  	s0 =	sshrl.u32 s0, $0x2  }
.LBB2_57:
0x292: {  	s1 =	simm.s32 $0x7  }
0x293: {  	_ =	swait.ge [sflag:s1], s0  }
0x294: {  	s31 =	ssub.s32 $0x0, s0;
	[sflag:s1] =	ssyncset.done $0x0  }
0x295: {  	[sflag:s1] =	ssyncadd.s32 s31  }
0x296: {  	[sflag:s1] =	ssyncpa.u1 $0x1  }
.LBB2_58:
0x297: {  	_ =	sfence;
	s0 =	simm.s32 $0x1  }
0x298: {  	[sflag:s0] =	ssyncpa.u1 $0x1  }
0x299: {  	_ =	strace $0x90000056  }
0x29a: {  	[bflag:$0x2] =	sbarrier.arrive $0xFFFF  }
0x29b: {  	s0 =	rddreg [dreg:$0x4]  }
0x29c: {  	s0 =	sadd.s32 @!p0 $0x100000, s0  }
0x29d: {  	[sflag:s0] =	ssyncadd.tile.s32 @!p0 $0x1;
	_ =	shalt  }
.Lfunc_end2:
_tile_overlayer_lowered:
.L_overlay_start_2:
0x29e: {  	(tag) =	ssettag $0x2  }
0x29f: {  	s0 =	rddreg [dreg:$0x0];
	s2 =	stileid.u32  }
0x2a0: {  	s1 =	rddreg [dreg:$0x1];
	p0 =	sne.s32 s2, $0x0  }
0x2a1: {  	s3 =	rddreg [dreg:$0x2];
	[bflag:$0x3] =	sbarrier.arrive $0xFFFF;
	s2 =	simm.s32 @!p0 $0x1C01  }
0x2a2: {  	[timem:s3], [sflag:s2] =	dma.local @!p0 [hbm:s0], s1  }
0x2a3: {  	s0 =	simm.s32 @!p0 $0x1  }
0x2a4: {  	_ =	swait.ge @!p0 [sflag:s0], s1  }
0x2a5: {  	s1 =	ssub.s32 @!p0 $0x0, s1;
	[sflag:s0] =	ssyncset.done @!p0 $0x0  }
0x2a6: {  	[sflag:s0] =	ssyncadd.s32 @!p0 s1  }
0x2a7: {  	[bflag:$0x3] =	sbarrier.arrive $0xFFFF  }
0x2a8: {  	_ =	shalt  }

// kernel: scatter_offload_async_start
scs
__scs_entry_jumppad:
0x0: {  	(pc) =	sbr.rel $0x88, $3  }
0x1: {  	(tag) =	ssettag $0x0;
	lr =	simm.s32 $0x1  }
0x2: {  	[smem:$0x3F77] =	sst lr;
	_ =	strace $0xD0000000  }
0x3: {  	_ = 	snop  }
0x4: {  	_ = 	snop  }
0x5: {  	_ = 	snop  }
0x6: {  	_ = 	snop  }
0x7: {  	_ = 	snop  }
__scs_overlays_trampoline_lowered:
0x8: {  	[smem:$0x3F86] =	sst s0  }
0x9: {  	[smem:$0x3F87] =	sst s1  }
0xa: {  	[smem:$0x3F88] =	sst s2  }
0xb: {  	[smem:$0x3F89] =	sst s3  }
0xc: {  	[smem:$0x3F8A] =	sst s4  }
0xd: {  	[smem:$0x3F8B] =	sst s5  }
0xe: {  	[smem:$0x3F8C] =	sst s6  }
0xf: {  	[smem:$0x3F8D] =	sst s7  }
0x10: {  	[smem:$0x3F8E] =	sst s8  }
0x11: {  	[smem:$0x3F8F] =	sst s9;
	s0 =	simm.s32 @!p0 $0x0  }
0x12: {  	s1 =	sld [smem:$0x3F75];
	s0 =	simm.s32 @p0 $0x1  }
0x13: {  	[smem:$0x3F90] =	sst s0;
	s0 =	simm.s32 @!p1 $0x0  }
0x14: {  	s2 =	sld [smem:$0x3F74];
	s0 =	simm.s32 @p1 $0x1  }
0x15: {  	[smem:$0x3F91] =	sst s0;
	s0 =	simm.s32 @!p2 $0x0  }
0x16: {  	s3 =	sld [smem:$0x3FDB];
	s0 =	simm.s32 @p2 $0x1  }
0x17: {  	s4 =	simm.s32 $0x1BF5;
	[smem:$0x3F93] =	sst s0  }
0x18: {  	s0 =	sld [smem:$0x3F76];
	_ =	swait.ge [sflag:s4], $0x0  }
0x19: {  	s7 =	sld [smem:$0x3F77]  }
0x1a: {  	s8 =	sadd.s32 $0xFFFFE003, lr  }
0x1b: {  	s9 =	sadd.s32 $0xFFFFFEF7, lr;
	s5 =	simm.s32 $0xFFFFFFFF;
	p2 =	slt.u32 s8, $0xFFFFF086  }
0x1c: {  	p1 =	slt.u32 s9, $0xF7A;
	s5 =	simm.s32 @!p2 $0x0  }
0x1d: {  	s5 =	simm.s32 @p1 $0x1;
	p0 =	seq.s32 s7, s2  }
0x1e: {  	s7 =	smul.u32 @!p0 $0xF7A, s2;
	p2 =	seq.s32 @!p0 s5, $0x0  }
0x1f: {  	s9 =	smul.u32 $0xF7A, s1;
	s8 =	simm.s32 @!p0 $0x1BF5;
	p2 =	por !p2, p0  }
0x20: {  	[sflag:s8] =	ssyncset.s32 @!p0 $0xFFFFF086;
	s6 =	sadd.s32 @!p0 s3, s7;
	s7 =	simm.s32 @!p0 $0x108  }
0x21: {  	s3 =	sadd.s32 s3, s9;
	s6 =	sadd.s32 @!p0 $0x88, s6;
	s7 =	simm.s32 @p2 $0x1082  }
0x22: {  	[simem:s7], [sflag:s8] =	dma.local @!p0 [hbm:s6], $0xF7A  }
0x23: {  	s9 =	sor.u32 $0xD0000000, s2;
	s6 =	simm.s32 $0x108;
	_ =	swait.ge @!p0 [sflag:s8], $0x0  }
0x24: {  	s3 =	sadd.s32 $0x88, s3;
	s6 =	simm.s32 @!p1 $0x1082;
	[sflag:s4] =	ssyncset.s32 $0xFFFFF086  }
0x25: {  	[simem:s6], [sflag:s4] =	dma.local [hbm:s3], $0xF7A  }
0x26: {  	[smem:$0x3F77] =	sst s1;
	(tag) =	ssettag s2;
	_ =	strace s9  }
0x27: {  	s1 =	sld [smem:$0x3F87]  }
0x28: {  	s2 =	sld [smem:$0x3F88]  }
0x29: {  	s4 =	sld [smem:$0x3F8A]  }
0x2a: {  	p0 =	seq.s32 s5, $0x0;
	s5 =	sld [smem:$0x3F8B]  }
0x2b: {  	s6 =	sld [smem:$0x3F8C]  }
0x2c: {  	s7 =	sld [smem:$0x3F8D]  }
0x2d: {  	s3 =	simm.s32 $0x108;
	s8 =	sld [smem:$0x3F8E]  }
0x2e: {  	s3 =	simm.s32 @!p0 $0x1082;
	s9 =	sld [smem:$0x3F8F]  }
0x2f: {  	lr =	sadd.s32 s0, s3;
	s0 =	sld [smem:$0x3F86]  }
0x30: {  	s3 =	sld [smem:$0x3F89]  }
0x31: {  	[smem:$0x3F92] =	sst s10  }
0x32: {  	s10 =	sld [smem:$0x3F90];
	_ =	sdelay $0x3  }
0x33: {  	p0 =	seq.s32 s10, $0x1;
	s10 =	sld [smem:$0x3F92];
	_ =	sdelay $0x3  }
0x34: {  	[smem:$0x3F92] =	sst s10  }
0x35: {  	s10 =	sld [smem:$0x3F91];
	_ =	sdelay $0x3  }
0x36: {  	p1 =	seq.s32 s10, $0x1;
	s10 =	sld [smem:$0x3F92];
	_ =	sdelay $0x3  }
0x37: {  	[smem:$0x3F92] =	sst s10  }
0x38: {  	s10 =	sld [smem:$0x3F93]  }
0x39: {  	_ = 	snop;
	(pc) =	sbr.ind lr, $3  }
0x3a: {  	_ = 	snop  }
0x3b: {  	_ = 	snop  }
0x3c: {  	p2 =	seq.s32 s10, $0x1;
	s10 =	sld [smem:$0x3F92]  }
0x3d: {  	_ =	shalt  }
0x3e: {  	_ =	shalt  }
0x3f: {  	_ =	shalt  }
0x40: {  	_ =	shalt  }
0x41: {  	_ =	shalt  }
0x42: {  	_ =	shalt  }
0x43: {  	_ =	shalt  }
0x44: {  	_ =	shalt  }
0x45: {  	_ =	shalt  }
0x46: {  	_ =	shalt  }
0x47: {  	_ =	shalt  }
0x48: {  	_ =	shalt  }
0x49: {  	_ =	shalt  }
0x4a: {  	_ =	shalt  }
0x4b: {  	_ =	shalt  }
0x4c: {  	_ =	shalt  }
0x4d: {  	_ =	shalt  }
0x4e: {  	_ =	shalt  }
0x4f: {  	_ =	shalt  }
0x50: {  	_ =	shalt  }
0x51: {  	_ =	shalt  }
0x52: {  	_ =	shalt  }
0x53: {  	_ =	shalt  }
0x54: {  	_ =	shalt  }
0x55: {  	_ =	shalt  }
0x56: {  	_ =	shalt  }
0x57: {  	_ =	shalt  }
0x58: {  	_ =	shalt  }
0x59: {  	_ =	shalt  }
0x5a: {  	_ =	shalt  }
0x5b: {  	_ =	shalt  }
0x5c: {  	_ =	shalt  }
0x5d: {  	_ =	shalt  }
0x5e: {  	_ =	shalt  }
0x5f: {  	_ =	shalt  }
0x60: {  	_ =	shalt  }
0x61: {  	_ =	shalt  }
0x62: {  	_ =	shalt  }
0x63: {  	_ =	shalt  }
0x64: {  	_ =	shalt  }
0x65: {  	_ =	shalt  }
0x66: {  	_ =	shalt  }
0x67: {  	_ =	shalt  }
0x68: {  	_ =	shalt  }
0x69: {  	_ =	shalt  }
0x6a: {  	_ =	shalt  }
0x6b: {  	_ =	shalt  }
0x6c: {  	_ =	shalt  }
0x6d: {  	_ =	shalt  }
0x6e: {  	_ =	shalt  }
0x6f: {  	_ =	shalt  }
0x70: {  	_ =	shalt  }
0x71: {  	_ =	shalt  }
0x72: {  	_ =	shalt  }
0x73: {  	_ =	shalt  }
0x74: {  	_ =	shalt  }
0x75: {  	_ =	shalt  }
0x76: {  	_ =	shalt  }
0x77: {  	_ =	shalt  }
0x78: {  	_ =	shalt  }
0x79: {  	_ =	shalt  }
0x7a: {  	_ =	shalt  }
0x7b: {  	_ =	shalt  }
0x7c: {  	_ =	shalt  }
0x7d: {  	_ =	shalt  }
0x7e: {  	_ =	shalt  }
0x7f: {  	_ =	shalt  }
0x80: {  	_ =	shalt  }
0x81: {  	_ =	shalt  }
0x82: {  	_ =	shalt  }
0x83: {  	_ =	shalt  }
0x84: {  	_ =	shalt  }
0x85: {  	_ =	shalt  }
0x86: {  	_ =	shalt  }
0x87: {  	_ =	shalt  }
.Lfunc_end0:
.L_simem_size_0:
called_computation_lowered:
.L_overlay_start_0:
0x88: {  	s2 =	sld [smem:$0x3FD9]  }
0x89: {  	s3 =	sld [smem:$0x3FFE];
	_ =	sdelay $0x1  }
0x8a: {  	s1 =	srdreg.scid  }
0x8b: {  	s0 =	sand.u32 $0x1, s1  }
0x8c: {  	s15 =	sshll.u32 s0, $0xA;
	s2 =	sadd.s32 s3, s2  }
0x8d: {  	s2 =	sadd.s32 s2, s15  }
0x8e: {  	[smem:$0x3F9E] =	sst s2  }
0x8f: {  	_ = 	snop  }
0x90: {  	s16 =	sld [smem:$0x3FD0];
	(tm) =	ssettm $0x1  }
0x91: {  	s17 =	sld [smem:$0x3FFB];
	_ =	sdelay $0x3  }
0x92: {  	_ =	strace s17  }
0x93: {  	s2 =	sld [smem:$0x3FFC];
	_ =	sdelay $0x3  }
0x94: {  	_ =	strace s2  }
0x95: {  	s2 =	sld [smem:$0x3FFD];
	_ =	sdelay $0x3  }
0x96: {  	_ =	strace s2  }
0x97: {  	_ =	strace $0x8FFFFFFF  }
0x98: {  	s18 =	sld [smem:$0x3FDB];
	_ =	sdelay $0x1  }
0x99: {  	s4 =	simm.s32 $_scs_section_size  }
0x9a: {  	s5 =	simm.s32 $_size__tile_overlayer_lowered;
	s6 =	simm.s32 $_tile_overlayer_lowered  }
0x9b: {  	s7 =	simm.s32 $0x1BFF;
	s19 =	sshll.u32 s6, $0x1;
	s4 =	sadd.s32 s4, s18  }
0x9c: {  	s20 =	simm.s32 $0x0;
	s5 =	sshll.u32 s5, $0x1;
	s6 =	sadd.s32 s19, s4  }
0x9d: {  	[timem:s20], [sflag:s7] =	dma.local [hbm:s6], s5  }
0x9e: {  	_ =	swait.ge [sflag:s7], s5  }
0x9f: {  	s5 =	ssub.s32 $0x0, s5;
	[sflag:s7] =	ssyncset.done $0x0  }
0xa0: {  	[sflag:s7] =	ssyncadd.s32 s5;
	_ =	sdelay $0x1  }
0xa1: {  	s21 =	simm.s32 $0x1B8B  }
0xa2: {  	_ =	swait.ge [sflag:s21], $0x1  }
0xa3: {  	[sflag:s21] =	ssyncset.done $0x0  }
0xa4: {  	s22 =	sld [smem:$0x3FFE];
	[sflag:s21] =	ssyncadd.s32 $0xFFFFFFFF  }
0xa5: {  	s24 =	simm.s32 $0x1B8E;
	s23 =	sld [smem:$0x0]  }
0xa6: {  	s25 =	simm.s32 $execute0_lowered;
	[smem:$0x3FD2] =	sst s24  }
0xa7: {  	s7 =	sshll.u32 s25, $0x1;
	_ =	strace $0x80000049;
	[dreg:$0x1] =	wrdreg $0xFFFFFFFF  }
0xa8: {  	s8 =	simm.s32 $_size_execute0_lowered;
	s7 =	sadd.s32 s4, s7;
	[dreg:$0x0] =	wrdreg $0x0  }
0xa9: {  	s8 =	sshll.u32 s8, $0x1;
	[dreg:$0x2] =	wrdreg s7  }
0xaa: {  	[dreg:$0x3] =	wrdreg s8  }
0xab: {  	[dreg:$0x4] =	wrdreg $0xC0  }
0xac: {  	s26 =	simm.s32 $execute1_lowered;
	_ =	task [dreg:s20], $0x5FFFF  }
0xad: {  	s7 =	sshll.u32 s26, $0x1;
	[dreg:$0x1] =	wrdreg $0xFFFFFFFF  }
0xae: {  	s4 =	sadd.s32 s4, s7;
	[dreg:$0x0] =	wrdreg $0x60  }
0xaf: {  	[dreg:$0x2] =	wrdreg s4  }
0xb0: {  	[dreg:$0x3] =	wrdreg s16  }
0xb1: {  	[dreg:$0x4] =	wrdreg s22  }
0xb2: {  	[dreg:$0x5] =	wrdreg $0x9  }
0xb3: {  	_ =	task.clear_ibuf [dreg:s20], $0x6FFFF;
	_ =	strace $0x90000049  }
0xb4: {  	s28 =	simm.s32 $0x9;
	_ =	strace $0x8000004B  }
0xb5: {  	_ =	swait.ge [sflag:s28], $0x1  }
0xb6: {  	[sflag:s28] =	ssyncadd.s32 $0xFFFFFFFF  }
0xb7: {  	_ =	strace $0x9000004B  }
0xb8: {  	s3 =	sld [smem:$0x0]  }
0xb9: {  	s4 =	sand.u32 $0xFFFFFFFE, s1  }
0xba: {  	p0 =	sne.s32 s1, s4  }
0xbb: {  	s4 =	sshll.u32 @p0 s4, $0xE  }
0xbc: {  	s4 =	sadd.s32 @p0 $0x11BF3, s4;
	s7 =	sshll.u32 @p0 s3, $0x11  }
0xbd: {  	s4 =	sor.u32 @p0 s7, s4  }
0xbe: {  	[sflag:s4] =	ssyncadd.remote.s32 @p0 $0x1;
	_ =	sdelay $0x1  }
0xbf: {  	s4 =	simm.s32 @p0 $0x1BF3  }
0xc0: {  	_ =	swait.eq @p0 [sflag:s4], $0x1  }
0xc1: {  	[sflag:s4] =	ssyncadd.s32 @p0 $0xFFFFFFFF  }
0xc2: {  	s7 =	sshll.u32 @!p0 s1, $0xE  }
0xc3: {  	s7 =	sor.u32 @!p0 $0x4000, s7;
	s4 =	simm.s32 @!p0 $0x1BF3  }
0xc4: {  	s3 =	sshll.u32 @!p0 s3, $0x11;
	s7 =	sadd.s32 @!p0 $0x11BF3, s7;
	_ =	swait.eq @!p0 [sflag:s4], $0x1  }
0xc5: {  	s3 =	sor.u32 @!p0 s3, s7;
	[sflag:s4] =	ssyncadd.s32 @!p0 $0xFFFFFFFF  }
0xc6: {  	[sflag:s3] =	ssyncadd.remote.s32 @!p0 $0x1  }
0xc7: {  	_ =	strace $0x8000004C;
	[dreg:$0x1] =	wrdreg $0xFFFFFFFF  }
0xc8: {  	[dreg:$0x0] =	wrdreg $0x2030  }
0xc9: {  	[dreg:$0x2] =	wrdreg s22  }
0xca: {  	[dreg:$0x3] =	wrdreg s1  }
0xcb: {  	[dreg:$0x4] =	wrdreg s23  }
0xcc: {  	[dreg:$0x5] =	wrdreg $0xA  }
0xcd: {  	_ =	task.clear_ibuf [dreg:s20], $0x6FFFF;
	_ =	strace $0x9000004C  }
0xce: {  	s29 =	simm.s32 $0xA;
	_ =	strace $0x8000004E  }
0xcf: {  	_ =	swait.ge [sflag:s29], $0x1  }
0xd0: {  	[sflag:s29] =	ssyncadd.s32 $0xFFFFFFFF  }
0xd1: {  	_ =	strace $0x9000004E  }
0xd2: {  	_ =	sfence  }
0xd3: {  	s30 =	sld [smem:$0x0];
	_ =	sdelay $0x2  }
0xd4: {  	s31 =	sshll.u32 s1, $0xD;
	s1 =	sshrl.u32 s1, $0x2  }
0xd5: {  	s4 =	sand.u32 $0x4000, s31;
	s1 =	sadd.s32 s1, s30  }
0xd6: {  	s0 =	sor.u32 s4, s0;
	s1 =	sshll.u32 s1, $0x11  }
0xd7: {  	s0 =	sor.u32 s1, s0  }
0xd8: {  	s0 =	sadd.s32 $0x8F2B, s0  }
0xd9: {  	[sflag:s0] =	ssyncadd.remote.s32 $0x1  }
0xda: {  	_ =	sfence.sel $0xFFFF  }
0xdb: {  	[dreg:$0x0] =	wrdreg $0xFFFFFFFF;
	(pc) =	sbr.abs _section_cstart, $3  }
0xdc: {  	[dreg:$0x1] =	wrdreg $0xFFFFFFFF  }
0xdd: {  	_ =	task.clear_ibuf [dreg:s20], $0x2FFFF;
	_ =	strace $0x9FFFFFFF  }
0xde: {  	(tm) =	ssettm $0x7FFFFFFF  }
0xdf: {  	_ =	shalt  }
tec
execute0_lowered:
.L_overlay_start_1:
0x0: {  	(tag) =	ssettag $0x1  }
0x1: {  	s3 =	rddreg [dreg:$0x0]  }
0x2: {  	s2 =	rddreg [dreg:$0x1]  }
0x3: {  	s5 =	rddreg [dreg:$0x2]  }
0x4: {  	s0 =	rddreg [dreg:$0x3];
	s4 =	stileid.u32  }
0x5: {  	[bflag:$0x3] =	sbarrier.arrive $0xFFFF;
	s1 =	simm.s32 $_size_execute1_lowered;
	s29 =	srdreg.scid  }
0x6: {  	s30 =	simm.s32 $0x2;
	s13 =	simm.s32 $0x0;
	p0 =	sne.s32 s4, $0x0  }
0x7: {  	s1 =	sshll.u32 s1, $0x1;
	s6 =	simm.s32 @!p0 $0x1C3F;
	s7 =	simm.s32 @!p0 $0x4060  }
0x8: {  	[timem:s7], [sflag:s6] =	dma.local @!p0 [hbm:s3], s1  }
0x9: {  	s8 =	simm.s32 $0x40;
	s9 =	simm.s32 $0x80;
	s3 =	sshll.u32 s29, $0x8  }
.Ltmp0:
0xa: {  	s4 =	sshll.u32 s4, $0x9;
	s3 =	sand.u32 $0x100, s3;
	(pc) =	sbr.rel .LBB2_1-.Ltmp0, $4  }
0xb: {  	s11 =	simm.s32 $0x0;
	s12 =	simm.s32 $0x0;
	s3 =	sor.u32 s4, s3  }
0xc: {  	_ =	strace $0x8000004A;
	s4 =	simm.s32 $0x1;
	s31 =	ssub.s32 $0xC300, s3  }
0xd: {  	s5 =	sadd.s32 $0x6FC00, s5;
	[sflag:s4] =	ssyncpa.u1 $0x0;
	s6 =	sshrl.u32 s31, $0xD  }
0xe: {  	s10 =	smov.u32 s3;
	[sflag:s30] =	ssyncpa.u1 $0x0;
	s7 =	sadd.s32 $0x2, s6  }
.LBB2_5:
0xf: {  	_ =	sdelay $0x3  }
0x10: {  	[tilespmem:v3+s18+$0x0 ss:$0x1] =	vst.idx.msk $0xffff, v1  }
0x11: {  	[tilespmem:v3+s17+$0x0 ss:$0x1] =	vst.idx.msk $0xffff, v2  }
0x12: {  	[tilespmem:v3+s16+$0x0 ss:$0x1] =	vst.idx.msk $0xffff, v4  }
0x13: {  	[tilespmem:v3+s19+$0x0 ss:$0x1] =	vst.idx.msk $0xffff, v5  }
.LBB2_6:
0x14: {  	s16 =	sand.u32 $0x1FFFFFF, s11  }
0x15: {  	s17 =	smulhi.u32 $0x14F8B59, s16;
	_ =	sdelay $0x1  }
0x16: {  	s17 =	sshrl.u32 s17, $0x8  }
0x17: {  	s17 =	smul.u32 $0xC350, s17;
	_ =	sdelay $0x1  }
0x18: {  	s16 =	ssub.s32 s16, s17  }
0x19: {  	s16 =	sshll.u32 s16, $0x4  }
0x1a: {  	s16 =	sadd.s32 s5, s16  }
0x1b: {  	[hbm4b:s16+s8] =	stream.strided.scatter [tilespmem:s15], [sflag:$0x2], s14, s9, s8, $0x38;
	[tilespmem:$0x10000] =	vst v63  }
.LBB2_7:
0x1c: {  	p1 =	slt.u32 s12, $0x2  }
0x1d: {  	p2 =	sgt.s32 @!p1 s13, $0xC250  }
0x1e: {  	s14 =	smov.u32 s13;
	s15 =	sshra.s32 @!p1 s13, $0x1F;
	p2 =	por !p2, p1  }
0x1f: {  	s13 =	sand.u32 @!p1 s15, s13;
	s14 =	simm.s32 @p2 $0xC250  }
0x20: {  	s13 =	ssub.s32 @!p1 s14, s13  }
0x21: {  	s13 =	sadd.s32 @!p1 $0xFFFF3DB0, s13  }
0x22: {  	s14 =	sshll.u32 @!p1 s13, $0x8  }
0x23: {  	p2 =	sgt.s32 @!p1 s13, $0xFF;
	s13 =	ssub.s32 @!p1 $0x10000, s14  }
0x24: {  	s15 =	sadd.s32 $0x2000, s10;
	p2 =	por !p2, p1;
	s13 =	sshrl.u32 @!p1 s13, $0x2  }
0x25: {  	s13 =	simm.s32 @!p2 $0x0;
	p2 =	sgt.s32 s15, $0xC34F  }
0x26: {  	s15 =	smov.u32 @p2 s3;
	p2 =	sne.s32 s12, s7  }
.Ltmp1:
0x27: {  	_ = 	snop;
	(pc) =	sbr.rel @!p2 .LBB2_8-.Ltmp1, $4  }
0x28: {  	s14 =	simm.s32 @!p1 $0x2  }
0x29: {  	_ =	swait.ge @!p1 [sflag:s14], s13;
	s16 =	ssub.s32 @!p1 $0x0, s13  }
0x2a: {  	s13 =	smov.u32 s11;
	s12 =	sadd.s32 $0x1, s12;
	[sflag:s14] =	ssyncset.done @!p1 $0x0  }
0x2b: {  	s11 =	smov.u32 s10;
	s10 =	smov.u32 s15;
	[sflag:s14] =	ssyncadd.s32 @!p1 s16  }
.LBB2_1:
0x2c: {  	p1 =	sgt.u32 s12, s6  }
0x2d: {  	s15 =	smov.u32 s10;
	p2 =	sgt.s32 @!p1 s10, $0xC250  }
0x2e: {  	s14 =	sand.u32 @!p1 $0x1FFFFFF, s10;
	s16 =	sshra.s32 @!p1 s10, $0x1F;
	p2 =	por !p2, p1  }
0x2f: {  	s17 =	smulhi.u32 @!p1 $0x14F8B59, s14;
	s16 =	sand.u32 @!p1 s16, s10;
	s15 =	simm.s32 @p2 $0xC250  }
0x30: {  	s15 =	ssub.s32 @!p1 s15, s16  }
0x31: {  	s16 =	sshrl.u32 @!p1 s17, $0x8;
	s15 =	sadd.s32 @!p1 $0xFFFF3DB0, s15  }
0x32: {  	s17 =	sxor.u32 @!p1 $0xFFFFFFFF, s12;
	s16 =	smul.u32 @!p1 $0xC350, s16;
	s18 =	sshll.u32 @!p1 s15, $0x8  }
0x33: {  	s17 =	sshll.u32 @!p1 s17, $0xE;
	p2 =	sgt.s32 @!p1 s15, $0xFF;
	s15 =	ssub.s32 @!p1 $0x10000, s18  }
0x34: {  	s14 =	ssub.s32 @!p1 s14, s16;
	p2 =	por !p2, p1;
	s16 =	sand.u32 @!p1 $0x4000, s17  }
0x35: {  	s17 =	simm.s32 @!p1 $0x40;
	s15 =	sshrl.u32 @!p1 s15, $0x2;
	s14 =	sshll.u32 @!p1 s14, $0x4  }
0x36: {  	s18 =	simm.s32 @!p1 $0x80;
	s15 =	simm.s32 @!p2 $0x0;
	s14 =	sadd.s32 @!p1 s2, s14  }
0x37: {  	[tilespmem:s16], [sflag:$0x1] =	stream.strided.gather @!p1 [hbm4b:s14+s17], s15, s18, s17, $0x38;
	[tilespmem:$0x10000] =	vst v63  }
0x38: {  	p1 =	seq.s32 s12, $0x0  }
0x39: {  	p2 =	sge.u32 @!p1 s12, s7  }
0x3a: {  	p1 =	por p1, p2  }
.Ltmp2:
0x3b: {  	_ = 	snop;
	(pc) =	sbr.rel @p1 .LBB2_7-.Ltmp2, $1  }
0x3c: {  	_ =	sdelay $0x3  }
0x3d: {  	p1 =	sgt.s32 s11, $0xC250;
	s14 =	smov.u32 s11;
	s15 =	sshra.s32 s11, $0x1F  }
0x3e: {  	s14 =	simm.s32 @!p1 $0xC250;
	s15 =	sand.u32 s15, s11  }
0x3f: {  	s14 =	ssub.s32 s14, s15  }
0x40: {  	s14 =	sadd.s32 $0xFFFF3DB0, s14  }
0x41: {  	s31 =	sshll.u32 s14, $0x8  }
0x42: {  	s15 =	ssub.s32 $0x10000, s31  }
0x43: {  	p1 =	sgt.s32 s14, $0xFF;
	s14 =	sshrl.u32 s15, $0x2;
	s15 =	sadd.s32 $0x100, s11  }
0x44: {  	s14 =	simm.s32 @p1 $0x0;
	p1 =	slt.s32 s15, $0xC350  }
0x45: {  	s15 =	simm.s32 @!p1 $0xC350  }
0x46: {  	s20 =	ssub.s32 s15, s11  }
0x47: {  	p1 =	slt.s32 s20, $0x1  }
.Ltmp3:
0x48: {  	_ = 	snop;
	(pc) =	sbr.rel @p1 .LBB2_6-.Ltmp3, $4  }
0x49: {  	_ = 	snop  }
0x4a: {  	s16 =	sshll.u32 s12, $0xE;
	_ =	swait.ge [sflag:s4], s14  }
0x4b: {  	s16 =	sand.u32 $0x4000, s16;
	s17 =	ssub.s32 $0x0, s14;
	[sflag:s4] =	ssyncset.done $0x0  }
0x4c: {  	s15 =	sor.u32 $0x8000, s16;
	[sflag:s4] =	ssyncadd.s32 s17  }
0x4d: {  	v0 =	vmov s16;
	_ =	sdelay $0x2  }
0x4e: {  	s31 =	simm.s32 $0x0;
	p1 =	sne.s32 s20, $0x1  }
.Ltmp4:
0x4f: {  	s18 =	sand.u32 $0x3FC0, s31;
	(pc) =	sbr.rel @!p1 .LBB2_5-.Ltmp4, $4  }
0x50: {  	s17 =	sor.u32 $0x30, s18;
	v1 =	vld.idx.msk [tilespmem:v0+s18+$0x0 ss:$0x1], $0xffff  }
0x51: {  	v3 =	vmov s15;
	s16 =	sor.u32 $0x10, s18;
	v2 =	vld.idx.msk [tilespmem:v0+s17+$0x0 ss:$0x1], $0xffff  }
0x52: {  	s19 =	sor.u32 $0x20, s18;
	v4 =	vld.idx.msk [tilespmem:v0+s16+$0x0 ss:$0x1], $0xffff  }
0x53: {  	s20 =	sadd.s32 $0xFFFFFFFF, s20;
	s21 =	simm.s32 $0x40;
	v5 =	vld.idx.msk [tilespmem:v0+s19+$0x0 ss:$0x1], $0xffff  }
.LBB2_4:
0x54: {  	s22 =	sand.u32 $0x3FC0, s21  }
0x55: {  	p1 =	sne.s32 s20, $0x1;
	s20 =	sadd.s32 $0xFFFFFFFF, s20;
	s23 =	sor.u32 $0x10, s22  }
.Ltmp5:
0x56: {  	s24 =	sor.u32 $0x20, s22;
	s25 =	sor.u32 $0x30, s22;
	[tilespmem:v3+s18+$0x0 ss:$0x1] =	vst.idx.msk $0xffff, v1;
	v1 =	vld.idx.msk [tilespmem:v0+s22+$0x0 ss:$0x1], $0xffff;
	(pc) =	sbr.rel @p1 .LBB2_4-.Ltmp5, $4  }
0x57: {  	s18 =	smov.u32 s22;
	[tilespmem:v3+s17+$0x0 ss:$0x1] =	vst.idx.msk $0xffff, v2;
	v2 =	vld.idx.msk [tilespmem:v0+s25+$0x0 ss:$0x1], $0xffff;
	s17 =	smov.u32 s25  }
0x58: {  	[tilespmem:v3+s16+$0x0 ss:$0x1] =	vst.idx.msk $0xffff, v4;
	v4 =	vld.idx.msk [tilespmem:v0+s23+$0x0 ss:$0x1], $0xffff;
	s16 =	smov.u32 s23  }
0x59: {  	[tilespmem:v3+s19+$0x0 ss:$0x1] =	vst.idx.msk $0xffff, v5;
	v5 =	vld.idx.msk [tilespmem:v0+s24+$0x0 ss:$0x1], $0xffff;
	s19 =	smov.u32 s24  }
0x5a: {  	s21 =	sadd.s32 $0x40, s21  }
.Ltmp6:
0x5b: {  	_ = 	snop;
	(pc) =	sbr.rel .LBB2_5-.Ltmp6, $1  }
0x5c: {  	_ =	sdelay $0x3  }
.LBB2_8:
0x5d: {  	_ =	sfence.sel $0x180000  }
0x5e: {  	s2 =	simm.s32 $0x1;
	[bflag:$0x0] =	sbarrier.arrive $0xFFFF  }
0x5f: {  	s31 =	simm.s32 $0x2;
	[sflag:s2] =	ssyncpa.u1 $0x1  }
0x60: {  	[sflag:s31] =	ssyncpa.u1 $0x1  }
0x61: {  	_ =	strace $0x9000004A  }
0x62: {  	s0 =	sadd.s32 @!p0 $0x100000, s0;
	[bflag:$0x2] =	sbarrier.arrive $0xFFFF  }
0x63: {  	[sflag:s0] =	ssyncadd.tile.s32 @!p0 $0x1;
	s0 =	simm.s32 @!p0 $0x3F  }
0x64: {  	_ =	swait.ge @!p0 [sflag:s0], s1  }
0x65: {  	s1 =	ssub.s32 @!p0 $0x0, s1;
	[sflag:s0] =	ssyncset.done @!p0 $0x0  }
0x66: {  	[sflag:s0] =	ssyncadd.s32 @!p0 s1  }
0x67: {  	[bflag:$0x3] =	sbarrier.arrive $0xFFFF  }
0x68: {  	_ =	shalt  }
.Lfunc_end2:
execute1_lowered:
.L_overlay_start_2:
0x69: {  	(tag) =	ssettag $0x2  }
0x6a: {  	s2 =	rddreg [dreg:$0x0]  }
0x6b: {  	s4 =	rddreg [dreg:$0x1];
	_ =	strace $0x8000004D;
	s0 =	simm.s32 $0x1  }
0x6c: {  	s3 =	simm.s32 $0x88;
	v0 =	vimm.s32 $0x0;
	[sflag:s0] =	ssyncpa.u1 $0x0  }
0x6d: {  	[tilespmem:s3+$0x30] =	vst v0  }
0x6e: {  	s1 =	sadd.s32 $0x6FC00, s2;
	s0 =	sadd.s32 $0x3DC00, s2;
	s6 =	sadd.s32 $0x3378C00, s2;
	[tilespmem:s3+$0x20] =	vst v0  }
0x6f: {  	s2 =	sadd.s32 $0x56C00, s2;
	s5 =	sand.u32 $0x1, s4;
	s4 =	simm.s32 $0x40;
	[tilespmem:s3+$0x10] =	vst v0  }
.LBB3_1:
0x70: {  	s4 =	sadd.s32 $0x40, s4  }
0x71: {  	[tilespmem:s3+$0x0] =	vst v0;
	s3 =	sadd.s32 $0x40, s3;
	p0 =	slt.u32 s4, $0x5040  }
.Ltmp7:
0x72: {  	(pc) =	sbr.rel @p0 .LBB3_1-.Ltmp7, $4  }
0x73: {  	_ = 	snop  }
0x74: {  	[tilespmem:s3+$0x30] =	vst v0  }
0x75: {  	[tilespmem:s3+$0x20] =	vst v0  }
0x76: {  	[tilespmem:s3+$0x10] =	vst v0  }
0x77: {  	s28 =	simm.s32 $0x2  }
0x78: {  	s4 =	stileid.u32;
	s29 =	simm.s32 $0x9;
	s30 =	simm.s32 $0xA  }
0x79: {  	s7 =	simm.s32 $0xB;
	[dreg:$0x4] =	wrdreg s5;
	s31 =	smul.u32 $0xC800, s5  }
0x7a: {  	s16 =	simm.s32 $0x0;
	p0 =	por $0x1, $0x1;
	s17 =	simm.s32 $0xFF  }
0x7b: {  	p1 =	por $0x0, $0x0;
	s18 =	simm.s32 $0x1;
	s12 =	simm.s32 $0xC  }
0x7c: {  	s23 =	simm.s32 $0x0;
	s21 =	simm.s32 $0x0;
	s9 =	smul.u32 $0x6400, s4  }
.Ltmp8:
0x7d: {  	s20 =	simm.s32 $0x0;
	s0 =	sadd.s32 s31, s0;
	(pc) =	sbr.rel .LBB3_3-.Ltmp8, $4  }
0x7e: {  	[tilespmem:s3+$0x0] =	vst v0;
	v0 =	vimm.s32 $0xFFFFFFFF;
	[sflag:s28] =	ssyncpa.u1 $0x0;
	s15 =	sshll.u32 s4, $0x7;
	[dreg:$0x8] =	wrdreg s0  }
0x7f: {  	[tilespmem:$0xA108] =	vst v0;
	[sflag:s29] =	ssyncpa.u1 $0x0;
	s11 =	sadd.s32 s31, s2;
	[dreg:$0x5] =	wrdreg s9  }
0x80: {  	[sflag:s30] =	ssyncpa.u1 $0x0;
	s10 =	sadd.s32 $0x6400, s9;
	[dreg:$0x7] =	wrdreg s11  }
0x81: {  	v0 =	vlaneseq.u32;
	s22 =	smov.u32 s9;
	[sflag:s7] =	ssyncpa.u1 $0x0;
	[dreg:$0x6] =	wrdreg s10  }
.LBB3_22:
0x82: {  	s2 =	sshrl.u32 s4, $0x2  }
.LBB3_24:
0x83: {  	_ =	swait.ge [sflag:s12], s2  }
0x84: {  	s31 =	ssub.s32 $0x0, s2;
	v1 =	vmov s26;
	vm0 =	veq.s32 v0, $0x0;
	[sflag:s12] =	ssyncset.done $0x0  }
0x85: {  	vm15 =	veq.s32 v0, $0x2;
	v1 =	vsel vm0, s0, v1;
	[sflag:s12] =	ssyncadd.s32 s31  }
0x86: {  	v1 =	vsel vm15, s23, v1;
	[sflag:s12] =	ssyncpa.u1 $0x1  }
0x87: {  	[tilespmem:$0xA108] =	vst v1  }
.LBB3_25:
0x88: {  	s0 =	sadd.s32 $0x140, s22  }
0x89: {  	s2 =	smov.u32 s9;
	s20 =	sadd.s32 $0x1, s20;
	p2 =	slt.s32 s0, s10  }
0x8a: {  	s2 =	smov.u32 @p2 s0;
	p2 =	sne.s32 s20, $0x52  }
.Ltmp9:
0x8b: {  	_ = 	snop;
	(pc) =	sbr.rel @!p2 .LBB3_26-.Ltmp9, $3  }
0x8c: {  	_ =	sdelay $0x1  }
0x8d: {  	s23 =	smov.u32 s21;
	s21 =	smov.u32 s22;
	p0 =	por !p0, !p0  }
0x8e: {  	s17 =	sadd.s32 $0x1, s17;
	p1 =	por !p1, !p1;
	s22 =	smov.u32 s2  }
.LBB3_3:
0x8f: {  	p2 =	sgt.u32 s20, $0x4F  }
0x90: {  	s0 =	smul.u32 @!p2 $0xAB, s20;
	_ =	sdelay $0x1  }
0x91: {  	s0 =	sshrl.u32 @!p2 s0, $0x9  }
0x92: {  	s2 =	smov.u32 s22;
	p3 =	sgt.s32 @!p2 s22, $0x63EC0;
	s0 =	sand.u32 @!p2 $0x7F, s0  }
0x93: {  	s3 =	sshra.s32 @!p2 s22, $0x1F;
	p3 =	por !p3, p2;
	s0 =	smul.u32 @!p2 $0x3, s0  }
0x94: {  	s3 =	sand.u32 @!p2 s3, s22;
	s2 =	simm.s32 @p3 $0x63EC0  }
0x95: {  	s2 =	ssub.s32 @!p2 s2, s3;
	s0 =	ssub.s32 @!p2 s20, s0  }
0x96: {  	s2 =	sadd.s32 @!p2 $0xFFF9C140, s2;
	s0 =	sand.u32 @!p2 $0xFF, s0  }
0x97: {  	s3 =	sshll.u32 @!p2 s2, $0x2;
	p3 =	sgt.s32 @!p2 s2, $0x13F;
	s0 =	smul.u32 @!p2 $0x500, s0  }
0x98: {  	s4 =	sand.u32 @!p2 $0x7, s22;
	s2 =	ssub.s32 @!p2 $0x500, s3;
	p3 =	por !p3, p2  }
0x99: {  	s3 =	sshrl.u32 @!p2 s22, $0x3;
	s2 =	sshrl.u32 @!p2 s2, $0x2;
	s0 =	sshrl.u32 @!p2 s0, $0x2  }
0x9a: {  	s3 =	sadd.s32 @!p2 s3, s11;
	s2 =	simm.s32 @!p3 $0x0;
	s0 =	sadd.s32 @!p2 $0xA948, s0  }
0x9b: {  	[tilespmem:s0], [sflag:$0xA] =	stream.linear.gather @!p2 [hbm4b:s3+s4], s2, $0x38;
	[tilespmem:$0x1EF88] =	vst v63  }
0x9c: {  	s0 =	sadd.s32 $0xFFFFFFFF, s20  }
0x9d: {  	p2 =	sgt.u32 s0, $0x4F  }
.Ltmp10:
0x9e: {  	_ = 	snop;
	(pc) =	sbr.rel @p2 .LBB3_7-.Ltmp10, $1  }
0x9f: {  	_ =	sdelay $0x3  }
0xa0: {  	p2 =	sgt.s32 s21, $0x63EC0;
	s2 =	smov.u32 s21;
	s3 =	sshra.s32 s21, $0x1F  }
0xa1: {  	s4 =	sand.u32 $0xFF, s17;
	s2 =	simm.s32 @!p2 $0x63EC0;
	s3 =	sand.u32 s3, s21  }
0xa2: {  	s31 =	smulhi.u32 $0x55555556, s4;
	s2 =	ssub.s32 s2, s3  }
0xa3: {  	s0 =	sand.u32 $0x1, s0;
	s4 =	smul.u32 $0x500, s4;
	s2 =	sadd.s32 $0xFFF9C140, s2  }
0xa4: {  	s7 =	simm.s32 $0xA;
	s0 =	smul.u32 $0x500, s0;
	s5 =	sshll.u32 s2, $0x2  }
0xa5: {  	s9 =	sshrl.u32 s21, $0x3;
	s3 =	smul.u32 $0xF00, s31;
	s5 =	ssub.s32 $0x500, s5  }
0xa6: {  	s11 =	sand.u32 $0x7, s21;
	p2 =	sgt.s32 s2, $0x13F;
	s2 =	sshrl.u32 s5, $0x2  }
0xa7: {  	s0 =	sshrl.u32 s0, $0x2;
	s3 =	ssub.s32 s4, s3;
	s2 =	simm.s32 @p2 $0x0  }
0xa8: {  	s0 =	sadd.s32 $0xAD08, s0;
	s3 =	sshra.s32 s3, $0x2;
	_ =	swait.ge [sflag:s7], s2  }
0xa9: {  	s8 =	ssub.s32 $0x0, s2;
	[sflag:s7] =	ssyncset.done $0x0;
	s10 =	rddreg [dreg:$0x8]  }
0xaa: {  	s28 =	sadd.s32 $0xA948, s3;
	[sflag:s7] =	ssyncadd.s32 s8;
	s3 =	sadd.s32 s9, s10  }
0xab: {  	[tilespmem:s0], [sflag:$0xB] =	stream.linear.gather [hbm4b:s3+s11], s2, $0x38;
	[tilespmem:$0x1EF88] =	vst v63  }
0xac: {  	v1 =	vld.msk [tilespmem:s28+$0x0], $0xffff;
	_ =	sdelay $0x4  }
0xad: {  	v1 =	vshll.u32 v1, $0x4  }
0xae: {  	(v2sf) =	vpush v1, $0x0  }
0xaf: {  	(v2sf) =	vpush v1, $0x1  }
0xb0: {  	(v2sf) =	vpush v1, $0x2;
	_ =	sdelay $0x1  }
0xb1: {  	(v2sf) =	vpush v1, $0x3;
	_ =	sdelay $0x1  }
0xb2: {  	s0 =	simm.s32 $0x1;
	(v2sf) =	vpush v1, $0x4  }
0xb3: {  	s0 =	simm.s32 @!p0 $0x0  }
0xb4: {  	s0 =	smul.u32 $0x28000, s0;
	(v2sf) =	vpush v1, $0x5;
	_ =	sdelay $0x1  }
0xb5: {  	s0 =	sshrl.u32 s0, $0x2;
	(v2sf) =	vpush v1, $0x6  }
0xb6: {  	s24 =	sadd.s32 $0xB708, s0  }
0xb7: {  	s28 =	sadd.s32 $0x10, s28;
	s0 =	sadd.s32 $0xFFFFFE80, s24;
	s2 =	sadd.s32 $0xFFFFFD00, s24;
	(v2sf) =	vpush v1, $0x7  }
0xb8: {  	s4 =	sadd.s32 $0xFFFFFD80, s24;
	s3 =	sadd.s32 $0xFFFFFE00, s24;
	s5 =	sadd.s32 $0xFFFFFB80, s24  }
0xb9: {  	s26 =	sadd.s32 $0xFFFFFA00, s24;
	s29 =	sadd.s32 $0xFFFFFA80, s24;
	s30 =	sadd.s32 $0xFFFFFB00, s24;
	(v2sf) =	vpush v1, $0x8  }
0xba: {  	s31 =	sadd.s32 $0xFFFFF900, s24;
	s7 =	sadd.s32 $0xFFFFF980, s24;
	s8 =	spop (v2sf)  }
0xbb: {  	s10 =	sadd.s32 $0xFFFFF880, s24;
	(v2sf) =	vpush v1, $0x9;
	s8 =	sand.u32 $0x1FFFFFF0, s8;
	s11 =	spop (v2sf)  }
0xbc: {  	s8 =	sadd.s32 s6, s8;
	s11 =	sand.u32 $0x1FFFFFF0, s11;
	s13 =	spop (v2sf)  }
0xbd: {  	[tilespmem:s10], [sflag:$0x9] =	stream.linear.gather [hbm4b:s8+s16], $0x40, $0x38;
	[tilespmem:$0x1EF88] =	vst v63  }
0xbe: {  	(v2sf) =	vpush v1, $0xA;
	s12 =	sadd.s32 s6, s11;
	s19 =	sand.u32 $0x1FFFFFF0, s13;
	s9 =	spop (v2sf)  }
0xbf: {  	(v2sf) =	vpush v1, $0xB;
	[tilespmem:s31], [sflag:$0x9] =	stream.linear.gather [hbm4b:s12+s16], $0x40, $0x38;
	[tilespmem:$0x1EF88] =	vst v63  }
0xc0: {  	s10 =	sadd.s32 s6, s19;
	s13 =	spop (v2sf);
	s12 =	sand.u32 $0x1FFFFFF0, s9  }
0xc1: {  	(v2sf) =	vpush v1, $0xC;
	[tilespmem:s7], [sflag:$0x9] =	stream.linear.gather [hbm4b:s10+s16], $0x40, $0x38;
	[tilespmem:$0x1EF88] =	vst v63  }
0xc2: {  	s31 =	sand.u32 $0x1FFFFFF0, s13;
	s9 =	spop (v2sf);
	s19 =	sadd.s32 s6, s12  }
0xc3: {  	(v2sf) =	vpush v1, $0xD;
	[tilespmem:s26], [sflag:$0x9] =	stream.linear.gather [hbm4b:s19+s16], $0x40, $0x38;
	[tilespmem:$0x1EF88] =	vst v63  }
0xc4: {  	s11 =	sadd.s32 s6, s31;
	s12 =	sand.u32 $0x1FFFFFF0, s9;
	s13 =	spop (v2sf)  }
0xc5: {  	(v2sf) =	vpush v1, $0xE;
	[tilespmem:s29], [sflag:$0x9] =	stream.linear.gather [hbm4b:s11+s16], $0x40, $0x38;
	[tilespmem:$0x1EF88] =	vst v63  }
0xc6: {  	s19 =	sadd.s32 s6, s12;
	s26 =	sand.u32 $0x1FFFFFF0, s13;
	s29 =	spop (v2sf)  }
0xc7: {  	(v2sf) =	vpush v1, $0xF;
	[tilespmem:s30], [sflag:$0x9] =	stream.linear.gather [hbm4b:s19+s16], $0x40, $0x38;
	[tilespmem:$0x1EF88] =	vst v63  }
0xc8: {  	s14 =	sadd.s32 $0xFFFFFC00, s24;
	s9 =	spop (v2sf);
	s30 =	sadd.s32 s6, s26  }
0xc9: {  	[tilespmem:s5], [sflag:$0x9] =	stream.linear.gather [hbm4b:s30+s16], $0x40, $0x38;
	[tilespmem:$0x1EF88] =	vst v63  }
0xca: {  	s25 =	sadd.s32 $0xFFFFFC80, s24;
	s31 =	sand.u32 $0x1FFFFFF0, s29;
	s13 =	spop (v2sf)  }
0xcb: {  	s11 =	sadd.s32 s6, s31;
	s12 =	sand.u32 $0x1FFFFFF0, s9;
	s19 =	sand.u32 $0x1FFFFFF0, s13  }
0xcc: {  	[tilespmem:s14], [sflag:$0x9] =	stream.linear.gather [hbm4b:s11+s16], $0x40, $0x38;
	[tilespmem:$0x1EF88] =	vst v63  }
0xcd: {  	s26 =	spop (v2sf);
	s14 =	sadd.s32 s6, s12;
	s29 =	sadd.s32 s6, s19  }
0xce: {  	s30 =	sand.u32 $0x1FFFFFF0, s26;
	s31 =	spop (v2sf);
	s19 =	sadd.s32 $0xFFFFFF00, s24  }
0xcf: {  	[tilespmem:s25], [sflag:$0x9] =	stream.linear.gather [hbm4b:s14+s16], $0x40, $0x38;
	[tilespmem:$0x1EF88] =	vst v63  }
0xd0: {  	s5 =	sadd.s32 s6, s30;
	s7 =	sand.u32 $0x1FFFFFF0, s31;
	s8 =	spop (v2sf)  }
0xd1: {  	[tilespmem:s2], [sflag:$0x9] =	stream.linear.gather [hbm4b:s29+s16], $0x40, $0x38;
	[tilespmem:$0x1EF88] =	vst v63  }
0xd2: {  	s31 =	sadd.s32 $0xFFFFFF80, s24;
	s10 =	sand.u32 $0x1FFFFFF0, s8;
	s11 =	spop (v2sf)  }
0xd3: {  	[tilespmem:s4], [sflag:$0x9] =	stream.linear.gather [hbm4b:s5+s16], $0x40, $0x38;
	[tilespmem:$0x1EF88] =	vst v63  }
0xd4: {  	s9 =	sadd.s32 s6, s7;
	s12 =	sadd.s32 s6, s10;
	s14 =	spop (v2sf)  }
0xd5: {  	[tilespmem:s3], [sflag:$0x9] =	stream.linear.gather [hbm4b:s9+s16], $0x40, $0x38;
	[tilespmem:$0x1EF88] =	vst v63  }
0xd6: {  	s13 =	sand.u32 $0x1FFFFFF0, s11;
	s26 =	sand.u32 $0x1FFFFFF0, s14;
	s29 =	spop (v2sf)  }
0xd7: {  	[tilespmem:s0], [sflag:$0x9] =	stream.linear.gather [hbm4b:s12+s16], $0x40, $0x38;
	[tilespmem:$0x1EF88] =	vst v63  }
0xd8: {  	s25 =	sadd.s32 s6, s13;
	s30 =	sadd.s32 s6, s26;
	s0 =	sand.u32 $0x1FFFFFF0, s29  }
0xd9: {  	[tilespmem:s19], [sflag:$0x9] =	stream.linear.gather [hbm4b:s25+s16], $0x40, $0x38;
	[tilespmem:$0x1EF88] =	vst v63  }
0xda: {  	s26 =	sadd.s32 $0x800, s24;
	s0 =	sadd.s32 s6, s0;
	s25 =	simm.s32 $0x0  }
0xdb: {  	[tilespmem:s31], [sflag:$0x9] =	stream.linear.gather [hbm4b:s30+s16], $0x40, $0x38;
	[tilespmem:$0x1EF88] =	vst v63  }
.LBB3_5:
0xdc: {  	[tilespmem:s24], [sflag:$0x9] =	stream.linear.gather [hbm4b:s0+s16], $0x40, $0x38;
	[tilespmem:$0x1EF88] =	vst v63  }
0xdd: {  	s25 =	sadd.s32 $0x10, s25;
	s24 =	smov.u32 s26  }
0xde: {  	p2 =	slt.u32 s25, $0x130;
	v1 =	vld.msk [tilespmem:s28+$0x0], $0xffff;
	_ =	sdelay $0x4  }
0xdf: {  	v1 =	vshll.u32 v1, $0x4  }
0xe0: {  	(v2sf) =	vpush v1, $0x0  }
0xe1: {  	(v2sf) =	vpush v1, $0x1  }
0xe2: {  	(v2sf) =	vpush v1, $0x2;
	_ =	sdelay $0x1  }
0xe3: {  	(v2sf) =	vpush v1, $0x3;
	_ =	sdelay $0x1  }
0xe4: {  	(v2sf) =	vpush v1, $0x4;
	_ =	sdelay $0x1  }
0xe5: {  	(v2sf) =	vpush v1, $0x5;
	_ =	sdelay $0x1  }
0xe6: {  	(v2sf) =	vpush v1, $0x6  }
0xe7: {  	s30 =	sadd.s32 $0xFFFFFE80, s26;
	s29 =	sadd.s32 $0xFFFFFF00, s26  }
0xe8: {  	s4 =	sadd.s32 $0xFFFFFD00, s26;
	s0 =	sadd.s32 $0xFFFFFD80, s26;
	s31 =	sadd.s32 $0xFFFFFE00, s26;
	(v2sf) =	vpush v1, $0x7  }
0xe9: {  	s2 =	sadd.s32 $0xFFFFFB80, s26;
	s3 =	sadd.s32 $0xFFFFFC00, s26;
	s5 =	sadd.s32 $0xFFFFFC80, s26  }
0xea: {  	s7 =	sadd.s32 $0xFFFFFA00, s26;
	s8 =	sadd.s32 $0xFFFFFA80, s26;
	s10 =	sadd.s32 $0xFFFFFB00, s26;
	(v2sf) =	vpush v1, $0x8  }
0xeb: {  	s11 =	sadd.s32 $0xFFFFF900, s26;
	s13 =	sadd.s32 $0xFFFFF980, s26;
	s14 =	spop (v2sf)  }
0xec: {  	s9 =	sadd.s32 $0xFFFFF880, s26;
	s14 =	sand.u32 $0x1FFFFFF0, s14;
	s19 =	spop (v2sf);
	(v2sf) =	vpush v1, $0x9  }
0xed: {  	s14 =	sadd.s32 s6, s14;
	s19 =	sand.u32 $0x1FFFFFF0, s19;
	s12 =	spop (v2sf)  }
0xee: {  	[tilespmem:s9], [sflag:$0x9] =	stream.linear.gather [hbm4b:s14+s16], $0x40, $0x38;
	(v2sf) =	vpush v1, $0xA;
	[tilespmem:$0x1EF88] =	vst v63  }
0xef: {  	s9 =	sadd.s32 s6, s19;
	s12 =	sand.u32 $0x1FFFFFF0, s12;
	s14 =	spop (v2sf)  }
0xf0: {  	[tilespmem:s11], [sflag:$0x9] =	stream.linear.gather [hbm4b:s9+s16], $0x40, $0x38;
	(v2sf) =	vpush v1, $0xB;
	[tilespmem:$0x1EF88] =	vst v63  }
0xf1: {  	s9 =	sadd.s32 s6, s12;
	s11 =	sand.u32 $0x1FFFFFF0, s14;
	s12 =	spop (v2sf)  }
0xf2: {  	[tilespmem:s13], [sflag:$0x9] =	stream.linear.gather [hbm4b:s9+s16], $0x40, $0x38;
	(v2sf) =	vpush v1, $0xC;
	[tilespmem:$0x1EF88] =	vst v63  }
0xf3: {  	s9 =	sadd.s32 s6, s11;
	s11 =	sand.u32 $0x1FFFFFF0, s12;
	s12 =	spop (v2sf)  }
0xf4: {  	[tilespmem:s7], [sflag:$0x9] =	stream.linear.gather [hbm4b:s9+s16], $0x40, $0x38;
	(v2sf) =	vpush v1, $0xD;
	[tilespmem:$0x1EF88] =	vst v63  }
0xf5: {  	s7 =	sadd.s32 s6, s11;
	s9 =	sand.u32 $0x1FFFFFF0, s12;
	s11 =	spop (v2sf)  }
0xf6: {  	[tilespmem:s8], [sflag:$0x9] =	stream.linear.gather [hbm4b:s7+s16], $0x40, $0x38;
	(v2sf) =	vpush v1, $0xE;
	[tilespmem:$0x1EF88] =	vst v63  }
0xf7: {  	s7 =	sadd.s32 s6, s9;
	s8 =	sand.u32 $0x1FFFFFF0, s11;
	s9 =	spop (v2sf)  }
0xf8: {  	[tilespmem:s10], [sflag:$0x9] =	stream.linear.gather [hbm4b:s7+s16], $0x40, $0x38;
	(v2sf) =	vpush v1, $0xF;
	[tilespmem:$0x1EF88] =	vst v63  }
0xf9: {  	s7 =	sadd.s32 s6, s8;
	s8 =	sand.u32 $0x1FFFFFF0, s9;
	s9 =	spop (v2sf)  }
0xfa: {  	[tilespmem:s2], [sflag:$0x9] =	stream.linear.gather [hbm4b:s7+s16], $0x40, $0x38;
	[tilespmem:$0x1EF88] =	vst v63  }
0xfb: {  	s2 =	sadd.s32 s6, s8;
	s7 =	sand.u32 $0x1FFFFFF0, s9;
	s8 =	spop (v2sf)  }
0xfc: {  	[tilespmem:s3], [sflag:$0x9] =	stream.linear.gather [hbm4b:s2+s16], $0x40, $0x38;
	[tilespmem:$0x1EF88] =	vst v63  }
0xfd: {  	s2 =	sadd.s32 s6, s7;
	s3 =	sand.u32 $0x1FFFFFF0, s8;
	s7 =	spop (v2sf)  }
0xfe: {  	[tilespmem:s5], [sflag:$0x9] =	stream.linear.gather [hbm4b:s2+s16], $0x40, $0x38;
	[tilespmem:$0x1EF88] =	vst v63  }
0xff: {  	s2 =	sadd.s32 s6, s3;
	s3 =	sand.u32 $0x1FFFFFF0, s7;
	s5 =	spop (v2sf)  }
0x100: {  	[tilespmem:s4], [sflag:$0x9] =	stream.linear.gather [hbm4b:s2+s16], $0x40, $0x38;
	[tilespmem:$0x1EF88] =	vst v63  }
0x101: {  	s2 =	sadd.s32 s6, s3;
	s3 =	sand.u32 $0x1FFFFFF0, s5;
	s4 =	spop (v2sf)  }
0x102: {  	[tilespmem:s0], [sflag:$0x9] =	stream.linear.gather [hbm4b:s2+s16], $0x40, $0x38;
	[tilespmem:$0x1EF88] =	vst v63  }
0x103: {  	s0 =	sadd.s32 s6, s3;
	s2 =	sand.u32 $0x1FFFFFF0, s4;
	s3 =	spop (v2sf)  }
0x104: {  	[tilespmem:s31], [sflag:$0x9] =	stream.linear.gather [hbm4b:s0+s16], $0x40, $0x38;
	[tilespmem:$0x1EF88] =	vst v63  }
0x105: {  	s0 =	sadd.s32 s6, s2;
	s2 =	sand.u32 $0x1FFFFFF0, s3;
	s3 =	spop (v2sf)  }
0x106: {  	[tilespmem:s30], [sflag:$0x9] =	stream.linear.gather [hbm4b:s0+s16], $0x40, $0x38;
	[tilespmem:$0x1EF88] =	vst v63  }
0x107: {  	s0 =	sadd.s32 s6, s2  }
.Ltmp11:
0x108: {  	s2 =	sand.u32 $0x1FFFFFF0, s3;
	s3 =	spop (v2sf);
	(pc) =	sbr.rel @p2 .LBB3_5-.Ltmp11, $4  }
0x109: {  	[tilespmem:s29], [sflag:$0x9] =	stream.linear.gather [hbm4b:s0+s16], $0x40, $0x38;
	[tilespmem:$0x1EF88] =	vst v63  }
0x10a: {  	s0 =	sadd.s32 s6, s2;
	s2 =	sadd.s32 $0xFFFFFF80, s26;
	s3 =	sand.u32 $0x1FFFFFF0, s3  }
0x10b: {  	[tilespmem:s2], [sflag:$0x9] =	stream.linear.gather [hbm4b:s0+s16], $0x40, $0x38;
	[tilespmem:$0x1EF88] =	vst v63  }
0x10c: {  	s28 =	sadd.s32 $0x10, s28;
	s26 =	sadd.s32 $0x800, s26;
	s0 =	sadd.s32 s6, s3  }
0x10d: {  	[tilespmem:s24], [sflag:$0x9] =	stream.linear.gather [hbm4b:s0+s16], $0x40, $0x38;
	[tilespmem:$0x1EF88] =	vst v63  }
0x10e: {  	s9 =	rddreg [dreg:$0x5]  }
0x10f: {  	s10 =	rddreg [dreg:$0x6]  }
0x110: {  	s11 =	rddreg [dreg:$0x7];
	s12 =	simm.s32 $0xC  }
.LBB3_7:
0x111: {  	p2 =	slt.u32 s20, $0x2  }
.Ltmp12:
0x112: {  	_ = 	snop;
	(pc) =	sbr.rel @p2 .LBB3_25-.Ltmp12, $1  }
0x113: {  	_ =	sdelay $0x3  }
0x114: {  	p2 =	sgt.s32 s23, $0x63EC0;
	s0 =	smov.u32 s23;
	s2 =	sshra.s32 s23, $0x1F  }
0x115: {  	s0 =	simm.s32 @!p2 $0x63EC0;
	s2 =	sand.u32 s2, s23  }
0x116: {  	s0 =	ssub.s32 s0, s2  }
0x117: {  	s0 =	sadd.s32 $0xFFF9C140, s0  }
0x118: {  	s3 =	simm.s32 $0x9;
	s30 =	sshll.u32 s0, $0x2  }
0x119: {  	_ =	swait.ge [sflag:s3], $0x5000;
	s2 =	ssub.s32 $0x500, s30  }
0x11a: {  	[sflag:s3] =	ssyncset.done $0x0;
	p2 =	sgt.s32 s0, $0x13F;
	s0 =	sshrl.u32 s2, $0x2  }
0x11b: {  	s31 =	simm.s32 $0xB;
	[sflag:s3] =	ssyncadd.s32 $0xFFFFB000;
	s0 =	simm.s32 @p2 $0x0  }
0x11c: {  	_ =	swait.ge [sflag:s31], s0  }
0x11d: {  	s0 =	ssub.s32 $0x0, s0;
	[sflag:s31] =	ssyncset.done $0x0  }
0x11e: {  	[sflag:s31] =	ssyncadd.s32 s0  }
0x11f: {  	v1 =	vld [tilespmem:$0xA108];
	_ =	sdelay $0x4  }
0x120: {  	(v2sf) =	vpush v1, $0x0  }
0x121: {  	(v2sf) =	vpush v1, $0x1  }
0x122: {  	(v2sf) =	vpush v1, $0x2;
	_ =	sdelay $0x3  }
0x123: {  	s2 =	sadd.s32 $0x140, s23  }
0x124: {  	s3 =	ssub.s32 $0xC8000, s23;
	p2 =	slt.s32 s10, s2  }
0x125: {  	s2 =	smov.u32 @p2 s10;
	p2 =	sgt.s32 s3, $0x0  }
0x126: {  	s24 =	ssub.s32 s2, s23;
	s3 =	simm.s32 @!p2 $0x0  }
0x127: {  	p2 =	slt.s32 s3, s24  }
0x128: {  	s24 =	smov.u32 @p2 s3  }
0x129: {  	s0 =	simm.s32 $0x1;
	p2 =	slt.s32 s24, $0x1  }
.Ltmp13:
0x12a: {  	s0 =	simm.s32 @!p1 $0x0;
	(pc) =	sbr.rel @p2 .LBB3_12-.Ltmp13, $4  }
0x12b: {  	s4 =	smul.u32 $0x500, s0  }
0x12c: {  	s2 =	spop (v2sf)  }
0x12d: {  	s4 =	sshrl.u32 s4, $0x2;
	s3 =	spop (v2sf)  }
0x12e: {  	s25 =	sadd.s32 $0xAD08, s4;
	s23 =	spop (v2sf)  }
0x12f: {  	s4 =	smin.u32 s24, $0x10  }
0x130: {  	v1 =	vmov s4  }
0x131: {  	p3 =	sgt.s32 s24, $0x10;
	vm1 =	vgt.u32 v1, v0  }
.Ltmp14:
0x132: {  	_ = 	snop;
	(pc) =	sbr.rel @!p3 .LBB3_11-.Ltmp14, $2  }
0x133: {  	_ =	sdelay $0x2  }
0x134: {  	s5 =	simm.s32 $0x10;
	s26 =	sadd.s32 $0xFFFFFFF0, s24;
	s4 =	smov.u32 s25;
	vm0 =	vmmov vm1  }
.LBB3_10:
0x135: {  	s7 =	smin.u32 s26, $0x10;
	s5 =	sadd.s32 $0x10, s5;
	v1 =	vld.msk [tilespmem:s4+$0x0 ss:$0x1], vm1  }
0x136: {  	v2 =	vmov s7;
	p3 =	slt.s32 s5, s24  }
0x137: {  	vm1 =	vgt.u32 v2, v0  }
.Ltmp15:
0x138: {  	(pc) =	sbr.rel @p3 .LBB3_10-.Ltmp15, $3  }
0x139: {  	_ =	sdelay $0x1  }
0x13a: {  	v1 =	vshll.u32 v1, $0x4  }
0x13b: {  	s26 =	sadd.s32 $0xFFFFFFF0, s26;
	[tilespmem:s4+$0x0] =	vst.msk vm0, v1;
	s4 =	sadd.s32 $0x10, s4;
	vm0 =	vmmov vm1  }
.LBB3_11:
0x13c: {  	_ =	sdelay $0x4  }
0x13d: {  	v1 =	vld.msk [tilespmem:s4+$0x0 ss:$0x1], vm1;
	_ =	sdelay $0x4  }
0x13e: {  	v1 =	vshll.u32 v1, $0x4  }
0x13f: {  	[tilespmem:s4+$0x0] =	vst.msk vm0, v1  }
.LBB3_12:
0x140: {  	s4 =	sand.u32 $0x1, s20  }
0x141: {  	s4 =	smul.u32 $0x140, s4  }
0x142: {  	p3 =	sne.s32 s3, $0xFFFFFFFF  }
0x143: {  	v1 =	vld.msk @!p3 [tilespmem:s4+$0xAD08], $0x1;
	_ =	sdelay $0x4  }
0x144: {  	(v2sf) =	vpush @!p3 v1, $0x0;
	_ =	sdelay $0xc  }
.Ltmp16:
0x145: {  	_ = 	snop;
	(pc) =	sbr.rel @p2 .LBB3_23-.Ltmp16, $4  }
0x146: {  	_ = 	snop  }
0x147: {  	s30 =	spop @!p3 (v2sf)  }
0x148: {  	s23 =	simm.s32 @!p3 $0x0;
	s26 =	smov.u32 s30  }
0x149: {  	[sflag:s12] =	ssyncpa.u1 $0x0;
	s30 =	smov.u32 @p3 s2;
	s26 =	smov.u32 @p3 s3  }
0x14a: {  	v1 =	vld.msk [tilespmem:s25+$0x0], $0x1;
	_ =	sdelay $0x4  }
0x14b: {  	(v2sf) =	vpush v1, $0x0;
	_ =	sdelay $0xe  }
0x14c: {  	s0 =	smul.u32 $0x28000, s0;
	s3 =	spop (v2sf)  }
0x14d: {  	p2 =	seq.s32 s30, s3  }
0x14e: {  	s2 =	smov.u32 s30;
	s0 =	sshrl.u32 s0, $0x2;
	p3 =	sgt.s32 @!p2 s30, $0x0  }
0x14f: {  	s28 =	sadd.s32 $0xAFA8, s0;
	s0 =	sadd.s32 $0xFFFFFFFF, s24;
	p3 =	por !p3, p2  }
0x150: {  	s2 =	simm.s32 @p3 $0x0;
	p3 =	sne.s32 s0, $0x0  }
.Ltmp17:
0x151: {  	_ = 	snop;
	(pc) =	sbr.rel @!p3 .LBB3_15-.Ltmp17, $4  }
0x152: {  	_ = 	snop  }
0x153: {  	s29 =	simm.s32 $0x0;
	s4 =	simm.s32 @!p2 $0x1;
	s2 =	smin.u32 @!p2 s2, $0xC34F8  }
0x154: {  	s5 =	simm.s32 @!p2 $0x50C8;
	s4 =	smov.u32 @p2 s29;
	s7 =	sand.u32 @!p2 $0xFFFF8, s2  }
0x155: {  	s31 =	sand.u32 @!p2 $0x7, s2;
	s2 =	sadd.s32 $0x1, s25;
	s14 =	sadd.s32 @!p2 s1, s7  }
.LBB3_14:
0x156: {  	s7 =	smov.u32 s4  }
0x157: {  	[tilespmem:s5], [sflag:$0x2] =	stream.linear.gather @!p2 [hbm4b:s14+s31], $0x40, $0x38;
	[tilespmem:$0x1EF88] =	vst v63  }
0x158: {  	s0 =	sadd.s32 $0xFFFFFFFF, s0;
	s8 =	smov.u32 s3;
	v1 =	vld.msk [tilespmem:s2+$0x0], $0x1  }
0x159: {  	p3 =	sne.s32 s0, $0x0;
	_ =	sdelay $0x3  }
0x15a: {  	(v2sf) =	vpush v1, $0x0;
	_ =	sdelay $0xe  }
0x15b: {  	s3 =	spop (v2sf)  }
0x15c: {  	p2 =	seq.s32 s8, s3  }
0x15d: {  	p4 =	sgt.s32 @!p2 s8, $0x0;
	s5 =	sshll.u32 @!p2 s4, $0x8;
	s4 =	sadd.s32 @!p2 $0x1, s4  }
.Ltmp18:
0x15e: {  	p4 =	por !p4, p2;
	s5 =	sshra.s32 @!p2 s5, $0x2;
	(pc) =	sbr.rel @p3 .LBB3_14-.Ltmp18, $4  }
0x15f: {  	s4 =	smov.u32 @p2 s7;
	s8 =	simm.s32 @p4 $0x0;
	s5 =	sadd.s32 @!p2 $0x50C8, s5  }
0x160: {  	s7 =	smin.u32 @!p2 s8, $0xC34F8  }
0x161: {  	s8 =	sand.u32 @!p2 $0xFFFF8, s7;
	s31 =	sand.u32 @!p2 $0x7, s7  }
0x162: {  	s2 =	sadd.s32 $0x1, s2;
	s14 =	sadd.s32 @!p2 s1, s8  }
.LBB3_15:
0x163: {  	[tilespmem:s5], [sflag:$0x2] =	stream.linear.gather @!p2 [hbm4b:s14+s31], $0x40, $0x38;
	[tilespmem:$0x1EF88] =	vst v63  }
.Ltmp19:
0x164: {  	s0 =	sshll.u32 s4, $0x6;
	(pc) =	sbr.rel .LBB3_16-.Ltmp19, $4  }
0x165: {  	s2 =	simm.s32 $0x2;
	s0 =	sand.u32 $0x3FFFFFC0, s0  }
0x166: {  	_ =	swait.ge [sflag:s2], s0  }
0x167: {  	s0 =	ssub.s32 $0x0, s0;
	[sflag:s2] =	ssyncset.done $0x0  }
0x168: {  	s4 =	simm.s32 $0x0;
	[sflag:s2] =	ssyncadd.s32 s0  }
.LBB3_17:
0x169: {  	v1 =	vld [tilespmem:s28+$0xFFFFFFE0];
	_ =	sdelay $0x4  }
0x16a: {  	[tilespmem:s2+$0x88] =	vst.add.f32.msk $0xffff, v1  }
0x16b: {  	v1 =	vld [tilespmem:s28+$0xFFFFFFF0];
	_ =	sdelay $0x4  }
0x16c: {  	[tilespmem:s2+$0x98] =	vst.add.f32.msk $0xffff, v1  }
0x16d: {  	v1 =	vld [tilespmem:s28+$0x0];
	_ =	sdelay $0x4  }
0x16e: {  	[tilespmem:s2+$0xA8] =	vst.add.f32.msk $0xffff, v1  }
0x16f: {  	v1 =	vld [tilespmem:s28+$0x10];
	_ =	sdelay $0x4  }
0x170: {  	[tilespmem:s2+$0xB8] =	vst.add.f32.msk $0xffff, v1  }
.LBB3_21:
0x171: {  	s24 =	sadd.s32 $0xFFFFFFFF, s24  }
0x172: {  	p2 =	sne.s32 s24, $0x0  }
.Ltmp20:
0x173: {  	_ = 	snop;
	(pc) =	sbr.rel @!p2 .LBB3_22-.Ltmp20, $2  }
0x174: {  	_ =	sdelay $0x2  }
0x175: {  	s28 =	sadd.s32 $0x80, s28;
	s25 =	sadd.s32 $0x1, s25;
	s30 =	smov.u32 s0  }
.LBB3_16:
0x176: {  	v1 =	vld.msk [tilespmem:s25+$0x0], $0x1;
	_ =	sdelay $0x4  }
0x177: {  	(v2sf) =	vpush v1, $0x0;
	_ =	sdelay $0xe  }
0x178: {  	s0 =	spop (v2sf)  }
0x179: {  	p2 =	sne.s32 s30, s0  }
.Ltmp21:
0x17a: {  	_ = 	snop;
	(pc) =	sbr.rel @!p2 .LBB3_17-.Ltmp21, $3  }
0x17b: {  	_ =	sdelay $0x1  }
0x17c: {  	s2 =	sshll.u32 s23, $0x8  }
0x17d: {  	s2 =	sshra.s32 s2, $0x2  }
0x17e: {  	p2 =	seq.s32 s30, s26  }
.Ltmp22:
0x17f: {  	_ = 	snop;
	(pc) =	sbr.rel @!p2 .LBB3_19-.Ltmp22, $1  }
0x180: {  	_ =	sdelay $0x3  }
.Ltmp23:
0x181: {  	s2 =	sadd.s32 $0x88, s2;
	(pc) =	sbr.rel .LBB3_20-.Ltmp23, $4  }
0x182: {  	[spmem:s15] =	stream.linear.scatter [tilespmem:s2], [sflag:$0x1], $0x40, $0x38;
	[tilespmem:$0x1EF88] =	vst v63  }
0x183: {  	_ =	swait.ge [sflag:s18], $0x40  }
0x184: {  	[sflag:s18] =	ssyncset.done $0x0  }
0x185: {  	[sflag:s18] =	ssyncadd.s32 $0xFFFFFFC0  }
.LBB3_19:
0x186: {  	s3 =	sshll.u32 s29, $0x8  }
0x187: {  	s3 =	sshra.s32 s3, $0x2  }
0x188: {  	v1 =	vld [tilespmem:s3+$0x50C8];
	_ =	sdelay $0x4  }
0x189: {  	[tilespmem:s2+$0x88] =	vst.add.f32.msk $0xffff, v1  }
0x18a: {  	v1 =	vld [tilespmem:s3+$0x50D8];
	_ =	sdelay $0x4  }
0x18b: {  	[tilespmem:s2+$0x98] =	vst.add.f32.msk $0xffff, v1  }
0x18c: {  	v1 =	vld [tilespmem:s3+$0x50E8];
	_ =	sdelay $0x4  }
0x18d: {  	[tilespmem:s2+$0xA8] =	vst.add.f32.msk $0xffff, v1  }
0x18e: {  	v1 =	vld [tilespmem:s3+$0x50F8];
	_ =	sdelay $0x2  }
0x18f: {  	p2 =	sgt.u32 s30, $0xC34F8  }
0x190: {  	s3 =	sand.u32 @!p2 $0xFFFF8, s30  }
0x191: {  	s5 =	sadd.s32 $0x88, s2;
	[tilespmem:s2+$0xB8] =	vst.add.f32.msk $0xffff, v1;
	s2 =	sadd.s32 @!p2 s1, s3;
	s3 =	sand.u32 @!p2 $0x7, s30  }
0x192: {  	[hbm4b:s2+s3] =	stream.linear.scatter @!p2 [tilespmem:s5], [sflag:$0xC], $0x40, $0x38;
	[tilespmem:$0x1EF88] =	vst v63  }
0x193: {  	s2 =	simm.s32 $0x0  }
0x194: {  	s2 =	simm.s32 @!p2 $0x100  }
0x195: {  	s4 =	sadd.s32 s2, s4  }
.LBB3_20:
0x196: {  	s2 =	sadd.s32 $0x1, s23  }
0x197: {  	s3 =	smulhi.u32 $0xCCCCCCCD, s2;
	_ =	sdelay $0x1  }
0x198: {  	v1 =	vld [tilespmem:s28+$0xFFFFFFE0];
	s3 =	sshrl.u32 s3, $0x8  }
0x199: {  	s3 =	smul.u32 $0x140, s3;
	_ =	sdelay $0x1  }
0x19a: {  	s23 =	ssub.s32 s2, s3  }
0x19b: {  	s2 =	sshll.u32 s23, $0x6  }
0x19c: {  	[tilespmem:s2+$0x88] =	vst v1  }
0x19d: {  	v1 =	vld [tilespmem:s28+$0xFFFFFFF0];
	_ =	sdelay $0x4  }
0x19e: {  	[tilespmem:s2+$0x98] =	vst v1  }
0x19f: {  	v1 =	vld [tilespmem:s28+$0x0];
	_ =	sdelay $0x4  }
0x1a0: {  	[tilespmem:s2+$0xA8] =	vst v1  }
0x1a1: {  	v1 =	vld [tilespmem:s28+$0x10]  }
.Ltmp24:
0x1a2: {  	_ = 	snop;
	(pc) =	sbr.rel .LBB3_21-.Ltmp24, $2  }
0x1a3: {  	_ =	sdelay $0x2  }
0x1a4: {  	s29 =	sadd.s32 $0x1, s29;
	[tilespmem:s2+$0xB8] =	vst v1  }
.LBB3_23:
.Ltmp25:
0x1a5: {  	(pc) =	sbr.rel .LBB3_24-.Ltmp25, $4  }
0x1a6: {  	_ = 	snop  }
0x1a7: {  	s0 =	simm.s32 $0x2  }
0x1a8: {  	_ =	swait.ge [sflag:s0], $0x0  }
0x1a9: {  	s2 =	simm.s32 $0x0;
	[sflag:s0] =	ssyncset.done $0x0;
	s0 =	smov.u32 s30  }
.LBB3_26:
0x1aa: {  	_ =	sfence.sel $0x180000  }
0x1ab: {  	s0 =	simm.s32 $0x9;
	[bflag:$0x0] =	sbarrier.arrive $0xFFFF  }
0x1ac: {  	s24 =	simm.s32 $0xA;
	[sflag:s0] =	ssyncpa.u1 $0x1  }
0x1ad: {  	s25 =	simm.s32 $0xB;
	[sflag:s24] =	ssyncpa.u1 $0x1  }
0x1ae: {  	s26 =	simm.s32 $0x2;
	[sflag:s25] =	ssyncpa.u1 $0x1  }
0x1af: {  	[sflag:s26] =	ssyncpa.u1 $0x1  }
0x1b0: {  	v0 =	vld [tilespmem:$0xA108];
	_ =	sdelay $0x4  }
0x1b1: {  	(v2sf) =	vpush v0, $0x0  }
0x1b2: {  	(v2sf) =	vpush v0, $0x1;
	_ =	sdelay $0x1  }
0x1b3: {  	(v2sf) =	vpush v0, $0x2;
	_ =	sdelay $0xb  }
0x1b4: {  	s0 =	spop (v2sf)  }
0x1b5: {  	s2 =	spop (v2sf)  }
0x1b6: {  	s3 =	smov.u32 s0;
	p0 =	sne.s32 s0, s2  }
0x1b7: {  	s4 =	spop (v2sf);
	s3 =	simm.s32 @!p0 $0xFFFFFFFF  }
0x1b8: {  	v2 =	vimm.s32 $0x1;
	v3 =	vlaneseq.u32;
	p0 =	seq.s32 s4, $0xFFFFFFFF;
	v1 =	vmov s3  }
0x1b9: {  	s14 =	stileid.u32;
	v0 =	vperm.xlane v0, v2;
	p1 =	sne.s32 @!p0 s0, s2;
	v1 =	vperm.xlane v1, v3  }
0x1ba: {  	vm0 =	vcmask $0x3F04;
	s6 =	simm.s32 $0xA108;
	s0 =	simm.s32 @!p0 $0x1;
	p1 =	por !p1, p0  }
0x1bb: {  	s3 =	sshll.u32 s14, $0x1;
	s2 =	sshll.u32 @!p0 s4, $0x8;
	s0 =	simm.s32 @p1 $0x0;
	v0 =	vsel vm0, v1, v0  }
0x1bc: {  	s5 =	sor.u32 $0x800, s3;
	s2 =	sshra.s32 @!p0 s2, $0x2;
	s0 =	sor.u32 @!p0 s0, s3;
	[tilespmem:$0xA108] =	vst v0  }
0x1bd: {  	[spmem:s5] =	stream.linear.scatter [tilespmem:s6], [sflag:$0x1], $0x2, $0x38;
	[tilespmem:$0x1EF88] =	vst v63  }
0x1be: {  	s2 =	sadd.s32 @!p0 $0x88, s2;
	s0 =	sshll.u32 @!p0 s0, $0x6  }
0x1bf: {  	[spmem:s0] =	stream.linear.scatter @!p0 [tilespmem:s2], [sflag:$0x1], $0x40, $0x38;
	[tilespmem:$0x1EF88] =	vst v63  }
0x1c0: {  	s0 =	simm.s32 @!p0 $0x42  }
0x1c1: {  	s28 =	simm.s32 $0x1;
	s0 =	simm.s32 @p0 $0x2  }
0x1c2: {  	_ =	swait.ge [sflag:s28], s0  }
0x1c3: {  	s0 =	ssub.s32 $0x0, s0;
	[sflag:s28] =	ssyncset.done $0x0  }
0x1c4: {  	p0 =	sne.s32 s14, $0x0;
	[sflag:s28] =	ssyncadd.s32 s0  }
.Ltmp26:
0x1c5: {  	_ =	sfence.stream.spmem;
	(pc) =	sbr.rel @p0 .LBB3_43-.Ltmp26, $4  }
0x1c6: {  	s29 =	simm.s32 $0x3;
	[bflag:$0x0] =	sbarrier.arrive $0xFFFF  }
0x1c7: {  	s30 =	simm.s32 $0x4;
	[sflag:s29] =	ssyncpa.u1 $0x1  }
0x1c8: {  	s31 =	simm.s32 $0x3C;
	[sflag:s30] =	ssyncpa.u1 $0x1  }
0x1c9: {  	s13 =	rddreg [dreg:$0x4];
	[sflag:s31] =	ssyncpa.u1 $0x1  }
0x1ca: {  	_ =	sfence.stream.spmem;
	s0 =	simm.s32 $0x5  }
0x1cb: {  	s2 =	simm.s32 $0x800;
	s3 =	simm.s32 $0xA118;
	[sflag:s0] =	ssyncpa.u1 $0x0  }
0x1cc: {  	[tilespmem:s3], [sflag:$0x5] =	stream.linear.gather [spmem:s2], $0x20, $0x38;
	[tilespmem:$0x1EF88] =	vst v63  }
0x1cd: {  	s26 =	simm.s32 $0x0;
	s28 =	simm.s32 $0xA138  }
0x1ce: {  	[tilespmem:s28], [sflag:$0x5] =	stream.linear.gather [spmem:s26], $0x800, $0x38;
	[tilespmem:$0x1EF88] =	vst v63  }
0x1cf: {  	_ =	swait.ge [sflag:s0], $0x820  }
0x1d0: {  	[sflag:s0] =	ssyncset.done $0x0  }
0x1d1: {  	s29 =	simm.s32 $0x0;
	[sflag:s0] =	ssyncadd.s32 $0xFFFFF7E0  }
0x1d2: {  	v0 =	vld.msk [tilespmem:s29+$0xA118], $0x1;
	_ =	sdelay $0x1  }
0x1d3: {  	s30 =	simm.s32 $0x1  }
0x1d4: {  	v1 =	vld.msk [tilespmem:s30+$0xA118], $0x1;
	_ =	sdelay $0x1  }
0x1d5: {  	(v2sf) =	vpush v0, $0x0;
	_ =	sdelay $0x2  }
0x1d6: {  	(v2sf) =	vpush v1, $0x0;
	_ =	sdelay $0x2  }
0x1d7: {  	s31 =	simm.s32 $0x2  }
0x1d8: {  	v0 =	vld.msk [tilespmem:s31+$0xA118], $0x1;
	_ =	sdelay $0x2  }
0x1d9: {  	s2 =	simm.s32 $0xFFFFFFFF;
	s3 =	simm.s32 $0xFFFFFFFF;
	s0 =	simm.s32 $0xC  }
.LBB3_28:
0x1da: {  	s4 =	smov.u32 s3;
	s5 =	smov.u32 s2  }
0x1db: {  	s2 =	sshra.s32 s0, $0x2;
	p1 =	sne.s32 s0, $0x7C;
	s0 =	sadd.s32 $0x4, s0;
	(v2sf) =	vpush v0, $0x0  }
0x1dc: {  	v0 =	vld.msk [tilespmem:s2+$0xA118], $0x1  }
.Ltmp27:
0x1dd: {  	(pc) =	sbr.rel @p1 .LBB3_28-.Ltmp27, $4  }
0x1de: {  	s3 =	spop (v2sf)  }
0x1df: {  	p2 =	sne.s32 s5, $0xFFFFFFFF;
	s2 =	smov.u32 s3  }
0x1e0: {  	p3 =	seq.s32 s3, $0xFFFFFFFF;
	s2 =	smov.u32 @p2 s5  }
0x1e1: {  	s3 =	smov.u32 @p3 s4;
	s2 =	smov.u32 @p3 s5  }
0x1e2: {  	(v2sf) =	vpush v0, $0x0;
	_ =	sdelay $0x8  }
0x1e3: {  	s0 =	spop (v2sf)  }
0x1e4: {  	p1 =	sne.s32 s2, $0xFFFFFFFF;
	s4 =	smov.u32 s0  }
0x1e5: {  	s9 =	simm.s32 $0x6;
	p2 =	seq.s32 s0, $0xFFFFFFFF;
	s4 =	smov.u32 @p1 s2  }
0x1e6: {  	s6 =	simm.s32 $0x0;
	s4 =	smov.u32 @p2 s2;
	s2 =	spop (v2sf)  }
0x1e7: {  	s0 =	smov.u32 @p2 s3;
	p1 =	sne.s32 s4, $0xFFFFFFFF;
	s5 =	smov.u32 s2  }
.Ltmp28:
0x1e8: {  	p2 =	seq.s32 s2, $0xFFFFFFFF;
	s5 =	smov.u32 @p1 s4;
	(pc) =	sbr.rel .LBB3_30-.Ltmp28, $4  }
0x1e9: {  	s10 =	simm.s32 $0xA0C8;
	s5 =	smov.u32 @p2 s4;
	s7 =	spop (v2sf)  }
0x1ea: {  	s11 =	simm.s32 $0x0;
	p1 =	sne.s32 s5, $0xFFFFFFFF;
	s8 =	smov.u32 s7  }
0x1eb: {  	s2 =	smov.u32 @p2 s0;
	p2 =	seq.s32 s7, $0xFFFFFFFF;
	s8 =	smov.u32 @p1 s5  }
0x1ec: {  	[sflag:s9] =	ssyncpa.u1 $0x0;
	s7 =	smov.u32 @p2 s2;
	s8 =	smov.u32 @p2 s5  }
.LBB3_36:
0x1ed: {  	p1 =	sgt.u32 s0, $0xC34F8  }
0x1ee: {  	p2 =	seq.s32 @!p1 s0, s8  }
0x1ef: {  	p1 =	por p1, p2  }
0x1f0: {  	p2 =	sne.s32 @!p1 s0, s7  }
0x1f1: {  	p1 =	por p1, !p2  }
0x1f2: {  	s0 =	sshll.u32 @p1 s11, $0x8  }
0x1f3: {  	s2 =	sand.u32 @!p1 $0xFFFF8, s0  }
0x1f4: {  	s0 =	sand.u32 @!p1 $0x7, s0;
	s2 =	sadd.s32 @!p1 s1, s2  }
0x1f5: {  	[tilespmem:s10], [sflag:$0x6] =	stream.linear.gather @!p1 [hbm4b:s2+s0], $0x40, $0x38;
	[tilespmem:$0x1EF88] =	vst v63  }
0x1f6: {  	_ =	swait.ge @!p1 [sflag:s9], $0x40  }
0x1f7: {  	[sflag:s9] =	ssyncset.done @!p1 $0x0  }
0x1f8: {  	[sflag:s9] =	ssyncadd.s32 @!p1 $0xFFFFFFC0  }
0x1f9: {  	v1 =	vld @!p1 [tilespmem:$0xA0C8];
	_ =	sdelay $0x2  }
0x1fa: {  	s0 =	sshll.u32 @!p1 s11, $0x8  }
0x1fb: {  	s2 =	sshrl.u32 @!p1 s0, $0x2  }
0x1fc: {  	[tilespmem:s2+$0xA138] =	vst.add.f32.msk @!p1 $0xffff, v1  }
0x1fd: {  	v1 =	vld @!p1 [tilespmem:$0xA0D8];
	_ =	sdelay $0x4  }
0x1fe: {  	[tilespmem:s2+$0xA148] =	vst.add.f32.msk @!p1 $0xffff, v1  }
0x1ff: {  	v1 =	vld @!p1 [tilespmem:$0xA0E8];
	_ =	sdelay $0x4  }
0x200: {  	[tilespmem:s2+$0xA158] =	vst.add.f32.msk @!p1 $0xffff, v1  }
0x201: {  	v1 =	vld @!p1 [tilespmem:$0xA0F8];
	_ =	sdelay $0x4  }
0x202: {  	[tilespmem:s2+$0xA168] =	vst.add.f32.msk @!p1 $0xffff, v1  }
0x203: {  	s0 =	sshrl.u32 s0, $0x2;
	[tilespmem:s6+$0xA118] =	vst.msk $0x1, v0  }
0x204: {  	v0 =	vld [tilespmem:s0+$0xA138];
	_ =	sdelay $0x2  }
0x205: {  	s31 =	sshll.u32 s6, $0x8  }
0x206: {  	s2 =	sshra.s32 s31, $0x2  }
0x207: {  	[tilespmem:s2+$0xA138] =	vst v0  }
0x208: {  	v0 =	vld [tilespmem:s0+$0xA148];
	_ =	sdelay $0x4  }
0x209: {  	[tilespmem:s2+$0xA148] =	vst v0  }
0x20a: {  	v0 =	vld [tilespmem:s0+$0xA158];
	_ =	sdelay $0x4  }
0x20b: {  	[tilespmem:s2+$0xA158] =	vst v0  }
0x20c: {  	v0 =	vld [tilespmem:s0+$0xA168];
	_ =	sdelay $0x4  }
0x20d: {  	s6 =	sadd.s32 $0x1, s6;
	[tilespmem:s2+$0xA168] =	vst v0  }
.LBB3_37:
0x20e: {  	s11 =	sadd.s32 $0x1, s11  }
0x20f: {  	p1 =	sne.s32 s11, $0x20  }
.Ltmp29:
0x210: {  	_ = 	snop;
	(pc) =	sbr.rel @!p1 .LBB3_38-.Ltmp29, $1  }
0x211: {  	_ =	sdelay $0x3  }
.LBB3_30:
0x212: {  	v0 =	vld.msk [tilespmem:s11+$0xA118], $0x1;
	_ =	sdelay $0x4  }
0x213: {  	(v2sf) =	vpush v0, $0x0;
	_ =	sdelay $0xe  }
0x214: {  	s0 =	spop (v2sf)  }
0x215: {  	p1 =	seq.s32 s0, $0xFFFFFFFF  }
.Ltmp30:
0x216: {  	_ = 	snop;
	(pc) =	sbr.rel @p1 .LBB3_37-.Ltmp30, $1  }
0x217: {  	_ =	sdelay $0x3  }
0x218: {  	p1 =	slt.s32 s6, $0x1  }
.Ltmp31:
0x219: {  	_ = 	snop;
	(pc) =	sbr.rel @p1 .LBB3_36-.Ltmp31, $1  }
0x21a: {  	_ =	sdelay $0x3  }
0x21b: {  	s2 =	simm.s32 $0xA118;
	p1 =	por $0x0, $0x0  }
0x21c: {  	v1 =	vld.msk @!p1 [tilespmem:s2+$0x0], $0x1;
	_ =	sdelay $0x4  }
0x21d: {  	(v2sf) =	vpush @!p1 v1, $0x0;
	_ =	sdelay $0xd  }
0x21e: {  	p3 =	sne.s32 s6, $0x1  }
.Ltmp32:
0x21f: {  	s3 =	spop @!p1 (v2sf);
	(pc) =	sbr.rel @!p3 .LBB3_34-.Ltmp32, $4  }
0x220: {  	p2 =	seq.s32 @!p1 s0, s3  }
0x221: {  	s3 =	simm.s32 $0x0;
	p2 =	por !p2, p1  }
0x222: {  	s5 =	simm.s32 $0xFFFFFFFF;
	s3 =	simm.s32 @p2 $0xFFFFFFFF  }
0x223: {  	s4 =	simm.s32 $0x1;
	s3 =	smov.u32 @p1 s5  }
.LBB3_33:
0x224: {  	s5 =	smov.u32 s3;
	p1 =	sne.s32 s3, $0xFFFFFFFF  }
0x225: {  	s2 =	sadd.s32 $0x1, s2;
	s3 =	smov.u32 s4;
	s4 =	sadd.s32 $0x1, s4  }
0x226: {  	p2 =	sne.s32 s6, s4;
	v1 =	vld.msk @!p1 [tilespmem:s2+$0x0], $0x1;
	_ =	sdelay $0x4  }
0x227: {  	(v2sf) =	vpush @!p1 v1, $0x0;
	_ =	sdelay $0xe  }
.Ltmp33:
0x228: {  	s12 =	spop @!p1 (v2sf);
	(pc) =	sbr.rel @p2 .LBB3_33-.Ltmp33, $4  }
0x229: {  	p3 =	seq.s32 @!p1 s0, s12  }
0x22a: {  	p3 =	por !p3, p1  }
0x22b: {  	s3 =	simm.s32 @p3 $0xFFFFFFFF  }
0x22c: {  	s3 =	smov.u32 @p1 s5  }
.LBB3_34:
0x22d: {  	p1 =	seq.s32 s3, $0xFFFFFFFF  }
.Ltmp34:
0x22e: {  	_ = 	snop;
	(pc) =	sbr.rel @p1 .LBB3_36-.Ltmp34, $1  }
0x22f: {  	_ =	sdelay $0x3  }
0x230: {  	s0 =	sshll.u32 s11, $0x6  }
0x231: {  	s0 =	sand.u32 $0x3FFFFFC0, s0  }
0x232: {  	v0 =	vld [tilespmem:s0+$0xA138];
	_ =	sdelay $0x2  }
0x233: {  	s2 =	sshll.u32 s3, $0x8  }
0x234: {  	s2 =	sshra.s32 s2, $0x2  }
0x235: {  	[tilespmem:s2+$0xA138] =	vst.add.f32.msk $0xffff, v0  }
0x236: {  	v0 =	vld [tilespmem:s0+$0xA148];
	_ =	sdelay $0x4  }
0x237: {  	[tilespmem:s2+$0xA148] =	vst.add.f32.msk $0xffff, v0  }
0x238: {  	v0 =	vld [tilespmem:s0+$0xA158];
	_ =	sdelay $0x4  }
0x239: {  	[tilespmem:s2+$0xA158] =	vst.add.f32.msk $0xffff, v0  }
0x23a: {  	v0 =	vld [tilespmem:s0+$0xA168]  }
.Ltmp35:
0x23b: {  	_ = 	snop;
	(pc) =	sbr.rel .LBB3_37-.Ltmp35, $2  }
0x23c: {  	_ =	sdelay $0x2  }
0x23d: {  	[tilespmem:s2+$0xA168] =	vst.add.f32.msk $0xffff, v0  }
.LBB3_38:
0x23e: {  	s0 =	simm.s32 $0x6;
	p1 =	seq.s32 s6, $0x0  }
0x23f: {  	[sflag:s0] =	ssyncpa.u1 $0x1;
	v0 =	vimm.s32 @p1 $0xFFFFFFFF  }
0x240: {  	s0 =	sadd.s32 $0xFFFFFFFF, s6;
	[tilespmem:$0xA938] =	vst @p1 v0  }
0x241: {  	v0 =	vld.msk @!p1 [tilespmem:s0+$0xA118], $0x1;
	_ =	sdelay $0x1  }
0x242: {  	v1 =	vld.msk @!p1 [tilespmem:$0xA118], $0x1;
	_ =	sdelay $0x2  }
0x243: {  	p2 =	seq.s32 @!p1 s0, $0x0;
	v0 =	vbroadcast @!p1 v0, $0x0  }
0x244: {  	vm0 =	vmmov @!p1 $0x1;
	p2 =	por !p2, p1  }
0x245: {  	v1 =	vnsel @!p1 vm0, $0xFFFFFFFF, v1;
	vm0 =	vcmask @!p1 $0x308;
	v0 =	vpsel !p2, $0xFFFFFFFF, v0  }
0x246: {  	p2 =	sne.s32 @!p1 s8, s7;
	v0 =	vsel @!p1 vm0, v1, v0  }
0x247: {  	s2 =	simm.s32 @!p1 $0xA138;
	s3 =	simm.s32 @!p1 $0x0;
	p3 =	por !p2, p1;
	[tilespmem:$0xA938] =	vst @!p1 v0  }
0x248: {  	[spmem:s3] =	stream.linear.scatter @!p1 [tilespmem:s2], [sflag:$0x1], $0x40, $0x38;
	[tilespmem:$0x1EF88] =	vst v63  }
0x249: {  	s2 =	sshll.u32 @!p3 s0, $0x8  }
0x24a: {  	s2 =	sshra.s32 @!p3 s2, $0x2  }
0x24b: {  	s3 =	simm.s32 @!p3 $0x40;
	s2 =	sadd.s32 @!p3 $0xA138, s2  }
0x24c: {  	[spmem:s3] =	stream.linear.scatter @!p3 [tilespmem:s2], [sflag:$0x1], $0x40, $0x38;
	[tilespmem:$0x1EF88] =	vst v63  }
0x24d: {  	s2 =	simm.s32 @!p3 $0x1  }
0x24e: {  	_ =	swait.ge @!p3 [sflag:s2], $0x80  }
0x24f: {  	p1 =	por p2, p1;
	[sflag:s2] =	ssyncset.done @!p3 $0x0  }
0x250: {  	[sflag:s2] =	ssyncadd.s32 @!p3 $0xFFFFFF80;
	s2 =	simm.s32 @!p1 $0x1  }
0x251: {  	_ =	swait.ge @!p1 [sflag:s2], $0x40  }
0x252: {  	s29 =	simm.s32 $0xA938;
	[sflag:s2] =	ssyncset.done @!p1 $0x0  }
0x253: {  	s30 =	simm.s32 $0x800;
	s31 =	simm.s32 $0x1;
	[sflag:s2] =	ssyncadd.s32 @!p1 $0xFFFFFFC0  }
0x254: {  	[spmem:s30] =	stream.linear.scatter [tilespmem:s29], [sflag:$0x1], $0x10, $0x38;
	[tilespmem:$0x1EF88] =	vst v63  }
0x255: {  	_ =	swait.ge [sflag:s31], $0x10  }
0x256: {  	[sflag:s31] =	ssyncset.done $0x0  }
0x257: {  	p1 =	seq.s32 s13, $0x0;
	s9 =	rddreg [dreg:$0x1];
	[sflag:s31] =	ssyncadd.s32 $0xFFFFFFF0  }
0x258: {  	s3 =	sshll.u32 @p1 s9, $0xE;
	s8 =	rddreg [dreg:$0x2]  }
0x259: {  	s2 =	sadd.s32 @p1 $0x15C3C, s3;
	s3 =	sshll.u32 @p1 s8, $0x11  }
0x25a: {  	_ =	sfence.stream.spmem;
	s2 =	sor.u32 @p1 s3, s2  }
0x25b: {  	[sflag:s2] =	ssyncadd.remote.s32 @p1 $0x1;
	s2 =	simm.s32 @p1 $0x4  }
0x25c: {  	s4 =	simm.s32 @!p1 $0x3C;
	s3 =	sand.u32 $0xFFFFFFFE, s9;
	_ =	swait.ge @p1 [sflag:s2], $0x12  }
0x25d: {  	s5 =	simm.s32 @!p1 $0x0;
	s3 =	sadd.s32 @!p1 $0x4, s3;
	[sflag:s2] =	ssyncset.done @p1 $0x0  }
0x25e: {  	s7 =	simm.s32 @!p1 $0x80;
	[sflag:s2] =	ssyncadd.s32 @p1 $0xFFFFFFEE;
	s2 =	sshll.u32 @!p1 s3, $0x1A  }
0x25f: {  	s3 =	sshll.u32 @!p1 s3, $0xD;
	s2 =	sor.u32 @!p1 s2, s8;
	_ =	swait.eq @!p1 [sflag:s4], $0x1  }
0x260: {  	s3 =	sor.u32 @!p1 $0x1C04, s3;
	s4 =	simm.s32 @!p1 $0x1C03;
	s2 =	sor.u32 @!p1 $0x80004000, s2  }
0x261: {  	[spmem:s7], [sflag:s3] =	dma.general @!p1 [spmem:s5], [sflag:s4], length:$0x10, [dreg:$0x0], stride_count:$0x0, ici_dest:s2, dma_misc:DstOpCode:WRITE  }
0x262: {  	p2 =	slt.s32 s0, $0x2;
	s5 =	simm.s32 @!p1 $0x100;
	s7 =	simm.s32 @!p1 $0x102  }
0x263: {  	[spmem:s7], [sflag:s3] =	dma.general @!p1 [spmem:s5], [sflag:s4], length:$0x2, [dreg:$0x0], stride_count:$0x0, ici_dest:s2, dma_misc:DstOpCode:WRITE  }
.Ltmp36:
0x264: {  	s2 =	simm.s32 @!p1 $0x3;
	(pc) =	sbr.rel @p2 .LBB3_42-.Ltmp36, $4  }
0x265: {  	s3 =	sshll.u32 @!p1 s9, $0xE;
	_ =	swait.ge @!p1 [sflag:s2], $0x12  }
0x266: {  	s4 =	sshll.u32 @!p1 s8, $0x11;
	s3 =	sadd.s32 @!p1 $0x11C3C, s3;
	[sflag:s2] =	ssyncset.done @!p1 $0x0  }
0x267: {  	[sflag:s2] =	ssyncadd.s32 @!p1 $0xFFFFFFEE;
	s2 =	sor.u32 @!p1 s4, s3  }
0x268: {  	s0 =	simm.s32 $0x0;
	[sflag:s2] =	ssyncadd.remote.s32 @!p1 $0xFFFFFFFF  }
0x269: {  	s0 =	simm.s32 $0xA119  }
0x26a: {  	v0 =	vld.msk [tilespmem:s0+$0x0], $0x1;
	_ =	sdelay $0x4  }
0x26b: {  	(v2sf) =	vpush v0, $0x0;
	_ =	sdelay $0xc  }
0x26c: {  	s2 =	sadd.s32 $0xFFFFFFFE, s6  }
0x26d: {  	s2 =	sadd.s32 $0xFFFFFFFF, s2  }
0x26e: {  	p2 =	sne.s32 s2, $0x0;
	s3 =	spop (v2sf)  }
.Ltmp37:
0x26f: {  	p1 =	sgt.u32 s3, $0xC34F8;
	(pc) =	sbr.rel @!p2 .LBB3_41-.Ltmp37, $4  }
0x270: {  	s5 =	simm.s32 $0x0;
	s4 =	sand.u32 @!p1 $0xFFFF8, s3  }
0x271: {  	s0 =	simm.s32 $0xA178;
	s3 =	sand.u32 @!p1 $0x7, s3;
	s4 =	sadd.s32 @!p1 s1, s4  }
0x272: {  	[hbm4b:s4+s3] =	stream.linear.scatter @!p1 [tilespmem:s0], [sflag:$0x5], $0x40, $0x38;
	[tilespmem:$0x1EF88] =	vst v63  }
0x273: {  	s5 =	simm.s32 @!p1 $0x100;
	s3 =	simm.s32 $0x0;
	s4 =	simm.s32 $0xA11A  }
.LBB3_40:
0x274: {  	v0 =	vld.msk [tilespmem:s4+$0x0], $0x1;
	s2 =	sadd.s32 $0xFFFFFFFF, s2;
	s3 =	sadd.s32 s3, s5  }
0x275: {  	p1 =	sne.s32 s2, $0x0;
	_ =	sdelay $0x3  }
0x276: {  	(v2sf) =	vpush v0, $0x0;
	_ =	sdelay $0xe  }
.Ltmp38:
0x277: {  	s6 =	spop (v2sf);
	(pc) =	sbr.rel @p1 .LBB3_40-.Ltmp38, $4  }
0x278: {  	s5 =	simm.s32 $0x0;
	p2 =	sgt.u32 s6, $0xC34F8  }
0x279: {  	s0 =	sadd.s32 $0x40, s0;
	s5 =	simm.s32 @!p2 $0x100;
	s7 =	sand.u32 @!p2 $0xFFFF8, s6  }
0x27a: {  	s4 =	sadd.s32 $0x1, s4;
	s6 =	sand.u32 @!p2 $0x7, s6;
	s7 =	sadd.s32 @!p2 s1, s7  }
0x27b: {  	[hbm4b:s7+s6] =	stream.linear.scatter @!p2 [tilespmem:s0], [sflag:$0x5], $0x40, $0x38;
	[tilespmem:$0x1EF88] =	vst v63  }
.LBB3_41:
0x27c: {  	s0 =	sadd.s32 s3, s5  }
0x27d: {  	s0 =	sshrl.u32 s0, $0x2  }
.LBB3_42:
0x27e: {  	s2 =	simm.s32 $0x5  }
0x27f: {  	_ =	swait.ge [sflag:s2], s0  }
0x280: {  	s31 =	ssub.s32 $0x0, s0;
	[sflag:s2] =	ssyncset.done $0x0  }
0x281: {  	[sflag:s2] =	ssyncadd.s32 s31  }
0x282: {  	[sflag:s2] =	ssyncpa.u1 $0x1  }
.LBB3_43:
0x283: {  	s0 =	sor.u32 s13, s14  }
0x284: {  	p1 =	sne.s32 s0, $0x0  }
.Ltmp39:
0x285: {  	_ = 	snop;
	(pc) =	sbr.rel @p1 .LBB3_58-.Ltmp39, $3  }
0x286: {  	_ =	sdelay $0x1  }
0x287: {  	[bflag:$0x0] =	sbarrier.arrive $0xFFFF  }
0x288: {  	_ =	sfence  }
0x289: {  	s0 =	simm.s32 $0x7  }
0x28a: {  	s2 =	simm.s32 $0x800;
	s3 =	simm.s32 $0xA118;
	[sflag:s0] =	ssyncpa.u1 $0x0  }
0x28b: {  	[tilespmem:s3], [sflag:$0x7] =	stream.linear.gather [spmem:s2], $0x20, $0x38;
	[tilespmem:$0x1EF88] =	vst v63  }
0x28c: {  	s30 =	simm.s32 $0xA138;
	s2 =	simm.s32 $0x0  }
0x28d: {  	[tilespmem:s30], [sflag:$0x7] =	stream.linear.gather [spmem:s2], $0x800, $0x38;
	[tilespmem:$0x1EF88] =	vst v63  }
.Ltmp40:
0x28e: {  	_ = 	snop;
	(pc) =	sbr.rel .LBB3_45-.Ltmp40, $4  }
0x28f: {  	_ =	swait.ge [sflag:s0], $0x820  }
0x290: {  	[sflag:s0] =	ssyncset.done $0x0  }
0x291: {  	s31 =	simm.s32 $0x8;
	[sflag:s0] =	ssyncadd.s32 $0xFFFFF7E0  }
0x292: {  	s3 =	simm.s32 $0x0;
	[sflag:s31] =	ssyncpa.u1 $0x0  }
.LBB3_51:
0x293: {  	p1 =	slt.u32 s0, $0xC34F9  }
0x294: {  	s4 =	sand.u32 @p1 $0xFFFF8, s0  }
0x295: {  	s0 =	sand.u32 @p1 $0x7, s0;
	s5 =	simm.s32 @p1 $0xA0C8;
	s4 =	sadd.s32 @p1 s1, s4  }
0x296: {  	[tilespmem:s5], [sflag:$0x8] =	stream.linear.gather @p1 [hbm4b:s4+s0], $0x40, $0x38;
	[tilespmem:$0x1EF88] =	vst v63  }
0x297: {  	s0 =	simm.s32 @p1 $0x8  }
0x298: {  	_ =	swait.ge @p1 [sflag:s0], $0x40  }
0x299: {  	[sflag:s0] =	ssyncset.done @p1 $0x0  }
0x29a: {  	[sflag:s0] =	ssyncadd.s32 @p1 $0xFFFFFFC0  }
0x29b: {  	v1 =	vld @p1 [tilespmem:$0xA0C8];
	_ =	sdelay $0x2  }
0x29c: {  	s0 =	sshll.u32 @p1 s3, $0x8  }
0x29d: {  	s4 =	sshrl.u32 @p1 s0, $0x2  }
0x29e: {  	[tilespmem:s4+$0xA138] =	vst.add.f32.msk @p1 $0xffff, v1  }
0x29f: {  	v1 =	vld @p1 [tilespmem:$0xA0D8];
	_ =	sdelay $0x4  }
0x2a0: {  	[tilespmem:s4+$0xA148] =	vst.add.f32.msk @p1 $0xffff, v1  }
0x2a1: {  	v1 =	vld @p1 [tilespmem:$0xA0E8];
	_ =	sdelay $0x4  }
0x2a2: {  	[tilespmem:s4+$0xA158] =	vst.add.f32.msk @p1 $0xffff, v1  }
0x2a3: {  	v1 =	vld @p1 [tilespmem:$0xA0F8];
	_ =	sdelay $0x3  }
0x2a4: {  	s5 =	sshll.u32 @!p1 s3, $0x8  }
0x2a5: {  	s5 =	smov.u32 @p1 s0;
	[tilespmem:s4+$0xA168] =	vst.add.f32.msk @p1 $0xffff, v1  }
0x2a6: {  	s0 =	sshrl.u32 s5, $0x2;
	[tilespmem:s2+$0xA118] =	vst.msk $0x1, v0  }
0x2a7: {  	v0 =	vld [tilespmem:s0+$0xA138];
	_ =	sdelay $0x2  }
0x2a8: {  	s31 =	sshll.u32 s2, $0x8  }
0x2a9: {  	s4 =	sshra.s32 s31, $0x2  }
0x2aa: {  	[tilespmem:s4+$0xA138] =	vst v0  }
0x2ab: {  	v0 =	vld [tilespmem:s0+$0xA148];
	_ =	sdelay $0x4  }
0x2ac: {  	[tilespmem:s4+$0xA148] =	vst v0  }
0x2ad: {  	v0 =	vld [tilespmem:s0+$0xA158];
	_ =	sdelay $0x4  }
0x2ae: {  	[tilespmem:s4+$0xA158] =	vst v0  }
0x2af: {  	v0 =	vld [tilespmem:s0+$0xA168];
	_ =	sdelay $0x4  }
0x2b0: {  	s2 =	sadd.s32 $0x1, s2;
	[tilespmem:s4+$0xA168] =	vst v0  }
.LBB3_52:
0x2b1: {  	s3 =	sadd.s32 $0x1, s3  }
0x2b2: {  	p1 =	sne.s32 s3, $0x20  }
.Ltmp41:
0x2b3: {  	_ = 	snop;
	(pc) =	sbr.rel @!p1 .LBB3_53-.Ltmp41, $1  }
0x2b4: {  	_ =	sdelay $0x3  }
.LBB3_45:
0x2b5: {  	v0 =	vld.msk [tilespmem:s3+$0xA118], $0x1;
	_ =	sdelay $0x4  }
0x2b6: {  	(v2sf) =	vpush v0, $0x0;
	_ =	sdelay $0xe  }
0x2b7: {  	s0 =	spop (v2sf)  }
0x2b8: {  	p1 =	seq.s32 s0, $0xFFFFFFFF  }
.Ltmp42:
0x2b9: {  	_ = 	snop;
	(pc) =	sbr.rel @p1 .LBB3_52-.Ltmp42, $1  }
0x2ba: {  	_ =	sdelay $0x3  }
0x2bb: {  	p1 =	slt.s32 s2, $0x1  }
.Ltmp43:
0x2bc: {  	_ = 	snop;
	(pc) =	sbr.rel @p1 .LBB3_51-.Ltmp43, $1  }
0x2bd: {  	_ =	sdelay $0x3  }
0x2be: {  	s4 =	simm.s32 $0xA118;
	p1 =	por $0x0, $0x0  }
0x2bf: {  	v1 =	vld.msk @!p1 [tilespmem:s4+$0x0], $0x1;
	_ =	sdelay $0x4  }
0x2c0: {  	(v2sf) =	vpush @!p1 v1, $0x0;
	_ =	sdelay $0xd  }
0x2c1: {  	p3 =	sne.s32 s2, $0x1  }
.Ltmp44:
0x2c2: {  	s5 =	spop @!p1 (v2sf);
	(pc) =	sbr.rel @!p3 .LBB3_49-.Ltmp44, $4  }
0x2c3: {  	p2 =	seq.s32 @!p1 s0, s5  }
0x2c4: {  	s5 =	simm.s32 $0x0;
	p2 =	por !p2, p1  }
0x2c5: {  	s7 =	simm.s32 $0xFFFFFFFF;
	s5 =	simm.s32 @p2 $0xFFFFFFFF  }
0x2c6: {  	s6 =	simm.s32 $0x1;
	s5 =	smov.u32 @p1 s7  }
.LBB3_48:
0x2c7: {  	s7 =	smov.u32 s5;
	p1 =	sne.s32 s5, $0xFFFFFFFF  }
0x2c8: {  	s4 =	sadd.s32 $0x1, s4;
	s5 =	smov.u32 s6;
	s6 =	sadd.s32 $0x1, s6  }
0x2c9: {  	p2 =	sne.s32 s2, s6;
	v1 =	vld.msk @!p1 [tilespmem:s4+$0x0], $0x1;
	_ =	sdelay $0x4  }
0x2ca: {  	(v2sf) =	vpush @!p1 v1, $0x0;
	_ =	sdelay $0xe  }
.Ltmp45:
0x2cb: {  	s8 =	spop @!p1 (v2sf);
	(pc) =	sbr.rel @p2 .LBB3_48-.Ltmp45, $4  }
0x2cc: {  	p3 =	seq.s32 @!p1 s0, s8  }
0x2cd: {  	p3 =	por !p3, p1  }
0x2ce: {  	s5 =	simm.s32 @p3 $0xFFFFFFFF  }
0x2cf: {  	s5 =	smov.u32 @p1 s7  }
.LBB3_49:
0x2d0: {  	p1 =	seq.s32 s5, $0xFFFFFFFF  }
.Ltmp46:
0x2d1: {  	_ = 	snop;
	(pc) =	sbr.rel @p1 .LBB3_51-.Ltmp46, $1  }
0x2d2: {  	_ =	sdelay $0x3  }
0x2d3: {  	s0 =	sshll.u32 s3, $0x6  }
0x2d4: {  	s0 =	sand.u32 $0x3FFFFFC0, s0  }
0x2d5: {  	v0 =	vld [tilespmem:s0+$0xA138];
	_ =	sdelay $0x2  }
0x2d6: {  	s4 =	sshll.u32 s5, $0x8  }
0x2d7: {  	s4 =	sshra.s32 s4, $0x2  }
0x2d8: {  	[tilespmem:s4+$0xA138] =	vst.add.f32.msk $0xffff, v0  }
0x2d9: {  	v0 =	vld [tilespmem:s0+$0xA148];
	_ =	sdelay $0x4  }
0x2da: {  	[tilespmem:s4+$0xA148] =	vst.add.f32.msk $0xffff, v0  }
0x2db: {  	v0 =	vld [tilespmem:s0+$0xA158];
	_ =	sdelay $0x4  }
0x2dc: {  	[tilespmem:s4+$0xA158] =	vst.add.f32.msk $0xffff, v0  }
0x2dd: {  	v0 =	vld [tilespmem:s0+$0xA168]  }
.Ltmp47:
0x2de: {  	_ = 	snop;
	(pc) =	sbr.rel .LBB3_52-.Ltmp47, $2  }
0x2df: {  	_ =	sdelay $0x2  }
0x2e0: {  	[tilespmem:s4+$0xA168] =	vst.add.f32.msk $0xffff, v0  }
.LBB3_53:
0x2e1: {  	p1 =	slt.s32 s2, $0x1  }
.Ltmp48:
0x2e2: {  	_ = 	snop;
	(pc) =	sbr.rel @p1 .LBB3_57-.Ltmp48, $3  }
0x2e3: {  	_ =	sdelay $0x1  }
0x2e4: {  	s0 =	simm.s32 $0x8  }
0x2e5: {  	[sflag:s0] =	ssyncpa.u1 $0x1;
	s0 =	simm.s32 $0x0  }
0x2e6: {  	s3 =	simm.s32 $0xA118  }
0x2e7: {  	v0 =	vld.msk [tilespmem:s3+$0x0], $0x1;
	_ =	sdelay $0x4  }
0x2e8: {  	(v2sf) =	vpush v0, $0x0;
	_ =	sdelay $0xe  }
0x2e9: {  	s2 =	sadd.s32 $0xFFFFFFFF, s2;
	s4 =	spop (v2sf)  }
0x2ea: {  	p2 =	sne.s32 s2, $0x0;
	p1 =	sgt.u32 s4, $0xC34F8  }
.Ltmp49:
0x2eb: {  	s5 =	sand.u32 @!p1 $0xFFFF8, s4;
	(pc) =	sbr.rel @!p2 .LBB3_56-.Ltmp49, $4  }
0x2ec: {  	s3 =	simm.s32 $0xA138;
	s4 =	sand.u32 @!p1 $0x7, s4;
	s5 =	sadd.s32 @!p1 s1, s5  }
0x2ed: {  	[hbm4b:s5+s4] =	stream.linear.scatter @!p1 [tilespmem:s3], [sflag:$0x7], $0x40, $0x38;
	[tilespmem:$0x1EF88] =	vst v63  }
0x2ee: {  	s5 =	simm.s32 $0x0  }
0x2ef: {  	s4 =	simm.s32 $0xA119;
	s5 =	simm.s32 @!p1 $0x100  }
.LBB3_55:
0x2f0: {  	v0 =	vld.msk [tilespmem:s4+$0x0], $0x1;
	s2 =	sadd.s32 $0xFFFFFFFF, s2;
	s0 =	sadd.s32 s0, s5  }
0x2f1: {  	p1 =	sne.s32 s2, $0x0;
	_ =	sdelay $0x3  }
0x2f2: {  	(v2sf) =	vpush v0, $0x0;
	_ =	sdelay $0xe  }
.Ltmp50:
0x2f3: {  	s6 =	spop (v2sf);
	(pc) =	sbr.rel @p1 .LBB3_55-.Ltmp50, $4  }
0x2f4: {  	s5 =	simm.s32 $0x0;
	p2 =	sgt.u32 s6, $0xC34F8  }
0x2f5: {  	s3 =	sadd.s32 $0x40, s3;
	s5 =	simm.s32 @!p2 $0x100;
	s7 =	sand.u32 @!p2 $0xFFFF8, s6  }
0x2f6: {  	s4 =	sadd.s32 $0x1, s4;
	s6 =	sand.u32 @!p2 $0x7, s6;
	s7 =	sadd.s32 @!p2 s1, s7  }
0x2f7: {  	[hbm4b:s7+s6] =	stream.linear.scatter @!p2 [tilespmem:s3], [sflag:$0x7], $0x40, $0x38;
	[tilespmem:$0x1EF88] =	vst v63  }
.LBB3_56:
0x2f8: {  	s0 =	sadd.s32 s0, s5  }
0x2f9: {  	s0 =	sshrl.u32 s0, $0x2  }
.LBB3_57:
0x2fa: {  	s1 =	simm.s32 $0x7  }
0x2fb: {  	_ =	swait.ge [sflag:s1], s0  }
0x2fc: {  	s31 =	ssub.s32 $0x0, s0;
	[sflag:s1] =	ssyncset.done $0x0  }
0x2fd: {  	[sflag:s1] =	ssyncadd.s32 s31  }
0x2fe: {  	[sflag:s1] =	ssyncpa.u1 $0x1  }
.LBB3_58:
0x2ff: {  	_ =	sfence;
	s0 =	simm.s32 $0x1  }
0x300: {  	[sflag:s0] =	ssyncpa.u1 $0x1  }
0x301: {  	_ =	strace $0x9000004D  }
0x302: {  	[bflag:$0x2] =	sbarrier.arrive $0xFFFF  }
0x303: {  	s0 =	rddreg [dreg:$0x3]  }
0x304: {  	s0 =	sadd.s32 @!p0 $0x100000, s0  }
0x305: {  	[sflag:s0] =	ssyncadd.tile.s32 @!p0 $0x1;
	_ =	shalt  }
.Lfunc_end3:
_tile_overlayer_lowered:
.L_overlay_start_3:
0x306: {  	(tag) =	ssettag $0x3  }
0x307: {  	s0 =	rddreg [dreg:$0x0];
	s2 =	stileid.u32  }
0x308: {  	s1 =	rddreg [dreg:$0x1];
	p0 =	sne.s32 s2, $0x0  }
0x309: {  	s3 =	rddreg [dreg:$0x2];
	[bflag:$0x3] =	sbarrier.arrive $0xFFFF;
	s2 =	simm.s32 @!p0 $0x1C01  }
0x30a: {  	[timem:s3], [sflag:s2] =	dma.local @!p0 [hbm:s0], s1  }
0x30b: {  	s0 =	simm.s32 @!p0 $0x1  }
0x30c: {  	_ =	swait.ge @!p0 [sflag:s0], s1  }
0x30d: {  	s1 =	ssub.s32 @!p0 $0x0, s1;
	[sflag:s0] =	ssyncset.done @!p0 $0x0  }
0x30e: {  	[sflag:s0] =	ssyncadd.s32 @!p0 s1  }
0x30f: {  	[bflag:$0x3] =	sbarrier.arrive $0xFFFF  }
0x310: {  	_ =	shalt  }

</sc_bundles>
